<compile_context>
chip_gen: v7x
topology: tpu7x:2x2x1
jax: 0.10.2.dev20260603
libtpu: 0.0.44.dev20260713+nightly
codegen_flags: <defaults>
</compile_context>

<pallas_src>
import jax
import jax.numpy as jnp
from jax import lax
from jax.experimental import pallas as pl
from jax.experimental.pallas import tpu as pltpu
from jax.experimental.pallas import tpu_sc as plsc

N = 100000
DIM = 128
K = 64
NC = 2
NS = 16
L = 16

RPT = N // NS
CHUNK = 250
NCHUNKS = RPT // CHUNK
NBUF = 6
DEFER = 2
GRP = 125
GPC = CHUNK // GRP
YROWS = N // GRP
YPT = RPT // GRP
KPT = K // NS
CW = DIM // NC


def _seg_mean_body(x_hbm, y_hbm, out_hbm, xb0, xb1, xb2, xb3, xb4, xb5,
                   ybuf, hist, wbuf, cbuf, acc, cstage, sf0, sf1, sf2,
                   sf3, sf4, sf5, ss0, ss1, ss2, ss3, ss4, ss5):
    c = lax.axis_index("c")
    s = lax.axis_index("s")

    xb = (xb0, xb1, xb2, xb3, xb4, xb5)
    sf = (sf0, sf1, sf2, sf3, sf4, sf5)
    ss = (ss0, ss1, ss2, ss3, ss4, ss5)

    def fill(j):
        row0 = s * RPT + j * CHUNK
        return pltpu.async_copy(
            x_hbm.at[pl.ds(row0, CHUNK), pl.ds(c * CW, CW)],
            xb[j % NBUF], sf[j % NBUF])

    zero16 = jnp.zeros((L,), jnp.float32)
    one16 = jnp.ones((L,), jnp.float32)
    for r in range(KPT):
        for j in range(CW // L):
            wbuf[r, pl.ds(L * j, L)] = zero16
    for kk in range(K // L):
        hist[pl.ds(L * kk, L)] = zero16

    pltpu.sync_copy(wbuf, acc.at[pl.ds(s * KPT, KPT)])
    pltpu.sync_copy(y_hbm.at[pl.ds(s * YPT, YPT)], ybuf)
    plsc.subcore_barrier()

    fills = {}
    for j in range(NBUF):
        fills[j] = fill(j)

    tail_mask = lax.iota(jnp.int32, L) >= (L - GRP % L)
    for r in range(YPT):
        for i in range(GRP // L):
            lv = ybuf[r, pl.ds(L * i, L)]
            plsc.addupdate_scatter(hist, [lv], one16)
        lv = ybuf[r, pl.ds(GRP - L, L)]
        plsc.addupdate_scatter(hist, [lv], one16, mask=tail_mask)

    scats = {}
    for j in range(NCHUNKS):
        b = j % NBUF
        fills[j].wait()
        scats[j] = []
        for g in range(GPC):
            idx = ybuf.at[j * GPC + g]
            scats[j].append(
                pltpu.async_copy(xb[b].at[pl.ds(g * GRP, GRP)],
                                 acc.at[idx], ss[b], add=True))
        jd = j - DEFER
        if jd >= 0:
            for h in scats.pop(jd):
                h.wait()
            nf = jd + NBUF
            if nf < NCHUNKS:
                fills[nf] = fill(nf)
    for jd in range(NCHUNKS - DEFER, NCHUNKS):
        for h in scats.pop(jd):
            h.wait()

    pltpu.sync_copy(hist, cstage.at[s])
    plsc.subcore_barrier()

    pltpu.sync_copy(acc.at[pl.ds(s * KPT, KPT)], wbuf)
    pltpu.sync_copy(cstage, cbuf)
    rows = lax.iota(jnp.int32, L)
    for r in range(KPT):
        col = jnp.full((L,), s * KPT + r, jnp.int32)
        parts = plsc.load_gather(cbuf, [rows, col])
        total = jnp.sum(parts, axis=0)
        cnt = jnp.maximum(jnp.full((L,), total, jnp.float32), 1.0)
        for j in range(CW // L):
            wbuf[r, pl.ds(L * j, L)] = wbuf[r, pl.ds(L * j, L)] / cnt
    pltpu.sync_copy(wbuf, out_hbm.at[pl.ds(s * KPT, KPT),
                                     pl.ds(c * CW, CW)])


@jax.jit
def _seg_mean(x, y2):
    return pl.kernel(
        _seg_mean_body,
        out_type=jax.ShapeDtypeStruct((K, DIM), jnp.float32),
        mesh=plsc.VectorSubcoreMesh(core_axis_name="c",
                                    subcore_axis_name="s"),
        scratch_types=[
            pltpu.VMEM((CHUNK, CW), jnp.float32),
            pltpu.VMEM((CHUNK, CW), jnp.float32),
            pltpu.VMEM((CHUNK, CW), jnp.float32),
            pltpu.VMEM((CHUNK, CW), jnp.float32),
            pltpu.VMEM((CHUNK, CW), jnp.float32),
            pltpu.VMEM((CHUNK, CW), jnp.float32),
            pltpu.VMEM((YPT, GRP), jnp.int32),
            pltpu.VMEM((K,), jnp.float32),
            pltpu.VMEM((KPT, CW), jnp.float32),
            pltpu.VMEM((NS, K), jnp.float32),
            pltpu.VMEM_SHARED((K, CW), jnp.float32),
            pltpu.VMEM_SHARED((NS, K), jnp.float32),
            pltpu.SemaphoreType.DMA,
            pltpu.SemaphoreType.DMA,
            pltpu.SemaphoreType.DMA,
            pltpu.SemaphoreType.DMA,
            pltpu.SemaphoreType.DMA,
            pltpu.SemaphoreType.DMA,
            pltpu.SemaphoreType.DMA,
            pltpu.SemaphoreType.DMA,
            pltpu.SemaphoreType.DMA,
            pltpu.SemaphoreType.DMA,
            pltpu.SemaphoreType.DMA,
            pltpu.SemaphoreType.DMA,
        ],
        compiler_params=pltpu.CompilerParams(use_tc_tiling_on_sc=False,
                                             needs_layout_passes=False),
    )(x, y2)


def kernel(x, y):
    y2 = y.astype(jnp.int32).reshape(YROWS, GRP)
    weights = _seg_mean(x, y2)
    moving_avg = jnp.zeros((K, DIM), dtype=jnp.float32)
    relevances = jnp.ones((K, DIM), dtype=jnp.float32)
    neighbors = jnp.zeros((K, K), dtype=jnp.uint8)
    wins = jnp.zeros((K,), dtype=jnp.float32)
    return weights, moving_avg, relevances, neighbors, wins

# --- scband reference (transcript-rebuilt; emitter-appended) ---
"""Pipeline reference for scband-larfdssom-7756710937204 (READ-ONLY COPY).

The authoritative reference and input builder live on the scoring server;
editing this copy changes nothing except your own understanding.
"""

import jax, jax.numpy as jnp
import numpy as np

NUM_CLASSES = 64
DIM = 128
N = 100000

def setup_inputs(seed: int = 0) -> dict:
    key = jax.random.key(seed)
    k1, k2 = jax.random.split(key)
    x = jax.random.normal(k1, (N, DIM), dtype=jnp.float32)
    y = jax.random.randint(k2, (N,), 0, NUM_CLASSES, dtype=jnp.int64)
    return {"x": x, "y": y}

def reference(x, y):
    # First forward call of LARFDSSOM with batch_size > 1: initialize_map via
    # group_data_by_mean -> per-unique-label mean of x (a segment-mean scatter),
    # then allocate SOM state buffers sized by the number of prototype nodes.
    seg = y.astype(jnp.int32)
    sums = jax.ops.segment_sum(x, seg, num_segments=NUM_CLASSES)
    counts = jax.ops.segment_sum(jnp.ones((x.shape[0],), dtype=jnp.float32), seg, num_segments=NUM_CLASSES)
    counts = jnp.maximum(counts, 1.0)  # all 64 labels present w.h.p. for N=100k
    weights = sums / counts[:, None]
    moving_avg = jnp.zeros((NUM_CLASSES, DIM), dtype=jnp.float32)
    relevances = jnp.ones((NUM_CLASSES, DIM), dtype=jnp.float32)
    neighbors = jnp.zeros((NUM_CLASSES, NUM_CLASSES), dtype=jnp.uint8)
    wins = jnp.zeros((NUM_CLASSES,), dtype=jnp.float32)
    return weights, moving_avg, relevances, neighbors, wins

if __name__ == "__main__":
    import jax
    _d = setup_inputs()
    print(jax.jit(kernel)(*tuple(_d.values())))

</pallas_src>

<mosaic_0001>
#map = affine_map<(d0, d1) -> (0, 0)>
module attributes {stable_mosaic.version = 14 : i64} {
  func.func @_seg_mean_body(%arg0: i32, %arg1: i32, %arg2: memref<100000x128xf32, #tpu.memory_space<hbm>>, %arg3: memref<800x125xi32, #tpu.memory_space<hbm>>, %arg4: memref<64x128xf32, #tpu.memory_space<hbm>>, %arg5: memref<250x64xf32, #tpu.memory_space<vmem>>, %arg6: memref<250x64xf32, #tpu.memory_space<vmem>>, %arg7: memref<250x64xf32, #tpu.memory_space<vmem>>, %arg8: memref<250x64xf32, #tpu.memory_space<vmem>>, %arg9: memref<250x64xf32, #tpu.memory_space<vmem>>, %arg10: memref<250x64xf32, #tpu.memory_space<vmem>>, %arg11: memref<50x125xi32, #tpu.memory_space<vmem>>, %arg12: memref<64xf32, #tpu.memory_space<vmem>>, %arg13: memref<4x64xf32, #tpu.memory_space<vmem>>, %arg14: memref<16x64xf32, #tpu.memory_space<vmem>>, %arg15: memref<64x64xf32, #tpu.memory_space<vmem_shared>>, %arg16: memref<16x64xf32, #tpu.memory_space<vmem_shared>>, %arg17: memref<!tpu.dma_semaphore, #tpu.memory_space<semaphore_mem>>, %arg18: memref<!tpu.dma_semaphore, #tpu.memory_space<semaphore_mem>>, %arg19: memref<!tpu.dma_semaphore, #tpu.memory_space<semaphore_mem>>, %arg20: memref<!tpu.dma_semaphore, #tpu.memory_space<semaphore_mem>>, %arg21: memref<!tpu.dma_semaphore, #tpu.memory_space<semaphore_mem>>, %arg22: memref<!tpu.dma_semaphore, #tpu.memory_space<semaphore_mem>>, %arg23: memref<!tpu.dma_semaphore, #tpu.memory_space<semaphore_mem>>, %arg24: memref<!tpu.dma_semaphore, #tpu.memory_space<semaphore_mem>>, %arg25: memref<!tpu.dma_semaphore, #tpu.memory_space<semaphore_mem>>, %arg26: memref<!tpu.dma_semaphore, #tpu.memory_space<semaphore_mem>>, %arg27: memref<!tpu.dma_semaphore, #tpu.memory_space<semaphore_mem>>, %arg28: memref<!tpu.dma_semaphore, #tpu.memory_space<semaphore_mem>>) attributes {dimension_semantics = [#tpu.dimension_semantics<core_parallel>, #tpu.dimension_semantics<subcore_parallel>], iteration_bounds = array<i64: 2, 16>, scalar_prefetch = 0 : i64, scratch_operands = 24 : i64, tpu.core_type = #tpu.core_type<sc_vector_subcore>, window_params = [{transform_indices = #map}, {transform_indices = #map}, {transform_indices = #map}]} {
    %broadcast_in_dim3A = arith.constant 0.000000e+00 : f32
    %broadcast_in_dim3A_0 = vector.broadcast %broadcast_in_dim3A : f32 to vector<16xf32>
    %broadcast_in_dim3A_1 = arith.constant 1.000000e+00 : f32
    %broadcast_in_dim3A_2 = vector.broadcast %broadcast_in_dim3A_1 : f32 to vector<16xf32>
    %swap3A = arith.constant 0 : i32
    %swap3A_3 = arith.index_cast %swap3A : i32 to index
    %swap3A_4 = arith.constant 0 : index
    %swap3A_5 = tpu.vector_load %arg13[%swap3A_3, %swap3A_4] {strides = array<i32>} : memref<4x64xf32, #tpu.memory_space<vmem>>, vector<16xf32>,
    tpu.vector_store %arg13[%swap3A_3, %swap3A_4], %broadcast_in_dim3A_0 {strides = array<i32>} : memref<4x64xf32, #tpu.memory_space<vmem>>, vector<16xf32>,
    %swap3A_6 = arith.constant 0 : i32
    %swap3A_7 = arith.index_cast %swap3A_6 : i32 to index
    %swap3A_8 = arith.constant 16 : index
    %swap3A_9 = tpu.vector_load %arg13[%swap3A_7, %swap3A_8] {strides = array<i32>} : memref<4x64xf32, #tpu.memory_space<vmem>>, vector<16xf32>,
    tpu.vector_store %arg13[%swap3A_7, %swap3A_8], %broadcast_in_dim3A_0 {strides = array<i32>} : memref<4x64xf32, #tpu.memory_space<vmem>>, vector<16xf32>,
    %swap3A_10 = arith.constant 0 : i32
    %swap3A_11 = arith.index_cast %swap3A_10 : i32 to index
    %swap3A_12 = arith.constant 32 : index
    %swap3A_13 = tpu.vector_load %arg13[%swap3A_11, %swap3A_12] {strides = array<i32>} : memref<4x64xf32, #tpu.memory_space<vmem>>, vector<16xf32>,
    tpu.vector_store %arg13[%swap3A_11, %swap3A_12], %broadcast_in_dim3A_0 {strides = array<i32>} : memref<4x64xf32, #tpu.memory_space<vmem>>, vector<16xf32>,
    %swap3A_14 = arith.constant 0 : i32
    %swap3A_15 = arith.index_cast %swap3A_14 : i32 to index
    %swap3A_16 = arith.constant 48 : index
    %swap3A_17 = tpu.vector_load %arg13[%swap3A_15, %swap3A_16] {strides = array<i32>} : memref<4x64xf32, #tpu.memory_space<vmem>>, vector<16xf32>,
    tpu.vector_store %arg13[%swap3A_15, %swap3A_16], %broadcast_in_dim3A_0 {strides = array<i32>} : memref<4x64xf32, #tpu.memory_space<vmem>>, vector<16xf32>,
    %swap3A_18 = arith.constant 1 : i32
    %swap3A_19 = arith.index_cast %swap3A_18 : i32 to index
    %swap3A_20 = arith.constant 0 : index
    %swap3A_21 = tpu.vector_load %arg13[%swap3A_19, %swap3A_20] {strides = array<i32>} : memref<4x64xf32, #tpu.memory_space<vmem>>, vector<16xf32>,
    tpu.vector_store %arg13[%swap3A_19, %swap3A_20], %broadcast_in_dim3A_0 {strides = array<i32>} : memref<4x64xf32, #tpu.memory_space<vmem>>, vector<16xf32>,
    %swap3A_22 = arith.constant 1 : i32
    %swap3A_23 = arith.index_cast %swap3A_22 : i32 to index
    %swap3A_24 = arith.constant 16 : index
    %swap3A_25 = tpu.vector_load %arg13[%swap3A_23, %swap3A_24] {strides = array<i32>} : memref<4x64xf32, #tpu.memory_space<vmem>>, vector<16xf32>,
    tpu.vector_store %arg13[%swap3A_23, %swap3A_24], %broadcast_in_dim3A_0 {strides = array<i32>} : memref<4x64xf32, #tpu.memory_space<vmem>>, vector<16xf32>,
    %swap3A_26 = arith.constant 1 : i32
    %swap3A_27 = arith.index_cast %swap3A_26 : i32 to index
    %swap3A_28 = arith.constant 32 : index
    %swap3A_29 = tpu.vector_load %arg13[%swap3A_27, %swap3A_28] {strides = array<i32>} : memref<4x64xf32, #tpu.memory_space<vmem>>, vector<16xf32>,
    tpu.vector_store %arg13[%swap3A_27, %swap3A_28], %broadcast_in_dim3A_0 {strides = array<i32>} : memref<4x64xf32, #tpu.memory_space<vmem>>, vector<16xf32>,
    %swap3A_30 = arith.constant 1 : i32
    %swap3A_31 = arith.index_cast %swap3A_30 : i32 to index
    %swap3A_32 = arith.constant 48 : index
    %swap3A_33 = tpu.vector_load %arg13[%swap3A_31, %swap3A_32] {strides = array<i32>} : memref<4x64xf32, #tpu.memory_space<vmem>>, vector<16xf32>,
    tpu.vector_store %arg13[%swap3A_31, %swap3A_32], %broadcast_in_dim3A_0 {strides = array<i32>} : memref<4x64xf32, #tpu.memory_space<vmem>>, vector<16xf32>,
    %swap3A_34 = arith.constant 2 : i32
    %swap3A_35 = arith.index_cast %swap3A_34 : i32 to index
    %swap3A_36 = arith.constant 0 : index
    %swap3A_37 = tpu.vector_load %arg13[%swap3A_35, %swap3A_36] {strides = array<i32>} : memref<4x64xf32, #tpu.memory_space<vmem>>, vector<16xf32>,
    tpu.vector_store %arg13[%swap3A_35, %swap3A_36], %broadcast_in_dim3A_0 {strides = array<i32>} : memref<4x64xf32, #tpu.memory_space<vmem>>, vector<16xf32>,
    %swap3A_38 = arith.constant 2 : i32
    %swap3A_39 = arith.index_cast %swap3A_38 : i32 to index
    %swap3A_40 = arith.constant 16 : index
    %swap3A_41 = tpu.vector_load %arg13[%swap3A_39, %swap3A_40] {strides = array<i32>} : memref<4x64xf32, #tpu.memory_space<vmem>>, vector<16xf32>,
    tpu.vector_store %arg13[%swap3A_39, %swap3A_40], %broadcast_in_dim3A_0 {strides = array<i32>} : memref<4x64xf32, #tpu.memory_space<vmem>>, vector<16xf32>,
    %swap3A_42 = arith.constant 2 : i32
    %swap3A_43 = arith.index_cast %swap3A_42 : i32 to index
    %swap3A_44 = arith.constant 32 : index
    %swap3A_45 = tpu.vector_load %arg13[%swap3A_43, %swap3A_44] {strides = array<i32>} : memref<4x64xf32, #tpu.memory_space<vmem>>, vector<16xf32>,
    tpu.vector_store %arg13[%swap3A_43, %swap3A_44], %broadcast_in_dim3A_0 {strides = array<i32>} : memref<4x64xf32, #tpu.memory_space<vmem>>, vector<16xf32>,
    %swap3A_46 = arith.constant 2 : i32
    %swap3A_47 = arith.index_cast %swap3A_46 : i32 to index
    %swap3A_48 = arith.constant 48 : index
    %swap3A_49 = tpu.vector_load %arg13[%swap3A_47, %swap3A_48] {strides = array<i32>} : memref<4x64xf32, #tpu.memory_space<vmem>>, vector<16xf32>,
    tpu.vector_store %arg13[%swap3A_47, %swap3A_48], %broadcast_in_dim3A_0 {strides = array<i32>} : memref<4x64xf32, #tpu.memory_space<vmem>>, vector<16xf32>,
    %swap3A_50 = arith.constant 3 : i32
    %swap3A_51 = arith.index_cast %swap3A_50 : i32 to index
    %swap3A_52 = arith.constant 0 : index
    %swap3A_53 = tpu.vector_load %arg13[%swap3A_51, %swap3A_52] {strides = array<i32>} : memref<4x64xf32, #tpu.memory_space<vmem>>, vector<16xf32>,
    tpu.vector_store %arg13[%swap3A_51, %swap3A_52], %broadcast_in_dim3A_0 {strides = array<i32>} : memref<4x64xf32, #tpu.memory_space<vmem>>, vector<16xf32>,
    %swap3A_54 = arith.constant 3 : i32
    %swap3A_55 = arith.index_cast %swap3A_54 : i32 to index
    %swap3A_56 = arith.constant 16 : index
    %swap3A_57 = tpu.vector_load %arg13[%swap3A_55, %swap3A_56] {strides = array<i32>} : memref<4x64xf32, #tpu.memory_space<vmem>>, vector<16xf32>,
    tpu.vector_store %arg13[%swap3A_55, %swap3A_56], %broadcast_in_dim3A_0 {strides = array<i32>} : memref<4x64xf32, #tpu.memory_space<vmem>>, vector<16xf32>,
    %swap3A_58 = arith.constant 3 : i32
    %swap3A_59 = arith.index_cast %swap3A_58 : i32 to index
    %swap3A_60 = arith.constant 32 : index
    %swap3A_61 = tpu.vector_load %arg13[%swap3A_59, %swap3A_60] {strides = array<i32>} : memref<4x64xf32, #tpu.memory_space<vmem>>, vector<16xf32>,
    tpu.vector_store %arg13[%swap3A_59, %swap3A_60], %broadcast_in_dim3A_0 {strides = array<i32>} : memref<4x64xf32, #tpu.memory_space<vmem>>, vector<16xf32>,
    %swap3A_62 = arith.constant 3 : i32
    %swap3A_63 = arith.index_cast %swap3A_62 : i32 to index
    %swap3A_64 = arith.constant 48 : index
    %swap3A_65 = tpu.vector_load %arg13[%swap3A_63, %swap3A_64] {strides = array<i32>} : memref<4x64xf32, #tpu.memory_space<vmem>>, vector<16xf32>,
    tpu.vector_store %arg13[%swap3A_63, %swap3A_64], %broadcast_in_dim3A_0 {strides = array<i32>} : memref<4x64xf32, #tpu.memory_space<vmem>>, vector<16xf32>,
    %swap3A_66 = arith.constant 0 : index
    %swap3A_67 = tpu.vector_load %arg12[%swap3A_66] {strides = array<i32>} : memref<64xf32, #tpu.memory_space<vmem>>, vector<16xf32>,
    tpu.vector_store %arg12[%swap3A_66], %broadcast_in_dim3A_0 {strides = array<i32>} : memref<64xf32, #tpu.memory_space<vmem>>, vector<16xf32>,
    %swap3A_68 = arith.constant 16 : index
    %swap3A_69 = tpu.vector_load %arg12[%swap3A_68] {strides = array<i32>} : memref<64xf32, #tpu.memory_space<vmem>>, vector<16xf32>,
    tpu.vector_store %arg12[%swap3A_68], %broadcast_in_dim3A_0 {strides = array<i32>} : memref<64xf32, #tpu.memory_space<vmem>>, vector<16xf32>,
    %swap3A_70 = arith.constant 32 : index
    %swap3A_71 = tpu.vector_load %arg12[%swap3A_70] {strides = array<i32>} : memref<64xf32, #tpu.memory_space<vmem>>, vector<16xf32>,
    tpu.vector_store %arg12[%swap3A_70], %broadcast_in_dim3A_0 {strides = array<i32>} : memref<64xf32, #tpu.memory_space<vmem>>, vector<16xf32>,
    %swap3A_72 = arith.constant 48 : index
    %swap3A_73 = tpu.vector_load %arg12[%swap3A_72] {strides = array<i32>} : memref<64xf32, #tpu.memory_space<vmem>>, vector<16xf32>,
    tpu.vector_store %arg12[%swap3A_72], %broadcast_in_dim3A_0 {strides = array<i32>} : memref<64xf32, #tpu.memory_space<vmem>>, vector<16xf32>,
    %mul3A = arith.constant 4 : i32
    %mul3A_74 = arith.muli %arg1, %mul3A : i32
    "tpu.region"() ({
      %run_scoped3A = tpu.sem_alloc : memref<!tpu.dma_semaphore, #tpu.memory_space<semaphore_mem>>
      %dma_start3A_3129 = arith.constant 0 : i32
      %dma_start3A_3130 = tpu.memref_slice %arg15[%mul3A_74, %dma_start3A_3129] : memref<64x64xf32, #tpu.memory_space<vmem_shared>> -> memref<4x64xf32, #tpu.memory_space<vmem_shared>>
      %dma_start3A_3131 = arith.constant 0 : i32
      %dma_start3A_3132 = tpu.memref_slice %arg15[%mul3A_74, %dma_start3A_3131] : memref<64x64xf32, #tpu.memory_space<vmem_shared>> -> memref<4x64xf32, #tpu.memory_space<vmem_shared>>
      tpu.enqueue_dma source(%arg13 : memref<4x64xf32, #tpu.memory_space<vmem>>) target(%dma_start3A_3132 : memref<4x64xf32, #tpu.memory_space<vmem_shared>>) target_semaphore(%run_scoped3A : memref<!tpu.dma_semaphore, #tpu.memory_space<semaphore_mem>>)
      %dma_wait3A_3133 = arith.constant 0 : i32
      %dma_wait3A_3134 = tpu.memref_slice %arg15[%mul3A_74, %dma_wait3A_3133] : memref<64x64xf32, #tpu.memory_space<vmem_shared>> -> memref<4x64xf32, #tpu.memory_space<vmem_shared>>
      %dma_wait3A_3135 = arith.constant 0 : i32
      %dma_wait3A_3136 = tpu.memref_slice %arg15[%mul3A_74, %dma_wait3A_3135] : memref<64x64xf32, #tpu.memory_space<vmem_shared>> -> memref<4x64xf32, #tpu.memory_space<vmem_shared>>
      tpu.wait_dma2 semaphore(%run_scoped3A : memref<!tpu.dma_semaphore, #tpu.memory_space<semaphore_mem>>) src(%arg13 : memref<4x64xf32, #tpu.memory_space<vmem>>) dst(%dma_wait3A_3136 : memref<4x64xf32, #tpu.memory_space<vmem_shared>>)
      tpu.yield
    }) : () -> ()
    %mul3A_75 = arith.constant 50 : i32
    %mul3A_76 = arith.muli %arg1, %mul3A_75 : i32
    "tpu.region"() ({
      %run_scoped3A = tpu.sem_alloc : memref<!tpu.dma_semaphore, #tpu.memory_space<semaphore_mem>>
      %dma_start3A_3129 = arith.constant 0 : i32
      %dma_start3A_3130 = tpu.memref_slice %arg3[%mul3A_76, %dma_start3A_3129] : memref<800x125xi32, #tpu.memory_space<hbm>> -> memref<50x125xi32, #tpu.memory_space<hbm>>
      %dma_start3A_3131 = arith.constant 0 : i32
      %dma_start3A_3132 = tpu.memref_slice %arg3[%mul3A_76, %dma_start3A_3131] : memref<800x125xi32, #tpu.memory_space<hbm>> -> memref<50x125xi32, #tpu.memory_space<hbm>>
      tpu.enqueue_dma source(%dma_start3A_3132 : memref<50x125xi32, #tpu.memory_space<hbm>>) target(%arg11 : memref<50x125xi32, #tpu.memory_space<vmem>>) target_semaphore(%run_scoped3A : memref<!tpu.dma_semaphore, #tpu.memory_space<semaphore_mem>>)
      %dma_wait3A_3133 = arith.constant 0 : i32
      %dma_wait3A_3134 = tpu.memref_slice %arg3[%mul3A_76, %dma_wait3A_3133] : memref<800x125xi32, #tpu.memory_space<hbm>> -> memref<50x125xi32, #tpu.memory_space<hbm>>
      %dma_wait3A_3135 = arith.constant 0 : i32
      %dma_wait3A_3136 = tpu.memref_slice %arg3[%mul3A_76, %dma_wait3A_3135] : memref<800x125xi32, #tpu.memory_space<hbm>> -> memref<50x125xi32, #tpu.memory_space<hbm>>
      tpu.wait_dma2 semaphore(%run_scoped3A : memref<!tpu.dma_semaphore, #tpu.memory_space<semaphore_mem>>) src(%dma_wait3A_3136 : memref<50x125xi32, #tpu.memory_space<hbm>>) dst(%arg11 : memref<50x125xi32, #tpu.memory_space<vmem>>)
      tpu.yield
    }) : () -> ()
    %barrier3A = arith.constant 0 : index
    tpu.barrier barrier_id(%barrier3A)
    %mul3A_77 = arith.constant 6250 : i32
    %mul3A_78 = arith.muli %arg1, %mul3A_77 : i32
    %add3A = arith.constant 0 : i32
    %add3A_79 = arith.addi %mul3A_78, %add3A : i32
    %mul3A_80 = arith.constant 64 : i32
    %mul3A_81 = arith.muli %arg0, %mul3A_80 : i32
    %dma_start3A = tpu.memref_slice %arg2[%add3A_79, %mul3A_81] : memref<100000x128xf32, #tpu.memory_space<hbm>> -> memref<250x64xf32, #tpu.memory_space<hbm>>
    %dma_start3A_82 = tpu.memref_slice %arg2[%add3A_79, %mul3A_81] : memref<100000x128xf32, #tpu.memory_space<hbm>> -> memref<250x64xf32, #tpu.memory_space<hbm>>
    tpu.enqueue_dma source(%dma_start3A_82 : memref<250x64xf32, #tpu.memory_space<hbm>>) target(%arg5 : memref<250x64xf32, #tpu.memory_space<vmem>>) target_semaphore(%arg17 : memref<!tpu.dma_semaphore, #tpu.memory_space<semaphore_mem>>)
    %mul3A_83 = arith.constant 6250 : i32
    %mul3A_84 = arith.muli %arg1, %mul3A_83 : i32
    %add3A_85 = arith.constant 250 : i32
    %add3A_86 = arith.addi %mul3A_84, %add3A_85 : i32
    %mul3A_87 = arith.constant 64 : i32
    %mul3A_88 = arith.muli %arg0, %mul3A_87 : i32
    %dma_start3A_89 = tpu.memref_slice %arg2[%add3A_86, %mul3A_88] : memref<100000x128xf32, #tpu.memory_space<hbm>> -> memref<250x64xf32, #tpu.memory_space<hbm>>
    %dma_start3A_90 = tpu.memref_slice %arg2[%add3A_86, %mul3A_88] : memref<100000x128xf32, #tpu.memory_space<hbm>> -> memref<250x64xf32, #tpu.memory_space<hbm>>
    tpu.enqueue_dma source(%dma_start3A_90 : memref<250x64xf32, #tpu.memory_space<hbm>>) target(%arg6 : memref<250x64xf32, #tpu.memory_space<vmem>>) target_semaphore(%arg18 : memref<!tpu.dma_semaphore, #tpu.memory_space<semaphore_mem>>)
    %mul3A_91 = arith.constant 6250 : i32
    %mul3A_92 = arith.muli %arg1, %mul3A_91 : i32
    %add3A_93 = arith.constant 500 : i32
    %add3A_94 = arith.addi %mul3A_92, %add3A_93 : i32
    %mul3A_95 = arith.constant 64 : i32
    %mul3A_96 = arith.muli %arg0, %mul3A_95 : i32
    %dma_start3A_97 = tpu.memref_slice %arg2[%add3A_94, %mul3A_96] : memref<100000x128xf32, #tpu.memory_space<hbm>> -> memref<250x64xf32, #tpu.memory_space<hbm>>
    %dma_start3A_98 = tpu.memref_slice %arg2[%add3A_94, %mul3A_96] : memref<100000x128xf32, #tpu.memory_space<hbm>> -> memref<250x64xf32, #tpu.memory_space<hbm>>
    tpu.enqueue_dma source(%dma_start3A_98 : memref<250x64xf32, #tpu.memory_space<hbm>>) target(%arg7 : memref<250x64xf32, #tpu.memory_space<vmem>>) target_semaphore(%arg19 : memref<!tpu.dma_semaphore, #tpu.memory_space<semaphore_mem>>)
    %mul3A_99 = arith.constant 6250 : i32
    %mul3A_100 = arith.muli %arg1, %mul3A_99 : i32
    %add3A_101 = arith.constant 750 : i32
    %add3A_102 = arith.addi %mul3A_100, %add3A_101 : i32
    %mul3A_103 = arith.constant 64 : i32
    %mul3A_104 = arith.muli %arg0, %mul3A_103 : i32
    %dma_start3A_105 = tpu.memref_slice %arg2[%add3A_102, %mul3A_104] : memref<100000x128xf32, #tpu.memory_space<hbm>> -> memref<250x64xf32, #tpu.memory_space<hbm>>
    %dma_start3A_106 = tpu.memref_slice %arg2[%add3A_102, %mul3A_104] : memref<100000x128xf32, #tpu.memory_space<hbm>> -> memref<250x64xf32, #tpu.memory_space<hbm>>
    tpu.enqueue_dma source(%dma_start3A_106 : memref<250x64xf32, #tpu.memory_space<hbm>>) target(%arg8 : memref<250x64xf32, #tpu.memory_space<vmem>>) target_semaphore(%arg20 : memref<!tpu.dma_semaphore, #tpu.memory_space<semaphore_mem>>)
    %mul3A_107 = arith.constant 6250 : i32
    %mul3A_108 = arith.muli %arg1, %mul3A_107 : i32
    %add3A_109 = arith.constant 1000 : i32
    %add3A_110 = arith.addi %mul3A_108, %add3A_109 : i32
    %mul3A_111 = arith.constant 64 : i32
    %mul3A_112 = arith.muli %arg0, %mul3A_111 : i32
    %dma_start3A_113 = tpu.memref_slice %arg2[%add3A_110, %mul3A_112] : memref<100000x128xf32, #tpu.memory_space<hbm>> -> memref<250x64xf32, #tpu.memory_space<hbm>>
    %dma_start3A_114 = tpu.memref_slice %arg2[%add3A_110, %mul3A_112] : memref<100000x128xf32, #tpu.memory_space<hbm>> -> memref<250x64xf32, #tpu.memory_space<hbm>>
    tpu.enqueue_dma source(%dma_start3A_114 : memref<250x64xf32, #tpu.memory_space<hbm>>) target(%arg9 : memref<250x64xf32, #tpu.memory_space<vmem>>) target_semaphore(%arg21 : memref<!tpu.dma_semaphore, #tpu.memory_space<semaphore_mem>>)
    %mul3A_115 = arith.constant 6250 : i32
    %mul3A_116 = arith.muli %arg1, %mul3A_115 : i32
    %add3A_117 = arith.constant 1250 : i32
    %add3A_118 = arith.addi %mul3A_116, %add3A_117 : i32
    %mul3A_119 = arith.constant 64 : i32
    %mul3A_120 = arith.muli %arg0, %mul3A_119 : i32
    %dma_start3A_121 = tpu.memref_slice %arg2[%add3A_118, %mul3A_120] : memref<100000x128xf32, #tpu.memory_space<hbm>> -> memref<250x64xf32, #tpu.memory_space<hbm>>
    %dma_start3A_122 = tpu.memref_slice %arg2[%add3A_118, %mul3A_120] : memref<100000x128xf32, #tpu.memory_space<hbm>> -> memref<250x64xf32, #tpu.memory_space<hbm>>
    tpu.enqueue_dma source(%dma_start3A_122 : memref<250x64xf32, #tpu.memory_space<hbm>>) target(%arg10 : memref<250x64xf32, #tpu.memory_space<vmem>>) target_semaphore(%arg22 : memref<!tpu.dma_semaphore, #tpu.memory_space<semaphore_mem>>)
    %iota3A = tpu.iota {dimensions = array<i32: 0>} : vector<16xi32>
    %ge3A = arith.constant 3 : i32
    %ge3A_123 = vector.broadcast %ge3A : i32 to vector<16xi32>
    %ge3A_124 = arith.cmpi sge, %iota3A, %ge3A_123 : vector<16xi32>
    %get3A = arith.constant 0 : i32
    %get3A_125 = arith.index_cast %get3A : i32 to index
    %get3A_126 = arith.constant 0 : index
    %get3A_127 = tpu.vector_load %arg11[%get3A_125, %get3A_126] {strides = array<i32>} : memref<50x125xi32, #tpu.memory_space<vmem>>, vector<16xi32>,
    tpu.vector_store_idx %arg12[%get3A_127], %broadcast_in_dim3A_2 {add = true} : memref<64xf32, #tpu.memory_space<vmem>>[vector<16xi32>], vector<16xf32>,
    %get3A_128 = arith.constant 0 : i32
    %get3A_129 = arith.index_cast %get3A_128 : i32 to index
    %get3A_130 = arith.constant 16 : index
    %get3A_131 = tpu.vector_load %arg11[%get3A_129, %get3A_130] {strides = array<i32>} : memref<50x125xi32, #tpu.memory_space<vmem>>, vector<16xi32>,
    tpu.vector_store_idx %arg12[%get3A_131], %broadcast_in_dim3A_2 {add = true} : memref<64xf32, #tpu.memory_space<vmem>>[vector<16xi32>], vector<16xf32>,
    %get3A_132 = arith.constant 0 : i32
    %get3A_133 = arith.index_cast %get3A_132 : i32 to index
    %get3A_134 = arith.constant 32 : index
    %get3A_135 = tpu.vector_load %arg11[%get3A_133, %get3A_134] {strides = array<i32>} : memref<50x125xi32, #tpu.memory_space<vmem>>, vector<16xi32>,
    tpu.vector_store_idx %arg12[%get3A_135], %broadcast_in_dim3A_2 {add = true} : memref<64xf32, #tpu.memory_space<vmem>>[vector<16xi32>], vector<16xf32>,
    %get3A_136 = arith.constant 0 : i32
    %get3A_137 = arith.index_cast %get3A_136 : i32 to index
    %get3A_138 = arith.constant 48 : index
    %get3A_139 = tpu.vector_load %arg11[%get3A_137, %get3A_138] {strides = array<i32>} : memref<50x125xi32, #tpu.memory_space<vmem>>, vector<16xi32>,
    tpu.vector_store_idx %arg12[%get3A_139], %broadcast_in_dim3A_2 {add = true} : memref<64xf32, #tpu.memory_space<vmem>>[vector<16xi32>], vector<16xf32>,
    %get3A_140 = arith.constant 0 : i32
    %get3A_141 = arith.index_cast %get3A_140 : i32 to index
    %get3A_142 = arith.constant 64 : index
    %get3A_143 = tpu.vector_load %arg11[%get3A_141, %get3A_142] {strides = array<i32>} : memref<50x125xi32, #tpu.memory_space<vmem>>, vector<16xi32>,
    tpu.vector_store_idx %arg12[%get3A_143], %broadcast_in_dim3A_2 {add = true} : memref<64xf32, #tpu.memory_space<vmem>>[vector<16xi32>], vector<16xf32>,
    %get3A_144 = arith.constant 0 : i32
    %get3A_145 = arith.index_cast %get3A_144 : i32 to index
    %get3A_146 = arith.constant 80 : index
    %get3A_147 = tpu.vector_load %arg11[%get3A_145, %get3A_146] {strides = array<i32>} : memref<50x125xi32, #tpu.memory_space<vmem>>, vector<16xi32>,
    tpu.vector_store_idx %arg12[%get3A_147], %broadcast_in_dim3A_2 {add = true} : memref<64xf32, #tpu.memory_space<vmem>>[vector<16xi32>], vector<16xf32>,
    %get3A_148 = arith.constant 0 : i32
    %get3A_149 = arith.index_cast %get3A_148 : i32 to index
    %get3A_150 = arith.constant 96 : index
    %get3A_151 = tpu.vector_load %arg11[%get3A_149, %get3A_150] {strides = array<i32>} : memref<50x125xi32, #tpu.memory_space<vmem>>, vector<16xi32>,
    tpu.vector_store_idx %arg12[%get3A_151], %broadcast_in_dim3A_2 {add = true} : memref<64xf32, #tpu.memory_space<vmem>>[vector<16xi32>], vector<16xf32>,
    %get3A_152 = arith.constant 0 : i32
    %get3A_153 = arith.index_cast %get3A_152 : i32 to index
    %get3A_154 = arith.constant 109 : index
    %get3A_155 = tpu.vector_load %arg11[%get3A_153, %get3A_154] {strides = array<i32>} : memref<50x125xi32, #tpu.memory_space<vmem>>, vector<16xi32>,
    tpu.vector_store_idx %arg12[%get3A_155], %broadcast_in_dim3A_2 masked %ge3A_124 {add = true} : memref<64xf32, #tpu.memory_space<vmem>>[vector<16xi32>], vector<16xf32>, vector<16xi1>
    %get3A_156 = arith.constant 1 : i32
    %get3A_157 = arith.index_cast %get3A_156 : i32 to index
    %get3A_158 = arith.constant 0 : index
    %get3A_159 = tpu.vector_load %arg11[%get3A_157, %get3A_158] {strides = array<i32>} : memref<50x125xi32, #tpu.memory_space<vmem>>, vector<16xi32>,
    tpu.vector_store_idx %arg12[%get3A_159], %broadcast_in_dim3A_2 {add = true} : memref<64xf32, #tpu.memory_space<vmem>>[vector<16xi32>], vector<16xf32>,
    %get3A_160 = arith.constant 1 : i32
    %get3A_161 = arith.index_cast %get3A_160 : i32 to index
    %get3A_162 = arith.constant 16 : index
    %get3A_163 = tpu.vector_load %arg11[%get3A_161, %get3A_162] {strides = array<i32>} : memref<50x125xi32, #tpu.memory_space<vmem>>, vector<16xi32>,
    tpu.vector_store_idx %arg12[%get3A_163], %broadcast_in_dim3A_2 {add = true} : memref<64xf32, #tpu.memory_space<vmem>>[vector<16xi32>], vector<16xf32>,
    %get3A_164 = arith.constant 1 : i32
    %get3A_165 = arith.index_cast %get3A_164 : i32 to index
    %get3A_166 = arith.constant 32 : index
    %get3A_167 = tpu.vector_load %arg11[%get3A_165, %get3A_166] {strides = array<i32>} : memref<50x125xi32, #tpu.memory_space<vmem>>, vector<16xi32>,
    tpu.vector_store_idx %arg12[%get3A_167], %broadcast_in_dim3A_2 {add = true} : memref<64xf32, #tpu.memory_space<vmem>>[vector<16xi32>], vector<16xf32>,
    %get3A_168 = arith.constant 1 : i32
    %get3A_169 = arith.index_cast %get3A_168 : i32 to index
    %get3A_170 = arith.constant 48 : index
    %get3A_171 = tpu.vector_load %arg11[%get3A_169, %get3A_170] {strides = array<i32>} : memref<50x125xi32, #tpu.memory_space<vmem>>, vector<16xi32>,
    tpu.vector_store_idx %arg12[%get3A_171], %broadcast_in_dim3A_2 {add = true} : memref<64xf32, #tpu.memory_space<vmem>>[vector<16xi32>], vector<16xf32>,
    %get3A_172 = arith.constant 1 : i32
    %get3A_173 = arith.index_cast %get3A_172 : i32 to index
    %get3A_174 = arith.constant 64 : index
    %get3A_175 = tpu.vector_load %arg11[%get3A_173, %get3A_174] {strides = array<i32>} : memref<50x125xi32, #tpu.memory_space<vmem>>, vector<16xi32>,
    tpu.vector_store_idx %arg12[%get3A_175], %broadcast_in_dim3A_2 {add = true} : memref<64xf32, #tpu.memory_space<vmem>>[vector<16xi32>], vector<16xf32>,
    %get3A_176 = arith.constant 1 : i32
    %get3A_177 = arith.index_cast %get3A_176 : i32 to index
    %get3A_178 = arith.constant 80 : index
    %get3A_179 = tpu.vector_load %arg11[%get3A_177, %get3A_178] {strides = array<i32>} : memref<50x125xi32, #tpu.memory_space<vmem>>, vector<16xi32>,
    tpu.vector_store_idx %arg12[%get3A_179], %broadcast_in_dim3A_2 {add = true} : memref<64xf32, #tpu.memory_space<vmem>>[vector<16xi32>], vector<16xf32>,
    %get3A_180 = arith.constant 1 : i32
    %get3A_181 = arith.index_cast %get3A_180 : i32 to index
    %get3A_182 = arith.constant 96 : index
    %get3A_183 = tpu.vector_load %arg11[%get3A_181, %get3A_182] {strides = array<i32>} : memref<50x125xi32, #tpu.memory_space<vmem>>, vector<16xi32>,
    tpu.vector_store_idx %arg12[%get3A_183], %broadcast_in_dim3A_2 {add = true} : memref<64xf32, #tpu.memory_space<vmem>>[vector<16xi32>], vector<16xf32>,
    %get3A_184 = arith.constant 1 : i32
    %get3A_185 = arith.index_cast %get3A_184 : i32 to index
    %get3A_186 = arith.constant 109 : index
    %get3A_187 = tpu.vector_load %arg11[%get3A_185, %get3A_186] {strides = array<i32>} : memref<50x125xi32, #tpu.memory_space<vmem>>, vector<16xi32>,
    tpu.vector_store_idx %arg12[%get3A_187], %broadcast_in_dim3A_2 masked %ge3A_124 {add = true} : memref<64xf32, #tpu.memory_space<vmem>>[vector<16xi32>], vector<16xf32>, vector<16xi1>
    %get3A_188 = arith.constant 2 : i32
    %get3A_189 = arith.index_cast %get3A_188 : i32 to index
    %get3A_190 = arith.constant 0 : index
    %get3A_191 = tpu.vector_load %arg11[%get3A_189, %get3A_190] {strides = array<i32>} : memref<50x125xi32, #tpu.memory_space<vmem>>, vector<16xi32>,
    tpu.vector_store_idx %arg12[%get3A_191], %broadcast_in_dim3A_2 {add = true} : memref<64xf32, #tpu.memory_space<vmem>>[vector<16xi32>], vector<16xf32>,
    %get3A_192 = arith.constant 2 : i32
    %get3A_193 = arith.index_cast %get3A_192 : i32 to index
    %get3A_194 = arith.constant 16 : index
    %get3A_195 = tpu.vector_load %arg11[%get3A_193, %get3A_194] {strides = array<i32>} : memref<50x125xi32, #tpu.memory_space<vmem>>, vector<16xi32>,
    tpu.vector_store_idx %arg12[%get3A_195], %broadcast_in_dim3A_2 {add = true} : memref<64xf32, #tpu.memory_space<vmem>>[vector<16xi32>], vector<16xf32>,
    %get3A_196 = arith.constant 2 : i32
    %get3A_197 = arith.index_cast %get3A_196 : i32 to index
    %get3A_198 = arith.constant 32 : index
    %get3A_199 = tpu.vector_load %arg11[%get3A_197, %get3A_198] {strides = array<i32>} : memref<50x125xi32, #tpu.memory_space<vmem>>, vector<16xi32>,
    tpu.vector_store_idx %arg12[%get3A_199], %broadcast_in_dim3A_2 {add = true} : memref<64xf32, #tpu.memory_space<vmem>>[vector<16xi32>], vector<16xf32>,
    %get3A_200 = arith.constant 2 : i32
    %get3A_201 = arith.index_cast %get3A_200 : i32 to index
    %get3A_202 = arith.constant 48 : index
    %get3A_203 = tpu.vector_load %arg11[%get3A_201, %get3A_202] {strides = array<i32>} : memref<50x125xi32, #tpu.memory_space<vmem>>, vector<16xi32>,
    tpu.vector_store_idx %arg12[%get3A_203], %broadcast_in_dim3A_2 {add = true} : memref<64xf32, #tpu.memory_space<vmem>>[vector<16xi32>], vector<16xf32>,
    %get3A_204 = arith.constant 2 : i32
    %get3A_205 = arith.index_cast %get3A_204 : i32 to index
    %get3A_206 = arith.constant 64 : index
    %get3A_207 = tpu.vector_load %arg11[%get3A_205, %get3A_206] {strides = array<i32>} : memref<50x125xi32, #tpu.memory_space<vmem>>, vector<16xi32>,
    tpu.vector_store_idx %arg12[%get3A_207], %broadcast_in_dim3A_2 {add = true} : memref<64xf32, #tpu.memory_space<vmem>>[vector<16xi32>], vector<16xf32>,
    %get3A_208 = arith.constant 2 : i32
    %get3A_209 = arith.index_cast %get3A_208 : i32 to index
    %get3A_210 = arith.constant 80 : index
    %get3A_211 = tpu.vector_load %arg11[%get3A_209, %get3A_210] {strides = array<i32>} : memref<50x125xi32, #tpu.memory_space<vmem>>, vector<16xi32>,
    tpu.vector_store_idx %arg12[%get3A_211], %broadcast_in_dim3A_2 {add = true} : memref<64xf32, #tpu.memory_space<vmem>>[vector<16xi32>], vector<16xf32>,
    %get3A_212 = arith.constant 2 : i32
    %get3A_213 = arith.index_cast %get3A_212 : i32 to index
    %get3A_214 = arith.constant 96 : index
    %get3A_215 = tpu.vector_load %arg11[%get3A_213, %get3A_214] {strides = array<i32>} : memref<50x125xi32, #tpu.memory_space<vmem>>, vector<16xi32>,
    tpu.vector_store_idx %arg12[%get3A_215], %broadcast_in_dim3A_2 {add = true} : memref<64xf32, #tpu.memory_space<vmem>>[vector<16xi32>], vector<16xf32>,
    %get3A_216 = arith.constant 2 : i32
    %get3A_217 = arith.index_cast %get3A_216 : i32 to index
    %get3A_218 = arith.constant 109 : index
    %get3A_219 = tpu.vector_load %arg11[%get3A_217, %get3A_218] {strides = array<i32>} : memref<50x125xi32, #tpu.memory_space<vmem>>, vector<16xi32>,
    tpu.vector_store_idx %arg12[%get3A_219], %broadcast_in_dim3A_2 masked %ge3A_124 {add = true} : memref<64xf32, #tpu.memory_space<vmem>>[vector<16xi32>], vector<16xf32>, vector<16xi1>
    %get3A_220 = arith.constant 3 : i32
    %get3A_221 = arith.index_cast %get3A_220 : i32 to index
    %get3A_222 = arith.constant 0 : index
    %get3A_223 = tpu.vector_load %arg11[%get3A_221, %get3A_222] {strides = array<i32>} : memref<50x125xi32, #tpu.memory_space<vmem>>, vector<16xi32>,
    tpu.vector_store_idx %arg12[%get3A_223], %broadcast_in_dim3A_2 {add = true} : memref<64xf32, #tpu.memory_space<vmem>>[vector<16xi32>], vector<16xf32>,
    %get3A_224 = arith.constant 3 : i32
    %get3A_225 = arith.index_cast %get3A_224 : i32 to index
    %get3A_226 = arith.constant 16 : index
    %get3A_227 = tpu.vector_load %arg11[%get3A_225, %get3A_226] {strides = array<i32>} : memref<50x125xi32, #tpu.memory_space<vmem>>, vector<16xi32>,
    tpu.vector_store_idx %arg12[%get3A_227], %broadcast_in_dim3A_2 {add = true} : memref<64xf32, #tpu.memory_space<vmem>>[vector<16xi32>], vector<16xf32>,
    %get3A_228 = arith.constant 3 : i32
    %get3A_229 = arith.index_cast %get3A_228 : i32 to index
    %get3A_230 = arith.constant 32 : index
    %get3A_231 = tpu.vector_load %arg11[%get3A_229, %get3A_230] {strides = array<i32>} : memref<50x125xi32, #tpu.memory_space<vmem>>, vector<16xi32>,
    tpu.vector_store_idx %arg12[%get3A_231], %broadcast_in_dim3A_2 {add = true} : memref<64xf32, #tpu.memory_space<vmem>>[vector<16xi32>], vector<16xf32>,
    %get3A_232 = arith.constant 3 : i32
    %get3A_233 = arith.index_cast %get3A_232 : i32 to index
    %get3A_234 = arith.constant 48 : index
    %get3A_235 = tpu.vector_load %arg11[%get3A_233, %get3A_234] {strides = array<i32>} : memref<50x125xi32, #tpu.memory_space<vmem>>, vector<16xi32>,
    tpu.vector_store_idx %arg12[%get3A_235], %broadcast_in_dim3A_2 {add = true} : memref<64xf32, #tpu.memory_space<vmem>>[vector<16xi32>], vector<16xf32>,
    %get3A_236 = arith.constant 3 : i32
    %get3A_237 = arith.index_cast %get3A_236 : i32 to index
    %get3A_238 = arith.constant 64 : index
    %get3A_239 = tpu.vector_load %arg11[%get3A_237, %get3A_238] {strides = array<i32>} : memref<50x125xi32, #tpu.memory_space<vmem>>, vector<16xi32>,
    tpu.vector_store_idx %arg12[%get3A_239], %broadcast_in_dim3A_2 {add = true} : memref<64xf32, #tpu.memory_space<vmem>>[vector<16xi32>], vector<16xf32>,
    %get3A_240 = arith.constant 3 : i32
    %get3A_241 = arith.index_cast %get3A_240 : i32 to index
    %get3A_242 = arith.constant 80 : index
    %get3A_243 = tpu.vector_load %arg11[%get3A_241, %get3A_242] {strides = array<i32>} : memref<50x125xi32, #tpu.memory_space<vmem>>, vector<16xi32>,
    tpu.vector_store_idx %arg12[%get3A_243], %broadcast_in_dim3A_2 {add = true} : memref<64xf32, #tpu.memory_space<vmem>>[vector<16xi32>], vector<16xf32>,
    %get3A_244 = arith.constant 3 : i32
    %get3A_245 = arith.index_cast %get3A_244 : i32 to index
    %get3A_246 = arith.constant 96 : index
    %get3A_247 = tpu.vector_load %arg11[%get3A_245, %get3A_246] {strides = array<i32>} : memref<50x125xi32, #tpu.memory_space<vmem>>, vector<16xi32>,
    tpu.vector_store_idx %arg12[%get3A_247], %broadcast_in_dim3A_2 {add = true} : memref<64xf32, #tpu.memory_space<vmem>>[vector<16xi32>], vector<16xf32>,
    %get3A_248 = arith.constant 3 : i32
    %get3A_249 = arith.index_cast %get3A_248 : i32 to index
    %get3A_250 = arith.constant 109 : index
    %get3A_251 = tpu.vector_load %arg11[%get3A_249, %get3A_250] {strides = array<i32>} : memref<50x125xi32, #tpu.memory_space<vmem>>, vector<16xi32>,
    tpu.vector_store_idx %arg12[%get3A_251], %broadcast_in_dim3A_2 masked %ge3A_124 {add = true} : memref<64xf32, #tpu.memory_space<vmem>>[vector<16xi32>], vector<16xf32>, vector<16xi1>
    %get3A_252 = arith.constant 4 : i32
    %get3A_253 = arith.index_cast %get3A_252 : i32 to index
    %get3A_254 = arith.constant 0 : index
    %get3A_255 = tpu.vector_load %arg11[%get3A_253, %get3A_254] {strides = array<i32>} : memref<50x125xi32, #tpu.memory_space<vmem>>, vector<16xi32>,
    tpu.vector_store_idx %arg12[%get3A_255], %broadcast_in_dim3A_2 {add = true} : memref<64xf32, #tpu.memory_space<vmem>>[vector<16xi32>], vector<16xf32>,
    %get3A_256 = arith.constant 4 : i32
    %get3A_257 = arith.index_cast %get3A_256 : i32 to index
    %get3A_258 = arith.constant 16 : index
    %get3A_259 = tpu.vector_load %arg11[%get3A_257, %get3A_258] {strides = array<i32>} : memref<50x125xi32, #tpu.memory_space<vmem>>, vector<16xi32>,
    tpu.vector_store_idx %arg12[%get3A_259], %broadcast_in_dim3A_2 {add = true} : memref<64xf32, #tpu.memory_space<vmem>>[vector<16xi32>], vector<16xf32>,
    %get3A_260 = arith.constant 4 : i32
    %get3A_261 = arith.index_cast %get3A_260 : i32 to index
    %get3A_262 = arith.constant 32 : index
    %get3A_263 = tpu.vector_load %arg11[%get3A_261, %get3A_262] {strides = array<i32>} : memref<50x125xi32, #tpu.memory_space<vmem>>, vector<16xi32>,
    tpu.vector_store_idx %arg12[%get3A_263], %broadcast_in_dim3A_2 {add = true} : memref<64xf32, #tpu.memory_space<vmem>>[vector<16xi32>], vector<16xf32>,
    %get3A_264 = arith.constant 4 : i32
    %get3A_265 = arith.index_cast %get3A_264 : i32 to index
    %get3A_266 = arith.constant 48 : index
    %get3A_267 = tpu.vector_load %arg11[%get3A_265, %get3A_266] {strides = array<i32>} : memref<50x125xi32, #tpu.memory_space<vmem>>, vector<16xi32>,
    tpu.vector_store_idx %arg12[%get3A_267], %broadcast_in_dim3A_2 {add = true} : memref<64xf32, #tpu.memory_space<vmem>>[vector<16xi32>], vector<16xf32>,
    %get3A_268 = arith.constant 4 : i32
    %get3A_269 = arith.index_cast %get3A_268 : i32 to index
    %get3A_270 = arith.constant 64 : index
    %get3A_271 = tpu.vector_load %arg11[%get3A_269, %get3A_270] {strides = array<i32>} : memref<50x125xi32, #tpu.memory_space<vmem>>, vector<16xi32>,
    tpu.vector_store_idx %arg12[%get3A_271], %broadcast_in_dim3A_2 {add = true} : memref<64xf32, #tpu.memory_space<vmem>>[vector<16xi32>], vector<16xf32>,
    %get3A_272 = arith.constant 4 : i32
    %get3A_273 = arith.index_cast %get3A_272 : i32 to index
    %get3A_274 = arith.constant 80 : index
    %get3A_275 = tpu.vector_load %arg11[%get3A_273, %get3A_274] {strides = array<i32>} : memref<50x125xi32, #tpu.memory_space<vmem>>, vector<16xi32>,
    tpu.vector_store_idx %arg12[%get3A_275], %broadcast_in_dim3A_2 {add = true} : memref<64xf32, #tpu.memory_space<vmem>>[vector<16xi32>], vector<16xf32>,
    %get3A_276 = arith.constant 4 : i32
    %get3A_277 = arith.index_cast %get3A_276 : i32 to index
    %get3A_278 = arith.constant 96 : index
    %get3A_279 = tpu.vector_load %arg11[%get3A_277, %get3A_278] {strides = array<i32>} : memref<50x125xi32, #tpu.memory_space<vmem>>, vector<16xi32>,
    tpu.vector_store_idx %arg12[%get3A_279], %broadcast_in_dim3A_2 {add = true} : memref<64xf32, #tpu.memory_space<vmem>>[vector<16xi32>], vector<16xf32>,
    %get3A_280 = arith.constant 4 : i32
    %get3A_281 = arith.index_cast %get3A_280 : i32 to index
    %get3A_282 = arith.constant 109 : index
    %get3A_283 = tpu.vector_load %arg11[%get3A_281, %get3A_282] {strides = array<i32>} : memref<50x125xi32, #tpu.memory_space<vmem>>, vector<16xi32>,
    tpu.vector_store_idx %arg12[%get3A_283], %broadcast_in_dim3A_2 masked %ge3A_124 {add = true} : memref<64xf32, #tpu.memory_space<vmem>>[vector<16xi32>], vector<16xf32>, vector<16xi1>
    %get3A_284 = arith.constant 5 : i32
    %get3A_285 = arith.index_cast %get3A_284 : i32 to index
    %get3A_286 = arith.constant 0 : index
    %get3A_287 = tpu.vector_load %arg11[%get3A_285, %get3A_286] {strides = array<i32>} : memref<50x125xi32, #tpu.memory_space<vmem>>, vector<16xi32>,
    tpu.vector_store_idx %arg12[%get3A_287], %broadcast_in_dim3A_2 {add = true} : memref<64xf32, #tpu.memory_space<vmem>>[vector<16xi32>], vector<16xf32>,
    %get3A_288 = arith.constant 5 : i32
    %get3A_289 = arith.index_cast %get3A_288 : i32 to index
    %get3A_290 = arith.constant 16 : index
    %get3A_291 = tpu.vector_load %arg11[%get3A_289, %get3A_290] {strides = array<i32>} : memref<50x125xi32, #tpu.memory_space<vmem>>, vector<16xi32>,
    tpu.vector_store_idx %arg12[%get3A_291], %broadcast_in_dim3A_2 {add = true} : memref<64xf32, #tpu.memory_space<vmem>>[vector<16xi32>], vector<16xf32>,
    %get3A_292 = arith.constant 5 : i32
    %get3A_293 = arith.index_cast %get3A_292 : i32 to index
    %get3A_294 = arith.constant 32 : index
    %get3A_295 = tpu.vector_load %arg11[%get3A_293, %get3A_294] {strides = array<i32>} : memref<50x125xi32, #tpu.memory_space<vmem>>, vector<16xi32>,
    tpu.vector_store_idx %arg12[%get3A_295], %broadcast_in_dim3A_2 {add = true} : memref<64xf32, #tpu.memory_space<vmem>>[vector<16xi32>], vector<16xf32>,
    %get3A_296 = arith.constant 5 : i32
    %get3A_297 = arith.index_cast %get3A_296 : i32 to index
    %get3A_298 = arith.constant 48 : index
    %get3A_299 = tpu.vector_load %arg11[%get3A_297, %get3A_298] {strides = array<i32>} : memref<50x125xi32, #tpu.memory_space<vmem>>, vector<16xi32>,
    tpu.vector_store_idx %arg12[%get3A_299], %broadcast_in_dim3A_2 {add = true} : memref<64xf32, #tpu.memory_space<vmem>>[vector<16xi32>], vector<16xf32>,
    %get3A_300 = arith.constant 5 : i32
    %get3A_301 = arith.index_cast %get3A_300 : i32 to index
    %get3A_302 = arith.constant 64 : index
    %get3A_303 = tpu.vector_load %arg11[%get3A_301, %get3A_302] {strides = array<i32>} : memref<50x125xi32, #tpu.memory_space<vmem>>, vector<16xi32>,
    tpu.vector_store_idx %arg12[%get3A_303], %broadcast_in_dim3A_2 {add = true} : memref<64xf32, #tpu.memory_space<vmem>>[vector<16xi32>], vector<16xf32>,
    %get3A_304 = arith.constant 5 : i32
    %get3A_305 = arith.index_cast %get3A_304 : i32 to index
    %get3A_306 = arith.constant 80 : index
    %get3A_307 = tpu.vector_load %arg11[%get3A_305, %get3A_306] {strides = array<i32>} : memref<50x125xi32, #tpu.memory_space<vmem>>, vector<16xi32>,
    tpu.vector_store_idx %arg12[%get3A_307], %broadcast_in_dim3A_2 {add = true} : memref<64xf32, #tpu.memory_space<vmem>>[vector<16xi32>], vector<16xf32>,
    %get3A_308 = arith.constant 5 : i32
    %get3A_309 = arith.index_cast %get3A_308 : i32 to index
    %get3A_310 = arith.constant 96 : index
    %get3A_311 = tpu.vector_load %arg11[%get3A_309, %get3A_310] {strides = array<i32>} : memref<50x125xi32, #tpu.memory_space<vmem>>, vector<16xi32>,
    tpu.vector_store_idx %arg12[%get3A_311], %broadcast_in_dim3A_2 {add = true} : memref<64xf32, #tpu.memory_space<vmem>>[vector<16xi32>], vector<16xf32>,
    %get3A_312 = arith.constant 5 : i32
    %get3A_313 = arith.index_cast %get3A_312 : i32 to index
    %get3A_314 = arith.constant 109 : index
    %get3A_315 = tpu.vector_load %arg11[%get3A_313, %get3A_314] {strides = array<i32>} : memref<50x125xi32, #tpu.memory_space<vmem>>, vector<16xi32>,
    tpu.vector_store_idx %arg12[%get3A_315], %broadcast_in_dim3A_2 masked %ge3A_124 {add = true} : memref<64xf32, #tpu.memory_space<vmem>>[vector<16xi32>], vector<16xf32>, vector<16xi1>
    %get3A_316 = arith.constant 6 : i32
    %get3A_317 = arith.index_cast %get3A_316 : i32 to index
    %get3A_318 = arith.constant 0 : index
    %get3A_319 = tpu.vector_load %arg11[%get3A_317, %get3A_318] {strides = array<i32>} : memref<50x125xi32, #tpu.memory_space<vmem>>, vector<16xi32>,
    tpu.vector_store_idx %arg12[%get3A_319], %broadcast_in_dim3A_2 {add = true} : memref<64xf32, #tpu.memory_space<vmem>>[vector<16xi32>], vector<16xf32>,
    %get3A_320 = arith.constant 6 : i32
    %get3A_321 = arith.index_cast %get3A_320 : i32 to index
    %get3A_322 = arith.constant 16 : index
    %get3A_323 = tpu.vector_load %arg11[%get3A_321, %get3A_322] {strides = array<i32>} : memref<50x125xi32, #tpu.memory_space<vmem>>, vector<16xi32>,
    tpu.vector_store_idx %arg12[%get3A_323], %broadcast_in_dim3A_2 {add = true} : memref<64xf32, #tpu.memory_space<vmem>>[vector<16xi32>], vector<16xf32>,
    %get3A_324 = arith.constant 6 : i32
    %get3A_325 = arith.index_cast %get3A_324 : i32 to index
    %get3A_326 = arith.constant 32 : index
    %get3A_327 = tpu.vector_load %arg11[%get3A_325, %get3A_326] {strides = array<i32>} : memref<50x125xi32, #tpu.memory_space<vmem>>, vector<16xi32>,
    tpu.vector_store_idx %arg12[%get3A_327], %broadcast_in_dim3A_2 {add = true} : memref<64xf32, #tpu.memory_space<vmem>>[vector<16xi32>], vector<16xf32>,
    %get3A_328 = arith.constant 6 : i32
    %get3A_329 = arith.index_cast %get3A_328 : i32 to index
    %get3A_330 = arith.constant 48 : index
    %get3A_331 = tpu.vector_load %arg11[%get3A_329, %get3A_330] {strides = array<i32>} : memref<50x125xi32, #tpu.memory_space<vmem>>, vector<16xi32>,
    tpu.vector_store_idx %arg12[%get3A_331], %broadcast_in_dim3A_2 {add = true} : memref<64xf32, #tpu.memory_space<vmem>>[vector<16xi32>], vector<16xf32>,
    %get3A_332 = arith.constant 6 : i32
    %get3A_333 = arith.index_cast %get3A_332 : i32 to index
    %get3A_334 = arith.constant 64 : index
    %get3A_335 = tpu.vector_load %arg11[%get3A_333, %get3A_334] {strides = array<i32>} : memref<50x125xi32, #tpu.memory_space<vmem>>, vector<16xi32>,
    tpu.vector_store_idx %arg12[%get3A_335], %broadcast_in_dim3A_2 {add = true} : memref<64xf32, #tpu.memory_space<vmem>>[vector<16xi32>], vector<16xf32>,
    %get3A_336 = arith.constant 6 : i32
    %get3A_337 = arith.index_cast %get3A_336 : i32 to index
    %get3A_338 = arith.constant 80 : index
    %get3A_339 = tpu.vector_load %arg11[%get3A_337, %get3A_338] {strides = array<i32>} : memref<50x125xi32, #tpu.memory_space<vmem>>, vector<16xi32>,
    tpu.vector_store_idx %arg12[%get3A_339], %broadcast_in_dim3A_2 {add = true} : memref<64xf32, #tpu.memory_space<vmem>>[vector<16xi32>], vector<16xf32>,
    %get3A_340 = arith.constant 6 : i32
    %get3A_341 = arith.index_cast %get3A_340 : i32 to index
    %get3A_342 = arith.constant 96 : index
    %get3A_343 = tpu.vector_load %arg11[%get3A_341, %get3A_342] {strides = array<i32>} : memref<50x125xi32, #tpu.memory_space<vmem>>, vector<16xi32>,
    tpu.vector_store_idx %arg12[%get3A_343], %broadcast_in_dim3A_2 {add = true} : memref<64xf32, #tpu.memory_space<vmem>>[vector<16xi32>], vector<16xf32>,
    %get3A_344 = arith.constant 6 : i32
    %get3A_345 = arith.index_cast %get3A_344 : i32 to index
    %get3A_346 = arith.constant 109 : index
    %get3A_347 = tpu.vector_load %arg11[%get3A_345, %get3A_346] {strides = array<i32>} : memref<50x125xi32, #tpu.memory_space<vmem>>, vector<16xi32>,
    tpu.vector_store_idx %arg12[%get3A_347], %broadcast_in_dim3A_2 masked %ge3A_124 {add = true} : memref<64xf32, #tpu.memory_space<vmem>>[vector<16xi32>], vector<16xf32>, vector<16xi1>
    %get3A_348 = arith.constant 7 : i32
    %get3A_349 = arith.index_cast %get3A_348 : i32 to index
    %get3A_350 = arith.constant 0 : index
    %get3A_351 = tpu.vector_load %arg11[%get3A_349, %get3A_350] {strides = array<i32>} : memref<50x125xi32, #tpu.memory_space<vmem>>, vector<16xi32>,
    tpu.vector_store_idx %arg12[%get3A_351], %broadcast_in_dim3A_2 {add = true} : memref<64xf32, #tpu.memory_space<vmem>>[vector<16xi32>], vector<16xf32>,
    %get3A_352 = arith.constant 7 : i32
    %get3A_353 = arith.index_cast %get3A_352 : i32 to index
    %get3A_354 = arith.constant 16 : index
    %get3A_355 = tpu.vector_load %arg11[%get3A_353, %get3A_354] {strides = array<i32>} : memref<50x125xi32, #tpu.memory_space<vmem>>, vector<16xi32>,
    tpu.vector_store_idx %arg12[%get3A_355], %broadcast_in_dim3A_2 {add = true} : memref<64xf32, #tpu.memory_space<vmem>>[vector<16xi32>], vector<16xf32>,
    %get3A_356 = arith.constant 7 : i32
    %get3A_357 = arith.index_cast %get3A_356 : i32 to index
    %get3A_358 = arith.constant 32 : index
    %get3A_359 = tpu.vector_load %arg11[%get3A_357, %get3A_358] {strides = array<i32>} : memref<50x125xi32, #tpu.memory_space<vmem>>, vector<16xi32>,
    tpu.vector_store_idx %arg12[%get3A_359], %broadcast_in_dim3A_2 {add = true} : memref<64xf32, #tpu.memory_space<vmem>>[vector<16xi32>], vector<16xf32>,
    %get3A_360 = arith.constant 7 : i32
    %get3A_361 = arith.index_cast %get3A_360 : i32 to index
    %get3A_362 = arith.constant 48 : index
    %get3A_363 = tpu.vector_load %arg11[%get3A_361, %get3A_362] {strides = array<i32>} : memref<50x125xi32, #tpu.memory_space<vmem>>, vector<16xi32>,
    tpu.vector_store_idx %arg12[%get3A_363], %broadcast_in_dim3A_2 {add = true} : memref<64xf32, #tpu.memory_space<vmem>>[vector<16xi32>], vector<16xf32>,
    %get3A_364 = arith.constant 7 : i32
    %get3A_365 = arith.index_cast %get3A_364 : i32 to index
    %get3A_366 = arith.constant 64 : index
    %get3A_367 = tpu.vector_load %arg11[%get3A_365, %get3A_366] {strides = array<i32>} : memref<50x125xi32, #tpu.memory_space<vmem>>, vector<16xi32>,
    tpu.vector_store_idx %arg12[%get3A_367], %broadcast_in_dim3A_2 {add = true} : memref<64xf32, #tpu.memory_space<vmem>>[vector<16xi32>], vector<16xf32>,
    %get3A_368 = arith.constant 7 : i32
    %get3A_369 = arith.index_cast %get3A_368 : i32 to index
    %get3A_370 = arith.constant 80 : index
    %get3A_371 = tpu.vector_load %arg11[%get3A_369, %get3A_370] {strides = array<i32>} : memref<50x125xi32, #tpu.memory_space<vmem>>, vector<16xi32>,
    tpu.vector_store_idx %arg12[%get3A_371], %broadcast_in_dim3A_2 {add = true} : memref<64xf32, #tpu.memory_space<vmem>>[vector<16xi32>], vector<16xf32>,
    %get3A_372 = arith.constant 7 : i32
    %get3A_373 = arith.index_cast %get3A_372 : i32 to index
    %get3A_374 = arith.constant 96 : index
    %get3A_375 = tpu.vector_load %arg11[%get3A_373, %get3A_374] {strides = array<i32>} : memref<50x125xi32, #tpu.memory_space<vmem>>, vector<16xi32>,
    tpu.vector_store_idx %arg12[%get3A_375], %broadcast_in_dim3A_2 {add = true} : memref<64xf32, #tpu.memory_space<vmem>>[vector<16xi32>], vector<16xf32>,
    %get3A_376 = arith.constant 7 : i32
    %get3A_377 = arith.index_cast %get3A_376 : i32 to index
    %get3A_378 = arith.constant 109 : index
    %get3A_379 = tpu.vector_load %arg11[%get3A_377, %get3A_378] {strides = array<i32>} : memref<50x125xi32, #tpu.memory_space<vmem>>, vector<16xi32>,
    tpu.vector_store_idx %arg12[%get3A_379], %broadcast_in_dim3A_2 masked %ge3A_124 {add = true} : memref<64xf32, #tpu.memory_space<vmem>>[vector<16xi32>], vector<16xf32>, vector<16xi1>
    %get3A_380 = arith.constant 8 : i32
    %get3A_381 = arith.index_cast %get3A_380 : i32 to index
    %get3A_382 = arith.constant 0 : index
    %get3A_383 = tpu.vector_load %arg11[%get3A_381, %get3A_382] {strides = array<i32>} : memref<50x125xi32, #tpu.memory_space<vmem>>, vector<16xi32>,
    tpu.vector_store_idx %arg12[%get3A_383], %broadcast_in_dim3A_2 {add = true} : memref<64xf32, #tpu.memory_space<vmem>>[vector<16xi32>], vector<16xf32>,
    %get3A_384 = arith.constant 8 : i32
    %get3A_385 = arith.index_cast %get3A_384 : i32 to index
    %get3A_386 = arith.constant 16 : index
    %get3A_387 = tpu.vector_load %arg11[%get3A_385, %get3A_386] {strides = array<i32>} : memref<50x125xi32, #tpu.memory_space<vmem>>, vector<16xi32>,
    tpu.vector_store_idx %arg12[%get3A_387], %broadcast_in_dim3A_2 {add = true} : memref<64xf32, #tpu.memory_space<vmem>>[vector<16xi32>], vector<16xf32>,
    %get3A_388 = arith.constant 8 : i32
    %get3A_389 = arith.index_cast %get3A_388 : i32 to index
    %get3A_390 = arith.constant 32 : index
    %get3A_391 = tpu.vector_load %arg11[%get3A_389, %get3A_390] {strides = array<i32>} : memref<50x125xi32, #tpu.memory_space<vmem>>, vector<16xi32>,
    tpu.vector_store_idx %arg12[%get3A_391], %broadcast_in_dim3A_2 {add = true} : memref<64xf32, #tpu.memory_space<vmem>>[vector<16xi32>], vector<16xf32>,
    %get3A_392 = arith.constant 8 : i32
    %get3A_393 = arith.index_cast %get3A_392 : i32 to index
    %get3A_394 = arith.constant 48 : index
    %get3A_395 = tpu.vector_load %arg11[%get3A_393, %get3A_394] {strides = array<i32>} : memref<50x125xi32, #tpu.memory_space<vmem>>, vector<16xi32>,
    tpu.vector_store_idx %arg12[%get3A_395], %broadcast_in_dim3A_2 {add = true} : memref<64xf32, #tpu.memory_space<vmem>>[vector<16xi32>], vector<16xf32>,
    %get3A_396 = arith.constant 8 : i32
    %get3A_397 = arith.index_cast %get3A_396 : i32 to index
    %get3A_398 = arith.constant 64 : index
    %get3A_399 = tpu.vector_load %arg11[%get3A_397, %get3A_398] {strides = array<i32>} : memref<50x125xi32, #tpu.memory_space<vmem>>, vector<16xi32>,
    tpu.vector_store_idx %arg12[%get3A_399], %broadcast_in_dim3A_2 {add = true} : memref<64xf32, #tpu.memory_space<vmem>>[vector<16xi32>], vector<16xf32>,
    %get3A_400 = arith.constant 8 : i32
    %get3A_401 = arith.index_cast %get3A_400 : i32 to index
    %get3A_402 = arith.constant 80 : index
    %get3A_403 = tpu.vector_load %arg11[%get3A_401, %get3A_402] {strides = array<i32>} : memref<50x125xi32, #tpu.memory_space<vmem>>, vector<16xi32>,
    tpu.vector_store_idx %arg12[%get3A_403], %broadcast_in_dim3A_2 {add = true} : memref<64xf32, #tpu.memory_space<vmem>>[vector<16xi32>], vector<16xf32>,
    %get3A_404 = arith.constant 8 : i32
    %get3A_405 = arith.index_cast %get3A_404 : i32 to index
    %get3A_406 = arith.constant 96 : index
    %get3A_407 = tpu.vector_load %arg11[%get3A_405, %get3A_406] {strides = array<i32>} : memref<50x125xi32, #tpu.memory_space<vmem>>, vector<16xi32>,
    tpu.vector_store_idx %arg12[%get3A_407], %broadcast_in_dim3A_2 {add = true} : memref<64xf32, #tpu.memory_space<vmem>>[vector<16xi32>], vector<16xf32>,
    %get3A_408 = arith.constant 8 : i32
    %get3A_409 = arith.index_cast %get3A_408 : i32 to index
    %get3A_410 = arith.constant 109 : index
    %get3A_411 = tpu.vector_load %arg11[%get3A_409, %get3A_410] {strides = array<i32>} : memref<50x125xi32, #tpu.memory_space<vmem>>, vector<16xi32>,
    tpu.vector_store_idx %arg12[%get3A_411], %broadcast_in_dim3A_2 masked %ge3A_124 {add = true} : memref<64xf32, #tpu.memory_space<vmem>>[vector<16xi32>], vector<16xf32>, vector<16xi1>
    %get3A_412 = arith.constant 9 : i32
    %get3A_413 = arith.index_cast %get3A_412 : i32 to index
    %get3A_414 = arith.constant 0 : index
    %get3A_415 = tpu.vector_load %arg11[%get3A_413, %get3A_414] {strides = array<i32>} : memref<50x125xi32, #tpu.memory_space<vmem>>, vector<16xi32>,
    tpu.vector_store_idx %arg12[%get3A_415], %broadcast_in_dim3A_2 {add = true} : memref<64xf32, #tpu.memory_space<vmem>>[vector<16xi32>], vector<16xf32>,
    %get3A_416 = arith.constant 9 : i32
    %get3A_417 = arith.index_cast %get3A_416 : i32 to index
    %get3A_418 = arith.constant 16 : index
    %get3A_419 = tpu.vector_load %arg11[%get3A_417, %get3A_418] {strides = array<i32>} : memref<50x125xi32, #tpu.memory_space<vmem>>, vector<16xi32>,
    tpu.vector_store_idx %arg12[%get3A_419], %broadcast_in_dim3A_2 {add = true} : memref<64xf32, #tpu.memory_space<vmem>>[vector<16xi32>], vector<16xf32>,
    %get3A_420 = arith.constant 9 : i32
    %get3A_421 = arith.index_cast %get3A_420 : i32 to index
    %get3A_422 = arith.constant 32 : index
    %get3A_423 = tpu.vector_load %arg11[%get3A_421, %get3A_422] {strides = array<i32>} : memref<50x125xi32, #tpu.memory_space<vmem>>, vector<16xi32>,
    tpu.vector_store_idx %arg12[%get3A_423], %broadcast_in_dim3A_2 {add = true} : memref<64xf32, #tpu.memory_space<vmem>>[vector<16xi32>], vector<16xf32>,
    %get3A_424 = arith.constant 9 : i32
    %get3A_425 = arith.index_cast %get3A_424 : i32 to index
    %get3A_426 = arith.constant 48 : index
    %get3A_427 = tpu.vector_load %arg11[%get3A_425, %get3A_426] {strides = array<i32>} : memref<50x125xi32, #tpu.memory_space<vmem>>, vector<16xi32>,
    tpu.vector_store_idx %arg12[%get3A_427], %broadcast_in_dim3A_2 {add = true} : memref<64xf32, #tpu.memory_space<vmem>>[vector<16xi32>], vector<16xf32>,
    %get3A_428 = arith.constant 9 : i32
    %get3A_429 = arith.index_cast %get3A_428 : i32 to index
    %get3A_430 = arith.constant 64 : index
    %get3A_431 = tpu.vector_load %arg11[%get3A_429, %get3A_430] {strides = array<i32>} : memref<50x125xi32, #tpu.memory_space<vmem>>, vector<16xi32>,
    tpu.vector_store_idx %arg12[%get3A_431], %broadcast_in_dim3A_2 {add = true} : memref<64xf32, #tpu.memory_space<vmem>>[vector<16xi32>], vector<16xf32>,
    %get3A_432 = arith.constant 9 : i32
    %get3A_433 = arith.index_cast %get3A_432 : i32 to index
    %get3A_434 = arith.constant 80 : index
    %get3A_435 = tpu.vector_load %arg11[%get3A_433, %get3A_434] {strides = array<i32>} : memref<50x125xi32, #tpu.memory_space<vmem>>, vector<16xi32>,
    tpu.vector_store_idx %arg12[%get3A_435], %broadcast_in_dim3A_2 {add = true} : memref<64xf32, #tpu.memory_space<vmem>>[vector<16xi32>], vector<16xf32>,
    %get3A_436 = arith.constant 9 : i32
    %get3A_437 = arith.index_cast %get3A_436 : i32 to index
    %get3A_438 = arith.constant 96 : index
    %get3A_439 = tpu.vector_load %arg11[%get3A_437, %get3A_438] {strides = array<i32>} : memref<50x125xi32, #tpu.memory_space<vmem>>, vector<16xi32>,
    tpu.vector_store_idx %arg12[%get3A_439], %broadcast_in_dim3A_2 {add = true} : memref<64xf32, #tpu.memory_space<vmem>>[vector<16xi32>], vector<16xf32>,
    %get3A_440 = arith.constant 9 : i32
    %get3A_441 = arith.index_cast %get3A_440 : i32 to index
    %get3A_442 = arith.constant 109 : index
    %get3A_443 = tpu.vector_load %arg11[%get3A_441, %get3A_442] {strides = array<i32>} : memref<50x125xi32, #tpu.memory_space<vmem>>, vector<16xi32>,
    tpu.vector_store_idx %arg12[%get3A_443], %broadcast_in_dim3A_2 masked %ge3A_124 {add = true} : memref<64xf32, #tpu.memory_space<vmem>>[vector<16xi32>], vector<16xf32>, vector<16xi1>
    %get3A_444 = arith.constant 10 : i32
    %get3A_445 = arith.index_cast %get3A_444 : i32 to index
    %get3A_446 = arith.constant 0 : index
    %get3A_447 = tpu.vector_load %arg11[%get3A_445, %get3A_446] {strides = array<i32>} : memref<50x125xi32, #tpu.memory_space<vmem>>, vector<16xi32>,
    tpu.vector_store_idx %arg12[%get3A_447], %broadcast_in_dim3A_2 {add = true} : memref<64xf32, #tpu.memory_space<vmem>>[vector<16xi32>], vector<16xf32>,
    %get3A_448 = arith.constant 10 : i32
    %get3A_449 = arith.index_cast %get3A_448 : i32 to index
    %get3A_450 = arith.constant 16 : index
    %get3A_451 = tpu.vector_load %arg11[%get3A_449, %get3A_450] {strides = array<i32>} : memref<50x125xi32, #tpu.memory_space<vmem>>, vector<16xi32>,
    tpu.vector_store_idx %arg12[%get3A_451], %broadcast_in_dim3A_2 {add = true} : memref<64xf32, #tpu.memory_space<vmem>>[vector<16xi32>], vector<16xf32>,
    %get3A_452 = arith.constant 10 : i32
    %get3A_453 = arith.index_cast %get3A_452 : i32 to index
    %get3A_454 = arith.constant 32 : index
    %get3A_455 = tpu.vector_load %arg11[%get3A_453, %get3A_454] {strides = array<i32>} : memref<50x125xi32, #tpu.memory_space<vmem>>, vector<16xi32>,
    tpu.vector_store_idx %arg12[%get3A_455], %broadcast_in_dim3A_2 {add = true} : memref<64xf32, #tpu.memory_space<vmem>>[vector<16xi32>], vector<16xf32>,
    %get3A_456 = arith.constant 10 : i32
    %get3A_457 = arith.index_cast %get3A_456 : i32 to index
    %get3A_458 = arith.constant 48 : index
    %get3A_459 = tpu.vector_load %arg11[%get3A_457, %get3A_458] {strides = array<i32>} : memref<50x125xi32, #tpu.memory_space<vmem>>, vector<16xi32>,
    tpu.vector_store_idx %arg12[%get3A_459], %broadcast_in_dim3A_2 {add = true} : memref<64xf32, #tpu.memory_space<vmem>>[vector<16xi32>], vector<16xf32>,
    %get3A_460 = arith.constant 10 : i32
    %get3A_461 = arith.index_cast %get3A_460 : i32 to index
    %get3A_462 = arith.constant 64 : index
    %get3A_463 = tpu.vector_load %arg11[%get3A_461, %get3A_462] {strides = array<i32>} : memref<50x125xi32, #tpu.memory_space<vmem>>, vector<16xi32>,
    tpu.vector_store_idx %arg12[%get3A_463], %broadcast_in_dim3A_2 {add = true} : memref<64xf32, #tpu.memory_space<vmem>>[vector<16xi32>], vector<16xf32>,
    %get3A_464 = arith.constant 10 : i32
    %get3A_465 = arith.index_cast %get3A_464 : i32 to index
    %get3A_466 = arith.constant 80 : index
    %get3A_467 = tpu.vector_load %arg11[%get3A_465, %get3A_466] {strides = array<i32>} : memref<50x125xi32, #tpu.memory_space<vmem>>, vector<16xi32>,
    tpu.vector_store_idx %arg12[%get3A_467], %broadcast_in_dim3A_2 {add = true} : memref<64xf32, #tpu.memory_space<vmem>>[vector<16xi32>], vector<16xf32>,
    %get3A_468 = arith.constant 10 : i32
    %get3A_469 = arith.index_cast %get3A_468 : i32 to index
    %get3A_470 = arith.constant 96 : index
    %get3A_471 = tpu.vector_load %arg11[%get3A_469, %get3A_470] {strides = array<i32>} : memref<50x125xi32, #tpu.memory_space<vmem>>, vector<16xi32>,
    tpu.vector_store_idx %arg12[%get3A_471], %broadcast_in_dim3A_2 {add = true} : memref<64xf32, #tpu.memory_space<vmem>>[vector<16xi32>], vector<16xf32>,
    %get3A_472 = arith.constant 10 : i32
    %get3A_473 = arith.index_cast %get3A_472 : i32 to index
    %get3A_474 = arith.constant 109 : index
    %get3A_475 = tpu.vector_load %arg11[%get3A_473, %get3A_474] {strides = array<i32>} : memref<50x125xi32, #tpu.memory_space<vmem>>, vector<16xi32>,
    tpu.vector_store_idx %arg12[%get3A_475], %broadcast_in_dim3A_2 masked %ge3A_124 {add = true} : memref<64xf32, #tpu.memory_space<vmem>>[vector<16xi32>], vector<16xf32>, vector<16xi1>
    %get3A_476 = arith.constant 11 : i32
    %get3A_477 = arith.index_cast %get3A_476 : i32 to index
    %get3A_478 = arith.constant 0 : index
    %get3A_479 = tpu.vector_load %arg11[%get3A_477, %get3A_478] {strides = array<i32>} : memref<50x125xi32, #tpu.memory_space<vmem>>, vector<16xi32>,
    tpu.vector_store_idx %arg12[%get3A_479], %broadcast_in_dim3A_2 {add = true} : memref<64xf32, #tpu.memory_space<vmem>>[vector<16xi32>], vector<16xf32>,
    %get3A_480 = arith.constant 11 : i32
    %get3A_481 = arith.index_cast %get3A_480 : i32 to index
    %get3A_482 = arith.constant 16 : index
    %get3A_483 = tpu.vector_load %arg11[%get3A_481, %get3A_482] {strides = array<i32>} : memref<50x125xi32, #tpu.memory_space<vmem>>, vector<16xi32>,
    tpu.vector_store_idx %arg12[%get3A_483], %broadcast_in_dim3A_2 {add = true} : memref<64xf32, #tpu.memory_space<vmem>>[vector<16xi32>], vector<16xf32>,
    %get3A_484 = arith.constant 11 : i32
    %get3A_485 = arith.index_cast %get3A_484 : i32 to index
    %get3A_486 = arith.constant 32 : index
    %get3A_487 = tpu.vector_load %arg11[%get3A_485, %get3A_486] {strides = array<i32>} : memref<50x125xi32, #tpu.memory_space<vmem>>, vector<16xi32>,
    tpu.vector_store_idx %arg12[%get3A_487], %broadcast_in_dim3A_2 {add = true} : memref<64xf32, #tpu.memory_space<vmem>>[vector<16xi32>], vector<16xf32>,
    %get3A_488 = arith.constant 11 : i32
    %get3A_489 = arith.index_cast %get3A_488 : i32 to index
    %get3A_490 = arith.constant 48 : index
    %get3A_491 = tpu.vector_load %arg11[%get3A_489, %get3A_490] {strides = array<i32>} : memref<50x125xi32, #tpu.memory_space<vmem>>, vector<16xi32>,
    tpu.vector_store_idx %arg12[%get3A_491], %broadcast_in_dim3A_2 {add = true} : memref<64xf32, #tpu.memory_space<vmem>>[vector<16xi32>], vector<16xf32>,
    %get3A_492 = arith.constant 11 : i32
    %get3A_493 = arith.index_cast %get3A_492 : i32 to index
    %get3A_494 = arith.constant 64 : index
    %get3A_495 = tpu.vector_load %arg11[%get3A_493, %get3A_494] {strides = array<i32>} : memref<50x125xi32, #tpu.memory_space<vmem>>, vector<16xi32>,
    tpu.vector_store_idx %arg12[%get3A_495], %broadcast_in_dim3A_2 {add = true} : memref<64xf32, #tpu.memory_space<vmem>>[vector<16xi32>], vector<16xf32>,
    %get3A_496 = arith.constant 11 : i32
    %get3A_497 = arith.index_cast %get3A_496 : i32 to index
    %get3A_498 = arith.constant 80 : index
    %get3A_499 = tpu.vector_load %arg11[%get3A_497, %get3A_498] {strides = array<i32>} : memref<50x125xi32, #tpu.memory_space<vmem>>, vector<16xi32>,
    tpu.vector_store_idx %arg12[%get3A_499], %broadcast_in_dim3A_2 {add = true} : memref<64xf32, #tpu.memory_space<vmem>>[vector<16xi32>], vector<16xf32>,
    %get3A_500 = arith.constant 11 : i32
    %get3A_501 = arith.index_cast %get3A_500 : i32 to index
    %get3A_502 = arith.constant 96 : index
    %get3A_503 = tpu.vector_load %arg11[%get3A_501, %get3A_502] {strides = array<i32>} : memref<50x125xi32, #tpu.memory_space<vmem>>, vector<16xi32>,
    tpu.vector_store_idx %arg12[%get3A_503], %broadcast_in_dim3A_2 {add = true} : memref<64xf32, #tpu.memory_space<vmem>>[vector<16xi32>], vector<16xf32>,
    %get3A_504 = arith.constant 11 : i32
    %get3A_505 = arith.index_cast %get3A_504 : i32 to index
    %get3A_506 = arith.constant 109 : index
    %get3A_507 = tpu.vector_load %arg11[%get3A_505, %get3A_506] {strides = array<i32>} : memref<50x125xi32, #tpu.memory_space<vmem>>, vector<16xi32>,
    tpu.vector_store_idx %arg12[%get3A_507], %broadcast_in_dim3A_2 masked %ge3A_124 {add = true} : memref<64xf32, #tpu.memory_space<vmem>>[vector<16xi32>], vector<16xf32>, vector<16xi1>
    %get3A_508 = arith.constant 12 : i32
    %get3A_509 = arith.index_cast %get3A_508 : i32 to index
    %get3A_510 = arith.constant 0 : index
    %get3A_511 = tpu.vector_load %arg11[%get3A_509, %get3A_510] {strides = array<i32>} : memref<50x125xi32, #tpu.memory_space<vmem>>, vector<16xi32>,
    tpu.vector_store_idx %arg12[%get3A_511], %broadcast_in_dim3A_2 {add = true} : memref<64xf32, #tpu.memory_space<vmem>>[vector<16xi32>], vector<16xf32>,
    %get3A_512 = arith.constant 12 : i32
    %get3A_513 = arith.index_cast %get3A_512 : i32 to index
    %get3A_514 = arith.constant 16 : index
    %get3A_515 = tpu.vector_load %arg11[%get3A_513, %get3A_514] {strides = array<i32>} : memref<50x125xi32, #tpu.memory_space<vmem>>, vector<16xi32>,
    tpu.vector_store_idx %arg12[%get3A_515], %broadcast_in_dim3A_2 {add = true} : memref<64xf32, #tpu.memory_space<vmem>>[vector<16xi32>], vector<16xf32>,
    %get3A_516 = arith.constant 12 : i32
    %get3A_517 = arith.index_cast %get3A_516 : i32 to index
    %get3A_518 = arith.constant 32 : index
    %get3A_519 = tpu.vector_load %arg11[%get3A_517, %get3A_518] {strides = array<i32>} : memref<50x125xi32, #tpu.memory_space<vmem>>, vector<16xi32>,
    tpu.vector_store_idx %arg12[%get3A_519], %broadcast_in_dim3A_2 {add = true} : memref<64xf32, #tpu.memory_space<vmem>>[vector<16xi32>], vector<16xf32>,
    %get3A_520 = arith.constant 12 : i32
    %get3A_521 = arith.index_cast %get3A_520 : i32 to index
    %get3A_522 = arith.constant 48 : index
    %get3A_523 = tpu.vector_load %arg11[%get3A_521, %get3A_522] {strides = array<i32>} : memref<50x125xi32, #tpu.memory_space<vmem>>, vector<16xi32>,
    tpu.vector_store_idx %arg12[%get3A_523], %broadcast_in_dim3A_2 {add = true} : memref<64xf32, #tpu.memory_space<vmem>>[vector<16xi32>], vector<16xf32>,
    %get3A_524 = arith.constant 12 : i32
    %get3A_525 = arith.index_cast %get3A_524 : i32 to index
    %get3A_526 = arith.constant 64 : index
    %get3A_527 = tpu.vector_load %arg11[%get3A_525, %get3A_526] {strides = array<i32>} : memref<50x125xi32, #tpu.memory_space<vmem>>, vector<16xi32>,
    tpu.vector_store_idx %arg12[%get3A_527], %broadcast_in_dim3A_2 {add = true} : memref<64xf32, #tpu.memory_space<vmem>>[vector<16xi32>], vector<16xf32>,
    %get3A_528 = arith.constant 12 : i32
    %get3A_529 = arith.index_cast %get3A_528 : i32 to index
    %get3A_530 = arith.constant 80 : index
    %get3A_531 = tpu.vector_load %arg11[%get3A_529, %get3A_530] {strides = array<i32>} : memref<50x125xi32, #tpu.memory_space<vmem>>, vector<16xi32>,
    tpu.vector_store_idx %arg12[%get3A_531], %broadcast_in_dim3A_2 {add = true} : memref<64xf32, #tpu.memory_space<vmem>>[vector<16xi32>], vector<16xf32>,
    %get3A_532 = arith.constant 12 : i32
    %get3A_533 = arith.index_cast %get3A_532 : i32 to index
    %get3A_534 = arith.constant 96 : index
    %get3A_535 = tpu.vector_load %arg11[%get3A_533, %get3A_534] {strides = array<i32>} : memref<50x125xi32, #tpu.memory_space<vmem>>, vector<16xi32>,
    tpu.vector_store_idx %arg12[%get3A_535], %broadcast_in_dim3A_2 {add = true} : memref<64xf32, #tpu.memory_space<vmem>>[vector<16xi32>], vector<16xf32>,
    %get3A_536 = arith.constant 12 : i32
    %get3A_537 = arith.index_cast %get3A_536 : i32 to index
    %get3A_538 = arith.constant 109 : index
    %get3A_539 = tpu.vector_load %arg11[%get3A_537, %get3A_538] {strides = array<i32>} : memref<50x125xi32, #tpu.memory_space<vmem>>, vector<16xi32>,
    tpu.vector_store_idx %arg12[%get3A_539], %broadcast_in_dim3A_2 masked %ge3A_124 {add = true} : memref<64xf32, #tpu.memory_space<vmem>>[vector<16xi32>], vector<16xf32>, vector<16xi1>
    %get3A_540 = arith.constant 13 : i32
    %get3A_541 = arith.index_cast %get3A_540 : i32 to index
    %get3A_542 = arith.constant 0 : index
    %get3A_543 = tpu.vector_load %arg11[%get3A_541, %get3A_542] {strides = array<i32>} : memref<50x125xi32, #tpu.memory_space<vmem>>, vector<16xi32>,
    tpu.vector_store_idx %arg12[%get3A_543], %broadcast_in_dim3A_2 {add = true} : memref<64xf32, #tpu.memory_space<vmem>>[vector<16xi32>], vector<16xf32>,
    %get3A_544 = arith.constant 13 : i32
    %get3A_545 = arith.index_cast %get3A_544 : i32 to index
    %get3A_546 = arith.constant 16 : index
    %get3A_547 = tpu.vector_load %arg11[%get3A_545, %get3A_546] {strides = array<i32>} : memref<50x125xi32, #tpu.memory_space<vmem>>, vector<16xi32>,
    tpu.vector_store_idx %arg12[%get3A_547], %broadcast_in_dim3A_2 {add = true} : memref<64xf32, #tpu.memory_space<vmem>>[vector<16xi32>], vector<16xf32>,
    %get3A_548 = arith.constant 13 : i32
    %get3A_549 = arith.index_cast %get3A_548 : i32 to index
    %get3A_550 = arith.constant 32 : index
    %get3A_551 = tpu.vector_load %arg11[%get3A_549, %get3A_550] {strides = array<i32>} : memref<50x125xi32, #tpu.memory_space<vmem>>, vector<16xi32>,
    tpu.vector_store_idx %arg12[%get3A_551], %broadcast_in_dim3A_2 {add = true} : memref<64xf32, #tpu.memory_space<vmem>>[vector<16xi32>], vector<16xf32>,
    %get3A_552 = arith.constant 13 : i32
    %get3A_553 = arith.index_cast %get3A_552 : i32 to index
    %get3A_554 = arith.constant 48 : index
    %get3A_555 = tpu.vector_load %arg11[%get3A_553, %get3A_554] {strides = array<i32>} : memref<50x125xi32, #tpu.memory_space<vmem>>, vector<16xi32>,
    tpu.vector_store_idx %arg12[%get3A_555], %broadcast_in_dim3A_2 {add = true} : memref<64xf32, #tpu.memory_space<vmem>>[vector<16xi32>], vector<16xf32>,
    %get3A_556 = arith.constant 13 : i32
    %get3A_557 = arith.index_cast %get3A_556 : i32 to index
    %get3A_558 = arith.constant 64 : index
    %get3A_559 = tpu.vector_load %arg11[%get3A_557, %get3A_558] {strides = array<i32>} : memref<50x125xi32, #tpu.memory_space<vmem>>, vector<16xi32>,
    tpu.vector_store_idx %arg12[%get3A_559], %broadcast_in_dim3A_2 {add = true} : memref<64xf32, #tpu.memory_space<vmem>>[vector<16xi32>], vector<16xf32>,
    %get3A_560 = arith.constant 13 : i32
    %get3A_561 = arith.index_cast %get3A_560 : i32 to index
    %get3A_562 = arith.constant 80 : index
    %get3A_563 = tpu.vector_load %arg11[%get3A_561, %get3A_562] {strides = array<i32>} : memref<50x125xi32, #tpu.memory_space<vmem>>, vector<16xi32>,
    tpu.vector_store_idx %arg12[%get3A_563], %broadcast_in_dim3A_2 {add = true} : memref<64xf32, #tpu.memory_space<vmem>>[vector<16xi32>], vector<16xf32>,
    %get3A_564 = arith.constant 13 : i32
    %get3A_565 = arith.index_cast %get3A_564 : i32 to index
    %get3A_566 = arith.constant 96 : index
    %get3A_567 = tpu.vector_load %arg11[%get3A_565, %get3A_566] {strides = array<i32>} : memref<50x125xi32, #tpu.memory_space<vmem>>, vector<16xi32>,
    tpu.vector_store_idx %arg12[%get3A_567], %broadcast_in_dim3A_2 {add = true} : memref<64xf32, #tpu.memory_space<vmem>>[vector<16xi32>], vector<16xf32>,
    %get3A_568 = arith.constant 13 : i32
    %get3A_569 = arith.index_cast %get3A_568 : i32 to index
    %get3A_570 = arith.constant 109 : index
    %get3A_571 = tpu.vector_load %arg11[%get3A_569, %get3A_570] {strides = array<i32>} : memref<50x125xi32, #tpu.memory_space<vmem>>, vector<16xi32>,
    tpu.vector_store_idx %arg12[%get3A_571], %broadcast_in_dim3A_2 masked %ge3A_124 {add = true} : memref<64xf32, #tpu.memory_space<vmem>>[vector<16xi32>], vector<16xf32>, vector<16xi1>
    %get3A_572 = arith.constant 14 : i32
    %get3A_573 = arith.index_cast %get3A_572 : i32 to index
    %get3A_574 = arith.constant 0 : index
    %get3A_575 = tpu.vector_load %arg11[%get3A_573, %get3A_574] {strides = array<i32>} : memref<50x125xi32, #tpu.memory_space<vmem>>, vector<16xi32>,
    tpu.vector_store_idx %arg12[%get3A_575], %broadcast_in_dim3A_2 {add = true} : memref<64xf32, #tpu.memory_space<vmem>>[vector<16xi32>], vector<16xf32>,
    %get3A_576 = arith.constant 14 : i32
    %get3A_577 = arith.index_cast %get3A_576 : i32 to index
    %get3A_578 = arith.constant 16 : index
    %get3A_579 = tpu.vector_load %arg11[%get3A_577, %get3A_578] {strides = array<i32>} : memref<50x125xi32, #tpu.memory_space<vmem>>, vector<16xi32>,
    tpu.vector_store_idx %arg12[%get3A_579], %broadcast_in_dim3A_2 {add = true} : memref<64xf32, #tpu.memory_space<vmem>>[vector<16xi32>], vector<16xf32>,
    %get3A_580 = arith.constant 14 : i32
    %get3A_581 = arith.index_cast %get3A_580 : i32 to index
    %get3A_582 = arith.constant 32 : index
    %get3A_583 = tpu.vector_load %arg11[%get3A_581, %get3A_582] {strides = array<i32>} : memref<50x125xi32, #tpu.memory_space<vmem>>, vector<16xi32>,
    tpu.vector_store_idx %arg12[%get3A_583], %broadcast_in_dim3A_2 {add = true} : memref<64xf32, #tpu.memory_space<vmem>>[vector<16xi32>], vector<16xf32>,
    %get3A_584 = arith.constant 14 : i32
    %get3A_585 = arith.index_cast %get3A_584 : i32 to index
    %get3A_586 = arith.constant 48 : index
    %get3A_587 = tpu.vector_load %arg11[%get3A_585, %get3A_586] {strides = array<i32>} : memref<50x125xi32, #tpu.memory_space<vmem>>, vector<16xi32>,
    tpu.vector_store_idx %arg12[%get3A_587], %broadcast_in_dim3A_2 {add = true} : memref<64xf32, #tpu.memory_space<vmem>>[vector<16xi32>], vector<16xf32>,
    %get3A_588 = arith.constant 14 : i32
    %get3A_589 = arith.index_cast %get3A_588 : i32 to index
    %get3A_590 = arith.constant 64 : index
    %get3A_591 = tpu.vector_load %arg11[%get3A_589, %get3A_590] {strides = array<i32>} : memref<50x125xi32, #tpu.memory_space<vmem>>, vector<16xi32>,
    tpu.vector_store_idx %arg12[%get3A_591], %broadcast_in_dim3A_2 {add = true} : memref<64xf32, #tpu.memory_space<vmem>>[vector<16xi32>], vector<16xf32>,
    %get3A_592 = arith.constant 14 : i32
    %get3A_593 = arith.index_cast %get3A_592 : i32 to index
    %get3A_594 = arith.constant 80 : index
    %get3A_595 = tpu.vector_load %arg11[%get3A_593, %get3A_594] {strides = array<i32>} : memref<50x125xi32, #tpu.memory_space<vmem>>, vector<16xi32>,
    tpu.vector_store_idx %arg12[%get3A_595], %broadcast_in_dim3A_2 {add = true} : memref<64xf32, #tpu.memory_space<vmem>>[vector<16xi32>], vector<16xf32>,
    %get3A_596 = arith.constant 14 : i32
    %get3A_597 = arith.index_cast %get3A_596 : i32 to index
    %get3A_598 = arith.constant 96 : index
    %get3A_599 = tpu.vector_load %arg11[%get3A_597, %get3A_598] {strides = array<i32>} : memref<50x125xi32, #tpu.memory_space<vmem>>, vector<16xi32>,
    tpu.vector_store_idx %arg12[%get3A_599], %broadcast_in_dim3A_2 {add = true} : memref<64xf32, #tpu.memory_space<vmem>>[vector<16xi32>], vector<16xf32>,
    %get3A_600 = arith.constant 14 : i32
    %get3A_601 = arith.index_cast %get3A_600 : i32 to index
    %get3A_602 = arith.constant 109 : index
    %get3A_603 = tpu.vector_load %arg11[%get3A_601, %get3A_602] {strides = array<i32>} : memref<50x125xi32, #tpu.memory_space<vmem>>, vector<16xi32>,
    tpu.vector_store_idx %arg12[%get3A_603], %broadcast_in_dim3A_2 masked %ge3A_124 {add = true} : memref<64xf32, #tpu.memory_space<vmem>>[vector<16xi32>], vector<16xf32>, vector<16xi1>
    %get3A_604 = arith.constant 15 : i32
    %get3A_605 = arith.index_cast %get3A_604 : i32 to index
    %get3A_606 = arith.constant 0 : index
    %get3A_607 = tpu.vector_load %arg11[%get3A_605, %get3A_606] {strides = array<i32>} : memref<50x125xi32, #tpu.memory_space<vmem>>, vector<16xi32>,
    tpu.vector_store_idx %arg12[%get3A_607], %broadcast_in_dim3A_2 {add = true} : memref<64xf32, #tpu.memory_space<vmem>>[vector<16xi32>], vector<16xf32>,
    %get3A_608 = arith.constant 15 : i32
    %get3A_609 = arith.index_cast %get3A_608 : i32 to index
    %get3A_610 = arith.constant 16 : index
    %get3A_611 = tpu.vector_load %arg11[%get3A_609, %get3A_610] {strides = array<i32>} : memref<50x125xi32, #tpu.memory_space<vmem>>, vector<16xi32>,
    tpu.vector_store_idx %arg12[%get3A_611], %broadcast_in_dim3A_2 {add = true} : memref<64xf32, #tpu.memory_space<vmem>>[vector<16xi32>], vector<16xf32>,
    %get3A_612 = arith.constant 15 : i32
    %get3A_613 = arith.index_cast %get3A_612 : i32 to index
    %get3A_614 = arith.constant 32 : index
    %get3A_615 = tpu.vector_load %arg11[%get3A_613, %get3A_614] {strides = array<i32>} : memref<50x125xi32, #tpu.memory_space<vmem>>, vector<16xi32>,
    tpu.vector_store_idx %arg12[%get3A_615], %broadcast_in_dim3A_2 {add = true} : memref<64xf32, #tpu.memory_space<vmem>>[vector<16xi32>], vector<16xf32>,
    %get3A_616 = arith.constant 15 : i32
    %get3A_617 = arith.index_cast %get3A_616 : i32 to index
    %get3A_618 = arith.constant 48 : index
    %get3A_619 = tpu.vector_load %arg11[%get3A_617, %get3A_618] {strides = array<i32>} : memref<50x125xi32, #tpu.memory_space<vmem>>, vector<16xi32>,
    tpu.vector_store_idx %arg12[%get3A_619], %broadcast_in_dim3A_2 {add = true} : memref<64xf32, #tpu.memory_space<vmem>>[vector<16xi32>], vector<16xf32>,
    %get3A_620 = arith.constant 15 : i32
    %get3A_621 = arith.index_cast %get3A_620 : i32 to index
    %get3A_622 = arith.constant 64 : index
    %get3A_623 = tpu.vector_load %arg11[%get3A_621, %get3A_622] {strides = array<i32>} : memref<50x125xi32, #tpu.memory_space<vmem>>, vector<16xi32>,
    tpu.vector_store_idx %arg12[%get3A_623], %broadcast_in_dim3A_2 {add = true} : memref<64xf32, #tpu.memory_space<vmem>>[vector<16xi32>], vector<16xf32>,
    %get3A_624 = arith.constant 15 : i32
    %get3A_625 = arith.index_cast %get3A_624 : i32 to index
    %get3A_626 = arith.constant 80 : index
    %get3A_627 = tpu.vector_load %arg11[%get3A_625, %get3A_626] {strides = array<i32>} : memref<50x125xi32, #tpu.memory_space<vmem>>, vector<16xi32>,
    tpu.vector_store_idx %arg12[%get3A_627], %broadcast_in_dim3A_2 {add = true} : memref<64xf32, #tpu.memory_space<vmem>>[vector<16xi32>], vector<16xf32>,
    %get3A_628 = arith.constant 15 : i32
    %get3A_629 = arith.index_cast %get3A_628 : i32 to index
    %get3A_630 = arith.constant 96 : index
    %get3A_631 = tpu.vector_load %arg11[%get3A_629, %get3A_630] {strides = array<i32>} : memref<50x125xi32, #tpu.memory_space<vmem>>, vector<16xi32>,
    tpu.vector_store_idx %arg12[%get3A_631], %broadcast_in_dim3A_2 {add = true} : memref<64xf32, #tpu.memory_space<vmem>>[vector<16xi32>], vector<16xf32>,
    %get3A_632 = arith.constant 15 : i32
    %get3A_633 = arith.index_cast %get3A_632 : i32 to index
    %get3A_634 = arith.constant 109 : index
    %get3A_635 = tpu.vector_load %arg11[%get3A_633, %get3A_634] {strides = array<i32>} : memref<50x125xi32, #tpu.memory_space<vmem>>, vector<16xi32>,
    tpu.vector_store_idx %arg12[%get3A_635], %broadcast_in_dim3A_2 masked %ge3A_124 {add = true} : memref<64xf32, #tpu.memory_space<vmem>>[vector<16xi32>], vector<16xf32>, vector<16xi1>
    %get3A_636 = arith.constant 16 : i32
    %get3A_637 = arith.index_cast %get3A_636 : i32 to index
    %get3A_638 = arith.constant 0 : index
    %get3A_639 = tpu.vector_load %arg11[%get3A_637, %get3A_638] {strides = array<i32>} : memref<50x125xi32, #tpu.memory_space<vmem>>, vector<16xi32>,
    tpu.vector_store_idx %arg12[%get3A_639], %broadcast_in_dim3A_2 {add = true} : memref<64xf32, #tpu.memory_space<vmem>>[vector<16xi32>], vector<16xf32>,
    %get3A_640 = arith.constant 16 : i32
    %get3A_641 = arith.index_cast %get3A_640 : i32 to index
    %get3A_642 = arith.constant 16 : index
    %get3A_643 = tpu.vector_load %arg11[%get3A_641, %get3A_642] {strides = array<i32>} : memref<50x125xi32, #tpu.memory_space<vmem>>, vector<16xi32>,
    tpu.vector_store_idx %arg12[%get3A_643], %broadcast_in_dim3A_2 {add = true} : memref<64xf32, #tpu.memory_space<vmem>>[vector<16xi32>], vector<16xf32>,
    %get3A_644 = arith.constant 16 : i32
    %get3A_645 = arith.index_cast %get3A_644 : i32 to index
    %get3A_646 = arith.constant 32 : index
    %get3A_647 = tpu.vector_load %arg11[%get3A_645, %get3A_646] {strides = array<i32>} : memref<50x125xi32, #tpu.memory_space<vmem>>, vector<16xi32>,
    tpu.vector_store_idx %arg12[%get3A_647], %broadcast_in_dim3A_2 {add = true} : memref<64xf32, #tpu.memory_space<vmem>>[vector<16xi32>], vector<16xf32>,
    %get3A_648 = arith.constant 16 : i32
    %get3A_649 = arith.index_cast %get3A_648 : i32 to index
    %get3A_650 = arith.constant 48 : index
    %get3A_651 = tpu.vector_load %arg11[%get3A_649, %get3A_650] {strides = array<i32>} : memref<50x125xi32, #tpu.memory_space<vmem>>, vector<16xi32>,
    tpu.vector_store_idx %arg12[%get3A_651], %broadcast_in_dim3A_2 {add = true} : memref<64xf32, #tpu.memory_space<vmem>>[vector<16xi32>], vector<16xf32>,
    %get3A_652 = arith.constant 16 : i32
    %get3A_653 = arith.index_cast %get3A_652 : i32 to index
    %get3A_654 = arith.constant 64 : index
    %get3A_655 = tpu.vector_load %arg11[%get3A_653, %get3A_654] {strides = array<i32>} : memref<50x125xi32, #tpu.memory_space<vmem>>, vector<16xi32>,
    tpu.vector_store_idx %arg12[%get3A_655], %broadcast_in_dim3A_2 {add = true} : memref<64xf32, #tpu.memory_space<vmem>>[vector<16xi32>], vector<16xf32>,
    %get3A_656 = arith.constant 16 : i32
    %get3A_657 = arith.index_cast %get3A_656 : i32 to index
    %get3A_658 = arith.constant 80 : index
    %get3A_659 = tpu.vector_load %arg11[%get3A_657, %get3A_658] {strides = array<i32>} : memref<50x125xi32, #tpu.memory_space<vmem>>, vector<16xi32>,
    tpu.vector_store_idx %arg12[%get3A_659], %broadcast_in_dim3A_2 {add = true} : memref<64xf32, #tpu.memory_space<vmem>>[vector<16xi32>], vector<16xf32>,
    %get3A_660 = arith.constant 16 : i32
    %get3A_661 = arith.index_cast %get3A_660 : i32 to index
    %get3A_662 = arith.constant 96 : index
    %get3A_663 = tpu.vector_load %arg11[%get3A_661, %get3A_662] {strides = array<i32>} : memref<50x125xi32, #tpu.memory_space<vmem>>, vector<16xi32>,
    tpu.vector_store_idx %arg12[%get3A_663], %broadcast_in_dim3A_2 {add = true} : memref<64xf32, #tpu.memory_space<vmem>>[vector<16xi32>], vector<16xf32>,
    %get3A_664 = arith.constant 16 : i32
    %get3A_665 = arith.index_cast %get3A_664 : i32 to index
    %get3A_666 = arith.constant 109 : index
    %get3A_667 = tpu.vector_load %arg11[%get3A_665, %get3A_666] {strides = array<i32>} : memref<50x125xi32, #tpu.memory_space<vmem>>, vector<16xi32>,
    tpu.vector_store_idx %arg12[%get3A_667], %broadcast_in_dim3A_2 masked %ge3A_124 {add = true} : memref<64xf32, #tpu.memory_space<vmem>>[vector<16xi32>], vector<16xf32>, vector<16xi1>
    %get3A_668 = arith.constant 17 : i32
    %get3A_669 = arith.index_cast %get3A_668 : i32 to index
    %get3A_670 = arith.constant 0 : index
    %get3A_671 = tpu.vector_load %arg11[%get3A_669, %get3A_670] {strides = array<i32>} : memref<50x125xi32, #tpu.memory_space<vmem>>, vector<16xi32>,
    tpu.vector_store_idx %arg12[%get3A_671], %broadcast_in_dim3A_2 {add = true} : memref<64xf32, #tpu.memory_space<vmem>>[vector<16xi32>], vector<16xf32>,
    %get3A_672 = arith.constant 17 : i32
    %get3A_673 = arith.index_cast %get3A_672 : i32 to index
    %get3A_674 = arith.constant 16 : index
    %get3A_675 = tpu.vector_load %arg11[%get3A_673, %get3A_674] {strides = array<i32>} : memref<50x125xi32, #tpu.memory_space<vmem>>, vector<16xi32>,
    tpu.vector_store_idx %arg12[%get3A_675], %broadcast_in_dim3A_2 {add = true} : memref<64xf32, #tpu.memory_space<vmem>>[vector<16xi32>], vector<16xf32>,
    %get3A_676 = arith.constant 17 : i32
    %get3A_677 = arith.index_cast %get3A_676 : i32 to index
    %get3A_678 = arith.constant 32 : index
    %get3A_679 = tpu.vector_load %arg11[%get3A_677, %get3A_678] {strides = array<i32>} : memref<50x125xi32, #tpu.memory_space<vmem>>, vector<16xi32>,
    tpu.vector_store_idx %arg12[%get3A_679], %broadcast_in_dim3A_2 {add = true} : memref<64xf32, #tpu.memory_space<vmem>>[vector<16xi32>], vector<16xf32>,
    %get3A_680 = arith.constant 17 : i32
    %get3A_681 = arith.index_cast %get3A_680 : i32 to index
    %get3A_682 = arith.constant 48 : index
    %get3A_683 = tpu.vector_load %arg11[%get3A_681, %get3A_682] {strides = array<i32>} : memref<50x125xi32, #tpu.memory_space<vmem>>, vector<16xi32>,
    tpu.vector_store_idx %arg12[%get3A_683], %broadcast_in_dim3A_2 {add = true} : memref<64xf32, #tpu.memory_space<vmem>>[vector<16xi32>], vector<16xf32>,
    %get3A_684 = arith.constant 17 : i32
    %get3A_685 = arith.index_cast %get3A_684 : i32 to index
    %get3A_686 = arith.constant 64 : index
    %get3A_687 = tpu.vector_load %arg11[%get3A_685, %get3A_686] {strides = array<i32>} : memref<50x125xi32, #tpu.memory_space<vmem>>, vector<16xi32>,
    tpu.vector_store_idx %arg12[%get3A_687], %broadcast_in_dim3A_2 {add = true} : memref<64xf32, #tpu.memory_space<vmem>>[vector<16xi32>], vector<16xf32>,
    %get3A_688 = arith.constant 17 : i32
    %get3A_689 = arith.index_cast %get3A_688 : i32 to index
    %get3A_690 = arith.constant 80 : index
    %get3A_691 = tpu.vector_load %arg11[%get3A_689, %get3A_690] {strides = array<i32>} : memref<50x125xi32, #tpu.memory_space<vmem>>, vector<16xi32>,
    tpu.vector_store_idx %arg12[%get3A_691], %broadcast_in_dim3A_2 {add = true} : memref<64xf32, #tpu.memory_space<vmem>>[vector<16xi32>], vector<16xf32>,
    %get3A_692 = arith.constant 17 : i32
    %get3A_693 = arith.index_cast %get3A_692 : i32 to index
    %get3A_694 = arith.constant 96 : index
    %get3A_695 = tpu.vector_load %arg11[%get3A_693, %get3A_694] {strides = array<i32>} : memref<50x125xi32, #tpu.memory_space<vmem>>, vector<16xi32>,
    tpu.vector_store_idx %arg12[%get3A_695], %broadcast_in_dim3A_2 {add = true} : memref<64xf32, #tpu.memory_space<vmem>>[vector<16xi32>], vector<16xf32>,
    %get3A_696 = arith.constant 17 : i32
    %get3A_697 = arith.index_cast %get3A_696 : i32 to index
    %get3A_698 = arith.constant 109 : index
    %get3A_699 = tpu.vector_load %arg11[%get3A_697, %get3A_698] {strides = array<i32>} : memref<50x125xi32, #tpu.memory_space<vmem>>, vector<16xi32>,
    tpu.vector_store_idx %arg12[%get3A_699], %broadcast_in_dim3A_2 masked %ge3A_124 {add = true} : memref<64xf32, #tpu.memory_space<vmem>>[vector<16xi32>], vector<16xf32>, vector<16xi1>
    %get3A_700 = arith.constant 18 : i32
    %get3A_701 = arith.index_cast %get3A_700 : i32 to index
    %get3A_702 = arith.constant 0 : index
    %get3A_703 = tpu.vector_load %arg11[%get3A_701, %get3A_702] {strides = array<i32>} : memref<50x125xi32, #tpu.memory_space<vmem>>, vector<16xi32>,
    tpu.vector_store_idx %arg12[%get3A_703], %broadcast_in_dim3A_2 {add = true} : memref<64xf32, #tpu.memory_space<vmem>>[vector<16xi32>], vector<16xf32>,
    %get3A_704 = arith.constant 18 : i32
    %get3A_705 = arith.index_cast %get3A_704 : i32 to index
    %get3A_706 = arith.constant 16 : index
    %get3A_707 = tpu.vector_load %arg11[%get3A_705, %get3A_706] {strides = array<i32>} : memref<50x125xi32, #tpu.memory_space<vmem>>, vector<16xi32>,
    tpu.vector_store_idx %arg12[%get3A_707], %broadcast_in_dim3A_2 {add = true} : memref<64xf32, #tpu.memory_space<vmem>>[vector<16xi32>], vector<16xf32>,
    %get3A_708 = arith.constant 18 : i32
    %get3A_709 = arith.index_cast %get3A_708 : i32 to index
    %get3A_710 = arith.constant 32 : index
    %get3A_711 = tpu.vector_load %arg11[%get3A_709, %get3A_710] {strides = array<i32>} : memref<50x125xi32, #tpu.memory_space<vmem>>, vector<16xi32>,
    tpu.vector_store_idx %arg12[%get3A_711], %broadcast_in_dim3A_2 {add = true} : memref<64xf32, #tpu.memory_space<vmem>>[vector<16xi32>], vector<16xf32>,
    %get3A_712 = arith.constant 18 : i32
    %get3A_713 = arith.index_cast %get3A_712 : i32 to index
    %get3A_714 = arith.constant 48 : index
    %get3A_715 = tpu.vector_load %arg11[%get3A_713, %get3A_714] {strides = array<i32>} : memref<50x125xi32, #tpu.memory_space<vmem>>, vector<16xi32>,
    tpu.vector_store_idx %arg12[%get3A_715], %broadcast_in_dim3A_2 {add = true} : memref<64xf32, #tpu.memory_space<vmem>>[vector<16xi32>], vector<16xf32>,
    %get3A_716 = arith.constant 18 : i32
    %get3A_717 = arith.index_cast %get3A_716 : i32 to index
    %get3A_718 = arith.constant 64 : index
    %get3A_719 = tpu.vector_load %arg11[%get3A_717, %get3A_718] {strides = array<i32>} : memref<50x125xi32, #tpu.memory_space<vmem>>, vector<16xi32>,
    tpu.vector_store_idx %arg12[%get3A_719], %broadcast_in_dim3A_2 {add = true} : memref<64xf32, #tpu.memory_space<vmem>>[vector<16xi32>], vector<16xf32>,
    %get3A_720 = arith.constant 18 : i32
    %get3A_721 = arith.index_cast %get3A_720 : i32 to index
    %get3A_722 = arith.constant 80 : index
    %get3A_723 = tpu.vector_load %arg11[%get3A_721, %get3A_722] {strides = array<i32>} : memref<50x125xi32, #tpu.memory_space<vmem>>, vector<16xi32>,
    tpu.vector_store_idx %arg12[%get3A_723], %broadcast_in_dim3A_2 {add = true} : memref<64xf32, #tpu.memory_space<vmem>>[vector<16xi32>], vector<16xf32>,
    %get3A_724 = arith.constant 18 : i32
    %get3A_725 = arith.index_cast %get3A_724 : i32 to index
    %get3A_726 = arith.constant 96 : index
    %get3A_727 = tpu.vector_load %arg11[%get3A_725, %get3A_726] {strides = array<i32>} : memref<50x125xi32, #tpu.memory_space<vmem>>, vector<16xi32>,
    tpu.vector_store_idx %arg12[%get3A_727], %broadcast_in_dim3A_2 {add = true} : memref<64xf32, #tpu.memory_space<vmem>>[vector<16xi32>], vector<16xf32>,
    %get3A_728 = arith.constant 18 : i32
    %get3A_729 = arith.index_cast %get3A_728 : i32 to index
    %get3A_730 = arith.constant 109 : index
    %get3A_731 = tpu.vector_load %arg11[%get3A_729, %get3A_730] {strides = array<i32>} : memref<50x125xi32, #tpu.memory_space<vmem>>, vector<16xi32>,
    tpu.vector_store_idx %arg12[%get3A_731], %broadcast_in_dim3A_2 masked %ge3A_124 {add = true} : memref<64xf32, #tpu.memory_space<vmem>>[vector<16xi32>], vector<16xf32>, vector<16xi1>
    %get3A_732 = arith.constant 19 : i32
    %get3A_733 = arith.index_cast %get3A_732 : i32 to index
    %get3A_734 = arith.constant 0 : index
    %get3A_735 = tpu.vector_load %arg11[%get3A_733, %get3A_734] {strides = array<i32>} : memref<50x125xi32, #tpu.memory_space<vmem>>, vector<16xi32>,
    tpu.vector_store_idx %arg12[%get3A_735], %broadcast_in_dim3A_2 {add = true} : memref<64xf32, #tpu.memory_space<vmem>>[vector<16xi32>], vector<16xf32>,
    %get3A_736 = arith.constant 19 : i32
    %get3A_737 = arith.index_cast %get3A_736 : i32 to index
    %get3A_738 = arith.constant 16 : index
    %get3A_739 = tpu.vector_load %arg11[%get3A_737, %get3A_738] {strides = array<i32>} : memref<50x125xi32, #tpu.memory_space<vmem>>, vector<16xi32>,
    tpu.vector_store_idx %arg12[%get3A_739], %broadcast_in_dim3A_2 {add = true} : memref<64xf32, #tpu.memory_space<vmem>>[vector<16xi32>], vector<16xf32>,
    %get3A_740 = arith.constant 19 : i32
    %get3A_741 = arith.index_cast %get3A_740 : i32 to index
    %get3A_742 = arith.constant 32 : index
    %get3A_743 = tpu.vector_load %arg11[%get3A_741, %get3A_742] {strides = array<i32>} : memref<50x125xi32, #tpu.memory_space<vmem>>, vector<16xi32>,
    tpu.vector_store_idx %arg12[%get3A_743], %broadcast_in_dim3A_2 {add = true} : memref<64xf32, #tpu.memory_space<vmem>>[vector<16xi32>], vector<16xf32>,
    %get3A_744 = arith.constant 19 : i32
    %get3A_745 = arith.index_cast %get3A_744 : i32 to index
    %get3A_746 = arith.constant 48 : index
    %get3A_747 = tpu.vector_load %arg11[%get3A_745, %get3A_746] {strides = array<i32>} : memref<50x125xi32, #tpu.memory_space<vmem>>, vector<16xi32>,
    tpu.vector_store_idx %arg12[%get3A_747], %broadcast_in_dim3A_2 {add = true} : memref<64xf32, #tpu.memory_space<vmem>>[vector<16xi32>], vector<16xf32>,
    %get3A_748 = arith.constant 19 : i32
    %get3A_749 = arith.index_cast %get3A_748 : i32 to index
    %get3A_750 = arith.constant 64 : index
    %get3A_751 = tpu.vector_load %arg11[%get3A_749, %get3A_750] {strides = array<i32>} : memref<50x125xi32, #tpu.memory_space<vmem>>, vector<16xi32>,
    tpu.vector_store_idx %arg12[%get3A_751], %broadcast_in_dim3A_2 {add = true} : memref<64xf32, #tpu.memory_space<vmem>>[vector<16xi32>], vector<16xf32>,
    %get3A_752 = arith.constant 19 : i32
    %get3A_753 = arith.index_cast %get3A_752 : i32 to index
    %get3A_754 = arith.constant 80 : index
    %get3A_755 = tpu.vector_load %arg11[%get3A_753, %get3A_754] {strides = array<i32>} : memref<50x125xi32, #tpu.memory_space<vmem>>, vector<16xi32>,
    tpu.vector_store_idx %arg12[%get3A_755], %broadcast_in_dim3A_2 {add = true} : memref<64xf32, #tpu.memory_space<vmem>>[vector<16xi32>], vector<16xf32>,
    %get3A_756 = arith.constant 19 : i32
    %get3A_757 = arith.index_cast %get3A_756 : i32 to index
    %get3A_758 = arith.constant 96 : index
    %get3A_759 = tpu.vector_load %arg11[%get3A_757, %get3A_758] {strides = array<i32>} : memref<50x125xi32, #tpu.memory_space<vmem>>, vector<16xi32>,
    tpu.vector_store_idx %arg12[%get3A_759], %broadcast_in_dim3A_2 {add = true} : memref<64xf32, #tpu.memory_space<vmem>>[vector<16xi32>], vector<16xf32>,
    %get3A_760 = arith.constant 19 : i32
    %get3A_761 = arith.index_cast %get3A_760 : i32 to index
    %get3A_762 = arith.constant 109 : index
    %get3A_763 = tpu.vector_load %arg11[%get3A_761, %get3A_762] {strides = array<i32>} : memref<50x125xi32, #tpu.memory_space<vmem>>, vector<16xi32>,
    tpu.vector_store_idx %arg12[%get3A_763], %broadcast_in_dim3A_2 masked %ge3A_124 {add = true} : memref<64xf32, #tpu.memory_space<vmem>>[vector<16xi32>], vector<16xf32>, vector<16xi1>
    %get3A_764 = arith.constant 20 : i32
    %get3A_765 = arith.index_cast %get3A_764 : i32 to index
    %get3A_766 = arith.constant 0 : index
    %get3A_767 = tpu.vector_load %arg11[%get3A_765, %get3A_766] {strides = array<i32>} : memref<50x125xi32, #tpu.memory_space<vmem>>, vector<16xi32>,
    tpu.vector_store_idx %arg12[%get3A_767], %broadcast_in_dim3A_2 {add = true} : memref<64xf32, #tpu.memory_space<vmem>>[vector<16xi32>], vector<16xf32>,
    %get3A_768 = arith.constant 20 : i32
    %get3A_769 = arith.index_cast %get3A_768 : i32 to index
    %get3A_770 = arith.constant 16 : index
    %get3A_771 = tpu.vector_load %arg11[%get3A_769, %get3A_770] {strides = array<i32>} : memref<50x125xi32, #tpu.memory_space<vmem>>, vector<16xi32>,
    tpu.vector_store_idx %arg12[%get3A_771], %broadcast_in_dim3A_2 {add = true} : memref<64xf32, #tpu.memory_space<vmem>>[vector<16xi32>], vector<16xf32>,
    %get3A_772 = arith.constant 20 : i32
    %get3A_773 = arith.index_cast %get3A_772 : i32 to index
    %get3A_774 = arith.constant 32 : index
    %get3A_775 = tpu.vector_load %arg11[%get3A_773, %get3A_774] {strides = array<i32>} : memref<50x125xi32, #tpu.memory_space<vmem>>, vector<16xi32>,
    tpu.vector_store_idx %arg12[%get3A_775], %broadcast_in_dim3A_2 {add = true} : memref<64xf32, #tpu.memory_space<vmem>>[vector<16xi32>], vector<16xf32>,
    %get3A_776 = arith.constant 20 : i32
    %get3A_777 = arith.index_cast %get3A_776 : i32 to index
    %get3A_778 = arith.constant 48 : index
    %get3A_779 = tpu.vector_load %arg11[%get3A_777, %get3A_778] {strides = array<i32>} : memref<50x125xi32, #tpu.memory_space<vmem>>, vector<16xi32>,
    tpu.vector_store_idx %arg12[%get3A_779], %broadcast_in_dim3A_2 {add = true} : memref<64xf32, #tpu.memory_space<vmem>>[vector<16xi32>], vector<16xf32>,
    %get3A_780 = arith.constant 20 : i32
    %get3A_781 = arith.index_cast %get3A_780 : i32 to index
    %get3A_782 = arith.constant 64 : index
    %get3A_783 = tpu.vector_load %arg11[%get3A_781, %get3A_782] {strides = array<i32>} : memref<50x125xi32, #tpu.memory_space<vmem>>, vector<16xi32>,
    tpu.vector_store_idx %arg12[%get3A_783], %broadcast_in_dim3A_2 {add = true} : memref<64xf32, #tpu.memory_space<vmem>>[vector<16xi32>], vector<16xf32>,
    %get3A_784 = arith.constant 20 : i32
    %get3A_785 = arith.index_cast %get3A_784 : i32 to index
    %get3A_786 = arith.constant 80 : index
    %get3A_787 = tpu.vector_load %arg11[%get3A_785, %get3A_786] {strides = array<i32>} : memref<50x125xi32, #tpu.memory_space<vmem>>, vector<16xi32>,
    tpu.vector_store_idx %arg12[%get3A_787], %broadcast_in_dim3A_2 {add = true} : memref<64xf32, #tpu.memory_space<vmem>>[vector<16xi32>], vector<16xf32>,
    %get3A_788 = arith.constant 20 : i32
    %get3A_789 = arith.index_cast %get3A_788 : i32 to index
    %get3A_790 = arith.constant 96 : index
    %get3A_791 = tpu.vector_load %arg11[%get3A_789, %get3A_790] {strides = array<i32>} : memref<50x125xi32, #tpu.memory_space<vmem>>, vector<16xi32>,
    tpu.vector_store_idx %arg12[%get3A_791], %broadcast_in_dim3A_2 {add = true} : memref<64xf32, #tpu.memory_space<vmem>>[vector<16xi32>], vector<16xf32>,
    %get3A_792 = arith.constant 20 : i32
    %get3A_793 = arith.index_cast %get3A_792 : i32 to index
    %get3A_794 = arith.constant 109 : index
    %get3A_795 = tpu.vector_load %arg11[%get3A_793, %get3A_794] {strides = array<i32>} : memref<50x125xi32, #tpu.memory_space<vmem>>, vector<16xi32>,
    tpu.vector_store_idx %arg12[%get3A_795], %broadcast_in_dim3A_2 masked %ge3A_124 {add = true} : memref<64xf32, #tpu.memory_space<vmem>>[vector<16xi32>], vector<16xf32>, vector<16xi1>
    %get3A_796 = arith.constant 21 : i32
    %get3A_797 = arith.index_cast %get3A_796 : i32 to index
    %get3A_798 = arith.constant 0 : index
    %get3A_799 = tpu.vector_load %arg11[%get3A_797, %get3A_798] {strides = array<i32>} : memref<50x125xi32, #tpu.memory_space<vmem>>, vector<16xi32>,
    tpu.vector_store_idx %arg12[%get3A_799], %broadcast_in_dim3A_2 {add = true} : memref<64xf32, #tpu.memory_space<vmem>>[vector<16xi32>], vector<16xf32>,
    %get3A_800 = arith.constant 21 : i32
    %get3A_801 = arith.index_cast %get3A_800 : i32 to index
    %get3A_802 = arith.constant 16 : index
    %get3A_803 = tpu.vector_load %arg11[%get3A_801, %get3A_802] {strides = array<i32>} : memref<50x125xi32, #tpu.memory_space<vmem>>, vector<16xi32>,
    tpu.vector_store_idx %arg12[%get3A_803], %broadcast_in_dim3A_2 {add = true} : memref<64xf32, #tpu.memory_space<vmem>>[vector<16xi32>], vector<16xf32>,
    %get3A_804 = arith.constant 21 : i32
    %get3A_805 = arith.index_cast %get3A_804 : i32 to index
    %get3A_806 = arith.constant 32 : index
    %get3A_807 = tpu.vector_load %arg11[%get3A_805, %get3A_806] {strides = array<i32>} : memref<50x125xi32, #tpu.memory_space<vmem>>, vector<16xi32>,
    tpu.vector_store_idx %arg12[%get3A_807], %broadcast_in_dim3A_2 {add = true} : memref<64xf32, #tpu.memory_space<vmem>>[vector<16xi32>], vector<16xf32>,
    %get3A_808 = arith.constant 21 : i32
    %get3A_809 = arith.index_cast %get3A_808 : i32 to index
    %get3A_810 = arith.constant 48 : index
    %get3A_811 = tpu.vector_load %arg11[%get3A_809, %get3A_810] {strides = array<i32>} : memref<50x125xi32, #tpu.memory_space<vmem>>, vector<16xi32>,
    tpu.vector_store_idx %arg12[%get3A_811], %broadcast_in_dim3A_2 {add = true} : memref<64xf32, #tpu.memory_space<vmem>>[vector<16xi32>], vector<16xf32>,
    %get3A_812 = arith.constant 21 : i32
    %get3A_813 = arith.index_cast %get3A_812 : i32 to index
    %get3A_814 = arith.constant 64 : index
    %get3A_815 = tpu.vector_load %arg11[%get3A_813, %get3A_814] {strides = array<i32>} : memref<50x125xi32, #tpu.memory_space<vmem>>, vector<16xi32>,
    tpu.vector_store_idx %arg12[%get3A_815], %broadcast_in_dim3A_2 {add = true} : memref<64xf32, #tpu.memory_space<vmem>>[vector<16xi32>], vector<16xf32>,
    %get3A_816 = arith.constant 21 : i32
    %get3A_817 = arith.index_cast %get3A_816 : i32 to index
    %get3A_818 = arith.constant 80 : index
    %get3A_819 = tpu.vector_load %arg11[%get3A_817, %get3A_818] {strides = array<i32>} : memref<50x125xi32, #tpu.memory_space<vmem>>, vector<16xi32>,
    tpu.vector_store_idx %arg12[%get3A_819], %broadcast_in_dim3A_2 {add = true} : memref<64xf32, #tpu.memory_space<vmem>>[vector<16xi32>], vector<16xf32>,
    %get3A_820 = arith.constant 21 : i32
    %get3A_821 = arith.index_cast %get3A_820 : i32 to index
    %get3A_822 = arith.constant 96 : index
    %get3A_823 = tpu.vector_load %arg11[%get3A_821, %get3A_822] {strides = array<i32>} : memref<50x125xi32, #tpu.memory_space<vmem>>, vector<16xi32>,
    tpu.vector_store_idx %arg12[%get3A_823], %broadcast_in_dim3A_2 {add = true} : memref<64xf32, #tpu.memory_space<vmem>>[vector<16xi32>], vector<16xf32>,
    %get3A_824 = arith.constant 21 : i32
    %get3A_825 = arith.index_cast %get3A_824 : i32 to index
    %get3A_826 = arith.constant 109 : index
    %get3A_827 = tpu.vector_load %arg11[%get3A_825, %get3A_826] {strides = array<i32>} : memref<50x125xi32, #tpu.memory_space<vmem>>, vector<16xi32>,
    tpu.vector_store_idx %arg12[%get3A_827], %broadcast_in_dim3A_2 masked %ge3A_124 {add = true} : memref<64xf32, #tpu.memory_space<vmem>>[vector<16xi32>], vector<16xf32>, vector<16xi1>
    %get3A_828 = arith.constant 22 : i32
    %get3A_829 = arith.index_cast %get3A_828 : i32 to index
    %get3A_830 = arith.constant 0 : index
    %get3A_831 = tpu.vector_load %arg11[%get3A_829, %get3A_830] {strides = array<i32>} : memref<50x125xi32, #tpu.memory_space<vmem>>, vector<16xi32>,
    tpu.vector_store_idx %arg12[%get3A_831], %broadcast_in_dim3A_2 {add = true} : memref<64xf32, #tpu.memory_space<vmem>>[vector<16xi32>], vector<16xf32>,
    %get3A_832 = arith.constant 22 : i32
    %get3A_833 = arith.index_cast %get3A_832 : i32 to index
    %get3A_834 = arith.constant 16 : index
    %get3A_835 = tpu.vector_load %arg11[%get3A_833, %get3A_834] {strides = array<i32>} : memref<50x125xi32, #tpu.memory_space<vmem>>, vector<16xi32>,
    tpu.vector_store_idx %arg12[%get3A_835], %broadcast_in_dim3A_2 {add = true} : memref<64xf32, #tpu.memory_space<vmem>>[vector<16xi32>], vector<16xf32>,
    %get3A_836 = arith.constant 22 : i32
    %get3A_837 = arith.index_cast %get3A_836 : i32 to index
    %get3A_838 = arith.constant 32 : index
    %get3A_839 = tpu.vector_load %arg11[%get3A_837, %get3A_838] {strides = array<i32>} : memref<50x125xi32, #tpu.memory_space<vmem>>, vector<16xi32>,
    tpu.vector_store_idx %arg12[%get3A_839], %broadcast_in_dim3A_2 {add = true} : memref<64xf32, #tpu.memory_space<vmem>>[vector<16xi32>], vector<16xf32>,
    %get3A_840 = arith.constant 22 : i32
    %get3A_841 = arith.index_cast %get3A_840 : i32 to index
    %get3A_842 = arith.constant 48 : index
    %get3A_843 = tpu.vector_load %arg11[%get3A_841, %get3A_842] {strides = array<i32>} : memref<50x125xi32, #tpu.memory_space<vmem>>, vector<16xi32>,
    tpu.vector_store_idx %arg12[%get3A_843], %broadcast_in_dim3A_2 {add = true} : memref<64xf32, #tpu.memory_space<vmem>>[vector<16xi32>], vector<16xf32>,
    %get3A_844 = arith.constant 22 : i32
    %get3A_845 = arith.index_cast %get3A_844 : i32 to index
    %get3A_846 = arith.constant 64 : index
    %get3A_847 = tpu.vector_load %arg11[%get3A_845, %get3A_846] {strides = array<i32>} : memref<50x125xi32, #tpu.memory_space<vmem>>, vector<16xi32>,
    tpu.vector_store_idx %arg12[%get3A_847], %broadcast_in_dim3A_2 {add = true} : memref<64xf32, #tpu.memory_space<vmem>>[vector<16xi32>], vector<16xf32>,
    %get3A_848 = arith.constant 22 : i32
    %get3A_849 = arith.index_cast %get3A_848 : i32 to index
    %get3A_850 = arith.constant 80 : index
    %get3A_851 = tpu.vector_load %arg11[%get3A_849, %get3A_850] {strides = array<i32>} : memref<50x125xi32, #tpu.memory_space<vmem>>, vector<16xi32>,
    tpu.vector_store_idx %arg12[%get3A_851], %broadcast_in_dim3A_2 {add = true} : memref<64xf32, #tpu.memory_space<vmem>>[vector<16xi32>], vector<16xf32>,
    %get3A_852 = arith.constant 22 : i32
    %get3A_853 = arith.index_cast %get3A_852 : i32 to index
    %get3A_854 = arith.constant 96 : index
    %get3A_855 = tpu.vector_load %arg11[%get3A_853, %get3A_854] {strides = array<i32>} : memref<50x125xi32, #tpu.memory_space<vmem>>, vector<16xi32>,
    tpu.vector_store_idx %arg12[%get3A_855], %broadcast_in_dim3A_2 {add = true} : memref<64xf32, #tpu.memory_space<vmem>>[vector<16xi32>], vector<16xf32>,
    %get3A_856 = arith.constant 22 : i32
    %get3A_857 = arith.index_cast %get3A_856 : i32 to index
    %get3A_858 = arith.constant 109 : index
    %get3A_859 = tpu.vector_load %arg11[%get3A_857, %get3A_858] {strides = array<i32>} : memref<50x125xi32, #tpu.memory_space<vmem>>, vector<16xi32>,
    tpu.vector_store_idx %arg12[%get3A_859], %broadcast_in_dim3A_2 masked %ge3A_124 {add = true} : memref<64xf32, #tpu.memory_space<vmem>>[vector<16xi32>], vector<16xf32>, vector<16xi1>
    %get3A_860 = arith.constant 23 : i32
    %get3A_861 = arith.index_cast %get3A_860 : i32 to index
    %get3A_862 = arith.constant 0 : index
    %get3A_863 = tpu.vector_load %arg11[%get3A_861, %get3A_862] {strides = array<i32>} : memref<50x125xi32, #tpu.memory_space<vmem>>, vector<16xi32>,
    tpu.vector_store_idx %arg12[%get3A_863], %broadcast_in_dim3A_2 {add = true} : memref<64xf32, #tpu.memory_space<vmem>>[vector<16xi32>], vector<16xf32>,
    %get3A_864 = arith.constant 23 : i32
    %get3A_865 = arith.index_cast %get3A_864 : i32 to index
    %get3A_866 = arith.constant 16 : index
    %get3A_867 = tpu.vector_load %arg11[%get3A_865, %get3A_866] {strides = array<i32>} : memref<50x125xi32, #tpu.memory_space<vmem>>, vector<16xi32>,
    tpu.vector_store_idx %arg12[%get3A_867], %broadcast_in_dim3A_2 {add = true} : memref<64xf32, #tpu.memory_space<vmem>>[vector<16xi32>], vector<16xf32>,
    %get3A_868 = arith.constant 23 : i32
    %get3A_869 = arith.index_cast %get3A_868 : i32 to index
    %get3A_870 = arith.constant 32 : index
    %get3A_871 = tpu.vector_load %arg11[%get3A_869, %get3A_870] {strides = array<i32>} : memref<50x125xi32, #tpu.memory_space<vmem>>, vector<16xi32>,
    tpu.vector_store_idx %arg12[%get3A_871], %broadcast_in_dim3A_2 {add = true} : memref<64xf32, #tpu.memory_space<vmem>>[vector<16xi32>], vector<16xf32>,
    %get3A_872 = arith.constant 23 : i32
    %get3A_873 = arith.index_cast %get3A_872 : i32 to index
    %get3A_874 = arith.constant 48 : index
    %get3A_875 = tpu.vector_load %arg11[%get3A_873, %get3A_874] {strides = array<i32>} : memref<50x125xi32, #tpu.memory_space<vmem>>, vector<16xi32>,
    tpu.vector_store_idx %arg12[%get3A_875], %broadcast_in_dim3A_2 {add = true} : memref<64xf32, #tpu.memory_space<vmem>>[vector<16xi32>], vector<16xf32>,
    %get3A_876 = arith.constant 23 : i32
    %get3A_877 = arith.index_cast %get3A_876 : i32 to index
    %get3A_878 = arith.constant 64 : index
    %get3A_879 = tpu.vector_load %arg11[%get3A_877, %get3A_878] {strides = array<i32>} : memref<50x125xi32, #tpu.memory_space<vmem>>, vector<16xi32>,
    tpu.vector_store_idx %arg12[%get3A_879], %broadcast_in_dim3A_2 {add = true} : memref<64xf32, #tpu.memory_space<vmem>>[vector<16xi32>], vector<16xf32>,
    %get3A_880 = arith.constant 23 : i32
    %get3A_881 = arith.index_cast %get3A_880 : i32 to index
    %get3A_882 = arith.constant 80 : index
    %get3A_883 = tpu.vector_load %arg11[%get3A_881, %get3A_882] {strides = array<i32>} : memref<50x125xi32, #tpu.memory_space<vmem>>, vector<16xi32>,
    tpu.vector_store_idx %arg12[%get3A_883], %broadcast_in_dim3A_2 {add = true} : memref<64xf32, #tpu.memory_space<vmem>>[vector<16xi32>], vector<16xf32>,
    %get3A_884 = arith.constant 23 : i32
    %get3A_885 = arith.index_cast %get3A_884 : i32 to index
    %get3A_886 = arith.constant 96 : index
    %get3A_887 = tpu.vector_load %arg11[%get3A_885, %get3A_886] {strides = array<i32>} : memref<50x125xi32, #tpu.memory_space<vmem>>, vector<16xi32>,
    tpu.vector_store_idx %arg12[%get3A_887], %broadcast_in_dim3A_2 {add = true} : memref<64xf32, #tpu.memory_space<vmem>>[vector<16xi32>], vector<16xf32>,
    %get3A_888 = arith.constant 23 : i32
    %get3A_889 = arith.index_cast %get3A_888 : i32 to index
    %get3A_890 = arith.constant 109 : index
    %get3A_891 = tpu.vector_load %arg11[%get3A_889, %get3A_890] {strides = array<i32>} : memref<50x125xi32, #tpu.memory_space<vmem>>, vector<16xi32>,
    tpu.vector_store_idx %arg12[%get3A_891], %broadcast_in_dim3A_2 masked %ge3A_124 {add = true} : memref<64xf32, #tpu.memory_space<vmem>>[vector<16xi32>], vector<16xf32>, vector<16xi1>
    %get3A_892 = arith.constant 24 : i32
    %get3A_893 = arith.index_cast %get3A_892 : i32 to index
    %get3A_894 = arith.constant 0 : index
    %get3A_895 = tpu.vector_load %arg11[%get3A_893, %get3A_894] {strides = array<i32>} : memref<50x125xi32, #tpu.memory_space<vmem>>, vector<16xi32>,
    tpu.vector_store_idx %arg12[%get3A_895], %broadcast_in_dim3A_2 {add = true} : memref<64xf32, #tpu.memory_space<vmem>>[vector<16xi32>], vector<16xf32>,
    %get3A_896 = arith.constant 24 : i32
    %get3A_897 = arith.index_cast %get3A_896 : i32 to index
    %get3A_898 = arith.constant 16 : index
    %get3A_899 = tpu.vector_load %arg11[%get3A_897, %get3A_898] {strides = array<i32>} : memref<50x125xi32, #tpu.memory_space<vmem>>, vector<16xi32>,
    tpu.vector_store_idx %arg12[%get3A_899], %broadcast_in_dim3A_2 {add = true} : memref<64xf32, #tpu.memory_space<vmem>>[vector<16xi32>], vector<16xf32>,
    %get3A_900 = arith.constant 24 : i32
    %get3A_901 = arith.index_cast %get3A_900 : i32 to index
    %get3A_902 = arith.constant 32 : index
    %get3A_903 = tpu.vector_load %arg11[%get3A_901, %get3A_902] {strides = array<i32>} : memref<50x125xi32, #tpu.memory_space<vmem>>, vector<16xi32>,
    tpu.vector_store_idx %arg12[%get3A_903], %broadcast_in_dim3A_2 {add = true} : memref<64xf32, #tpu.memory_space<vmem>>[vector<16xi32>], vector<16xf32>,
    %get3A_904 = arith.constant 24 : i32
    %get3A_905 = arith.index_cast %get3A_904 : i32 to index
    %get3A_906 = arith.constant 48 : index
    %get3A_907 = tpu.vector_load %arg11[%get3A_905, %get3A_906] {strides = array<i32>} : memref<50x125xi32, #tpu.memory_space<vmem>>, vector<16xi32>,
    tpu.vector_store_idx %arg12[%get3A_907], %broadcast_in_dim3A_2 {add = true} : memref<64xf32, #tpu.memory_space<vmem>>[vector<16xi32>], vector<16xf32>,
    %get3A_908 = arith.constant 24 : i32
    %get3A_909 = arith.index_cast %get3A_908 : i32 to index
    %get3A_910 = arith.constant 64 : index
    %get3A_911 = tpu.vector_load %arg11[%get3A_909, %get3A_910] {strides = array<i32>} : memref<50x125xi32, #tpu.memory_space<vmem>>, vector<16xi32>,
    tpu.vector_store_idx %arg12[%get3A_911], %broadcast_in_dim3A_2 {add = true} : memref<64xf32, #tpu.memory_space<vmem>>[vector<16xi32>], vector<16xf32>,
    %get3A_912 = arith.constant 24 : i32
    %get3A_913 = arith.index_cast %get3A_912 : i32 to index
    %get3A_914 = arith.constant 80 : index
    %get3A_915 = tpu.vector_load %arg11[%get3A_913, %get3A_914] {strides = array<i32>} : memref<50x125xi32, #tpu.memory_space<vmem>>, vector<16xi32>,
    tpu.vector_store_idx %arg12[%get3A_915], %broadcast_in_dim3A_2 {add = true} : memref<64xf32, #tpu.memory_space<vmem>>[vector<16xi32>], vector<16xf32>,
    %get3A_916 = arith.constant 24 : i32
    %get3A_917 = arith.index_cast %get3A_916 : i32 to index
    %get3A_918 = arith.constant 96 : index
    %get3A_919 = tpu.vector_load %arg11[%get3A_917, %get3A_918] {strides = array<i32>} : memref<50x125xi32, #tpu.memory_space<vmem>>, vector<16xi32>,
    tpu.vector_store_idx %arg12[%get3A_919], %broadcast_in_dim3A_2 {add = true} : memref<64xf32, #tpu.memory_space<vmem>>[vector<16xi32>], vector<16xf32>,
    %get3A_920 = arith.constant 24 : i32
    %get3A_921 = arith.index_cast %get3A_920 : i32 to index
    %get3A_922 = arith.constant 109 : index
    %get3A_923 = tpu.vector_load %arg11[%get3A_921, %get3A_922] {strides = array<i32>} : memref<50x125xi32, #tpu.memory_space<vmem>>, vector<16xi32>,
    tpu.vector_store_idx %arg12[%get3A_923], %broadcast_in_dim3A_2 masked %ge3A_124 {add = true} : memref<64xf32, #tpu.memory_space<vmem>>[vector<16xi32>], vector<16xf32>, vector<16xi1>
    %get3A_924 = arith.constant 25 : i32
    %get3A_925 = arith.index_cast %get3A_924 : i32 to index
    %get3A_926 = arith.constant 0 : index
    %get3A_927 = tpu.vector_load %arg11[%get3A_925, %get3A_926] {strides = array<i32>} : memref<50x125xi32, #tpu.memory_space<vmem>>, vector<16xi32>,
    tpu.vector_store_idx %arg12[%get3A_927], %broadcast_in_dim3A_2 {add = true} : memref<64xf32, #tpu.memory_space<vmem>>[vector<16xi32>], vector<16xf32>,
    %get3A_928 = arith.constant 25 : i32
    %get3A_929 = arith.index_cast %get3A_928 : i32 to index
    %get3A_930 = arith.constant 16 : index
    %get3A_931 = tpu.vector_load %arg11[%get3A_929, %get3A_930] {strides = array<i32>} : memref<50x125xi32, #tpu.memory_space<vmem>>, vector<16xi32>,
    tpu.vector_store_idx %arg12[%get3A_931], %broadcast_in_dim3A_2 {add = true} : memref<64xf32, #tpu.memory_space<vmem>>[vector<16xi32>], vector<16xf32>,
    %get3A_932 = arith.constant 25 : i32
    %get3A_933 = arith.index_cast %get3A_932 : i32 to index
    %get3A_934 = arith.constant 32 : index
    %get3A_935 = tpu.vector_load %arg11[%get3A_933, %get3A_934] {strides = array<i32>} : memref<50x125xi32, #tpu.memory_space<vmem>>, vector<16xi32>,
    tpu.vector_store_idx %arg12[%get3A_935], %broadcast_in_dim3A_2 {add = true} : memref<64xf32, #tpu.memory_space<vmem>>[vector<16xi32>], vector<16xf32>,
    %get3A_936 = arith.constant 25 : i32
    %get3A_937 = arith.index_cast %get3A_936 : i32 to index
    %get3A_938 = arith.constant 48 : index
    %get3A_939 = tpu.vector_load %arg11[%get3A_937, %get3A_938] {strides = array<i32>} : memref<50x125xi32, #tpu.memory_space<vmem>>, vector<16xi32>,
    tpu.vector_store_idx %arg12[%get3A_939], %broadcast_in_dim3A_2 {add = true} : memref<64xf32, #tpu.memory_space<vmem>>[vector<16xi32>], vector<16xf32>,
    %get3A_940 = arith.constant 25 : i32
    %get3A_941 = arith.index_cast %get3A_940 : i32 to index
    %get3A_942 = arith.constant 64 : index
    %get3A_943 = tpu.vector_load %arg11[%get3A_941, %get3A_942] {strides = array<i32>} : memref<50x125xi32, #tpu.memory_space<vmem>>, vector<16xi32>,
    tpu.vector_store_idx %arg12[%get3A_943], %broadcast_in_dim3A_2 {add = true} : memref<64xf32, #tpu.memory_space<vmem>>[vector<16xi32>], vector<16xf32>,
    %get3A_944 = arith.constant 25 : i32
    %get3A_945 = arith.index_cast %get3A_944 : i32 to index
    %get3A_946 = arith.constant 80 : index
    %get3A_947 = tpu.vector_load %arg11[%get3A_945, %get3A_946] {strides = array<i32>} : memref<50x125xi32, #tpu.memory_space<vmem>>, vector<16xi32>,
    tpu.vector_store_idx %arg12[%get3A_947], %broadcast_in_dim3A_2 {add = true} : memref<64xf32, #tpu.memory_space<vmem>>[vector<16xi32>], vector<16xf32>,
    %get3A_948 = arith.constant 25 : i32
    %get3A_949 = arith.index_cast %get3A_948 : i32 to index
    %get3A_950 = arith.constant 96 : index
    %get3A_951 = tpu.vector_load %arg11[%get3A_949, %get3A_950] {strides = array<i32>} : memref<50x125xi32, #tpu.memory_space<vmem>>, vector<16xi32>,
    tpu.vector_store_idx %arg12[%get3A_951], %broadcast_in_dim3A_2 {add = true} : memref<64xf32, #tpu.memory_space<vmem>>[vector<16xi32>], vector<16xf32>,
    %get3A_952 = arith.constant 25 : i32
    %get3A_953 = arith.index_cast %get3A_952 : i32 to index
    %get3A_954 = arith.constant 109 : index
    %get3A_955 = tpu.vector_load %arg11[%get3A_953, %get3A_954] {strides = array<i32>} : memref<50x125xi32, #tpu.memory_space<vmem>>, vector<16xi32>,
    tpu.vector_store_idx %arg12[%get3A_955], %broadcast_in_dim3A_2 masked %ge3A_124 {add = true} : memref<64xf32, #tpu.memory_space<vmem>>[vector<16xi32>], vector<16xf32>, vector<16xi1>
    %get3A_956 = arith.constant 26 : i32
    %get3A_957 = arith.index_cast %get3A_956 : i32 to index
    %get3A_958 = arith.constant 0 : index
    %get3A_959 = tpu.vector_load %arg11[%get3A_957, %get3A_958] {strides = array<i32>} : memref<50x125xi32, #tpu.memory_space<vmem>>, vector<16xi32>,
    tpu.vector_store_idx %arg12[%get3A_959], %broadcast_in_dim3A_2 {add = true} : memref<64xf32, #tpu.memory_space<vmem>>[vector<16xi32>], vector<16xf32>,
    %get3A_960 = arith.constant 26 : i32
    %get3A_961 = arith.index_cast %get3A_960 : i32 to index
    %get3A_962 = arith.constant 16 : index
    %get3A_963 = tpu.vector_load %arg11[%get3A_961, %get3A_962] {strides = array<i32>} : memref<50x125xi32, #tpu.memory_space<vmem>>, vector<16xi32>,
    tpu.vector_store_idx %arg12[%get3A_963], %broadcast_in_dim3A_2 {add = true} : memref<64xf32, #tpu.memory_space<vmem>>[vector<16xi32>], vector<16xf32>,
    %get3A_964 = arith.constant 26 : i32
    %get3A_965 = arith.index_cast %get3A_964 : i32 to index
    %get3A_966 = arith.constant 32 : index
    %get3A_967 = tpu.vector_load %arg11[%get3A_965, %get3A_966] {strides = array<i32>} : memref<50x125xi32, #tpu.memory_space<vmem>>, vector<16xi32>,
    tpu.vector_store_idx %arg12[%get3A_967], %broadcast_in_dim3A_2 {add = true} : memref<64xf32, #tpu.memory_space<vmem>>[vector<16xi32>], vector<16xf32>,
    %get3A_968 = arith.constant 26 : i32
    %get3A_969 = arith.index_cast %get3A_968 : i32 to index
    %get3A_970 = arith.constant 48 : index
    %get3A_971 = tpu.vector_load %arg11[%get3A_969, %get3A_970] {strides = array<i32>} : memref<50x125xi32, #tpu.memory_space<vmem>>, vector<16xi32>,
    tpu.vector_store_idx %arg12[%get3A_971], %broadcast_in_dim3A_2 {add = true} : memref<64xf32, #tpu.memory_space<vmem>>[vector<16xi32>], vector<16xf32>,
    %get3A_972 = arith.constant 26 : i32
    %get3A_973 = arith.index_cast %get3A_972 : i32 to index
    %get3A_974 = arith.constant 64 : index
    %get3A_975 = tpu.vector_load %arg11[%get3A_973, %get3A_974] {strides = array<i32>} : memref<50x125xi32, #tpu.memory_space<vmem>>, vector<16xi32>,
    tpu.vector_store_idx %arg12[%get3A_975], %broadcast_in_dim3A_2 {add = true} : memref<64xf32, #tpu.memory_space<vmem>>[vector<16xi32>], vector<16xf32>,
    %get3A_976 = arith.constant 26 : i32
    %get3A_977 = arith.index_cast %get3A_976 : i32 to index
    %get3A_978 = arith.constant 80 : index
    %get3A_979 = tpu.vector_load %arg11[%get3A_977, %get3A_978] {strides = array<i32>} : memref<50x125xi32, #tpu.memory_space<vmem>>, vector<16xi32>,
    tpu.vector_store_idx %arg12[%get3A_979], %broadcast_in_dim3A_2 {add = true} : memref<64xf32, #tpu.memory_space<vmem>>[vector<16xi32>], vector<16xf32>,
    %get3A_980 = arith.constant 26 : i32
    %get3A_981 = arith.index_cast %get3A_980 : i32 to index
    %get3A_982 = arith.constant 96 : index
    %get3A_983 = tpu.vector_load %arg11[%get3A_981, %get3A_982] {strides = array<i32>} : memref<50x125xi32, #tpu.memory_space<vmem>>, vector<16xi32>,
    tpu.vector_store_idx %arg12[%get3A_983], %broadcast_in_dim3A_2 {add = true} : memref<64xf32, #tpu.memory_space<vmem>>[vector<16xi32>], vector<16xf32>,
    %get3A_984 = arith.constant 26 : i32
    %get3A_985 = arith.index_cast %get3A_984 : i32 to index
    %get3A_986 = arith.constant 109 : index
    %get3A_987 = tpu.vector_load %arg11[%get3A_985, %get3A_986] {strides = array<i32>} : memref<50x125xi32, #tpu.memory_space<vmem>>, vector<16xi32>,
    tpu.vector_store_idx %arg12[%get3A_987], %broadcast_in_dim3A_2 masked %ge3A_124 {add = true} : memref<64xf32, #tpu.memory_space<vmem>>[vector<16xi32>], vector<16xf32>, vector<16xi1>
    %get3A_988 = arith.constant 27 : i32
    %get3A_989 = arith.index_cast %get3A_988 : i32 to index
    %get3A_990 = arith.constant 0 : index
    %get3A_991 = tpu.vector_load %arg11[%get3A_989, %get3A_990] {strides = array<i32>} : memref<50x125xi32, #tpu.memory_space<vmem>>, vector<16xi32>,
    tpu.vector_store_idx %arg12[%get3A_991], %broadcast_in_dim3A_2 {add = true} : memref<64xf32, #tpu.memory_space<vmem>>[vector<16xi32>], vector<16xf32>,
    %get3A_992 = arith.constant 27 : i32
    %get3A_993 = arith.index_cast %get3A_992 : i32 to index
    %get3A_994 = arith.constant 16 : index
    %get3A_995 = tpu.vector_load %arg11[%get3A_993, %get3A_994] {strides = array<i32>} : memref<50x125xi32, #tpu.memory_space<vmem>>, vector<16xi32>,
    tpu.vector_store_idx %arg12[%get3A_995], %broadcast_in_dim3A_2 {add = true} : memref<64xf32, #tpu.memory_space<vmem>>[vector<16xi32>], vector<16xf32>,
    %get3A_996 = arith.constant 27 : i32
    %get3A_997 = arith.index_cast %get3A_996 : i32 to index
    %get3A_998 = arith.constant 32 : index
    %get3A_999 = tpu.vector_load %arg11[%get3A_997, %get3A_998] {strides = array<i32>} : memref<50x125xi32, #tpu.memory_space<vmem>>, vector<16xi32>,
    tpu.vector_store_idx %arg12[%get3A_999], %broadcast_in_dim3A_2 {add = true} : memref<64xf32, #tpu.memory_space<vmem>>[vector<16xi32>], vector<16xf32>,
    %get3A_1000 = arith.constant 27 : i32
    %get3A_1001 = arith.index_cast %get3A_1000 : i32 to index
    %get3A_1002 = arith.constant 48 : index
    %get3A_1003 = tpu.vector_load %arg11[%get3A_1001, %get3A_1002] {strides = array<i32>} : memref<50x125xi32, #tpu.memory_space<vmem>>, vector<16xi32>,
    tpu.vector_store_idx %arg12[%get3A_1003], %broadcast_in_dim3A_2 {add = true} : memref<64xf32, #tpu.memory_space<vmem>>[vector<16xi32>], vector<16xf32>,
    %get3A_1004 = arith.constant 27 : i32
    %get3A_1005 = arith.index_cast %get3A_1004 : i32 to index
    %get3A_1006 = arith.constant 64 : index
    %get3A_1007 = tpu.vector_load %arg11[%get3A_1005, %get3A_1006] {strides = array<i32>} : memref<50x125xi32, #tpu.memory_space<vmem>>, vector<16xi32>,
    tpu.vector_store_idx %arg12[%get3A_1007], %broadcast_in_dim3A_2 {add = true} : memref<64xf32, #tpu.memory_space<vmem>>[vector<16xi32>], vector<16xf32>,
    %get3A_1008 = arith.constant 27 : i32
    %get3A_1009 = arith.index_cast %get3A_1008 : i32 to index
    %get3A_1010 = arith.constant 80 : index
    %get3A_1011 = tpu.vector_load %arg11[%get3A_1009, %get3A_1010] {strides = array<i32>} : memref<50x125xi32, #tpu.memory_space<vmem>>, vector<16xi32>,
    tpu.vector_store_idx %arg12[%get3A_1011], %broadcast_in_dim3A_2 {add = true} : memref<64xf32, #tpu.memory_space<vmem>>[vector<16xi32>], vector<16xf32>,
    %get3A_1012 = arith.constant 27 : i32
    %get3A_1013 = arith.index_cast %get3A_1012 : i32 to index
    %get3A_1014 = arith.constant 96 : index
    %get3A_1015 = tpu.vector_load %arg11[%get3A_1013, %get3A_1014] {strides = array<i32>} : memref<50x125xi32, #tpu.memory_space<vmem>>, vector<16xi32>,
    tpu.vector_store_idx %arg12[%get3A_1015], %broadcast_in_dim3A_2 {add = true} : memref<64xf32, #tpu.memory_space<vmem>>[vector<16xi32>], vector<16xf32>,
    %get3A_1016 = arith.constant 27 : i32
    %get3A_1017 = arith.index_cast %get3A_1016 : i32 to index
    %get3A_1018 = arith.constant 109 : index
    %get3A_1019 = tpu.vector_load %arg11[%get3A_1017, %get3A_1018] {strides = array<i32>} : memref<50x125xi32, #tpu.memory_space<vmem>>, vector<16xi32>,
    tpu.vector_store_idx %arg12[%get3A_1019], %broadcast_in_dim3A_2 masked %ge3A_124 {add = true} : memref<64xf32, #tpu.memory_space<vmem>>[vector<16xi32>], vector<16xf32>, vector<16xi1>
    %get3A_1020 = arith.constant 28 : i32
    %get3A_1021 = arith.index_cast %get3A_1020 : i32 to index
    %get3A_1022 = arith.constant 0 : index
    %get3A_1023 = tpu.vector_load %arg11[%get3A_1021, %get3A_1022] {strides = array<i32>} : memref<50x125xi32, #tpu.memory_space<vmem>>, vector<16xi32>,
    tpu.vector_store_idx %arg12[%get3A_1023], %broadcast_in_dim3A_2 {add = true} : memref<64xf32, #tpu.memory_space<vmem>>[vector<16xi32>], vector<16xf32>,
    %get3A_1024 = arith.constant 28 : i32
    %get3A_1025 = arith.index_cast %get3A_1024 : i32 to index
    %get3A_1026 = arith.constant 16 : index
    %get3A_1027 = tpu.vector_load %arg11[%get3A_1025, %get3A_1026] {strides = array<i32>} : memref<50x125xi32, #tpu.memory_space<vmem>>, vector<16xi32>,
    tpu.vector_store_idx %arg12[%get3A_1027], %broadcast_in_dim3A_2 {add = true} : memref<64xf32, #tpu.memory_space<vmem>>[vector<16xi32>], vector<16xf32>,
    %get3A_1028 = arith.constant 28 : i32
    %get3A_1029 = arith.index_cast %get3A_1028 : i32 to index
    %get3A_1030 = arith.constant 32 : index
    %get3A_1031 = tpu.vector_load %arg11[%get3A_1029, %get3A_1030] {strides = array<i32>} : memref<50x125xi32, #tpu.memory_space<vmem>>, vector<16xi32>,
    tpu.vector_store_idx %arg12[%get3A_1031], %broadcast_in_dim3A_2 {add = true} : memref<64xf32, #tpu.memory_space<vmem>>[vector<16xi32>], vector<16xf32>,
    %get3A_1032 = arith.constant 28 : i32
    %get3A_1033 = arith.index_cast %get3A_1032 : i32 to index
    %get3A_1034 = arith.constant 48 : index
    %get3A_1035 = tpu.vector_load %arg11[%get3A_1033, %get3A_1034] {strides = array<i32>} : memref<50x125xi32, #tpu.memory_space<vmem>>, vector<16xi32>,
    tpu.vector_store_idx %arg12[%get3A_1035], %broadcast_in_dim3A_2 {add = true} : memref<64xf32, #tpu.memory_space<vmem>>[vector<16xi32>], vector<16xf32>,
    %get3A_1036 = arith.constant 28 : i32
    %get3A_1037 = arith.index_cast %get3A_1036 : i32 to index
    %get3A_1038 = arith.constant 64 : index
    %get3A_1039 = tpu.vector_load %arg11[%get3A_1037, %get3A_1038] {strides = array<i32>} : memref<50x125xi32, #tpu.memory_space<vmem>>, vector<16xi32>,
    tpu.vector_store_idx %arg12[%get3A_1039], %broadcast_in_dim3A_2 {add = true} : memref<64xf32, #tpu.memory_space<vmem>>[vector<16xi32>], vector<16xf32>,
    %get3A_1040 = arith.constant 28 : i32
    %get3A_1041 = arith.index_cast %get3A_1040 : i32 to index
    %get3A_1042 = arith.constant 80 : index
    %get3A_1043 = tpu.vector_load %arg11[%get3A_1041, %get3A_1042] {strides = array<i32>} : memref<50x125xi32, #tpu.memory_space<vmem>>, vector<16xi32>,
    tpu.vector_store_idx %arg12[%get3A_1043], %broadcast_in_dim3A_2 {add = true} : memref<64xf32, #tpu.memory_space<vmem>>[vector<16xi32>], vector<16xf32>,
    %get3A_1044 = arith.constant 28 : i32
    %get3A_1045 = arith.index_cast %get3A_1044 : i32 to index
    %get3A_1046 = arith.constant 96 : index
    %get3A_1047 = tpu.vector_load %arg11[%get3A_1045, %get3A_1046] {strides = array<i32>} : memref<50x125xi32, #tpu.memory_space<vmem>>, vector<16xi32>,
    tpu.vector_store_idx %arg12[%get3A_1047], %broadcast_in_dim3A_2 {add = true} : memref<64xf32, #tpu.memory_space<vmem>>[vector<16xi32>], vector<16xf32>,
    %get3A_1048 = arith.constant 28 : i32
    %get3A_1049 = arith.index_cast %get3A_1048 : i32 to index
    %get3A_1050 = arith.constant 109 : index
    %get3A_1051 = tpu.vector_load %arg11[%get3A_1049, %get3A_1050] {strides = array<i32>} : memref<50x125xi32, #tpu.memory_space<vmem>>, vector<16xi32>,
    tpu.vector_store_idx %arg12[%get3A_1051], %broadcast_in_dim3A_2 masked %ge3A_124 {add = true} : memref<64xf32, #tpu.memory_space<vmem>>[vector<16xi32>], vector<16xf32>, vector<16xi1>
    %get3A_1052 = arith.constant 29 : i32
    %get3A_1053 = arith.index_cast %get3A_1052 : i32 to index
    %get3A_1054 = arith.constant 0 : index
    %get3A_1055 = tpu.vector_load %arg11[%get3A_1053, %get3A_1054] {strides = array<i32>} : memref<50x125xi32, #tpu.memory_space<vmem>>, vector<16xi32>,
    tpu.vector_store_idx %arg12[%get3A_1055], %broadcast_in_dim3A_2 {add = true} : memref<64xf32, #tpu.memory_space<vmem>>[vector<16xi32>], vector<16xf32>,
    %get3A_1056 = arith.constant 29 : i32
    %get3A_1057 = arith.index_cast %get3A_1056 : i32 to index
    %get3A_1058 = arith.constant 16 : index
    %get3A_1059 = tpu.vector_load %arg11[%get3A_1057, %get3A_1058] {strides = array<i32>} : memref<50x125xi32, #tpu.memory_space<vmem>>, vector<16xi32>,
    tpu.vector_store_idx %arg12[%get3A_1059], %broadcast_in_dim3A_2 {add = true} : memref<64xf32, #tpu.memory_space<vmem>>[vector<16xi32>], vector<16xf32>,
    %get3A_1060 = arith.constant 29 : i32
    %get3A_1061 = arith.index_cast %get3A_1060 : i32 to index
    %get3A_1062 = arith.constant 32 : index
    %get3A_1063 = tpu.vector_load %arg11[%get3A_1061, %get3A_1062] {strides = array<i32>} : memref<50x125xi32, #tpu.memory_space<vmem>>, vector<16xi32>,
    tpu.vector_store_idx %arg12[%get3A_1063], %broadcast_in_dim3A_2 {add = true} : memref<64xf32, #tpu.memory_space<vmem>>[vector<16xi32>], vector<16xf32>,
    %get3A_1064 = arith.constant 29 : i32
    %get3A_1065 = arith.index_cast %get3A_1064 : i32 to index
    %get3A_1066 = arith.constant 48 : index
    %get3A_1067 = tpu.vector_load %arg11[%get3A_1065, %get3A_1066] {strides = array<i32>} : memref<50x125xi32, #tpu.memory_space<vmem>>, vector<16xi32>,
    tpu.vector_store_idx %arg12[%get3A_1067], %broadcast_in_dim3A_2 {add = true} : memref<64xf32, #tpu.memory_space<vmem>>[vector<16xi32>], vector<16xf32>,
    %get3A_1068 = arith.constant 29 : i32
    %get3A_1069 = arith.index_cast %get3A_1068 : i32 to index
    %get3A_1070 = arith.constant 64 : index
    %get3A_1071 = tpu.vector_load %arg11[%get3A_1069, %get3A_1070] {strides = array<i32>} : memref<50x125xi32, #tpu.memory_space<vmem>>, vector<16xi32>,
    tpu.vector_store_idx %arg12[%get3A_1071], %broadcast_in_dim3A_2 {add = true} : memref<64xf32, #tpu.memory_space<vmem>>[vector<16xi32>], vector<16xf32>,
    %get3A_1072 = arith.constant 29 : i32
    %get3A_1073 = arith.index_cast %get3A_1072 : i32 to index
    %get3A_1074 = arith.constant 80 : index
    %get3A_1075 = tpu.vector_load %arg11[%get3A_1073, %get3A_1074] {strides = array<i32>} : memref<50x125xi32, #tpu.memory_space<vmem>>, vector<16xi32>,
    tpu.vector_store_idx %arg12[%get3A_1075], %broadcast_in_dim3A_2 {add = true} : memref<64xf32, #tpu.memory_space<vmem>>[vector<16xi32>], vector<16xf32>,
    %get3A_1076 = arith.constant 29 : i32
    %get3A_1077 = arith.index_cast %get3A_1076 : i32 to index
    %get3A_1078 = arith.constant 96 : index
    %get3A_1079 = tpu.vector_load %arg11[%get3A_1077, %get3A_1078] {strides = array<i32>} : memref<50x125xi32, #tpu.memory_space<vmem>>, vector<16xi32>,
    tpu.vector_store_idx %arg12[%get3A_1079], %broadcast_in_dim3A_2 {add = true} : memref<64xf32, #tpu.memory_space<vmem>>[vector<16xi32>], vector<16xf32>,
    %get3A_1080 = arith.constant 29 : i32
    %get3A_1081 = arith.index_cast %get3A_1080 : i32 to index
    %get3A_1082 = arith.constant 109 : index
    %get3A_1083 = tpu.vector_load %arg11[%get3A_1081, %get3A_1082] {strides = array<i32>} : memref<50x125xi32, #tpu.memory_space<vmem>>, vector<16xi32>,
    tpu.vector_store_idx %arg12[%get3A_1083], %broadcast_in_dim3A_2 masked %ge3A_124 {add = true} : memref<64xf32, #tpu.memory_space<vmem>>[vector<16xi32>], vector<16xf32>, vector<16xi1>
    %get3A_1084 = arith.constant 30 : i32
    %get3A_1085 = arith.index_cast %get3A_1084 : i32 to index
    %get3A_1086 = arith.constant 0 : index
    %get3A_1087 = tpu.vector_load %arg11[%get3A_1085, %get3A_1086] {strides = array<i32>} : memref<50x125xi32, #tpu.memory_space<vmem>>, vector<16xi32>,
    tpu.vector_store_idx %arg12[%get3A_1087], %broadcast_in_dim3A_2 {add = true} : memref<64xf32, #tpu.memory_space<vmem>>[vector<16xi32>], vector<16xf32>,
    %get3A_1088 = arith.constant 30 : i32
    %get3A_1089 = arith.index_cast %get3A_1088 : i32 to index
    %get3A_1090 = arith.constant 16 : index
    %get3A_1091 = tpu.vector_load %arg11[%get3A_1089, %get3A_1090] {strides = array<i32>} : memref<50x125xi32, #tpu.memory_space<vmem>>, vector<16xi32>,
    tpu.vector_store_idx %arg12[%get3A_1091], %broadcast_in_dim3A_2 {add = true} : memref<64xf32, #tpu.memory_space<vmem>>[vector<16xi32>], vector<16xf32>,
    %get3A_1092 = arith.constant 30 : i32
    %get3A_1093 = arith.index_cast %get3A_1092 : i32 to index
    %get3A_1094 = arith.constant 32 : index
    %get3A_1095 = tpu.vector_load %arg11[%get3A_1093, %get3A_1094] {strides = array<i32>} : memref<50x125xi32, #tpu.memory_space<vmem>>, vector<16xi32>,
    tpu.vector_store_idx %arg12[%get3A_1095], %broadcast_in_dim3A_2 {add = true} : memref<64xf32, #tpu.memory_space<vmem>>[vector<16xi32>], vector<16xf32>,
    %get3A_1096 = arith.constant 30 : i32
    %get3A_1097 = arith.index_cast %get3A_1096 : i32 to index
    %get3A_1098 = arith.constant 48 : index
    %get3A_1099 = tpu.vector_load %arg11[%get3A_1097, %get3A_1098] {strides = array<i32>} : memref<50x125xi32, #tpu.memory_space<vmem>>, vector<16xi32>,
    tpu.vector_store_idx %arg12[%get3A_1099], %broadcast_in_dim3A_2 {add = true} : memref<64xf32, #tpu.memory_space<vmem>>[vector<16xi32>], vector<16xf32>,
    %get3A_1100 = arith.constant 30 : i32
    %get3A_1101 = arith.index_cast %get3A_1100 : i32 to index
    %get3A_1102 = arith.constant 64 : index
    %get3A_1103 = tpu.vector_load %arg11[%get3A_1101, %get3A_1102] {strides = array<i32>} : memref<50x125xi32, #tpu.memory_space<vmem>>, vector<16xi32>,
    tpu.vector_store_idx %arg12[%get3A_1103], %broadcast_in_dim3A_2 {add = true} : memref<64xf32, #tpu.memory_space<vmem>>[vector<16xi32>], vector<16xf32>,
    %get3A_1104 = arith.constant 30 : i32
    %get3A_1105 = arith.index_cast %get3A_1104 : i32 to index
    %get3A_1106 = arith.constant 80 : index
    %get3A_1107 = tpu.vector_load %arg11[%get3A_1105, %get3A_1106] {strides = array<i32>} : memref<50x125xi32, #tpu.memory_space<vmem>>, vector<16xi32>,
    tpu.vector_store_idx %arg12[%get3A_1107], %broadcast_in_dim3A_2 {add = true} : memref<64xf32, #tpu.memory_space<vmem>>[vector<16xi32>], vector<16xf32>,
    %get3A_1108 = arith.constant 30 : i32
    %get3A_1109 = arith.index_cast %get3A_1108 : i32 to index
    %get3A_1110 = arith.constant 96 : index
    %get3A_1111 = tpu.vector_load %arg11[%get3A_1109, %get3A_1110] {strides = array<i32>} : memref<50x125xi32, #tpu.memory_space<vmem>>, vector<16xi32>,
    tpu.vector_store_idx %arg12[%get3A_1111], %broadcast_in_dim3A_2 {add = true} : memref<64xf32, #tpu.memory_space<vmem>>[vector<16xi32>], vector<16xf32>,
    %get3A_1112 = arith.constant 30 : i32
    %get3A_1113 = arith.index_cast %get3A_1112 : i32 to index
    %get3A_1114 = arith.constant 109 : index
    %get3A_1115 = tpu.vector_load %arg11[%get3A_1113, %get3A_1114] {strides = array<i32>} : memref<50x125xi32, #tpu.memory_space<vmem>>, vector<16xi32>,
    tpu.vector_store_idx %arg12[%get3A_1115], %broadcast_in_dim3A_2 masked %ge3A_124 {add = true} : memref<64xf32, #tpu.memory_space<vmem>>[vector<16xi32>], vector<16xf32>, vector<16xi1>
    %get3A_1116 = arith.constant 31 : i32
    %get3A_1117 = arith.index_cast %get3A_1116 : i32 to index
    %get3A_1118 = arith.constant 0 : index
    %get3A_1119 = tpu.vector_load %arg11[%get3A_1117, %get3A_1118] {strides = array<i32>} : memref<50x125xi32, #tpu.memory_space<vmem>>, vector<16xi32>,
    tpu.vector_store_idx %arg12[%get3A_1119], %broadcast_in_dim3A_2 {add = true} : memref<64xf32, #tpu.memory_space<vmem>>[vector<16xi32>], vector<16xf32>,
    %get3A_1120 = arith.constant 31 : i32
    %get3A_1121 = arith.index_cast %get3A_1120 : i32 to index
    %get3A_1122 = arith.constant 16 : index
    %get3A_1123 = tpu.vector_load %arg11[%get3A_1121, %get3A_1122] {strides = array<i32>} : memref<50x125xi32, #tpu.memory_space<vmem>>, vector<16xi32>,
    tpu.vector_store_idx %arg12[%get3A_1123], %broadcast_in_dim3A_2 {add = true} : memref<64xf32, #tpu.memory_space<vmem>>[vector<16xi32>], vector<16xf32>,
    %get3A_1124 = arith.constant 31 : i32
    %get3A_1125 = arith.index_cast %get3A_1124 : i32 to index
    %get3A_1126 = arith.constant 32 : index
    %get3A_1127 = tpu.vector_load %arg11[%get3A_1125, %get3A_1126] {strides = array<i32>} : memref<50x125xi32, #tpu.memory_space<vmem>>, vector<16xi32>,
    tpu.vector_store_idx %arg12[%get3A_1127], %broadcast_in_dim3A_2 {add = true} : memref<64xf32, #tpu.memory_space<vmem>>[vector<16xi32>], vector<16xf32>,
    %get3A_1128 = arith.constant 31 : i32
    %get3A_1129 = arith.index_cast %get3A_1128 : i32 to index
    %get3A_1130 = arith.constant 48 : index
    %get3A_1131 = tpu.vector_load %arg11[%get3A_1129, %get3A_1130] {strides = array<i32>} : memref<50x125xi32, #tpu.memory_space<vmem>>, vector<16xi32>,
    tpu.vector_store_idx %arg12[%get3A_1131], %broadcast_in_dim3A_2 {add = true} : memref<64xf32, #tpu.memory_space<vmem>>[vector<16xi32>], vector<16xf32>,
    %get3A_1132 = arith.constant 31 : i32
    %get3A_1133 = arith.index_cast %get3A_1132 : i32 to index
    %get3A_1134 = arith.constant 64 : index
    %get3A_1135 = tpu.vector_load %arg11[%get3A_1133, %get3A_1134] {strides = array<i32>} : memref<50x125xi32, #tpu.memory_space<vmem>>, vector<16xi32>,
    tpu.vector_store_idx %arg12[%get3A_1135], %broadcast_in_dim3A_2 {add = true} : memref<64xf32, #tpu.memory_space<vmem>>[vector<16xi32>], vector<16xf32>,
    %get3A_1136 = arith.constant 31 : i32
    %get3A_1137 = arith.index_cast %get3A_1136 : i32 to index
    %get3A_1138 = arith.constant 80 : index
    %get3A_1139 = tpu.vector_load %arg11[%get3A_1137, %get3A_1138] {strides = array<i32>} : memref<50x125xi32, #tpu.memory_space<vmem>>, vector<16xi32>,
    tpu.vector_store_idx %arg12[%get3A_1139], %broadcast_in_dim3A_2 {add = true} : memref<64xf32, #tpu.memory_space<vmem>>[vector<16xi32>], vector<16xf32>,
    %get3A_1140 = arith.constant 31 : i32
    %get3A_1141 = arith.index_cast %get3A_1140 : i32 to index
    %get3A_1142 = arith.constant 96 : index
    %get3A_1143 = tpu.vector_load %arg11[%get3A_1141, %get3A_1142] {strides = array<i32>} : memref<50x125xi32, #tpu.memory_space<vmem>>, vector<16xi32>,
    tpu.vector_store_idx %arg12[%get3A_1143], %broadcast_in_dim3A_2 {add = true} : memref<64xf32, #tpu.memory_space<vmem>>[vector<16xi32>], vector<16xf32>,
    %get3A_1144 = arith.constant 31 : i32
    %get3A_1145 = arith.index_cast %get3A_1144 : i32 to index
    %get3A_1146 = arith.constant 109 : index
    %get3A_1147 = tpu.vector_load %arg11[%get3A_1145, %get3A_1146] {strides = array<i32>} : memref<50x125xi32, #tpu.memory_space<vmem>>, vector<16xi32>,
    tpu.vector_store_idx %arg12[%get3A_1147], %broadcast_in_dim3A_2 masked %ge3A_124 {add = true} : memref<64xf32, #tpu.memory_space<vmem>>[vector<16xi32>], vector<16xf32>, vector<16xi1>
    %get3A_1148 = arith.constant 32 : i32
    %get3A_1149 = arith.index_cast %get3A_1148 : i32 to index
    %get3A_1150 = arith.constant 0 : index
    %get3A_1151 = tpu.vector_load %arg11[%get3A_1149, %get3A_1150] {strides = array<i32>} : memref<50x125xi32, #tpu.memory_space<vmem>>, vector<16xi32>,
    tpu.vector_store_idx %arg12[%get3A_1151], %broadcast_in_dim3A_2 {add = true} : memref<64xf32, #tpu.memory_space<vmem>>[vector<16xi32>], vector<16xf32>,
    %get3A_1152 = arith.constant 32 : i32
    %get3A_1153 = arith.index_cast %get3A_1152 : i32 to index
    %get3A_1154 = arith.constant 16 : index
    %get3A_1155 = tpu.vector_load %arg11[%get3A_1153, %get3A_1154] {strides = array<i32>} : memref<50x125xi32, #tpu.memory_space<vmem>>, vector<16xi32>,
    tpu.vector_store_idx %arg12[%get3A_1155], %broadcast_in_dim3A_2 {add = true} : memref<64xf32, #tpu.memory_space<vmem>>[vector<16xi32>], vector<16xf32>,
    %get3A_1156 = arith.constant 32 : i32
    %get3A_1157 = arith.index_cast %get3A_1156 : i32 to index
    %get3A_1158 = arith.constant 32 : index
    %get3A_1159 = tpu.vector_load %arg11[%get3A_1157, %get3A_1158] {strides = array<i32>} : memref<50x125xi32, #tpu.memory_space<vmem>>, vector<16xi32>,
    tpu.vector_store_idx %arg12[%get3A_1159], %broadcast_in_dim3A_2 {add = true} : memref<64xf32, #tpu.memory_space<vmem>>[vector<16xi32>], vector<16xf32>,
    %get3A_1160 = arith.constant 32 : i32
    %get3A_1161 = arith.index_cast %get3A_1160 : i32 to index
    %get3A_1162 = arith.constant 48 : index
    %get3A_1163 = tpu.vector_load %arg11[%get3A_1161, %get3A_1162] {strides = array<i32>} : memref<50x125xi32, #tpu.memory_space<vmem>>, vector<16xi32>,
    tpu.vector_store_idx %arg12[%get3A_1163], %broadcast_in_dim3A_2 {add = true} : memref<64xf32, #tpu.memory_space<vmem>>[vector<16xi32>], vector<16xf32>,
    %get3A_1164 = arith.constant 32 : i32
    %get3A_1165 = arith.index_cast %get3A_1164 : i32 to index
    %get3A_1166 = arith.constant 64 : index
    %get3A_1167 = tpu.vector_load %arg11[%get3A_1165, %get3A_1166] {strides = array<i32>} : memref<50x125xi32, #tpu.memory_space<vmem>>, vector<16xi32>,
    tpu.vector_store_idx %arg12[%get3A_1167], %broadcast_in_dim3A_2 {add = true} : memref<64xf32, #tpu.memory_space<vmem>>[vector<16xi32>], vector<16xf32>,
    %get3A_1168 = arith.constant 32 : i32
    %get3A_1169 = arith.index_cast %get3A_1168 : i32 to index
    %get3A_1170 = arith.constant 80 : index
    %get3A_1171 = tpu.vector_load %arg11[%get3A_1169, %get3A_1170] {strides = array<i32>} : memref<50x125xi32, #tpu.memory_space<vmem>>, vector<16xi32>,
    tpu.vector_store_idx %arg12[%get3A_1171], %broadcast_in_dim3A_2 {add = true} : memref<64xf32, #tpu.memory_space<vmem>>[vector<16xi32>], vector<16xf32>,
    %get3A_1172 = arith.constant 32 : i32
    %get3A_1173 = arith.index_cast %get3A_1172 : i32 to index
    %get3A_1174 = arith.constant 96 : index
    %get3A_1175 = tpu.vector_load %arg11[%get3A_1173, %get3A_1174] {strides = array<i32>} : memref<50x125xi32, #tpu.memory_space<vmem>>, vector<16xi32>,
    tpu.vector_store_idx %arg12[%get3A_1175], %broadcast_in_dim3A_2 {add = true} : memref<64xf32, #tpu.memory_space<vmem>>[vector<16xi32>], vector<16xf32>,
    %get3A_1176 = arith.constant 32 : i32
    %get3A_1177 = arith.index_cast %get3A_1176 : i32 to index
    %get3A_1178 = arith.constant 109 : index
    %get3A_1179 = tpu.vector_load %arg11[%get3A_1177, %get3A_1178] {strides = array<i32>} : memref<50x125xi32, #tpu.memory_space<vmem>>, vector<16xi32>,
    tpu.vector_store_idx %arg12[%get3A_1179], %broadcast_in_dim3A_2 masked %ge3A_124 {add = true} : memref<64xf32, #tpu.memory_space<vmem>>[vector<16xi32>], vector<16xf32>, vector<16xi1>
    %get3A_1180 = arith.constant 33 : i32
    %get3A_1181 = arith.index_cast %get3A_1180 : i32 to index
    %get3A_1182 = arith.constant 0 : index
    %get3A_1183 = tpu.vector_load %arg11[%get3A_1181, %get3A_1182] {strides = array<i32>} : memref<50x125xi32, #tpu.memory_space<vmem>>, vector<16xi32>,
    tpu.vector_store_idx %arg12[%get3A_1183], %broadcast_in_dim3A_2 {add = true} : memref<64xf32, #tpu.memory_space<vmem>>[vector<16xi32>], vector<16xf32>,
    %get3A_1184 = arith.constant 33 : i32
    %get3A_1185 = arith.index_cast %get3A_1184 : i32 to index
    %get3A_1186 = arith.constant 16 : index
    %get3A_1187 = tpu.vector_load %arg11[%get3A_1185, %get3A_1186] {strides = array<i32>} : memref<50x125xi32, #tpu.memory_space<vmem>>, vector<16xi32>,
    tpu.vector_store_idx %arg12[%get3A_1187], %broadcast_in_dim3A_2 {add = true} : memref<64xf32, #tpu.memory_space<vmem>>[vector<16xi32>], vector<16xf32>,
    %get3A_1188 = arith.constant 33 : i32
    %get3A_1189 = arith.index_cast %get3A_1188 : i32 to index
    %get3A_1190 = arith.constant 32 : index
    %get3A_1191 = tpu.vector_load %arg11[%get3A_1189, %get3A_1190] {strides = array<i32>} : memref<50x125xi32, #tpu.memory_space<vmem>>, vector<16xi32>,
    tpu.vector_store_idx %arg12[%get3A_1191], %broadcast_in_dim3A_2 {add = true} : memref<64xf32, #tpu.memory_space<vmem>>[vector<16xi32>], vector<16xf32>,
    %get3A_1192 = arith.constant 33 : i32
    %get3A_1193 = arith.index_cast %get3A_1192 : i32 to index
    %get3A_1194 = arith.constant 48 : index
    %get3A_1195 = tpu.vector_load %arg11[%get3A_1193, %get3A_1194] {strides = array<i32>} : memref<50x125xi32, #tpu.memory_space<vmem>>, vector<16xi32>,
    tpu.vector_store_idx %arg12[%get3A_1195], %broadcast_in_dim3A_2 {add = true} : memref<64xf32, #tpu.memory_space<vmem>>[vector<16xi32>], vector<16xf32>,
    %get3A_1196 = arith.constant 33 : i32
    %get3A_1197 = arith.index_cast %get3A_1196 : i32 to index
    %get3A_1198 = arith.constant 64 : index
    %get3A_1199 = tpu.vector_load %arg11[%get3A_1197, %get3A_1198] {strides = array<i32>} : memref<50x125xi32, #tpu.memory_space<vmem>>, vector<16xi32>,
    tpu.vector_store_idx %arg12[%get3A_1199], %broadcast_in_dim3A_2 {add = true} : memref<64xf32, #tpu.memory_space<vmem>>[vector<16xi32>], vector<16xf32>,
    %get3A_1200 = arith.constant 33 : i32
    %get3A_1201 = arith.index_cast %get3A_1200 : i32 to index
    %get3A_1202 = arith.constant 80 : index
    %get3A_1203 = tpu.vector_load %arg11[%get3A_1201, %get3A_1202] {strides = array<i32>} : memref<50x125xi32, #tpu.memory_space<vmem>>, vector<16xi32>,
    tpu.vector_store_idx %arg12[%get3A_1203], %broadcast_in_dim3A_2 {add = true} : memref<64xf32, #tpu.memory_space<vmem>>[vector<16xi32>], vector<16xf32>,
    %get3A_1204 = arith.constant 33 : i32
    %get3A_1205 = arith.index_cast %get3A_1204 : i32 to index
    %get3A_1206 = arith.constant 96 : index
    %get3A_1207 = tpu.vector_load %arg11[%get3A_1205, %get3A_1206] {strides = array<i32>} : memref<50x125xi32, #tpu.memory_space<vmem>>, vector<16xi32>,
    tpu.vector_store_idx %arg12[%get3A_1207], %broadcast_in_dim3A_2 {add = true} : memref<64xf32, #tpu.memory_space<vmem>>[vector<16xi32>], vector<16xf32>,
    %get3A_1208 = arith.constant 33 : i32
    %get3A_1209 = arith.index_cast %get3A_1208 : i32 to index
    %get3A_1210 = arith.constant 109 : index
    %get3A_1211 = tpu.vector_load %arg11[%get3A_1209, %get3A_1210] {strides = array<i32>} : memref<50x125xi32, #tpu.memory_space<vmem>>, vector<16xi32>,
    tpu.vector_store_idx %arg12[%get3A_1211], %broadcast_in_dim3A_2 masked %ge3A_124 {add = true} : memref<64xf32, #tpu.memory_space<vmem>>[vector<16xi32>], vector<16xf32>, vector<16xi1>
    %get3A_1212 = arith.constant 34 : i32
    %get3A_1213 = arith.index_cast %get3A_1212 : i32 to index
    %get3A_1214 = arith.constant 0 : index
    %get3A_1215 = tpu.vector_load %arg11[%get3A_1213, %get3A_1214] {strides = array<i32>} : memref<50x125xi32, #tpu.memory_space<vmem>>, vector<16xi32>,
    tpu.vector_store_idx %arg12[%get3A_1215], %broadcast_in_dim3A_2 {add = true} : memref<64xf32, #tpu.memory_space<vmem>>[vector<16xi32>], vector<16xf32>,
    %get3A_1216 = arith.constant 34 : i32
    %get3A_1217 = arith.index_cast %get3A_1216 : i32 to index
    %get3A_1218 = arith.constant 16 : index
    %get3A_1219 = tpu.vector_load %arg11[%get3A_1217, %get3A_1218] {strides = array<i32>} : memref<50x125xi32, #tpu.memory_space<vmem>>, vector<16xi32>,
    tpu.vector_store_idx %arg12[%get3A_1219], %broadcast_in_dim3A_2 {add = true} : memref<64xf32, #tpu.memory_space<vmem>>[vector<16xi32>], vector<16xf32>,
    %get3A_1220 = arith.constant 34 : i32
    %get3A_1221 = arith.index_cast %get3A_1220 : i32 to index
    %get3A_1222 = arith.constant 32 : index
    %get3A_1223 = tpu.vector_load %arg11[%get3A_1221, %get3A_1222] {strides = array<i32>} : memref<50x125xi32, #tpu.memory_space<vmem>>, vector<16xi32>,
    tpu.vector_store_idx %arg12[%get3A_1223], %broadcast_in_dim3A_2 {add = true} : memref<64xf32, #tpu.memory_space<vmem>>[vector<16xi32>], vector<16xf32>,
    %get3A_1224 = arith.constant 34 : i32
    %get3A_1225 = arith.index_cast %get3A_1224 : i32 to index
    %get3A_1226 = arith.constant 48 : index
    %get3A_1227 = tpu.vector_load %arg11[%get3A_1225, %get3A_1226] {strides = array<i32>} : memref<50x125xi32, #tpu.memory_space<vmem>>, vector<16xi32>,
    tpu.vector_store_idx %arg12[%get3A_1227], %broadcast_in_dim3A_2 {add = true} : memref<64xf32, #tpu.memory_space<vmem>>[vector<16xi32>], vector<16xf32>,
    %get3A_1228 = arith.constant 34 : i32
    %get3A_1229 = arith.index_cast %get3A_1228 : i32 to index
    %get3A_1230 = arith.constant 64 : index
    %get3A_1231 = tpu.vector_load %arg11[%get3A_1229, %get3A_1230] {strides = array<i32>} : memref<50x125xi32, #tpu.memory_space<vmem>>, vector<16xi32>,
    tpu.vector_store_idx %arg12[%get3A_1231], %broadcast_in_dim3A_2 {add = true} : memref<64xf32, #tpu.memory_space<vmem>>[vector<16xi32>], vector<16xf32>,
    %get3A_1232 = arith.constant 34 : i32
    %get3A_1233 = arith.index_cast %get3A_1232 : i32 to index
    %get3A_1234 = arith.constant 80 : index
    %get3A_1235 = tpu.vector_load %arg11[%get3A_1233, %get3A_1234] {strides = array<i32>} : memref<50x125xi32, #tpu.memory_space<vmem>>, vector<16xi32>,
    tpu.vector_store_idx %arg12[%get3A_1235], %broadcast_in_dim3A_2 {add = true} : memref<64xf32, #tpu.memory_space<vmem>>[vector<16xi32>], vector<16xf32>,
    %get3A_1236 = arith.constant 34 : i32
    %get3A_1237 = arith.index_cast %get3A_1236 : i32 to index
    %get3A_1238 = arith.constant 96 : index
    %get3A_1239 = tpu.vector_load %arg11[%get3A_1237, %get3A_1238] {strides = array<i32>} : memref<50x125xi32, #tpu.memory_space<vmem>>, vector<16xi32>,
    tpu.vector_store_idx %arg12[%get3A_1239], %broadcast_in_dim3A_2 {add = true} : memref<64xf32, #tpu.memory_space<vmem>>[vector<16xi32>], vector<16xf32>,
    %get3A_1240 = arith.constant 34 : i32
    %get3A_1241 = arith.index_cast %get3A_1240 : i32 to index
    %get3A_1242 = arith.constant 109 : index
    %get3A_1243 = tpu.vector_load %arg11[%get3A_1241, %get3A_1242] {strides = array<i32>} : memref<50x125xi32, #tpu.memory_space<vmem>>, vector<16xi32>,
    tpu.vector_store_idx %arg12[%get3A_1243], %broadcast_in_dim3A_2 masked %ge3A_124 {add = true} : memref<64xf32, #tpu.memory_space<vmem>>[vector<16xi32>], vector<16xf32>, vector<16xi1>
    %get3A_1244 = arith.constant 35 : i32
    %get3A_1245 = arith.index_cast %get3A_1244 : i32 to index
    %get3A_1246 = arith.constant 0 : index
    %get3A_1247 = tpu.vector_load %arg11[%get3A_1245, %get3A_1246] {strides = array<i32>} : memref<50x125xi32, #tpu.memory_space<vmem>>, vector<16xi32>,
    tpu.vector_store_idx %arg12[%get3A_1247], %broadcast_in_dim3A_2 {add = true} : memref<64xf32, #tpu.memory_space<vmem>>[vector<16xi32>], vector<16xf32>,
    %get3A_1248 = arith.constant 35 : i32
    %get3A_1249 = arith.index_cast %get3A_1248 : i32 to index
    %get3A_1250 = arith.constant 16 : index
    %get3A_1251 = tpu.vector_load %arg11[%get3A_1249, %get3A_1250] {strides = array<i32>} : memref<50x125xi32, #tpu.memory_space<vmem>>, vector<16xi32>,
    tpu.vector_store_idx %arg12[%get3A_1251], %broadcast_in_dim3A_2 {add = true} : memref<64xf32, #tpu.memory_space<vmem>>[vector<16xi32>], vector<16xf32>,
    %get3A_1252 = arith.constant 35 : i32
    %get3A_1253 = arith.index_cast %get3A_1252 : i32 to index
    %get3A_1254 = arith.constant 32 : index
    %get3A_1255 = tpu.vector_load %arg11[%get3A_1253, %get3A_1254] {strides = array<i32>} : memref<50x125xi32, #tpu.memory_space<vmem>>, vector<16xi32>,
    tpu.vector_store_idx %arg12[%get3A_1255], %broadcast_in_dim3A_2 {add = true} : memref<64xf32, #tpu.memory_space<vmem>>[vector<16xi32>], vector<16xf32>,
    %get3A_1256 = arith.constant 35 : i32
    %get3A_1257 = arith.index_cast %get3A_1256 : i32 to index
    %get3A_1258 = arith.constant 48 : index
    %get3A_1259 = tpu.vector_load %arg11[%get3A_1257, %get3A_1258] {strides = array<i32>} : memref<50x125xi32, #tpu.memory_space<vmem>>, vector<16xi32>,
    tpu.vector_store_idx %arg12[%get3A_1259], %broadcast_in_dim3A_2 {add = true} : memref<64xf32, #tpu.memory_space<vmem>>[vector<16xi32>], vector<16xf32>,
    %get3A_1260 = arith.constant 35 : i32
    %get3A_1261 = arith.index_cast %get3A_1260 : i32 to index
    %get3A_1262 = arith.constant 64 : index
    %get3A_1263 = tpu.vector_load %arg11[%get3A_1261, %get3A_1262] {strides = array<i32>} : memref<50x125xi32, #tpu.memory_space<vmem>>, vector<16xi32>,
    tpu.vector_store_idx %arg12[%get3A_1263], %broadcast_in_dim3A_2 {add = true} : memref<64xf32, #tpu.memory_space<vmem>>[vector<16xi32>], vector<16xf32>,
    %get3A_1264 = arith.constant 35 : i32
    %get3A_1265 = arith.index_cast %get3A_1264 : i32 to index
    %get3A_1266 = arith.constant 80 : index
    %get3A_1267 = tpu.vector_load %arg11[%get3A_1265, %get3A_1266] {strides = array<i32>} : memref<50x125xi32, #tpu.memory_space<vmem>>, vector<16xi32>,
    tpu.vector_store_idx %arg12[%get3A_1267], %broadcast_in_dim3A_2 {add = true} : memref<64xf32, #tpu.memory_space<vmem>>[vector<16xi32>], vector<16xf32>,
    %get3A_1268 = arith.constant 35 : i32
    %get3A_1269 = arith.index_cast %get3A_1268 : i32 to index
    %get3A_1270 = arith.constant 96 : index
    %get3A_1271 = tpu.vector_load %arg11[%get3A_1269, %get3A_1270] {strides = array<i32>} : memref<50x125xi32, #tpu.memory_space<vmem>>, vector<16xi32>,
    tpu.vector_store_idx %arg12[%get3A_1271], %broadcast_in_dim3A_2 {add = true} : memref<64xf32, #tpu.memory_space<vmem>>[vector<16xi32>], vector<16xf32>,
    %get3A_1272 = arith.constant 35 : i32
    %get3A_1273 = arith.index_cast %get3A_1272 : i32 to index
    %get3A_1274 = arith.constant 109 : index
    %get3A_1275 = tpu.vector_load %arg11[%get3A_1273, %get3A_1274] {strides = array<i32>} : memref<50x125xi32, #tpu.memory_space<vmem>>, vector<16xi32>,
    tpu.vector_store_idx %arg12[%get3A_1275], %broadcast_in_dim3A_2 masked %ge3A_124 {add = true} : memref<64xf32, #tpu.memory_space<vmem>>[vector<16xi32>], vector<16xf32>, vector<16xi1>
    %get3A_1276 = arith.constant 36 : i32
    %get3A_1277 = arith.index_cast %get3A_1276 : i32 to index
    %get3A_1278 = arith.constant 0 : index
    %get3A_1279 = tpu.vector_load %arg11[%get3A_1277, %get3A_1278] {strides = array<i32>} : memref<50x125xi32, #tpu.memory_space<vmem>>, vector<16xi32>,
    tpu.vector_store_idx %arg12[%get3A_1279], %broadcast_in_dim3A_2 {add = true} : memref<64xf32, #tpu.memory_space<vmem>>[vector<16xi32>], vector<16xf32>,
    %get3A_1280 = arith.constant 36 : i32
    %get3A_1281 = arith.index_cast %get3A_1280 : i32 to index
    %get3A_1282 = arith.constant 16 : index
    %get3A_1283 = tpu.vector_load %arg11[%get3A_1281, %get3A_1282] {strides = array<i32>} : memref<50x125xi32, #tpu.memory_space<vmem>>, vector<16xi32>,
    tpu.vector_store_idx %arg12[%get3A_1283], %broadcast_in_dim3A_2 {add = true} : memref<64xf32, #tpu.memory_space<vmem>>[vector<16xi32>], vector<16xf32>,
    %get3A_1284 = arith.constant 36 : i32
    %get3A_1285 = arith.index_cast %get3A_1284 : i32 to index
    %get3A_1286 = arith.constant 32 : index
    %get3A_1287 = tpu.vector_load %arg11[%get3A_1285, %get3A_1286] {strides = array<i32>} : memref<50x125xi32, #tpu.memory_space<vmem>>, vector<16xi32>,
    tpu.vector_store_idx %arg12[%get3A_1287], %broadcast_in_dim3A_2 {add = true} : memref<64xf32, #tpu.memory_space<vmem>>[vector<16xi32>], vector<16xf32>,
    %get3A_1288 = arith.constant 36 : i32
    %get3A_1289 = arith.index_cast %get3A_1288 : i32 to index
    %get3A_1290 = arith.constant 48 : index
    %get3A_1291 = tpu.vector_load %arg11[%get3A_1289, %get3A_1290] {strides = array<i32>} : memref<50x125xi32, #tpu.memory_space<vmem>>, vector<16xi32>,
    tpu.vector_store_idx %arg12[%get3A_1291], %broadcast_in_dim3A_2 {add = true} : memref<64xf32, #tpu.memory_space<vmem>>[vector<16xi32>], vector<16xf32>,
    %get3A_1292 = arith.constant 36 : i32
    %get3A_1293 = arith.index_cast %get3A_1292 : i32 to index
    %get3A_1294 = arith.constant 64 : index
    %get3A_1295 = tpu.vector_load %arg11[%get3A_1293, %get3A_1294] {strides = array<i32>} : memref<50x125xi32, #tpu.memory_space<vmem>>, vector<16xi32>,
    tpu.vector_store_idx %arg12[%get3A_1295], %broadcast_in_dim3A_2 {add = true} : memref<64xf32, #tpu.memory_space<vmem>>[vector<16xi32>], vector<16xf32>,
    %get3A_1296 = arith.constant 36 : i32
    %get3A_1297 = arith.index_cast %get3A_1296 : i32 to index
    %get3A_1298 = arith.constant 80 : index
    %get3A_1299 = tpu.vector_load %arg11[%get3A_1297, %get3A_1298] {strides = array<i32>} : memref<50x125xi32, #tpu.memory_space<vmem>>, vector<16xi32>,
    tpu.vector_store_idx %arg12[%get3A_1299], %broadcast_in_dim3A_2 {add = true} : memref<64xf32, #tpu.memory_space<vmem>>[vector<16xi32>], vector<16xf32>,
    %get3A_1300 = arith.constant 36 : i32
    %get3A_1301 = arith.index_cast %get3A_1300 : i32 to index
    %get3A_1302 = arith.constant 96 : index
    %get3A_1303 = tpu.vector_load %arg11[%get3A_1301, %get3A_1302] {strides = array<i32>} : memref<50x125xi32, #tpu.memory_space<vmem>>, vector<16xi32>,
    tpu.vector_store_idx %arg12[%get3A_1303], %broadcast_in_dim3A_2 {add = true} : memref<64xf32, #tpu.memory_space<vmem>>[vector<16xi32>], vector<16xf32>,
    %get3A_1304 = arith.constant 36 : i32
    %get3A_1305 = arith.index_cast %get3A_1304 : i32 to index
    %get3A_1306 = arith.constant 109 : index
    %get3A_1307 = tpu.vector_load %arg11[%get3A_1305, %get3A_1306] {strides = array<i32>} : memref<50x125xi32, #tpu.memory_space<vmem>>, vector<16xi32>,
    tpu.vector_store_idx %arg12[%get3A_1307], %broadcast_in_dim3A_2 masked %ge3A_124 {add = true} : memref<64xf32, #tpu.memory_space<vmem>>[vector<16xi32>], vector<16xf32>, vector<16xi1>
    %get3A_1308 = arith.constant 37 : i32
    %get3A_1309 = arith.index_cast %get3A_1308 : i32 to index
    %get3A_1310 = arith.constant 0 : index
    %get3A_1311 = tpu.vector_load %arg11[%get3A_1309, %get3A_1310] {strides = array<i32>} : memref<50x125xi32, #tpu.memory_space<vmem>>, vector<16xi32>,
    tpu.vector_store_idx %arg12[%get3A_1311], %broadcast_in_dim3A_2 {add = true} : memref<64xf32, #tpu.memory_space<vmem>>[vector<16xi32>], vector<16xf32>,
    %get3A_1312 = arith.constant 37 : i32
    %get3A_1313 = arith.index_cast %get3A_1312 : i32 to index
    %get3A_1314 = arith.constant 16 : index
    %get3A_1315 = tpu.vector_load %arg11[%get3A_1313, %get3A_1314] {strides = array<i32>} : memref<50x125xi32, #tpu.memory_space<vmem>>, vector<16xi32>,
    tpu.vector_store_idx %arg12[%get3A_1315], %broadcast_in_dim3A_2 {add = true} : memref<64xf32, #tpu.memory_space<vmem>>[vector<16xi32>], vector<16xf32>,
    %get3A_1316 = arith.constant 37 : i32
    %get3A_1317 = arith.index_cast %get3A_1316 : i32 to index
    %get3A_1318 = arith.constant 32 : index
    %get3A_1319 = tpu.vector_load %arg11[%get3A_1317, %get3A_1318] {strides = array<i32>} : memref<50x125xi32, #tpu.memory_space<vmem>>, vector<16xi32>,
    tpu.vector_store_idx %arg12[%get3A_1319], %broadcast_in_dim3A_2 {add = true} : memref<64xf32, #tpu.memory_space<vmem>>[vector<16xi32>], vector<16xf32>,
    %get3A_1320 = arith.constant 37 : i32
    %get3A_1321 = arith.index_cast %get3A_1320 : i32 to index
    %get3A_1322 = arith.constant 48 : index
    %get3A_1323 = tpu.vector_load %arg11[%get3A_1321, %get3A_1322] {strides = array<i32>} : memref<50x125xi32, #tpu.memory_space<vmem>>, vector<16xi32>,
    tpu.vector_store_idx %arg12[%get3A_1323], %broadcast_in_dim3A_2 {add = true} : memref<64xf32, #tpu.memory_space<vmem>>[vector<16xi32>], vector<16xf32>,
    %get3A_1324 = arith.constant 37 : i32
    %get3A_1325 = arith.index_cast %get3A_1324 : i32 to index
    %get3A_1326 = arith.constant 64 : index
    %get3A_1327 = tpu.vector_load %arg11[%get3A_1325, %get3A_1326] {strides = array<i32>} : memref<50x125xi32, #tpu.memory_space<vmem>>, vector<16xi32>,
    tpu.vector_store_idx %arg12[%get3A_1327], %broadcast_in_dim3A_2 {add = true} : memref<64xf32, #tpu.memory_space<vmem>>[vector<16xi32>], vector<16xf32>,
    %get3A_1328 = arith.constant 37 : i32
    %get3A_1329 = arith.index_cast %get3A_1328 : i32 to index
    %get3A_1330 = arith.constant 80 : index
    %get3A_1331 = tpu.vector_load %arg11[%get3A_1329, %get3A_1330] {strides = array<i32>} : memref<50x125xi32, #tpu.memory_space<vmem>>, vector<16xi32>,
    tpu.vector_store_idx %arg12[%get3A_1331], %broadcast_in_dim3A_2 {add = true} : memref<64xf32, #tpu.memory_space<vmem>>[vector<16xi32>], vector<16xf32>,
    %get3A_1332 = arith.constant 37 : i32
    %get3A_1333 = arith.index_cast %get3A_1332 : i32 to index
    %get3A_1334 = arith.constant 96 : index
    %get3A_1335 = tpu.vector_load %arg11[%get3A_1333, %get3A_1334] {strides = array<i32>} : memref<50x125xi32, #tpu.memory_space<vmem>>, vector<16xi32>,
    tpu.vector_store_idx %arg12[%get3A_1335], %broadcast_in_dim3A_2 {add = true} : memref<64xf32, #tpu.memory_space<vmem>>[vector<16xi32>], vector<16xf32>,
    %get3A_1336 = arith.constant 37 : i32
    %get3A_1337 = arith.index_cast %get3A_1336 : i32 to index
    %get3A_1338 = arith.constant 109 : index
    %get3A_1339 = tpu.vector_load %arg11[%get3A_1337, %get3A_1338] {strides = array<i32>} : memref<50x125xi32, #tpu.memory_space<vmem>>, vector<16xi32>,
    tpu.vector_store_idx %arg12[%get3A_1339], %broadcast_in_dim3A_2 masked %ge3A_124 {add = true} : memref<64xf32, #tpu.memory_space<vmem>>[vector<16xi32>], vector<16xf32>, vector<16xi1>
    %get3A_1340 = arith.constant 38 : i32
    %get3A_1341 = arith.index_cast %get3A_1340 : i32 to index
    %get3A_1342 = arith.constant 0 : index
    %get3A_1343 = tpu.vector_load %arg11[%get3A_1341, %get3A_1342] {strides = array<i32>} : memref<50x125xi32, #tpu.memory_space<vmem>>, vector<16xi32>,
    tpu.vector_store_idx %arg12[%get3A_1343], %broadcast_in_dim3A_2 {add = true} : memref<64xf32, #tpu.memory_space<vmem>>[vector<16xi32>], vector<16xf32>,
    %get3A_1344 = arith.constant 38 : i32
    %get3A_1345 = arith.index_cast %get3A_1344 : i32 to index
    %get3A_1346 = arith.constant 16 : index
    %get3A_1347 = tpu.vector_load %arg11[%get3A_1345, %get3A_1346] {strides = array<i32>} : memref<50x125xi32, #tpu.memory_space<vmem>>, vector<16xi32>,
    tpu.vector_store_idx %arg12[%get3A_1347], %broadcast_in_dim3A_2 {add = true} : memref<64xf32, #tpu.memory_space<vmem>>[vector<16xi32>], vector<16xf32>,
    %get3A_1348 = arith.constant 38 : i32
    %get3A_1349 = arith.index_cast %get3A_1348 : i32 to index
    %get3A_1350 = arith.constant 32 : index
    %get3A_1351 = tpu.vector_load %arg11[%get3A_1349, %get3A_1350] {strides = array<i32>} : memref<50x125xi32, #tpu.memory_space<vmem>>, vector<16xi32>,
    tpu.vector_store_idx %arg12[%get3A_1351], %broadcast_in_dim3A_2 {add = true} : memref<64xf32, #tpu.memory_space<vmem>>[vector<16xi32>], vector<16xf32>,
    %get3A_1352 = arith.constant 38 : i32
    %get3A_1353 = arith.index_cast %get3A_1352 : i32 to index
    %get3A_1354 = arith.constant 48 : index
    %get3A_1355 = tpu.vector_load %arg11[%get3A_1353, %get3A_1354] {strides = array<i32>} : memref<50x125xi32, #tpu.memory_space<vmem>>, vector<16xi32>,
    tpu.vector_store_idx %arg12[%get3A_1355], %broadcast_in_dim3A_2 {add = true} : memref<64xf32, #tpu.memory_space<vmem>>[vector<16xi32>], vector<16xf32>,
    %get3A_1356 = arith.constant 38 : i32
    %get3A_1357 = arith.index_cast %get3A_1356 : i32 to index
    %get3A_1358 = arith.constant 64 : index
    %get3A_1359 = tpu.vector_load %arg11[%get3A_1357, %get3A_1358] {strides = array<i32>} : memref<50x125xi32, #tpu.memory_space<vmem>>, vector<16xi32>,
    tpu.vector_store_idx %arg12[%get3A_1359], %broadcast_in_dim3A_2 {add = true} : memref<64xf32, #tpu.memory_space<vmem>>[vector<16xi32>], vector<16xf32>,
    %get3A_1360 = arith.constant 38 : i32
    %get3A_1361 = arith.index_cast %get3A_1360 : i32 to index
    %get3A_1362 = arith.constant 80 : index
    %get3A_1363 = tpu.vector_load %arg11[%get3A_1361, %get3A_1362] {strides = array<i32>} : memref<50x125xi32, #tpu.memory_space<vmem>>, vector<16xi32>,
    tpu.vector_store_idx %arg12[%get3A_1363], %broadcast_in_dim3A_2 {add = true} : memref<64xf32, #tpu.memory_space<vmem>>[vector<16xi32>], vector<16xf32>,
    %get3A_1364 = arith.constant 38 : i32
    %get3A_1365 = arith.index_cast %get3A_1364 : i32 to index
    %get3A_1366 = arith.constant 96 : index
    %get3A_1367 = tpu.vector_load %arg11[%get3A_1365, %get3A_1366] {strides = array<i32>} : memref<50x125xi32, #tpu.memory_space<vmem>>, vector<16xi32>,
    tpu.vector_store_idx %arg12[%get3A_1367], %broadcast_in_dim3A_2 {add = true} : memref<64xf32, #tpu.memory_space<vmem>>[vector<16xi32>], vector<16xf32>,
    %get3A_1368 = arith.constant 38 : i32
    %get3A_1369 = arith.index_cast %get3A_1368 : i32 to index
    %get3A_1370 = arith.constant 109 : index
    %get3A_1371 = tpu.vector_load %arg11[%get3A_1369, %get3A_1370] {strides = array<i32>} : memref<50x125xi32, #tpu.memory_space<vmem>>, vector<16xi32>,
    tpu.vector_store_idx %arg12[%get3A_1371], %broadcast_in_dim3A_2 masked %ge3A_124 {add = true} : memref<64xf32, #tpu.memory_space<vmem>>[vector<16xi32>], vector<16xf32>, vector<16xi1>
    %get3A_1372 = arith.constant 39 : i32
    %get3A_1373 = arith.index_cast %get3A_1372 : i32 to index
    %get3A_1374 = arith.constant 0 : index
    %get3A_1375 = tpu.vector_load %arg11[%get3A_1373, %get3A_1374] {strides = array<i32>} : memref<50x125xi32, #tpu.memory_space<vmem>>, vector<16xi32>,
    tpu.vector_store_idx %arg12[%get3A_1375], %broadcast_in_dim3A_2 {add = true} : memref<64xf32, #tpu.memory_space<vmem>>[vector<16xi32>], vector<16xf32>,
    %get3A_1376 = arith.constant 39 : i32
    %get3A_1377 = arith.index_cast %get3A_1376 : i32 to index
    %get3A_1378 = arith.constant 16 : index
    %get3A_1379 = tpu.vector_load %arg11[%get3A_1377, %get3A_1378] {strides = array<i32>} : memref<50x125xi32, #tpu.memory_space<vmem>>, vector<16xi32>,
    tpu.vector_store_idx %arg12[%get3A_1379], %broadcast_in_dim3A_2 {add = true} : memref<64xf32, #tpu.memory_space<vmem>>[vector<16xi32>], vector<16xf32>,
    %get3A_1380 = arith.constant 39 : i32
    %get3A_1381 = arith.index_cast %get3A_1380 : i32 to index
    %get3A_1382 = arith.constant 32 : index
    %get3A_1383 = tpu.vector_load %arg11[%get3A_1381, %get3A_1382] {strides = array<i32>} : memref<50x125xi32, #tpu.memory_space<vmem>>, vector<16xi32>,
    tpu.vector_store_idx %arg12[%get3A_1383], %broadcast_in_dim3A_2 {add = true} : memref<64xf32, #tpu.memory_space<vmem>>[vector<16xi32>], vector<16xf32>,
    %get3A_1384 = arith.constant 39 : i32
    %get3A_1385 = arith.index_cast %get3A_1384 : i32 to index
    %get3A_1386 = arith.constant 48 : index
    %get3A_1387 = tpu.vector_load %arg11[%get3A_1385, %get3A_1386] {strides = array<i32>} : memref<50x125xi32, #tpu.memory_space<vmem>>, vector<16xi32>,
    tpu.vector_store_idx %arg12[%get3A_1387], %broadcast_in_dim3A_2 {add = true} : memref<64xf32, #tpu.memory_space<vmem>>[vector<16xi32>], vector<16xf32>,
    %get3A_1388 = arith.constant 39 : i32
    %get3A_1389 = arith.index_cast %get3A_1388 : i32 to index
    %get3A_1390 = arith.constant 64 : index
    %get3A_1391 = tpu.vector_load %arg11[%get3A_1389, %get3A_1390] {strides = array<i32>} : memref<50x125xi32, #tpu.memory_space<vmem>>, vector<16xi32>,
    tpu.vector_store_idx %arg12[%get3A_1391], %broadcast_in_dim3A_2 {add = true} : memref<64xf32, #tpu.memory_space<vmem>>[vector<16xi32>], vector<16xf32>,
    %get3A_1392 = arith.constant 39 : i32
    %get3A_1393 = arith.index_cast %get3A_1392 : i32 to index
    %get3A_1394 = arith.constant 80 : index
    %get3A_1395 = tpu.vector_load %arg11[%get3A_1393, %get3A_1394] {strides = array<i32>} : memref<50x125xi32, #tpu.memory_space<vmem>>, vector<16xi32>,
    tpu.vector_store_idx %arg12[%get3A_1395], %broadcast_in_dim3A_2 {add = true} : memref<64xf32, #tpu.memory_space<vmem>>[vector<16xi32>], vector<16xf32>,
    %get3A_1396 = arith.constant 39 : i32
    %get3A_1397 = arith.index_cast %get3A_1396 : i32 to index
    %get3A_1398 = arith.constant 96 : index
    %get3A_1399 = tpu.vector_load %arg11[%get3A_1397, %get3A_1398] {strides = array<i32>} : memref<50x125xi32, #tpu.memory_space<vmem>>, vector<16xi32>,
    tpu.vector_store_idx %arg12[%get3A_1399], %broadcast_in_dim3A_2 {add = true} : memref<64xf32, #tpu.memory_space<vmem>>[vector<16xi32>], vector<16xf32>,
    %get3A_1400 = arith.constant 39 : i32
    %get3A_1401 = arith.index_cast %get3A_1400 : i32 to index
    %get3A_1402 = arith.constant 109 : index
    %get3A_1403 = tpu.vector_load %arg11[%get3A_1401, %get3A_1402] {strides = array<i32>} : memref<50x125xi32, #tpu.memory_space<vmem>>, vector<16xi32>,
    tpu.vector_store_idx %arg12[%get3A_1403], %broadcast_in_dim3A_2 masked %ge3A_124 {add = true} : memref<64xf32, #tpu.memory_space<vmem>>[vector<16xi32>], vector<16xf32>, vector<16xi1>
    %get3A_1404 = arith.constant 40 : i32
    %get3A_1405 = arith.index_cast %get3A_1404 : i32 to index
    %get3A_1406 = arith.constant 0 : index
    %get3A_1407 = tpu.vector_load %arg11[%get3A_1405, %get3A_1406] {strides = array<i32>} : memref<50x125xi32, #tpu.memory_space<vmem>>, vector<16xi32>,
    tpu.vector_store_idx %arg12[%get3A_1407], %broadcast_in_dim3A_2 {add = true} : memref<64xf32, #tpu.memory_space<vmem>>[vector<16xi32>], vector<16xf32>,
    %get3A_1408 = arith.constant 40 : i32
    %get3A_1409 = arith.index_cast %get3A_1408 : i32 to index
    %get3A_1410 = arith.constant 16 : index
    %get3A_1411 = tpu.vector_load %arg11[%get3A_1409, %get3A_1410] {strides = array<i32>} : memref<50x125xi32, #tpu.memory_space<vmem>>, vector<16xi32>,
    tpu.vector_store_idx %arg12[%get3A_1411], %broadcast_in_dim3A_2 {add = true} : memref<64xf32, #tpu.memory_space<vmem>>[vector<16xi32>], vector<16xf32>,
    %get3A_1412 = arith.constant 40 : i32
    %get3A_1413 = arith.index_cast %get3A_1412 : i32 to index
    %get3A_1414 = arith.constant 32 : index
    %get3A_1415 = tpu.vector_load %arg11[%get3A_1413, %get3A_1414] {strides = array<i32>} : memref<50x125xi32, #tpu.memory_space<vmem>>, vector<16xi32>,
    tpu.vector_store_idx %arg12[%get3A_1415], %broadcast_in_dim3A_2 {add = true} : memref<64xf32, #tpu.memory_space<vmem>>[vector<16xi32>], vector<16xf32>,
    %get3A_1416 = arith.constant 40 : i32
    %get3A_1417 = arith.index_cast %get3A_1416 : i32 to index
    %get3A_1418 = arith.constant 48 : index
    %get3A_1419 = tpu.vector_load %arg11[%get3A_1417, %get3A_1418] {strides = array<i32>} : memref<50x125xi32, #tpu.memory_space<vmem>>, vector<16xi32>,
    tpu.vector_store_idx %arg12[%get3A_1419], %broadcast_in_dim3A_2 {add = true} : memref<64xf32, #tpu.memory_space<vmem>>[vector<16xi32>], vector<16xf32>,
    %get3A_1420 = arith.constant 40 : i32
    %get3A_1421 = arith.index_cast %get3A_1420 : i32 to index
    %get3A_1422 = arith.constant 64 : index
    %get3A_1423 = tpu.vector_load %arg11[%get3A_1421, %get3A_1422] {strides = array<i32>} : memref<50x125xi32, #tpu.memory_space<vmem>>, vector<16xi32>,
    tpu.vector_store_idx %arg12[%get3A_1423], %broadcast_in_dim3A_2 {add = true} : memref<64xf32, #tpu.memory_space<vmem>>[vector<16xi32>], vector<16xf32>,
    %get3A_1424 = arith.constant 40 : i32
    %get3A_1425 = arith.index_cast %get3A_1424 : i32 to index
    %get3A_1426 = arith.constant 80 : index
    %get3A_1427 = tpu.vector_load %arg11[%get3A_1425, %get3A_1426] {strides = array<i32>} : memref<50x125xi32, #tpu.memory_space<vmem>>, vector<16xi32>,
    tpu.vector_store_idx %arg12[%get3A_1427], %broadcast_in_dim3A_2 {add = true} : memref<64xf32, #tpu.memory_space<vmem>>[vector<16xi32>], vector<16xf32>,
    %get3A_1428 = arith.constant 40 : i32
    %get3A_1429 = arith.index_cast %get3A_1428 : i32 to index
    %get3A_1430 = arith.constant 96 : index
    %get3A_1431 = tpu.vector_load %arg11[%get3A_1429, %get3A_1430] {strides = array<i32>} : memref<50x125xi32, #tpu.memory_space<vmem>>, vector<16xi32>,
    tpu.vector_store_idx %arg12[%get3A_1431], %broadcast_in_dim3A_2 {add = true} : memref<64xf32, #tpu.memory_space<vmem>>[vector<16xi32>], vector<16xf32>,
    %get3A_1432 = arith.constant 40 : i32
    %get3A_1433 = arith.index_cast %get3A_1432 : i32 to index
    %get3A_1434 = arith.constant 109 : index
    %get3A_1435 = tpu.vector_load %arg11[%get3A_1433, %get3A_1434] {strides = array<i32>} : memref<50x125xi32, #tpu.memory_space<vmem>>, vector<16xi32>,
    tpu.vector_store_idx %arg12[%get3A_1435], %broadcast_in_dim3A_2 masked %ge3A_124 {add = true} : memref<64xf32, #tpu.memory_space<vmem>>[vector<16xi32>], vector<16xf32>, vector<16xi1>
    %get3A_1436 = arith.constant 41 : i32
    %get3A_1437 = arith.index_cast %get3A_1436 : i32 to index
    %get3A_1438 = arith.constant 0 : index
    %get3A_1439 = tpu.vector_load %arg11[%get3A_1437, %get3A_1438] {strides = array<i32>} : memref<50x125xi32, #tpu.memory_space<vmem>>, vector<16xi32>,
    tpu.vector_store_idx %arg12[%get3A_1439], %broadcast_in_dim3A_2 {add = true} : memref<64xf32, #tpu.memory_space<vmem>>[vector<16xi32>], vector<16xf32>,
    %get3A_1440 = arith.constant 41 : i32
    %get3A_1441 = arith.index_cast %get3A_1440 : i32 to index
    %get3A_1442 = arith.constant 16 : index
    %get3A_1443 = tpu.vector_load %arg11[%get3A_1441, %get3A_1442] {strides = array<i32>} : memref<50x125xi32, #tpu.memory_space<vmem>>, vector<16xi32>,
    tpu.vector_store_idx %arg12[%get3A_1443], %broadcast_in_dim3A_2 {add = true} : memref<64xf32, #tpu.memory_space<vmem>>[vector<16xi32>], vector<16xf32>,
    %get3A_1444 = arith.constant 41 : i32
    %get3A_1445 = arith.index_cast %get3A_1444 : i32 to index
    %get3A_1446 = arith.constant 32 : index
    %get3A_1447 = tpu.vector_load %arg11[%get3A_1445, %get3A_1446] {strides = array<i32>} : memref<50x125xi32, #tpu.memory_space<vmem>>, vector<16xi32>,
    tpu.vector_store_idx %arg12[%get3A_1447], %broadcast_in_dim3A_2 {add = true} : memref<64xf32, #tpu.memory_space<vmem>>[vector<16xi32>], vector<16xf32>,
    %get3A_1448 = arith.constant 41 : i32
    %get3A_1449 = arith.index_cast %get3A_1448 : i32 to index
    %get3A_1450 = arith.constant 48 : index
    %get3A_1451 = tpu.vector_load %arg11[%get3A_1449, %get3A_1450] {strides = array<i32>} : memref<50x125xi32, #tpu.memory_space<vmem>>, vector<16xi32>,
    tpu.vector_store_idx %arg12[%get3A_1451], %broadcast_in_dim3A_2 {add = true} : memref<64xf32, #tpu.memory_space<vmem>>[vector<16xi32>], vector<16xf32>,
    %get3A_1452 = arith.constant 41 : i32
    %get3A_1453 = arith.index_cast %get3A_1452 : i32 to index
    %get3A_1454 = arith.constant 64 : index
    %get3A_1455 = tpu.vector_load %arg11[%get3A_1453, %get3A_1454] {strides = array<i32>} : memref<50x125xi32, #tpu.memory_space<vmem>>, vector<16xi32>,
    tpu.vector_store_idx %arg12[%get3A_1455], %broadcast_in_dim3A_2 {add = true} : memref<64xf32, #tpu.memory_space<vmem>>[vector<16xi32>], vector<16xf32>,
    %get3A_1456 = arith.constant 41 : i32
    %get3A_1457 = arith.index_cast %get3A_1456 : i32 to index
    %get3A_1458 = arith.constant 80 : index
    %get3A_1459 = tpu.vector_load %arg11[%get3A_1457, %get3A_1458] {strides = array<i32>} : memref<50x125xi32, #tpu.memory_space<vmem>>, vector<16xi32>,
    tpu.vector_store_idx %arg12[%get3A_1459], %broadcast_in_dim3A_2 {add = true} : memref<64xf32, #tpu.memory_space<vmem>>[vector<16xi32>], vector<16xf32>,
    %get3A_1460 = arith.constant 41 : i32
    %get3A_1461 = arith.index_cast %get3A_1460 : i32 to index
    %get3A_1462 = arith.constant 96 : index
    %get3A_1463 = tpu.vector_load %arg11[%get3A_1461, %get3A_1462] {strides = array<i32>} : memref<50x125xi32, #tpu.memory_space<vmem>>, vector<16xi32>,
    tpu.vector_store_idx %arg12[%get3A_1463], %broadcast_in_dim3A_2 {add = true} : memref<64xf32, #tpu.memory_space<vmem>>[vector<16xi32>], vector<16xf32>,
    %get3A_1464 = arith.constant 41 : i32
    %get3A_1465 = arith.index_cast %get3A_1464 : i32 to index
    %get3A_1466 = arith.constant 109 : index
    %get3A_1467 = tpu.vector_load %arg11[%get3A_1465, %get3A_1466] {strides = array<i32>} : memref<50x125xi32, #tpu.memory_space<vmem>>, vector<16xi32>,
    tpu.vector_store_idx %arg12[%get3A_1467], %broadcast_in_dim3A_2 masked %ge3A_124 {add = true} : memref<64xf32, #tpu.memory_space<vmem>>[vector<16xi32>], vector<16xf32>, vector<16xi1>
    %get3A_1468 = arith.constant 42 : i32
    %get3A_1469 = arith.index_cast %get3A_1468 : i32 to index
    %get3A_1470 = arith.constant 0 : index
    %get3A_1471 = tpu.vector_load %arg11[%get3A_1469, %get3A_1470] {strides = array<i32>} : memref<50x125xi32, #tpu.memory_space<vmem>>, vector<16xi32>,
    tpu.vector_store_idx %arg12[%get3A_1471], %broadcast_in_dim3A_2 {add = true} : memref<64xf32, #tpu.memory_space<vmem>>[vector<16xi32>], vector<16xf32>,
    %get3A_1472 = arith.constant 42 : i32
    %get3A_1473 = arith.index_cast %get3A_1472 : i32 to index
    %get3A_1474 = arith.constant 16 : index
    %get3A_1475 = tpu.vector_load %arg11[%get3A_1473, %get3A_1474] {strides = array<i32>} : memref<50x125xi32, #tpu.memory_space<vmem>>, vector<16xi32>,
    tpu.vector_store_idx %arg12[%get3A_1475], %broadcast_in_dim3A_2 {add = true} : memref<64xf32, #tpu.memory_space<vmem>>[vector<16xi32>], vector<16xf32>,
    %get3A_1476 = arith.constant 42 : i32
    %get3A_1477 = arith.index_cast %get3A_1476 : i32 to index
    %get3A_1478 = arith.constant 32 : index
    %get3A_1479 = tpu.vector_load %arg11[%get3A_1477, %get3A_1478] {strides = array<i32>} : memref<50x125xi32, #tpu.memory_space<vmem>>, vector<16xi32>,
    tpu.vector_store_idx %arg12[%get3A_1479], %broadcast_in_dim3A_2 {add = true} : memref<64xf32, #tpu.memory_space<vmem>>[vector<16xi32>], vector<16xf32>,
    %get3A_1480 = arith.constant 42 : i32
    %get3A_1481 = arith.index_cast %get3A_1480 : i32 to index
    %get3A_1482 = arith.constant 48 : index
    %get3A_1483 = tpu.vector_load %arg11[%get3A_1481, %get3A_1482] {strides = array<i32>} : memref<50x125xi32, #tpu.memory_space<vmem>>, vector<16xi32>,
    tpu.vector_store_idx %arg12[%get3A_1483], %broadcast_in_dim3A_2 {add = true} : memref<64xf32, #tpu.memory_space<vmem>>[vector<16xi32>], vector<16xf32>,
    %get3A_1484 = arith.constant 42 : i32
    %get3A_1485 = arith.index_cast %get3A_1484 : i32 to index
    %get3A_1486 = arith.constant 64 : index
    %get3A_1487 = tpu.vector_load %arg11[%get3A_1485, %get3A_1486] {strides = array<i32>} : memref<50x125xi32, #tpu.memory_space<vmem>>, vector<16xi32>,
    tpu.vector_store_idx %arg12[%get3A_1487], %broadcast_in_dim3A_2 {add = true} : memref<64xf32, #tpu.memory_space<vmem>>[vector<16xi32>], vector<16xf32>,
    %get3A_1488 = arith.constant 42 : i32
    %get3A_1489 = arith.index_cast %get3A_1488 : i32 to index
    %get3A_1490 = arith.constant 80 : index
    %get3A_1491 = tpu.vector_load %arg11[%get3A_1489, %get3A_1490] {strides = array<i32>} : memref<50x125xi32, #tpu.memory_space<vmem>>, vector<16xi32>,
    tpu.vector_store_idx %arg12[%get3A_1491], %broadcast_in_dim3A_2 {add = true} : memref<64xf32, #tpu.memory_space<vmem>>[vector<16xi32>], vector<16xf32>,
    %get3A_1492 = arith.constant 42 : i32
    %get3A_1493 = arith.index_cast %get3A_1492 : i32 to index
    %get3A_1494 = arith.constant 96 : index
    %get3A_1495 = tpu.vector_load %arg11[%get3A_1493, %get3A_1494] {strides = array<i32>} : memref<50x125xi32, #tpu.memory_space<vmem>>, vector<16xi32>,
    tpu.vector_store_idx %arg12[%get3A_1495], %broadcast_in_dim3A_2 {add = true} : memref<64xf32, #tpu.memory_space<vmem>>[vector<16xi32>], vector<16xf32>,
    %get3A_1496 = arith.constant 42 : i32
    %get3A_1497 = arith.index_cast %get3A_1496 : i32 to index
    %get3A_1498 = arith.constant 109 : index
    %get3A_1499 = tpu.vector_load %arg11[%get3A_1497, %get3A_1498] {strides = array<i32>} : memref<50x125xi32, #tpu.memory_space<vmem>>, vector<16xi32>,
    tpu.vector_store_idx %arg12[%get3A_1499], %broadcast_in_dim3A_2 masked %ge3A_124 {add = true} : memref<64xf32, #tpu.memory_space<vmem>>[vector<16xi32>], vector<16xf32>, vector<16xi1>
    %get3A_1500 = arith.constant 43 : i32
    %get3A_1501 = arith.index_cast %get3A_1500 : i32 to index
    %get3A_1502 = arith.constant 0 : index
    %get3A_1503 = tpu.vector_load %arg11[%get3A_1501, %get3A_1502] {strides = array<i32>} : memref<50x125xi32, #tpu.memory_space<vmem>>, vector<16xi32>,
    tpu.vector_store_idx %arg12[%get3A_1503], %broadcast_in_dim3A_2 {add = true} : memref<64xf32, #tpu.memory_space<vmem>>[vector<16xi32>], vector<16xf32>,
    %get3A_1504 = arith.constant 43 : i32
    %get3A_1505 = arith.index_cast %get3A_1504 : i32 to index
    %get3A_1506 = arith.constant 16 : index
    %get3A_1507 = tpu.vector_load %arg11[%get3A_1505, %get3A_1506] {strides = array<i32>} : memref<50x125xi32, #tpu.memory_space<vmem>>, vector<16xi32>,
    tpu.vector_store_idx %arg12[%get3A_1507], %broadcast_in_dim3A_2 {add = true} : memref<64xf32, #tpu.memory_space<vmem>>[vector<16xi32>], vector<16xf32>,
    %get3A_1508 = arith.constant 43 : i32
    %get3A_1509 = arith.index_cast %get3A_1508 : i32 to index
    %get3A_1510 = arith.constant 32 : index
    %get3A_1511 = tpu.vector_load %arg11[%get3A_1509, %get3A_1510] {strides = array<i32>} : memref<50x125xi32, #tpu.memory_space<vmem>>, vector<16xi32>,
    tpu.vector_store_idx %arg12[%get3A_1511], %broadcast_in_dim3A_2 {add = true} : memref<64xf32, #tpu.memory_space<vmem>>[vector<16xi32>], vector<16xf32>,
    %get3A_1512 = arith.constant 43 : i32
    %get3A_1513 = arith.index_cast %get3A_1512 : i32 to index
    %get3A_1514 = arith.constant 48 : index
    %get3A_1515 = tpu.vector_load %arg11[%get3A_1513, %get3A_1514] {strides = array<i32>} : memref<50x125xi32, #tpu.memory_space<vmem>>, vector<16xi32>,
    tpu.vector_store_idx %arg12[%get3A_1515], %broadcast_in_dim3A_2 {add = true} : memref<64xf32, #tpu.memory_space<vmem>>[vector<16xi32>], vector<16xf32>,
    %get3A_1516 = arith.constant 43 : i32
    %get3A_1517 = arith.index_cast %get3A_1516 : i32 to index
    %get3A_1518 = arith.constant 64 : index
    %get3A_1519 = tpu.vector_load %arg11[%get3A_1517, %get3A_1518] {strides = array<i32>} : memref<50x125xi32, #tpu.memory_space<vmem>>, vector<16xi32>,
    tpu.vector_store_idx %arg12[%get3A_1519], %broadcast_in_dim3A_2 {add = true} : memref<64xf32, #tpu.memory_space<vmem>>[vector<16xi32>], vector<16xf32>,
    %get3A_1520 = arith.constant 43 : i32
    %get3A_1521 = arith.index_cast %get3A_1520 : i32 to index
    %get3A_1522 = arith.constant 80 : index
    %get3A_1523 = tpu.vector_load %arg11[%get3A_1521, %get3A_1522] {strides = array<i32>} : memref<50x125xi32, #tpu.memory_space<vmem>>, vector<16xi32>,
    tpu.vector_store_idx %arg12[%get3A_1523], %broadcast_in_dim3A_2 {add = true} : memref<64xf32, #tpu.memory_space<vmem>>[vector<16xi32>], vector<16xf32>,
    %get3A_1524 = arith.constant 43 : i32
    %get3A_1525 = arith.index_cast %get3A_1524 : i32 to index
    %get3A_1526 = arith.constant 96 : index
    %get3A_1527 = tpu.vector_load %arg11[%get3A_1525, %get3A_1526] {strides = array<i32>} : memref<50x125xi32, #tpu.memory_space<vmem>>, vector<16xi32>,
    tpu.vector_store_idx %arg12[%get3A_1527], %broadcast_in_dim3A_2 {add = true} : memref<64xf32, #tpu.memory_space<vmem>>[vector<16xi32>], vector<16xf32>,
    %get3A_1528 = arith.constant 43 : i32
    %get3A_1529 = arith.index_cast %get3A_1528 : i32 to index
    %get3A_1530 = arith.constant 109 : index
    %get3A_1531 = tpu.vector_load %arg11[%get3A_1529, %get3A_1530] {strides = array<i32>} : memref<50x125xi32, #tpu.memory_space<vmem>>, vector<16xi32>,
    tpu.vector_store_idx %arg12[%get3A_1531], %broadcast_in_dim3A_2 masked %ge3A_124 {add = true} : memref<64xf32, #tpu.memory_space<vmem>>[vector<16xi32>], vector<16xf32>, vector<16xi1>
    %get3A_1532 = arith.constant 44 : i32
    %get3A_1533 = arith.index_cast %get3A_1532 : i32 to index
    %get3A_1534 = arith.constant 0 : index
    %get3A_1535 = tpu.vector_load %arg11[%get3A_1533, %get3A_1534] {strides = array<i32>} : memref<50x125xi32, #tpu.memory_space<vmem>>, vector<16xi32>,
    tpu.vector_store_idx %arg12[%get3A_1535], %broadcast_in_dim3A_2 {add = true} : memref<64xf32, #tpu.memory_space<vmem>>[vector<16xi32>], vector<16xf32>,
    %get3A_1536 = arith.constant 44 : i32
    %get3A_1537 = arith.index_cast %get3A_1536 : i32 to index
    %get3A_1538 = arith.constant 16 : index
    %get3A_1539 = tpu.vector_load %arg11[%get3A_1537, %get3A_1538] {strides = array<i32>} : memref<50x125xi32, #tpu.memory_space<vmem>>, vector<16xi32>,
    tpu.vector_store_idx %arg12[%get3A_1539], %broadcast_in_dim3A_2 {add = true} : memref<64xf32, #tpu.memory_space<vmem>>[vector<16xi32>], vector<16xf32>,
    %get3A_1540 = arith.constant 44 : i32
    %get3A_1541 = arith.index_cast %get3A_1540 : i32 to index
    %get3A_1542 = arith.constant 32 : index
    %get3A_1543 = tpu.vector_load %arg11[%get3A_1541, %get3A_1542] {strides = array<i32>} : memref<50x125xi32, #tpu.memory_space<vmem>>, vector<16xi32>,
    tpu.vector_store_idx %arg12[%get3A_1543], %broadcast_in_dim3A_2 {add = true} : memref<64xf32, #tpu.memory_space<vmem>>[vector<16xi32>], vector<16xf32>,
    %get3A_1544 = arith.constant 44 : i32
    %get3A_1545 = arith.index_cast %get3A_1544 : i32 to index
    %get3A_1546 = arith.constant 48 : index
    %get3A_1547 = tpu.vector_load %arg11[%get3A_1545, %get3A_1546] {strides = array<i32>} : memref<50x125xi32, #tpu.memory_space<vmem>>, vector<16xi32>,
    tpu.vector_store_idx %arg12[%get3A_1547], %broadcast_in_dim3A_2 {add = true} : memref<64xf32, #tpu.memory_space<vmem>>[vector<16xi32>], vector<16xf32>,
    %get3A_1548 = arith.constant 44 : i32
    %get3A_1549 = arith.index_cast %get3A_1548 : i32 to index
    %get3A_1550 = arith.constant 64 : index
    %get3A_1551 = tpu.vector_load %arg11[%get3A_1549, %get3A_1550] {strides = array<i32>} : memref<50x125xi32, #tpu.memory_space<vmem>>, vector<16xi32>,
    tpu.vector_store_idx %arg12[%get3A_1551], %broadcast_in_dim3A_2 {add = true} : memref<64xf32, #tpu.memory_space<vmem>>[vector<16xi32>], vector<16xf32>,
    %get3A_1552 = arith.constant 44 : i32
    %get3A_1553 = arith.index_cast %get3A_1552 : i32 to index
    %get3A_1554 = arith.constant 80 : index
    %get3A_1555 = tpu.vector_load %arg11[%get3A_1553, %get3A_1554] {strides = array<i32>} : memref<50x125xi32, #tpu.memory_space<vmem>>, vector<16xi32>,
    tpu.vector_store_idx %arg12[%get3A_1555], %broadcast_in_dim3A_2 {add = true} : memref<64xf32, #tpu.memory_space<vmem>>[vector<16xi32>], vector<16xf32>,
    %get3A_1556 = arith.constant 44 : i32
    %get3A_1557 = arith.index_cast %get3A_1556 : i32 to index
    %get3A_1558 = arith.constant 96 : index
    %get3A_1559 = tpu.vector_load %arg11[%get3A_1557, %get3A_1558] {strides = array<i32>} : memref<50x125xi32, #tpu.memory_space<vmem>>, vector<16xi32>,
    tpu.vector_store_idx %arg12[%get3A_1559], %broadcast_in_dim3A_2 {add = true} : memref<64xf32, #tpu.memory_space<vmem>>[vector<16xi32>], vector<16xf32>,
    %get3A_1560 = arith.constant 44 : i32
    %get3A_1561 = arith.index_cast %get3A_1560 : i32 to index
    %get3A_1562 = arith.constant 109 : index
    %get3A_1563 = tpu.vector_load %arg11[%get3A_1561, %get3A_1562] {strides = array<i32>} : memref<50x125xi32, #tpu.memory_space<vmem>>, vector<16xi32>,
    tpu.vector_store_idx %arg12[%get3A_1563], %broadcast_in_dim3A_2 masked %ge3A_124 {add = true} : memref<64xf32, #tpu.memory_space<vmem>>[vector<16xi32>], vector<16xf32>, vector<16xi1>
    %get3A_1564 = arith.constant 45 : i32
    %get3A_1565 = arith.index_cast %get3A_1564 : i32 to index
    %get3A_1566 = arith.constant 0 : index
    %get3A_1567 = tpu.vector_load %arg11[%get3A_1565, %get3A_1566] {strides = array<i32>} : memref<50x125xi32, #tpu.memory_space<vmem>>, vector<16xi32>,
    tpu.vector_store_idx %arg12[%get3A_1567], %broadcast_in_dim3A_2 {add = true} : memref<64xf32, #tpu.memory_space<vmem>>[vector<16xi32>], vector<16xf32>,
    %get3A_1568 = arith.constant 45 : i32
    %get3A_1569 = arith.index_cast %get3A_1568 : i32 to index
    %get3A_1570 = arith.constant 16 : index
    %get3A_1571 = tpu.vector_load %arg11[%get3A_1569, %get3A_1570] {strides = array<i32>} : memref<50x125xi32, #tpu.memory_space<vmem>>, vector<16xi32>,
    tpu.vector_store_idx %arg12[%get3A_1571], %broadcast_in_dim3A_2 {add = true} : memref<64xf32, #tpu.memory_space<vmem>>[vector<16xi32>], vector<16xf32>,
    %get3A_1572 = arith.constant 45 : i32
    %get3A_1573 = arith.index_cast %get3A_1572 : i32 to index
    %get3A_1574 = arith.constant 32 : index
    %get3A_1575 = tpu.vector_load %arg11[%get3A_1573, %get3A_1574] {strides = array<i32>} : memref<50x125xi32, #tpu.memory_space<vmem>>, vector<16xi32>,
    tpu.vector_store_idx %arg12[%get3A_1575], %broadcast_in_dim3A_2 {add = true} : memref<64xf32, #tpu.memory_space<vmem>>[vector<16xi32>], vector<16xf32>,
    %get3A_1576 = arith.constant 45 : i32
    %get3A_1577 = arith.index_cast %get3A_1576 : i32 to index
    %get3A_1578 = arith.constant 48 : index
    %get3A_1579 = tpu.vector_load %arg11[%get3A_1577, %get3A_1578] {strides = array<i32>} : memref<50x125xi32, #tpu.memory_space<vmem>>, vector<16xi32>,
    tpu.vector_store_idx %arg12[%get3A_1579], %broadcast_in_dim3A_2 {add = true} : memref<64xf32, #tpu.memory_space<vmem>>[vector<16xi32>], vector<16xf32>,
    %get3A_1580 = arith.constant 45 : i32
    %get3A_1581 = arith.index_cast %get3A_1580 : i32 to index
    %get3A_1582 = arith.constant 64 : index
    %get3A_1583 = tpu.vector_load %arg11[%get3A_1581, %get3A_1582] {strides = array<i32>} : memref<50x125xi32, #tpu.memory_space<vmem>>, vector<16xi32>,
    tpu.vector_store_idx %arg12[%get3A_1583], %broadcast_in_dim3A_2 {add = true} : memref<64xf32, #tpu.memory_space<vmem>>[vector<16xi32>], vector<16xf32>,
    %get3A_1584 = arith.constant 45 : i32
    %get3A_1585 = arith.index_cast %get3A_1584 : i32 to index
    %get3A_1586 = arith.constant 80 : index
    %get3A_1587 = tpu.vector_load %arg11[%get3A_1585, %get3A_1586] {strides = array<i32>} : memref<50x125xi32, #tpu.memory_space<vmem>>, vector<16xi32>,
    tpu.vector_store_idx %arg12[%get3A_1587], %broadcast_in_dim3A_2 {add = true} : memref<64xf32, #tpu.memory_space<vmem>>[vector<16xi32>], vector<16xf32>,
    %get3A_1588 = arith.constant 45 : i32
    %get3A_1589 = arith.index_cast %get3A_1588 : i32 to index
    %get3A_1590 = arith.constant 96 : index
    %get3A_1591 = tpu.vector_load %arg11[%get3A_1589, %get3A_1590] {strides = array<i32>} : memref<50x125xi32, #tpu.memory_space<vmem>>, vector<16xi32>,
    tpu.vector_store_idx %arg12[%get3A_1591], %broadcast_in_dim3A_2 {add = true} : memref<64xf32, #tpu.memory_space<vmem>>[vector<16xi32>], vector<16xf32>,
    %get3A_1592 = arith.constant 45 : i32
    %get3A_1593 = arith.index_cast %get3A_1592 : i32 to index
    %get3A_1594 = arith.constant 109 : index
    %get3A_1595 = tpu.vector_load %arg11[%get3A_1593, %get3A_1594] {strides = array<i32>} : memref<50x125xi32, #tpu.memory_space<vmem>>, vector<16xi32>,
    tpu.vector_store_idx %arg12[%get3A_1595], %broadcast_in_dim3A_2 masked %ge3A_124 {add = true} : memref<64xf32, #tpu.memory_space<vmem>>[vector<16xi32>], vector<16xf32>, vector<16xi1>
    %get3A_1596 = arith.constant 46 : i32
    %get3A_1597 = arith.index_cast %get3A_1596 : i32 to index
    %get3A_1598 = arith.constant 0 : index
    %get3A_1599 = tpu.vector_load %arg11[%get3A_1597, %get3A_1598] {strides = array<i32>} : memref<50x125xi32, #tpu.memory_space<vmem>>, vector<16xi32>,
    tpu.vector_store_idx %arg12[%get3A_1599], %broadcast_in_dim3A_2 {add = true} : memref<64xf32, #tpu.memory_space<vmem>>[vector<16xi32>], vector<16xf32>,
    %get3A_1600 = arith.constant 46 : i32
    %get3A_1601 = arith.index_cast %get3A_1600 : i32 to index
    %get3A_1602 = arith.constant 16 : index
    %get3A_1603 = tpu.vector_load %arg11[%get3A_1601, %get3A_1602] {strides = array<i32>} : memref<50x125xi32, #tpu.memory_space<vmem>>, vector<16xi32>,
    tpu.vector_store_idx %arg12[%get3A_1603], %broadcast_in_dim3A_2 {add = true} : memref<64xf32, #tpu.memory_space<vmem>>[vector<16xi32>], vector<16xf32>,
    %get3A_1604 = arith.constant 46 : i32
    %get3A_1605 = arith.index_cast %get3A_1604 : i32 to index
    %get3A_1606 = arith.constant 32 : index
    %get3A_1607 = tpu.vector_load %arg11[%get3A_1605, %get3A_1606] {strides = array<i32>} : memref<50x125xi32, #tpu.memory_space<vmem>>, vector<16xi32>,
    tpu.vector_store_idx %arg12[%get3A_1607], %broadcast_in_dim3A_2 {add = true} : memref<64xf32, #tpu.memory_space<vmem>>[vector<16xi32>], vector<16xf32>,
    %get3A_1608 = arith.constant 46 : i32
    %get3A_1609 = arith.index_cast %get3A_1608 : i32 to index
    %get3A_1610 = arith.constant 48 : index
    %get3A_1611 = tpu.vector_load %arg11[%get3A_1609, %get3A_1610] {strides = array<i32>} : memref<50x125xi32, #tpu.memory_space<vmem>>, vector<16xi32>,
    tpu.vector_store_idx %arg12[%get3A_1611], %broadcast_in_dim3A_2 {add = true} : memref<64xf32, #tpu.memory_space<vmem>>[vector<16xi32>], vector<16xf32>,
    %get3A_1612 = arith.constant 46 : i32
    %get3A_1613 = arith.index_cast %get3A_1612 : i32 to index
    %get3A_1614 = arith.constant 64 : index
    %get3A_1615 = tpu.vector_load %arg11[%get3A_1613, %get3A_1614] {strides = array<i32>} : memref<50x125xi32, #tpu.memory_space<vmem>>, vector<16xi32>,
    tpu.vector_store_idx %arg12[%get3A_1615], %broadcast_in_dim3A_2 {add = true} : memref<64xf32, #tpu.memory_space<vmem>>[vector<16xi32>], vector<16xf32>,
    %get3A_1616 = arith.constant 46 : i32
    %get3A_1617 = arith.index_cast %get3A_1616 : i32 to index
    %get3A_1618 = arith.constant 80 : index
    %get3A_1619 = tpu.vector_load %arg11[%get3A_1617, %get3A_1618] {strides = array<i32>} : memref<50x125xi32, #tpu.memory_space<vmem>>, vector<16xi32>,
    tpu.vector_store_idx %arg12[%get3A_1619], %broadcast_in_dim3A_2 {add = true} : memref<64xf32, #tpu.memory_space<vmem>>[vector<16xi32>], vector<16xf32>,
    %get3A_1620 = arith.constant 46 : i32
    %get3A_1621 = arith.index_cast %get3A_1620 : i32 to index
    %get3A_1622 = arith.constant 96 : index
    %get3A_1623 = tpu.vector_load %arg11[%get3A_1621, %get3A_1622] {strides = array<i32>} : memref<50x125xi32, #tpu.memory_space<vmem>>, vector<16xi32>,
    tpu.vector_store_idx %arg12[%get3A_1623], %broadcast_in_dim3A_2 {add = true} : memref<64xf32, #tpu.memory_space<vmem>>[vector<16xi32>], vector<16xf32>,
    %get3A_1624 = arith.constant 46 : i32
    %get3A_1625 = arith.index_cast %get3A_1624 : i32 to index
    %get3A_1626 = arith.constant 109 : index
    %get3A_1627 = tpu.vector_load %arg11[%get3A_1625, %get3A_1626] {strides = array<i32>} : memref<50x125xi32, #tpu.memory_space<vmem>>, vector<16xi32>,
    tpu.vector_store_idx %arg12[%get3A_1627], %broadcast_in_dim3A_2 masked %ge3A_124 {add = true} : memref<64xf32, #tpu.memory_space<vmem>>[vector<16xi32>], vector<16xf32>, vector<16xi1>
    %get3A_1628 = arith.constant 47 : i32
    %get3A_1629 = arith.index_cast %get3A_1628 : i32 to index
    %get3A_1630 = arith.constant 0 : index
    %get3A_1631 = tpu.vector_load %arg11[%get3A_1629, %get3A_1630] {strides = array<i32>} : memref<50x125xi32, #tpu.memory_space<vmem>>, vector<16xi32>,
    tpu.vector_store_idx %arg12[%get3A_1631], %broadcast_in_dim3A_2 {add = true} : memref<64xf32, #tpu.memory_space<vmem>>[vector<16xi32>], vector<16xf32>,
    %get3A_1632 = arith.constant 47 : i32
    %get3A_1633 = arith.index_cast %get3A_1632 : i32 to index
    %get3A_1634 = arith.constant 16 : index
    %get3A_1635 = tpu.vector_load %arg11[%get3A_1633, %get3A_1634] {strides = array<i32>} : memref<50x125xi32, #tpu.memory_space<vmem>>, vector<16xi32>,
    tpu.vector_store_idx %arg12[%get3A_1635], %broadcast_in_dim3A_2 {add = true} : memref<64xf32, #tpu.memory_space<vmem>>[vector<16xi32>], vector<16xf32>,
    %get3A_1636 = arith.constant 47 : i32
    %get3A_1637 = arith.index_cast %get3A_1636 : i32 to index
    %get3A_1638 = arith.constant 32 : index
    %get3A_1639 = tpu.vector_load %arg11[%get3A_1637, %get3A_1638] {strides = array<i32>} : memref<50x125xi32, #tpu.memory_space<vmem>>, vector<16xi32>,
    tpu.vector_store_idx %arg12[%get3A_1639], %broadcast_in_dim3A_2 {add = true} : memref<64xf32, #tpu.memory_space<vmem>>[vector<16xi32>], vector<16xf32>,
    %get3A_1640 = arith.constant 47 : i32
    %get3A_1641 = arith.index_cast %get3A_1640 : i32 to index
    %get3A_1642 = arith.constant 48 : index
    %get3A_1643 = tpu.vector_load %arg11[%get3A_1641, %get3A_1642] {strides = array<i32>} : memref<50x125xi32, #tpu.memory_space<vmem>>, vector<16xi32>,
    tpu.vector_store_idx %arg12[%get3A_1643], %broadcast_in_dim3A_2 {add = true} : memref<64xf32, #tpu.memory_space<vmem>>[vector<16xi32>], vector<16xf32>,
    %get3A_1644 = arith.constant 47 : i32
    %get3A_1645 = arith.index_cast %get3A_1644 : i32 to index
    %get3A_1646 = arith.constant 64 : index
    %get3A_1647 = tpu.vector_load %arg11[%get3A_1645, %get3A_1646] {strides = array<i32>} : memref<50x125xi32, #tpu.memory_space<vmem>>, vector<16xi32>,
    tpu.vector_store_idx %arg12[%get3A_1647], %broadcast_in_dim3A_2 {add = true} : memref<64xf32, #tpu.memory_space<vmem>>[vector<16xi32>], vector<16xf32>,
    %get3A_1648 = arith.constant 47 : i32
    %get3A_1649 = arith.index_cast %get3A_1648 : i32 to index
    %get3A_1650 = arith.constant 80 : index
    %get3A_1651 = tpu.vector_load %arg11[%get3A_1649, %get3A_1650] {strides = array<i32>} : memref<50x125xi32, #tpu.memory_space<vmem>>, vector<16xi32>,
    tpu.vector_store_idx %arg12[%get3A_1651], %broadcast_in_dim3A_2 {add = true} : memref<64xf32, #tpu.memory_space<vmem>>[vector<16xi32>], vector<16xf32>,
    %get3A_1652 = arith.constant 47 : i32
    %get3A_1653 = arith.index_cast %get3A_1652 : i32 to index
    %get3A_1654 = arith.constant 96 : index
    %get3A_1655 = tpu.vector_load %arg11[%get3A_1653, %get3A_1654] {strides = array<i32>} : memref<50x125xi32, #tpu.memory_space<vmem>>, vector<16xi32>,
    tpu.vector_store_idx %arg12[%get3A_1655], %broadcast_in_dim3A_2 {add = true} : memref<64xf32, #tpu.memory_space<vmem>>[vector<16xi32>], vector<16xf32>,
    %get3A_1656 = arith.constant 47 : i32
    %get3A_1657 = arith.index_cast %get3A_1656 : i32 to index
    %get3A_1658 = arith.constant 109 : index
    %get3A_1659 = tpu.vector_load %arg11[%get3A_1657, %get3A_1658] {strides = array<i32>} : memref<50x125xi32, #tpu.memory_space<vmem>>, vector<16xi32>,
    tpu.vector_store_idx %arg12[%get3A_1659], %broadcast_in_dim3A_2 masked %ge3A_124 {add = true} : memref<64xf32, #tpu.memory_space<vmem>>[vector<16xi32>], vector<16xf32>, vector<16xi1>
    %get3A_1660 = arith.constant 48 : i32
    %get3A_1661 = arith.index_cast %get3A_1660 : i32 to index
    %get3A_1662 = arith.constant 0 : index
    %get3A_1663 = tpu.vector_load %arg11[%get3A_1661, %get3A_1662] {strides = array<i32>} : memref<50x125xi32, #tpu.memory_space<vmem>>, vector<16xi32>,
    tpu.vector_store_idx %arg12[%get3A_1663], %broadcast_in_dim3A_2 {add = true} : memref<64xf32, #tpu.memory_space<vmem>>[vector<16xi32>], vector<16xf32>,
    %get3A_1664 = arith.constant 48 : i32
    %get3A_1665 = arith.index_cast %get3A_1664 : i32 to index
    %get3A_1666 = arith.constant 16 : index
    %get3A_1667 = tpu.vector_load %arg11[%get3A_1665, %get3A_1666] {strides = array<i32>} : memref<50x125xi32, #tpu.memory_space<vmem>>, vector<16xi32>,
    tpu.vector_store_idx %arg12[%get3A_1667], %broadcast_in_dim3A_2 {add = true} : memref<64xf32, #tpu.memory_space<vmem>>[vector<16xi32>], vector<16xf32>,
    %get3A_1668 = arith.constant 48 : i32
    %get3A_1669 = arith.index_cast %get3A_1668 : i32 to index
    %get3A_1670 = arith.constant 32 : index
    %get3A_1671 = tpu.vector_load %arg11[%get3A_1669, %get3A_1670] {strides = array<i32>} : memref<50x125xi32, #tpu.memory_space<vmem>>, vector<16xi32>,
    tpu.vector_store_idx %arg12[%get3A_1671], %broadcast_in_dim3A_2 {add = true} : memref<64xf32, #tpu.memory_space<vmem>>[vector<16xi32>], vector<16xf32>,
    %get3A_1672 = arith.constant 48 : i32
    %get3A_1673 = arith.index_cast %get3A_1672 : i32 to index
    %get3A_1674 = arith.constant 48 : index
    %get3A_1675 = tpu.vector_load %arg11[%get3A_1673, %get3A_1674] {strides = array<i32>} : memref<50x125xi32, #tpu.memory_space<vmem>>, vector<16xi32>,
    tpu.vector_store_idx %arg12[%get3A_1675], %broadcast_in_dim3A_2 {add = true} : memref<64xf32, #tpu.memory_space<vmem>>[vector<16xi32>], vector<16xf32>,
    %get3A_1676 = arith.constant 48 : i32
    %get3A_1677 = arith.index_cast %get3A_1676 : i32 to index
    %get3A_1678 = arith.constant 64 : index
    %get3A_1679 = tpu.vector_load %arg11[%get3A_1677, %get3A_1678] {strides = array<i32>} : memref<50x125xi32, #tpu.memory_space<vmem>>, vector<16xi32>,
    tpu.vector_store_idx %arg12[%get3A_1679], %broadcast_in_dim3A_2 {add = true} : memref<64xf32, #tpu.memory_space<vmem>>[vector<16xi32>], vector<16xf32>,
    %get3A_1680 = arith.constant 48 : i32
    %get3A_1681 = arith.index_cast %get3A_1680 : i32 to index
    %get3A_1682 = arith.constant 80 : index
    %get3A_1683 = tpu.vector_load %arg11[%get3A_1681, %get3A_1682] {strides = array<i32>} : memref<50x125xi32, #tpu.memory_space<vmem>>, vector<16xi32>,
    tpu.vector_store_idx %arg12[%get3A_1683], %broadcast_in_dim3A_2 {add = true} : memref<64xf32, #tpu.memory_space<vmem>>[vector<16xi32>], vector<16xf32>,
    %get3A_1684 = arith.constant 48 : i32
    %get3A_1685 = arith.index_cast %get3A_1684 : i32 to index
    %get3A_1686 = arith.constant 96 : index
    %get3A_1687 = tpu.vector_load %arg11[%get3A_1685, %get3A_1686] {strides = array<i32>} : memref<50x125xi32, #tpu.memory_space<vmem>>, vector<16xi32>,
    tpu.vector_store_idx %arg12[%get3A_1687], %broadcast_in_dim3A_2 {add = true} : memref<64xf32, #tpu.memory_space<vmem>>[vector<16xi32>], vector<16xf32>,
    %get3A_1688 = arith.constant 48 : i32
    %get3A_1689 = arith.index_cast %get3A_1688 : i32 to index
    %get3A_1690 = arith.constant 109 : index
    %get3A_1691 = tpu.vector_load %arg11[%get3A_1689, %get3A_1690] {strides = array<i32>} : memref<50x125xi32, #tpu.memory_space<vmem>>, vector<16xi32>,
    tpu.vector_store_idx %arg12[%get3A_1691], %broadcast_in_dim3A_2 masked %ge3A_124 {add = true} : memref<64xf32, #tpu.memory_space<vmem>>[vector<16xi32>], vector<16xf32>, vector<16xi1>
    %get3A_1692 = arith.constant 49 : i32
    %get3A_1693 = arith.index_cast %get3A_1692 : i32 to index
    %get3A_1694 = arith.constant 0 : index
    %get3A_1695 = tpu.vector_load %arg11[%get3A_1693, %get3A_1694] {strides = array<i32>} : memref<50x125xi32, #tpu.memory_space<vmem>>, vector<16xi32>,
    tpu.vector_store_idx %arg12[%get3A_1695], %broadcast_in_dim3A_2 {add = true} : memref<64xf32, #tpu.memory_space<vmem>>[vector<16xi32>], vector<16xf32>,
    %get3A_1696 = arith.constant 49 : i32
    %get3A_1697 = arith.index_cast %get3A_1696 : i32 to index
    %get3A_1698 = arith.constant 16 : index
    %get3A_1699 = tpu.vector_load %arg11[%get3A_1697, %get3A_1698] {strides = array<i32>} : memref<50x125xi32, #tpu.memory_space<vmem>>, vector<16xi32>,
    tpu.vector_store_idx %arg12[%get3A_1699], %broadcast_in_dim3A_2 {add = true} : memref<64xf32, #tpu.memory_space<vmem>>[vector<16xi32>], vector<16xf32>,
    %get3A_1700 = arith.constant 49 : i32
    %get3A_1701 = arith.index_cast %get3A_1700 : i32 to index
    %get3A_1702 = arith.constant 32 : index
    %get3A_1703 = tpu.vector_load %arg11[%get3A_1701, %get3A_1702] {strides = array<i32>} : memref<50x125xi32, #tpu.memory_space<vmem>>, vector<16xi32>,
    tpu.vector_store_idx %arg12[%get3A_1703], %broadcast_in_dim3A_2 {add = true} : memref<64xf32, #tpu.memory_space<vmem>>[vector<16xi32>], vector<16xf32>,
    %get3A_1704 = arith.constant 49 : i32
    %get3A_1705 = arith.index_cast %get3A_1704 : i32 to index
    %get3A_1706 = arith.constant 48 : index
    %get3A_1707 = tpu.vector_load %arg11[%get3A_1705, %get3A_1706] {strides = array<i32>} : memref<50x125xi32, #tpu.memory_space<vmem>>, vector<16xi32>,
    tpu.vector_store_idx %arg12[%get3A_1707], %broadcast_in_dim3A_2 {add = true} : memref<64xf32, #tpu.memory_space<vmem>>[vector<16xi32>], vector<16xf32>,
    %get3A_1708 = arith.constant 49 : i32
    %get3A_1709 = arith.index_cast %get3A_1708 : i32 to index
    %get3A_1710 = arith.constant 64 : index
    %get3A_1711 = tpu.vector_load %arg11[%get3A_1709, %get3A_1710] {strides = array<i32>} : memref<50x125xi32, #tpu.memory_space<vmem>>, vector<16xi32>,
    tpu.vector_store_idx %arg12[%get3A_1711], %broadcast_in_dim3A_2 {add = true} : memref<64xf32, #tpu.memory_space<vmem>>[vector<16xi32>], vector<16xf32>,
    %get3A_1712 = arith.constant 49 : i32
    %get3A_1713 = arith.index_cast %get3A_1712 : i32 to index
    %get3A_1714 = arith.constant 80 : index
    %get3A_1715 = tpu.vector_load %arg11[%get3A_1713, %get3A_1714] {strides = array<i32>} : memref<50x125xi32, #tpu.memory_space<vmem>>, vector<16xi32>,
    tpu.vector_store_idx %arg12[%get3A_1715], %broadcast_in_dim3A_2 {add = true} : memref<64xf32, #tpu.memory_space<vmem>>[vector<16xi32>], vector<16xf32>,
    %get3A_1716 = arith.constant 49 : i32
    %get3A_1717 = arith.index_cast %get3A_1716 : i32 to index
    %get3A_1718 = arith.constant 96 : index
    %get3A_1719 = tpu.vector_load %arg11[%get3A_1717, %get3A_1718] {strides = array<i32>} : memref<50x125xi32, #tpu.memory_space<vmem>>, vector<16xi32>,
    tpu.vector_store_idx %arg12[%get3A_1719], %broadcast_in_dim3A_2 {add = true} : memref<64xf32, #tpu.memory_space<vmem>>[vector<16xi32>], vector<16xf32>,
    %get3A_1720 = arith.constant 49 : i32
    %get3A_1721 = arith.index_cast %get3A_1720 : i32 to index
    %get3A_1722 = arith.constant 109 : index
    %get3A_1723 = tpu.vector_load %arg11[%get3A_1721, %get3A_1722] {strides = array<i32>} : memref<50x125xi32, #tpu.memory_space<vmem>>, vector<16xi32>,
    tpu.vector_store_idx %arg12[%get3A_1723], %broadcast_in_dim3A_2 masked %ge3A_124 {add = true} : memref<64xf32, #tpu.memory_space<vmem>>[vector<16xi32>], vector<16xf32>, vector<16xi1>
    %dma_wait3A = tpu.memref_slice %arg2[%add3A_79, %mul3A_81] : memref<100000x128xf32, #tpu.memory_space<hbm>> -> memref<250x64xf32, #tpu.memory_space<hbm>>
    %dma_wait3A_1724 = tpu.memref_slice %arg2[%add3A_79, %mul3A_81] : memref<100000x128xf32, #tpu.memory_space<hbm>> -> memref<250x64xf32, #tpu.memory_space<hbm>>
    tpu.wait_dma2 semaphore(%arg17 : memref<!tpu.dma_semaphore, #tpu.memory_space<semaphore_mem>>) src(%dma_wait3A_1724 : memref<250x64xf32, #tpu.memory_space<hbm>>) dst(%arg5 : memref<250x64xf32, #tpu.memory_space<vmem>>)
    %dma_start3A_1725 = arith.constant 0 : i32
    %dma_start3A_1726 = arith.constant 0 : i32
    %dma_start3A_1727 = arith.constant 0 : i32
    %dma_start3A_1728 = tpu.memref_slice %arg5[%dma_start3A_1726, %dma_start3A_1727] : memref<250x64xf32, #tpu.memory_space<vmem>> -> memref<125x64xf32, #tpu.memory_space<vmem>>
    %dma_start3A_1729 = arith.constant 0 : i32
    %dma_start3A_1730 = tpu.memref_slice %arg11[%dma_start3A_1725, %dma_start3A_1729] : memref<50x125xi32, #tpu.memory_space<vmem>> -> memref<1x125xi32, #tpu.memory_space<vmem>>
    %dma_start3A_1731 = tpu.memref_squeeze %dma_start3A_1730 : memref<1x125xi32, #tpu.memory_space<vmem>> -> memref<125xi32, #tpu.memory_space<vmem>>
    %dma_start3A_1732 = arith.constant 0 : i32
    %dma_start3A_1733 = arith.constant 0 : i32
    %dma_start3A_1734 = tpu.memref_slice %arg15[%dma_start3A_1732, %dma_start3A_1733] : memref<64x64xf32, #tpu.memory_space<vmem_shared>> -> memref<64x64xf32, #tpu.memory_space<vmem_shared>>
    tpu.enqueue_indirect_dma source(%dma_start3A_1728 : memref<125x64xf32, #tpu.memory_space<vmem>>) target(%dma_start3A_1734 : memref<64x64xf32, #tpu.memory_space<vmem_shared>>) offsets(%dma_start3A_1731 : memref<125xi32, #tpu.memory_space<vmem>>) semaphore(%arg23 : memref<!tpu.dma_semaphore, #tpu.memory_space<semaphore_mem>>) {add = true}
    %dma_start3A_1735 = arith.constant 1 : i32
    %dma_start3A_1736 = arith.constant 125 : i32
    %dma_start3A_1737 = arith.constant 0 : i32
    %dma_start3A_1738 = tpu.memref_slice %arg5[%dma_start3A_1736, %dma_start3A_1737] : memref<250x64xf32, #tpu.memory_space<vmem>> -> memref<125x64xf32, #tpu.memory_space<vmem>>
    %dma_start3A_1739 = arith.constant 0 : i32
    %dma_start3A_1740 = tpu.memref_slice %arg11[%dma_start3A_1735, %dma_start3A_1739] : memref<50x125xi32, #tpu.memory_space<vmem>> -> memref<1x125xi32, #tpu.memory_space<vmem>>
    %dma_start3A_1741 = tpu.memref_squeeze %dma_start3A_1740 : memref<1x125xi32, #tpu.memory_space<vmem>> -> memref<125xi32, #tpu.memory_space<vmem>>
    %dma_start3A_1742 = arith.constant 0 : i32
    %dma_start3A_1743 = arith.constant 0 : i32
    %dma_start3A_1744 = tpu.memref_slice %arg15[%dma_start3A_1742, %dma_start3A_1743] : memref<64x64xf32, #tpu.memory_space<vmem_shared>> -> memref<64x64xf32, #tpu.memory_space<vmem_shared>>
    tpu.enqueue_indirect_dma source(%dma_start3A_1738 : memref<125x64xf32, #tpu.memory_space<vmem>>) target(%dma_start3A_1744 : memref<64x64xf32, #tpu.memory_space<vmem_shared>>) offsets(%dma_start3A_1741 : memref<125xi32, #tpu.memory_space<vmem>>) semaphore(%arg23 : memref<!tpu.dma_semaphore, #tpu.memory_space<semaphore_mem>>) {add = true}
    %dma_wait3A_1745 = tpu.memref_slice %arg2[%add3A_86, %mul3A_88] : memref<100000x128xf32, #tpu.memory_space<hbm>> -> memref<250x64xf32, #tpu.memory_space<hbm>>
    %dma_wait3A_1746 = tpu.memref_slice %arg2[%add3A_86, %mul3A_88] : memref<100000x128xf32, #tpu.memory_space<hbm>> -> memref<250x64xf32, #tpu.memory_space<hbm>>
    tpu.wait_dma2 semaphore(%arg18 : memref<!tpu.dma_semaphore, #tpu.memory_space<semaphore_mem>>) src(%dma_wait3A_1746 : memref<250x64xf32, #tpu.memory_space<hbm>>) dst(%arg6 : memref<250x64xf32, #tpu.memory_space<vmem>>)
    %dma_start3A_1747 = arith.constant 2 : i32
    %dma_start3A_1748 = arith.constant 0 : i32
    %dma_start3A_1749 = arith.constant 0 : i32
    %dma_start3A_1750 = tpu.memref_slice %arg6[%dma_start3A_1748, %dma_start3A_1749] : memref<250x64xf32, #tpu.memory_space<vmem>> -> memref<125x64xf32, #tpu.memory_space<vmem>>
    %dma_start3A_1751 = arith.constant 0 : i32
    %dma_start3A_1752 = tpu.memref_slice %arg11[%dma_start3A_1747, %dma_start3A_1751] : memref<50x125xi32, #tpu.memory_space<vmem>> -> memref<1x125xi32, #tpu.memory_space<vmem>>
    %dma_start3A_1753 = tpu.memref_squeeze %dma_start3A_1752 : memref<1x125xi32, #tpu.memory_space<vmem>> -> memref<125xi32, #tpu.memory_space<vmem>>
    %dma_start3A_1754 = arith.constant 0 : i32
    %dma_start3A_1755 = arith.constant 0 : i32
    %dma_start3A_1756 = tpu.memref_slice %arg15[%dma_start3A_1754, %dma_start3A_1755] : memref<64x64xf32, #tpu.memory_space<vmem_shared>> -> memref<64x64xf32, #tpu.memory_space<vmem_shared>>
    tpu.enqueue_indirect_dma source(%dma_start3A_1750 : memref<125x64xf32, #tpu.memory_space<vmem>>) target(%dma_start3A_1756 : memref<64x64xf32, #tpu.memory_space<vmem_shared>>) offsets(%dma_start3A_1753 : memref<125xi32, #tpu.memory_space<vmem>>) semaphore(%arg24 : memref<!tpu.dma_semaphore, #tpu.memory_space<semaphore_mem>>) {add = true}
    %dma_start3A_1757 = arith.constant 3 : i32
    %dma_start3A_1758 = arith.constant 125 : i32
    %dma_start3A_1759 = arith.constant 0 : i32
    %dma_start3A_1760 = tpu.memref_slice %arg6[%dma_start3A_1758, %dma_start3A_1759] : memref<250x64xf32, #tpu.memory_space<vmem>> -> memref<125x64xf32, #tpu.memory_space<vmem>>
    %dma_start3A_1761 = arith.constant 0 : i32
    %dma_start3A_1762 = tpu.memref_slice %arg11[%dma_start3A_1757, %dma_start3A_1761] : memref<50x125xi32, #tpu.memory_space<vmem>> -> memref<1x125xi32, #tpu.memory_space<vmem>>
    %dma_start3A_1763 = tpu.memref_squeeze %dma_start3A_1762 : memref<1x125xi32, #tpu.memory_space<vmem>> -> memref<125xi32, #tpu.memory_space<vmem>>
    %dma_start3A_1764 = arith.constant 0 : i32
    %dma_start3A_1765 = arith.constant 0 : i32
    %dma_start3A_1766 = tpu.memref_slice %arg15[%dma_start3A_1764, %dma_start3A_1765] : memref<64x64xf32, #tpu.memory_space<vmem_shared>> -> memref<64x64xf32, #tpu.memory_space<vmem_shared>>
    tpu.enqueue_indirect_dma source(%dma_start3A_1760 : memref<125x64xf32, #tpu.memory_space<vmem>>) target(%dma_start3A_1766 : memref<64x64xf32, #tpu.memory_space<vmem_shared>>) offsets(%dma_start3A_1763 : memref<125xi32, #tpu.memory_space<vmem>>) semaphore(%arg24 : memref<!tpu.dma_semaphore, #tpu.memory_space<semaphore_mem>>) {add = true}
    %dma_wait3A_1767 = tpu.memref_slice %arg2[%add3A_94, %mul3A_96] : memref<100000x128xf32, #tpu.memory_space<hbm>> -> memref<250x64xf32, #tpu.memory_space<hbm>>
    %dma_wait3A_1768 = tpu.memref_slice %arg2[%add3A_94, %mul3A_96] : memref<100000x128xf32, #tpu.memory_space<hbm>> -> memref<250x64xf32, #tpu.memory_space<hbm>>
    tpu.wait_dma2 semaphore(%arg19 : memref<!tpu.dma_semaphore, #tpu.memory_space<semaphore_mem>>) src(%dma_wait3A_1768 : memref<250x64xf32, #tpu.memory_space<hbm>>) dst(%arg7 : memref<250x64xf32, #tpu.memory_space<vmem>>)
    %dma_start3A_1769 = arith.constant 4 : i32
    %dma_start3A_1770 = arith.constant 0 : i32
    %dma_start3A_1771 = arith.constant 0 : i32
    %dma_start3A_1772 = tpu.memref_slice %arg7[%dma_start3A_1770, %dma_start3A_1771] : memref<250x64xf32, #tpu.memory_space<vmem>> -> memref<125x64xf32, #tpu.memory_space<vmem>>
    %dma_start3A_1773 = arith.constant 0 : i32
    %dma_start3A_1774 = tpu.memref_slice %arg11[%dma_start3A_1769, %dma_start3A_1773] : memref<50x125xi32, #tpu.memory_space<vmem>> -> memref<1x125xi32, #tpu.memory_space<vmem>>
    %dma_start3A_1775 = tpu.memref_squeeze %dma_start3A_1774 : memref<1x125xi32, #tpu.memory_space<vmem>> -> memref<125xi32, #tpu.memory_space<vmem>>
    %dma_start3A_1776 = arith.constant 0 : i32
    %dma_start3A_1777 = arith.constant 0 : i32
    %dma_start3A_1778 = tpu.memref_slice %arg15[%dma_start3A_1776, %dma_start3A_1777] : memref<64x64xf32, #tpu.memory_space<vmem_shared>> -> memref<64x64xf32, #tpu.memory_space<vmem_shared>>
    tpu.enqueue_indirect_dma source(%dma_start3A_1772 : memref<125x64xf32, #tpu.memory_space<vmem>>) target(%dma_start3A_1778 : memref<64x64xf32, #tpu.memory_space<vmem_shared>>) offsets(%dma_start3A_1775 : memref<125xi32, #tpu.memory_space<vmem>>) semaphore(%arg25 : memref<!tpu.dma_semaphore, #tpu.memory_space<semaphore_mem>>) {add = true}
    %dma_start3A_1779 = arith.constant 5 : i32
    %dma_start3A_1780 = arith.constant 125 : i32
    %dma_start3A_1781 = arith.constant 0 : i32
    %dma_start3A_1782 = tpu.memref_slice %arg7[%dma_start3A_1780, %dma_start3A_1781] : memref<250x64xf32, #tpu.memory_space<vmem>> -> memref<125x64xf32, #tpu.memory_space<vmem>>
    %dma_start3A_1783 = arith.constant 0 : i32
    %dma_start3A_1784 = tpu.memref_slice %arg11[%dma_start3A_1779, %dma_start3A_1783] : memref<50x125xi32, #tpu.memory_space<vmem>> -> memref<1x125xi32, #tpu.memory_space<vmem>>
    %dma_start3A_1785 = tpu.memref_squeeze %dma_start3A_1784 : memref<1x125xi32, #tpu.memory_space<vmem>> -> memref<125xi32, #tpu.memory_space<vmem>>
    %dma_start3A_1786 = arith.constant 0 : i32
    %dma_start3A_1787 = arith.constant 0 : i32
    %dma_start3A_1788 = tpu.memref_slice %arg15[%dma_start3A_1786, %dma_start3A_1787] : memref<64x64xf32, #tpu.memory_space<vmem_shared>> -> memref<64x64xf32, #tpu.memory_space<vmem_shared>>
    tpu.enqueue_indirect_dma source(%dma_start3A_1782 : memref<125x64xf32, #tpu.memory_space<vmem>>) target(%dma_start3A_1788 : memref<64x64xf32, #tpu.memory_space<vmem_shared>>) offsets(%dma_start3A_1785 : memref<125xi32, #tpu.memory_space<vmem>>) semaphore(%arg25 : memref<!tpu.dma_semaphore, #tpu.memory_space<semaphore_mem>>) {add = true}
    %dma_wait3A_1789 = arith.constant 0 : i32
    %dma_wait3A_1790 = arith.constant 0 : i32
    %dma_wait3A_1791 = arith.constant 0 : i32
    %dma_wait3A_1792 = tpu.memref_slice %arg5[%dma_wait3A_1790, %dma_wait3A_1791] : memref<250x64xf32, #tpu.memory_space<vmem>> -> memref<125x64xf32, #tpu.memory_space<vmem>>
    %dma_wait3A_1793 = arith.constant 0 : i32
    %dma_wait3A_1794 = tpu.memref_slice %arg11[%dma_wait3A_1789, %dma_wait3A_1793] : memref<50x125xi32, #tpu.memory_space<vmem>> -> memref<1x125xi32, #tpu.memory_space<vmem>>
    %dma_wait3A_1795 = tpu.memref_squeeze %dma_wait3A_1794 : memref<1x125xi32, #tpu.memory_space<vmem>> -> memref<125xi32, #tpu.memory_space<vmem>>
    %dma_wait3A_1796 = arith.constant 0 : i32
    %dma_wait3A_1797 = arith.constant 0 : i32
    %dma_wait3A_1798 = tpu.memref_slice %arg15[%dma_wait3A_1796, %dma_wait3A_1797] : memref<64x64xf32, #tpu.memory_space<vmem_shared>> -> memref<64x64xf32, #tpu.memory_space<vmem_shared>>
    tpu.wait_indirect_dma semaphore(%arg23 : memref<!tpu.dma_semaphore, #tpu.memory_space<semaphore_mem>>) src(%dma_wait3A_1792 : memref<125x64xf32, #tpu.memory_space<vmem>>) dst(%dma_wait3A_1798 : memref<64x64xf32, #tpu.memory_space<vmem_shared>>)
    %dma_wait3A_1799 = arith.constant 1 : i32
    %dma_wait3A_1800 = arith.constant 125 : i32
    %dma_wait3A_1801 = arith.constant 0 : i32
    %dma_wait3A_1802 = tpu.memref_slice %arg5[%dma_wait3A_1800, %dma_wait3A_1801] : memref<250x64xf32, #tpu.memory_space<vmem>> -> memref<125x64xf32, #tpu.memory_space<vmem>>
    %dma_wait3A_1803 = arith.constant 0 : i32
    %dma_wait3A_1804 = tpu.memref_slice %arg11[%dma_wait3A_1799, %dma_wait3A_1803] : memref<50x125xi32, #tpu.memory_space<vmem>> -> memref<1x125xi32, #tpu.memory_space<vmem>>
    %dma_wait3A_1805 = tpu.memref_squeeze %dma_wait3A_1804 : memref<1x125xi32, #tpu.memory_space<vmem>> -> memref<125xi32, #tpu.memory_space<vmem>>
    %dma_wait3A_1806 = arith.constant 0 : i32
    %dma_wait3A_1807 = arith.constant 0 : i32
    %dma_wait3A_1808 = tpu.memref_slice %arg15[%dma_wait3A_1806, %dma_wait3A_1807] : memref<64x64xf32, #tpu.memory_space<vmem_shared>> -> memref<64x64xf32, #tpu.memory_space<vmem_shared>>
    tpu.wait_indirect_dma semaphore(%arg23 : memref<!tpu.dma_semaphore, #tpu.memory_space<semaphore_mem>>) src(%dma_wait3A_1802 : memref<125x64xf32, #tpu.memory_space<vmem>>) dst(%dma_wait3A_1808 : memref<64x64xf32, #tpu.memory_space<vmem_shared>>)
    %mul3A_1809 = arith.constant 6250 : i32
    %mul3A_1810 = arith.muli %arg1, %mul3A_1809 : i32
    %add3A_1811 = arith.constant 1500 : i32
    %add3A_1812 = arith.addi %mul3A_1810, %add3A_1811 : i32
    %mul3A_1813 = arith.constant 64 : i32
    %mul3A_1814 = arith.muli %arg0, %mul3A_1813 : i32
    %dma_start3A_1815 = tpu.memref_slice %arg2[%add3A_1812, %mul3A_1814] : memref<100000x128xf32, #tpu.memory_space<hbm>> -> memref<250x64xf32, #tpu.memory_space<hbm>>
    %dma_start3A_1816 = tpu.memref_slice %arg2[%add3A_1812, %mul3A_1814] : memref<100000x128xf32, #tpu.memory_space<hbm>> -> memref<250x64xf32, #tpu.memory_space<hbm>>
    tpu.enqueue_dma source(%dma_start3A_1816 : memref<250x64xf32, #tpu.memory_space<hbm>>) target(%arg5 : memref<250x64xf32, #tpu.memory_space<vmem>>) target_semaphore(%arg17 : memref<!tpu.dma_semaphore, #tpu.memory_space<semaphore_mem>>)
    %dma_wait3A_1817 = tpu.memref_slice %arg2[%add3A_102, %mul3A_104] : memref<100000x128xf32, #tpu.memory_space<hbm>> -> memref<250x64xf32, #tpu.memory_space<hbm>>
    %dma_wait3A_1818 = tpu.memref_slice %arg2[%add3A_102, %mul3A_104] : memref<100000x128xf32, #tpu.memory_space<hbm>> -> memref<250x64xf32, #tpu.memory_space<hbm>>
    tpu.wait_dma2 semaphore(%arg20 : memref<!tpu.dma_semaphore, #tpu.memory_space<semaphore_mem>>) src(%dma_wait3A_1818 : memref<250x64xf32, #tpu.memory_space<hbm>>) dst(%arg8 : memref<250x64xf32, #tpu.memory_space<vmem>>)
    %dma_start3A_1819 = arith.constant 6 : i32
    %dma_start3A_1820 = arith.constant 0 : i32
    %dma_start3A_1821 = arith.constant 0 : i32
    %dma_start3A_1822 = tpu.memref_slice %arg8[%dma_start3A_1820, %dma_start3A_1821] : memref<250x64xf32, #tpu.memory_space<vmem>> -> memref<125x64xf32, #tpu.memory_space<vmem>>
    %dma_start3A_1823 = arith.constant 0 : i32
    %dma_start3A_1824 = tpu.memref_slice %arg11[%dma_start3A_1819, %dma_start3A_1823] : memref<50x125xi32, #tpu.memory_space<vmem>> -> memref<1x125xi32, #tpu.memory_space<vmem>>
    %dma_start3A_1825 = tpu.memref_squeeze %dma_start3A_1824 : memref<1x125xi32, #tpu.memory_space<vmem>> -> memref<125xi32, #tpu.memory_space<vmem>>
    %dma_start3A_1826 = arith.constant 0 : i32
    %dma_start3A_1827 = arith.constant 0 : i32
    %dma_start3A_1828 = tpu.memref_slice %arg15[%dma_start3A_1826, %dma_start3A_1827] : memref<64x64xf32, #tpu.memory_space<vmem_shared>> -> memref<64x64xf32, #tpu.memory_space<vmem_shared>>
    tpu.enqueue_indirect_dma source(%dma_start3A_1822 : memref<125x64xf32, #tpu.memory_space<vmem>>) target(%dma_start3A_1828 : memref<64x64xf32, #tpu.memory_space<vmem_shared>>) offsets(%dma_start3A_1825 : memref<125xi32, #tpu.memory_space<vmem>>) semaphore(%arg26 : memref<!tpu.dma_semaphore, #tpu.memory_space<semaphore_mem>>) {add = true}
    %dma_start3A_1829 = arith.constant 7 : i32
    %dma_start3A_1830 = arith.constant 125 : i32
    %dma_start3A_1831 = arith.constant 0 : i32
    %dma_start3A_1832 = tpu.memref_slice %arg8[%dma_start3A_1830, %dma_start3A_1831] : memref<250x64xf32, #tpu.memory_space<vmem>> -> memref<125x64xf32, #tpu.memory_space<vmem>>
    %dma_start3A_1833 = arith.constant 0 : i32
    %dma_start3A_1834 = tpu.memref_slice %arg11[%dma_start3A_1829, %dma_start3A_1833] : memref<50x125xi32, #tpu.memory_space<vmem>> -> memref<1x125xi32, #tpu.memory_space<vmem>>
    %dma_start3A_1835 = tpu.memref_squeeze %dma_start3A_1834 : memref<1x125xi32, #tpu.memory_space<vmem>> -> memref<125xi32, #tpu.memory_space<vmem>>
    %dma_start3A_1836 = arith.constant 0 : i32
    %dma_start3A_1837 = arith.constant 0 : i32
    %dma_start3A_1838 = tpu.memref_slice %arg15[%dma_start3A_1836, %dma_start3A_1837] : memref<64x64xf32, #tpu.memory_space<vmem_shared>> -> memref<64x64xf32, #tpu.memory_space<vmem_shared>>
    tpu.enqueue_indirect_dma source(%dma_start3A_1832 : memref<125x64xf32, #tpu.memory_space<vmem>>) target(%dma_start3A_1838 : memref<64x64xf32, #tpu.memory_space<vmem_shared>>) offsets(%dma_start3A_1835 : memref<125xi32, #tpu.memory_space<vmem>>) semaphore(%arg26 : memref<!tpu.dma_semaphore, #tpu.memory_space<semaphore_mem>>) {add = true}
    %dma_wait3A_1839 = arith.constant 2 : i32
    %dma_wait3A_1840 = arith.constant 0 : i32
    %dma_wait3A_1841 = arith.constant 0 : i32
    %dma_wait3A_1842 = tpu.memref_slice %arg6[%dma_wait3A_1840, %dma_wait3A_1841] : memref<250x64xf32, #tpu.memory_space<vmem>> -> memref<125x64xf32, #tpu.memory_space<vmem>>
    %dma_wait3A_1843 = arith.constant 0 : i32
    %dma_wait3A_1844 = tpu.memref_slice %arg11[%dma_wait3A_1839, %dma_wait3A_1843] : memref<50x125xi32, #tpu.memory_space<vmem>> -> memref<1x125xi32, #tpu.memory_space<vmem>>
    %dma_wait3A_1845 = tpu.memref_squeeze %dma_wait3A_1844 : memref<1x125xi32, #tpu.memory_space<vmem>> -> memref<125xi32, #tpu.memory_space<vmem>>
    %dma_wait3A_1846 = arith.constant 0 : i32
    %dma_wait3A_1847 = arith.constant 0 : i32
    %dma_wait3A_1848 = tpu.memref_slice %arg15[%dma_wait3A_1846, %dma_wait3A_1847] : memref<64x64xf32, #tpu.memory_space<vmem_shared>> -> memref<64x64xf32, #tpu.memory_space<vmem_shared>>
    tpu.wait_indirect_dma semaphore(%arg24 : memref<!tpu.dma_semaphore, #tpu.memory_space<semaphore_mem>>) src(%dma_wait3A_1842 : memref<125x64xf32, #tpu.memory_space<vmem>>) dst(%dma_wait3A_1848 : memref<64x64xf32, #tpu.memory_space<vmem_shared>>)
    %dma_wait3A_1849 = arith.constant 3 : i32
    %dma_wait3A_1850 = arith.constant 125 : i32
    %dma_wait3A_1851 = arith.constant 0 : i32
    %dma_wait3A_1852 = tpu.memref_slice %arg6[%dma_wait3A_1850, %dma_wait3A_1851] : memref<250x64xf32, #tpu.memory_space<vmem>> -> memref<125x64xf32, #tpu.memory_space<vmem>>
    %dma_wait3A_1853 = arith.constant 0 : i32
    %dma_wait3A_1854 = tpu.memref_slice %arg11[%dma_wait3A_1849, %dma_wait3A_1853] : memref<50x125xi32, #tpu.memory_space<vmem>> -> memref<1x125xi32, #tpu.memory_space<vmem>>
    %dma_wait3A_1855 = tpu.memref_squeeze %dma_wait3A_1854 : memref<1x125xi32, #tpu.memory_space<vmem>> -> memref<125xi32, #tpu.memory_space<vmem>>
    %dma_wait3A_1856 = arith.constant 0 : i32
    %dma_wait3A_1857 = arith.constant 0 : i32
    %dma_wait3A_1858 = tpu.memref_slice %arg15[%dma_wait3A_1856, %dma_wait3A_1857] : memref<64x64xf32, #tpu.memory_space<vmem_shared>> -> memref<64x64xf32, #tpu.memory_space<vmem_shared>>
    tpu.wait_indirect_dma semaphore(%arg24 : memref<!tpu.dma_semaphore, #tpu.memory_space<semaphore_mem>>) src(%dma_wait3A_1852 : memref<125x64xf32, #tpu.memory_space<vmem>>) dst(%dma_wait3A_1858 : memref<64x64xf32, #tpu.memory_space<vmem_shared>>)
    %mul3A_1859 = arith.constant 6250 : i32
    %mul3A_1860 = arith.muli %arg1, %mul3A_1859 : i32
    %add3A_1861 = arith.constant 1750 : i32
    %add3A_1862 = arith.addi %mul3A_1860, %add3A_1861 : i32
    %mul3A_1863 = arith.constant 64 : i32
    %mul3A_1864 = arith.muli %arg0, %mul3A_1863 : i32
    %dma_start3A_1865 = tpu.memref_slice %arg2[%add3A_1862, %mul3A_1864] : memref<100000x128xf32, #tpu.memory_space<hbm>> -> memref<250x64xf32, #tpu.memory_space<hbm>>
    %dma_start3A_1866 = tpu.memref_slice %arg2[%add3A_1862, %mul3A_1864] : memref<100000x128xf32, #tpu.memory_space<hbm>> -> memref<250x64xf32, #tpu.memory_space<hbm>>
    tpu.enqueue_dma source(%dma_start3A_1866 : memref<250x64xf32, #tpu.memory_space<hbm>>) target(%arg6 : memref<250x64xf32, #tpu.memory_space<vmem>>) target_semaphore(%arg18 : memref<!tpu.dma_semaphore, #tpu.memory_space<semaphore_mem>>)
    %dma_wait3A_1867 = tpu.memref_slice %arg2[%add3A_110, %mul3A_112] : memref<100000x128xf32, #tpu.memory_space<hbm>> -> memref<250x64xf32, #tpu.memory_space<hbm>>
    %dma_wait3A_1868 = tpu.memref_slice %arg2[%add3A_110, %mul3A_112] : memref<100000x128xf32, #tpu.memory_space<hbm>> -> memref<250x64xf32, #tpu.memory_space<hbm>>
    tpu.wait_dma2 semaphore(%arg21 : memref<!tpu.dma_semaphore, #tpu.memory_space<semaphore_mem>>) src(%dma_wait3A_1868 : memref<250x64xf32, #tpu.memory_space<hbm>>) dst(%arg9 : memref<250x64xf32, #tpu.memory_space<vmem>>)
    %dma_start3A_1869 = arith.constant 8 : i32
    %dma_start3A_1870 = arith.constant 0 : i32
    %dma_start3A_1871 = arith.constant 0 : i32
    %dma_start3A_1872 = tpu.memref_slice %arg9[%dma_start3A_1870, %dma_start3A_1871] : memref<250x64xf32, #tpu.memory_space<vmem>> -> memref<125x64xf32, #tpu.memory_space<vmem>>
    %dma_start3A_1873 = arith.constant 0 : i32
    %dma_start3A_1874 = tpu.memref_slice %arg11[%dma_start3A_1869, %dma_start3A_1873] : memref<50x125xi32, #tpu.memory_space<vmem>> -> memref<1x125xi32, #tpu.memory_space<vmem>>
    %dma_start3A_1875 = tpu.memref_squeeze %dma_start3A_1874 : memref<1x125xi32, #tpu.memory_space<vmem>> -> memref<125xi32, #tpu.memory_space<vmem>>
    %dma_start3A_1876 = arith.constant 0 : i32
    %dma_start3A_1877 = arith.constant 0 : i32
    %dma_start3A_1878 = tpu.memref_slice %arg15[%dma_start3A_1876, %dma_start3A_1877] : memref<64x64xf32, #tpu.memory_space<vmem_shared>> -> memref<64x64xf32, #tpu.memory_space<vmem_shared>>
    tpu.enqueue_indirect_dma source(%dma_start3A_1872 : memref<125x64xf32, #tpu.memory_space<vmem>>) target(%dma_start3A_1878 : memref<64x64xf32, #tpu.memory_space<vmem_shared>>) offsets(%dma_start3A_1875 : memref<125xi32, #tpu.memory_space<vmem>>) semaphore(%arg27 : memref<!tpu.dma_semaphore, #tpu.memory_space<semaphore_mem>>) {add = true}
    %dma_start3A_1879 = arith.constant 9 : i32
    %dma_start3A_1880 = arith.constant 125 : i32
    %dma_start3A_1881 = arith.constant 0 : i32
    %dma_start3A_1882 = tpu.memref_slice %arg9[%dma_start3A_1880, %dma_start3A_1881] : memref<250x64xf32, #tpu.memory_space<vmem>> -> memref<125x64xf32, #tpu.memory_space<vmem>>
    %dma_start3A_1883 = arith.constant 0 : i32
    %dma_start3A_1884 = tpu.memref_slice %arg11[%dma_start3A_1879, %dma_start3A_1883] : memref<50x125xi32, #tpu.memory_space<vmem>> -> memref<1x125xi32, #tpu.memory_space<vmem>>
    %dma_start3A_1885 = tpu.memref_squeeze %dma_start3A_1884 : memref<1x125xi32, #tpu.memory_space<vmem>> -> memref<125xi32, #tpu.memory_space<vmem>>
    %dma_start3A_1886 = arith.constant 0 : i32
    %dma_start3A_1887 = arith.constant 0 : i32
    %dma_start3A_1888 = tpu.memref_slice %arg15[%dma_start3A_1886, %dma_start3A_1887] : memref<64x64xf32, #tpu.memory_space<vmem_shared>> -> memref<64x64xf32, #tpu.memory_space<vmem_shared>>
    tpu.enqueue_indirect_dma source(%dma_start3A_1882 : memref<125x64xf32, #tpu.memory_space<vmem>>) target(%dma_start3A_1888 : memref<64x64xf32, #tpu.memory_space<vmem_shared>>) offsets(%dma_start3A_1885 : memref<125xi32, #tpu.memory_space<vmem>>) semaphore(%arg27 : memref<!tpu.dma_semaphore, #tpu.memory_space<semaphore_mem>>) {add = true}
    %dma_wait3A_1889 = arith.constant 4 : i32
    %dma_wait3A_1890 = arith.constant 0 : i32
    %dma_wait3A_1891 = arith.constant 0 : i32
    %dma_wait3A_1892 = tpu.memref_slice %arg7[%dma_wait3A_1890, %dma_wait3A_1891] : memref<250x64xf32, #tpu.memory_space<vmem>> -> memref<125x64xf32, #tpu.memory_space<vmem>>
    %dma_wait3A_1893 = arith.constant 0 : i32
    %dma_wait3A_1894 = tpu.memref_slice %arg11[%dma_wait3A_1889, %dma_wait3A_1893] : memref<50x125xi32, #tpu.memory_space<vmem>> -> memref<1x125xi32, #tpu.memory_space<vmem>>
    %dma_wait3A_1895 = tpu.memref_squeeze %dma_wait3A_1894 : memref<1x125xi32, #tpu.memory_space<vmem>> -> memref<125xi32, #tpu.memory_space<vmem>>
    %dma_wait3A_1896 = arith.constant 0 : i32
    %dma_wait3A_1897 = arith.constant 0 : i32
    %dma_wait3A_1898 = tpu.memref_slice %arg15[%dma_wait3A_1896, %dma_wait3A_1897] : memref<64x64xf32, #tpu.memory_space<vmem_shared>> -> memref<64x64xf32, #tpu.memory_space<vmem_shared>>
    tpu.wait_indirect_dma semaphore(%arg25 : memref<!tpu.dma_semaphore, #tpu.memory_space<semaphore_mem>>) src(%dma_wait3A_1892 : memref<125x64xf32, #tpu.memory_space<vmem>>) dst(%dma_wait3A_1898 : memref<64x64xf32, #tpu.memory_space<vmem_shared>>)
    %dma_wait3A_1899 = arith.constant 5 : i32
    %dma_wait3A_1900 = arith.constant 125 : i32
    %dma_wait3A_1901 = arith.constant 0 : i32
    %dma_wait3A_1902 = tpu.memref_slice %arg7[%dma_wait3A_1900, %dma_wait3A_1901] : memref<250x64xf32, #tpu.memory_space<vmem>> -> memref<125x64xf32, #tpu.memory_space<vmem>>
    %dma_wait3A_1903 = arith.constant 0 : i32
    %dma_wait3A_1904 = tpu.memref_slice %arg11[%dma_wait3A_1899, %dma_wait3A_1903] : memref<50x125xi32, #tpu.memory_space<vmem>> -> memref<1x125xi32, #tpu.memory_space<vmem>>
    %dma_wait3A_1905 = tpu.memref_squeeze %dma_wait3A_1904 : memref<1x125xi32, #tpu.memory_space<vmem>> -> memref<125xi32, #tpu.memory_space<vmem>>
    %dma_wait3A_1906 = arith.constant 0 : i32
    %dma_wait3A_1907 = arith.constant 0 : i32
    %dma_wait3A_1908 = tpu.memref_slice %arg15[%dma_wait3A_1906, %dma_wait3A_1907] : memref<64x64xf32, #tpu.memory_space<vmem_shared>> -> memref<64x64xf32, #tpu.memory_space<vmem_shared>>
    tpu.wait_indirect_dma semaphore(%arg25 : memref<!tpu.dma_semaphore, #tpu.memory_space<semaphore_mem>>) src(%dma_wait3A_1902 : memref<125x64xf32, #tpu.memory_space<vmem>>) dst(%dma_wait3A_1908 : memref<64x64xf32, #tpu.memory_space<vmem_shared>>)
    %mul3A_1909 = arith.constant 6250 : i32
    %mul3A_1910 = arith.muli %arg1, %mul3A_1909 : i32
    %add3A_1911 = arith.constant 2000 : i32
    %add3A_1912 = arith.addi %mul3A_1910, %add3A_1911 : i32
    %mul3A_1913 = arith.constant 64 : i32
    %mul3A_1914 = arith.muli %arg0, %mul3A_1913 : i32
    %dma_start3A_1915 = tpu.memref_slice %arg2[%add3A_1912, %mul3A_1914] : memref<100000x128xf32, #tpu.memory_space<hbm>> -> memref<250x64xf32, #tpu.memory_space<hbm>>
    %dma_start3A_1916 = tpu.memref_slice %arg2[%add3A_1912, %mul3A_1914] : memref<100000x128xf32, #tpu.memory_space<hbm>> -> memref<250x64xf32, #tpu.memory_space<hbm>>
    tpu.enqueue_dma source(%dma_start3A_1916 : memref<250x64xf32, #tpu.memory_space<hbm>>) target(%arg7 : memref<250x64xf32, #tpu.memory_space<vmem>>) target_semaphore(%arg19 : memref<!tpu.dma_semaphore, #tpu.memory_space<semaphore_mem>>)
    %dma_wait3A_1917 = tpu.memref_slice %arg2[%add3A_118, %mul3A_120] : memref<100000x128xf32, #tpu.memory_space<hbm>> -> memref<250x64xf32, #tpu.memory_space<hbm>>
    %dma_wait3A_1918 = tpu.memref_slice %arg2[%add3A_118, %mul3A_120] : memref<100000x128xf32, #tpu.memory_space<hbm>> -> memref<250x64xf32, #tpu.memory_space<hbm>>
    tpu.wait_dma2 semaphore(%arg22 : memref<!tpu.dma_semaphore, #tpu.memory_space<semaphore_mem>>) src(%dma_wait3A_1918 : memref<250x64xf32, #tpu.memory_space<hbm>>) dst(%arg10 : memref<250x64xf32, #tpu.memory_space<vmem>>)
    %dma_start3A_1919 = arith.constant 10 : i32
    %dma_start3A_1920 = arith.constant 0 : i32
    %dma_start3A_1921 = arith.constant 0 : i32
    %dma_start3A_1922 = tpu.memref_slice %arg10[%dma_start3A_1920, %dma_start3A_1921] : memref<250x64xf32, #tpu.memory_space<vmem>> -> memref<125x64xf32, #tpu.memory_space<vmem>>
    %dma_start3A_1923 = arith.constant 0 : i32
    %dma_start3A_1924 = tpu.memref_slice %arg11[%dma_start3A_1919, %dma_start3A_1923] : memref<50x125xi32, #tpu.memory_space<vmem>> -> memref<1x125xi32, #tpu.memory_space<vmem>>
    %dma_start3A_1925 = tpu.memref_squeeze %dma_start3A_1924 : memref<1x125xi32, #tpu.memory_space<vmem>> -> memref<125xi32, #tpu.memory_space<vmem>>
    %dma_start3A_1926 = arith.constant 0 : i32
    %dma_start3A_1927 = arith.constant 0 : i32
    %dma_start3A_1928 = tpu.memref_slice %arg15[%dma_start3A_1926, %dma_start3A_1927] : memref<64x64xf32, #tpu.memory_space<vmem_shared>> -> memref<64x64xf32, #tpu.memory_space<vmem_shared>>
    tpu.enqueue_indirect_dma source(%dma_start3A_1922 : memref<125x64xf32, #tpu.memory_space<vmem>>) target(%dma_start3A_1928 : memref<64x64xf32, #tpu.memory_space<vmem_shared>>) offsets(%dma_start3A_1925 : memref<125xi32, #tpu.memory_space<vmem>>) semaphore(%arg28 : memref<!tpu.dma_semaphore, #tpu.memory_space<semaphore_mem>>) {add = true}
    %dma_start3A_1929 = arith.constant 11 : i32
    %dma_start3A_1930 = arith.constant 125 : i32
    %dma_start3A_1931 = arith.constant 0 : i32
    %dma_start3A_1932 = tpu.memref_slice %arg10[%dma_start3A_1930, %dma_start3A_1931] : memref<250x64xf32, #tpu.memory_space<vmem>> -> memref<125x64xf32, #tpu.memory_space<vmem>>
    %dma_start3A_1933 = arith.constant 0 : i32
    %dma_start3A_1934 = tpu.memref_slice %arg11[%dma_start3A_1929, %dma_start3A_1933] : memref<50x125xi32, #tpu.memory_space<vmem>> -> memref<1x125xi32, #tpu.memory_space<vmem>>
    %dma_start3A_1935 = tpu.memref_squeeze %dma_start3A_1934 : memref<1x125xi32, #tpu.memory_space<vmem>> -> memref<125xi32, #tpu.memory_space<vmem>>
    %dma_start3A_1936 = arith.constant 0 : i32
    %dma_start3A_1937 = arith.constant 0 : i32
    %dma_start3A_1938 = tpu.memref_slice %arg15[%dma_start3A_1936, %dma_start3A_1937] : memref<64x64xf32, #tpu.memory_space<vmem_shared>> -> memref<64x64xf32, #tpu.memory_space<vmem_shared>>
    tpu.enqueue_indirect_dma source(%dma_start3A_1932 : memref<125x64xf32, #tpu.memory_space<vmem>>) target(%dma_start3A_1938 : memref<64x64xf32, #tpu.memory_space<vmem_shared>>) offsets(%dma_start3A_1935 : memref<125xi32, #tpu.memory_space<vmem>>) semaphore(%arg28 : memref<!tpu.dma_semaphore, #tpu.memory_space<semaphore_mem>>) {add = true}
    %dma_wait3A_1939 = arith.constant 6 : i32
    %dma_wait3A_1940 = arith.constant 0 : i32
    %dma_wait3A_1941 = arith.constant 0 : i32
    %dma_wait3A_1942 = tpu.memref_slice %arg8[%dma_wait3A_1940, %dma_wait3A_1941] : memref<250x64xf32, #tpu.memory_space<vmem>> -> memref<125x64xf32, #tpu.memory_space<vmem>>
    %dma_wait3A_1943 = arith.constant 0 : i32
    %dma_wait3A_1944 = tpu.memref_slice %arg11[%dma_wait3A_1939, %dma_wait3A_1943] : memref<50x125xi32, #tpu.memory_space<vmem>> -> memref<1x125xi32, #tpu.memory_space<vmem>>
    %dma_wait3A_1945 = tpu.memref_squeeze %dma_wait3A_1944 : memref<1x125xi32, #tpu.memory_space<vmem>> -> memref<125xi32, #tpu.memory_space<vmem>>
    %dma_wait3A_1946 = arith.constant 0 : i32
    %dma_wait3A_1947 = arith.constant 0 : i32
    %dma_wait3A_1948 = tpu.memref_slice %arg15[%dma_wait3A_1946, %dma_wait3A_1947] : memref<64x64xf32, #tpu.memory_space<vmem_shared>> -> memref<64x64xf32, #tpu.memory_space<vmem_shared>>
    tpu.wait_indirect_dma semaphore(%arg26 : memref<!tpu.dma_semaphore, #tpu.memory_space<semaphore_mem>>) src(%dma_wait3A_1942 : memref<125x64xf32, #tpu.memory_space<vmem>>) dst(%dma_wait3A_1948 : memref<64x64xf32, #tpu.memory_space<vmem_shared>>)
    %dma_wait3A_1949 = arith.constant 7 : i32
    %dma_wait3A_1950 = arith.constant 125 : i32
    %dma_wait3A_1951 = arith.constant 0 : i32
    %dma_wait3A_1952 = tpu.memref_slice %arg8[%dma_wait3A_1950, %dma_wait3A_1951] : memref<250x64xf32, #tpu.memory_space<vmem>> -> memref<125x64xf32, #tpu.memory_space<vmem>>
    %dma_wait3A_1953 = arith.constant 0 : i32
    %dma_wait3A_1954 = tpu.memref_slice %arg11[%dma_wait3A_1949, %dma_wait3A_1953] : memref<50x125xi32, #tpu.memory_space<vmem>> -> memref<1x125xi32, #tpu.memory_space<vmem>>
    %dma_wait3A_1955 = tpu.memref_squeeze %dma_wait3A_1954 : memref<1x125xi32, #tpu.memory_space<vmem>> -> memref<125xi32, #tpu.memory_space<vmem>>
    %dma_wait3A_1956 = arith.constant 0 : i32
    %dma_wait3A_1957 = arith.constant 0 : i32
    %dma_wait3A_1958 = tpu.memref_slice %arg15[%dma_wait3A_1956, %dma_wait3A_1957] : memref<64x64xf32, #tpu.memory_space<vmem_shared>> -> memref<64x64xf32, #tpu.memory_space<vmem_shared>>
    tpu.wait_indirect_dma semaphore(%arg26 : memref<!tpu.dma_semaphore, #tpu.memory_space<semaphore_mem>>) src(%dma_wait3A_1952 : memref<125x64xf32, #tpu.memory_space<vmem>>) dst(%dma_wait3A_1958 : memref<64x64xf32, #tpu.memory_space<vmem_shared>>)
    %mul3A_1959 = arith.constant 6250 : i32
    %mul3A_1960 = arith.muli %arg1, %mul3A_1959 : i32
    %add3A_1961 = arith.constant 2250 : i32
    %add3A_1962 = arith.addi %mul3A_1960, %add3A_1961 : i32
    %mul3A_1963 = arith.constant 64 : i32
    %mul3A_1964 = arith.muli %arg0, %mul3A_1963 : i32
    %dma_start3A_1965 = tpu.memref_slice %arg2[%add3A_1962, %mul3A_1964] : memref<100000x128xf32, #tpu.memory_space<hbm>> -> memref<250x64xf32, #tpu.memory_space<hbm>>
    %dma_start3A_1966 = tpu.memref_slice %arg2[%add3A_1962, %mul3A_1964] : memref<100000x128xf32, #tpu.memory_space<hbm>> -> memref<250x64xf32, #tpu.memory_space<hbm>>
    tpu.enqueue_dma source(%dma_start3A_1966 : memref<250x64xf32, #tpu.memory_space<hbm>>) target(%arg8 : memref<250x64xf32, #tpu.memory_space<vmem>>) target_semaphore(%arg20 : memref<!tpu.dma_semaphore, #tpu.memory_space<semaphore_mem>>)
    %dma_wait3A_1967 = tpu.memref_slice %arg2[%add3A_1812, %mul3A_1814] : memref<100000x128xf32, #tpu.memory_space<hbm>> -> memref<250x64xf32, #tpu.memory_space<hbm>>
    %dma_wait3A_1968 = tpu.memref_slice %arg2[%add3A_1812, %mul3A_1814] : memref<100000x128xf32, #tpu.memory_space<hbm>> -> memref<250x64xf32, #tpu.memory_space<hbm>>
    tpu.wait_dma2 semaphore(%arg17 : memref<!tpu.dma_semaphore, #tpu.memory_space<semaphore_mem>>) src(%dma_wait3A_1968 : memref<250x64xf32, #tpu.memory_space<hbm>>) dst(%arg5 : memref<250x64xf32, #tpu.memory_space<vmem>>)
    %dma_start3A_1969 = arith.constant 12 : i32
    %dma_start3A_1970 = arith.constant 0 : i32
    %dma_start3A_1971 = arith.constant 0 : i32
    %dma_start3A_1972 = tpu.memref_slice %arg5[%dma_start3A_1970, %dma_start3A_1971] : memref<250x64xf32, #tpu.memory_space<vmem>> -> memref<125x64xf32, #tpu.memory_space<vmem>>
    %dma_start3A_1973 = arith.constant 0 : i32
    %dma_start3A_1974 = tpu.memref_slice %arg11[%dma_start3A_1969, %dma_start3A_1973] : memref<50x125xi32, #tpu.memory_space<vmem>> -> memref<1x125xi32, #tpu.memory_space<vmem>>
    %dma_start3A_1975 = tpu.memref_squeeze %dma_start3A_1974 : memref<1x125xi32, #tpu.memory_space<vmem>> -> memref<125xi32, #tpu.memory_space<vmem>>
    %dma_start3A_1976 = arith.constant 0 : i32
    %dma_start3A_1977 = arith.constant 0 : i32
    %dma_start3A_1978 = tpu.memref_slice %arg15[%dma_start3A_1976, %dma_start3A_1977] : memref<64x64xf32, #tpu.memory_space<vmem_shared>> -> memref<64x64xf32, #tpu.memory_space<vmem_shared>>
    tpu.enqueue_indirect_dma source(%dma_start3A_1972 : memref<125x64xf32, #tpu.memory_space<vmem>>) target(%dma_start3A_1978 : memref<64x64xf32, #tpu.memory_space<vmem_shared>>) offsets(%dma_start3A_1975 : memref<125xi32, #tpu.memory_space<vmem>>) semaphore(%arg23 : memref<!tpu.dma_semaphore, #tpu.memory_space<semaphore_mem>>) {add = true}
    %dma_start3A_1979 = arith.constant 13 : i32
    %dma_start3A_1980 = arith.constant 125 : i32
    %dma_start3A_1981 = arith.constant 0 : i32
    %dma_start3A_1982 = tpu.memref_slice %arg5[%dma_start3A_1980, %dma_start3A_1981] : memref<250x64xf32, #tpu.memory_space<vmem>> -> memref<125x64xf32, #tpu.memory_space<vmem>>
    %dma_start3A_1983 = arith.constant 0 : i32
    %dma_start3A_1984 = tpu.memref_slice %arg11[%dma_start3A_1979, %dma_start3A_1983] : memref<50x125xi32, #tpu.memory_space<vmem>> -> memref<1x125xi32, #tpu.memory_space<vmem>>
    %dma_start3A_1985 = tpu.memref_squeeze %dma_start3A_1984 : memref<1x125xi32, #tpu.memory_space<vmem>> -> memref<125xi32, #tpu.memory_space<vmem>>
    %dma_start3A_1986 = arith.constant 0 : i32
    %dma_start3A_1987 = arith.constant 0 : i32
    %dma_start3A_1988 = tpu.memref_slice %arg15[%dma_start3A_1986, %dma_start3A_1987] : memref<64x64xf32, #tpu.memory_space<vmem_shared>> -> memref<64x64xf32, #tpu.memory_space<vmem_shared>>
    tpu.enqueue_indirect_dma source(%dma_start3A_1982 : memref<125x64xf32, #tpu.memory_space<vmem>>) target(%dma_start3A_1988 : memref<64x64xf32, #tpu.memory_space<vmem_shared>>) offsets(%dma_start3A_1985 : memref<125xi32, #tpu.memory_space<vmem>>) semaphore(%arg23 : memref<!tpu.dma_semaphore, #tpu.memory_space<semaphore_mem>>) {add = true}
    %dma_wait3A_1989 = arith.constant 8 : i32
    %dma_wait3A_1990 = arith.constant 0 : i32
    %dma_wait3A_1991 = arith.constant 0 : i32
    %dma_wait3A_1992 = tpu.memref_slice %arg9[%dma_wait3A_1990, %dma_wait3A_1991] : memref<250x64xf32, #tpu.memory_space<vmem>> -> memref<125x64xf32, #tpu.memory_space<vmem>>
    %dma_wait3A_1993 = arith.constant 0 : i32
    %dma_wait3A_1994 = tpu.memref_slice %arg11[%dma_wait3A_1989, %dma_wait3A_1993] : memref<50x125xi32, #tpu.memory_space<vmem>> -> memref<1x125xi32, #tpu.memory_space<vmem>>
    %dma_wait3A_1995 = tpu.memref_squeeze %dma_wait3A_1994 : memref<1x125xi32, #tpu.memory_space<vmem>> -> memref<125xi32, #tpu.memory_space<vmem>>
    %dma_wait3A_1996 = arith.constant 0 : i32
    %dma_wait3A_1997 = arith.constant 0 : i32
    %dma_wait3A_1998 = tpu.memref_slice %arg15[%dma_wait3A_1996, %dma_wait3A_1997] : memref<64x64xf32, #tpu.memory_space<vmem_shared>> -> memref<64x64xf32, #tpu.memory_space<vmem_shared>>
    tpu.wait_indirect_dma semaphore(%arg27 : memref<!tpu.dma_semaphore, #tpu.memory_space<semaphore_mem>>) src(%dma_wait3A_1992 : memref<125x64xf32, #tpu.memory_space<vmem>>) dst(%dma_wait3A_1998 : memref<64x64xf32, #tpu.memory_space<vmem_shared>>)
    %dma_wait3A_1999 = arith.constant 9 : i32
    %dma_wait3A_2000 = arith.constant 125 : i32
    %dma_wait3A_2001 = arith.constant 0 : i32
    %dma_wait3A_2002 = tpu.memref_slice %arg9[%dma_wait3A_2000, %dma_wait3A_2001] : memref<250x64xf32, #tpu.memory_space<vmem>> -> memref<125x64xf32, #tpu.memory_space<vmem>>
    %dma_wait3A_2003 = arith.constant 0 : i32
    %dma_wait3A_2004 = tpu.memref_slice %arg11[%dma_wait3A_1999, %dma_wait3A_2003] : memref<50x125xi32, #tpu.memory_space<vmem>> -> memref<1x125xi32, #tpu.memory_space<vmem>>
    %dma_wait3A_2005 = tpu.memref_squeeze %dma_wait3A_2004 : memref<1x125xi32, #tpu.memory_space<vmem>> -> memref<125xi32, #tpu.memory_space<vmem>>
    %dma_wait3A_2006 = arith.constant 0 : i32
    %dma_wait3A_2007 = arith.constant 0 : i32
    %dma_wait3A_2008 = tpu.memref_slice %arg15[%dma_wait3A_2006, %dma_wait3A_2007] : memref<64x64xf32, #tpu.memory_space<vmem_shared>> -> memref<64x64xf32, #tpu.memory_space<vmem_shared>>
    tpu.wait_indirect_dma semaphore(%arg27 : memref<!tpu.dma_semaphore, #tpu.memory_space<semaphore_mem>>) src(%dma_wait3A_2002 : memref<125x64xf32, #tpu.memory_space<vmem>>) dst(%dma_wait3A_2008 : memref<64x64xf32, #tpu.memory_space<vmem_shared>>)
    %mul3A_2009 = arith.constant 6250 : i32
    %mul3A_2010 = arith.muli %arg1, %mul3A_2009 : i32
    %add3A_2011 = arith.constant 2500 : i32
    %add3A_2012 = arith.addi %mul3A_2010, %add3A_2011 : i32
    %mul3A_2013 = arith.constant 64 : i32
    %mul3A_2014 = arith.muli %arg0, %mul3A_2013 : i32
    %dma_start3A_2015 = tpu.memref_slice %arg2[%add3A_2012, %mul3A_2014] : memref<100000x128xf32, #tpu.memory_space<hbm>> -> memref<250x64xf32, #tpu.memory_space<hbm>>
    %dma_start3A_2016 = tpu.memref_slice %arg2[%add3A_2012, %mul3A_2014] : memref<100000x128xf32, #tpu.memory_space<hbm>> -> memref<250x64xf32, #tpu.memory_space<hbm>>
    tpu.enqueue_dma source(%dma_start3A_2016 : memref<250x64xf32, #tpu.memory_space<hbm>>) target(%arg9 : memref<250x64xf32, #tpu.memory_space<vmem>>) target_semaphore(%arg21 : memref<!tpu.dma_semaphore, #tpu.memory_space<semaphore_mem>>)
    %dma_wait3A_2017 = tpu.memref_slice %arg2[%add3A_1862, %mul3A_1864] : memref<100000x128xf32, #tpu.memory_space<hbm>> -> memref<250x64xf32, #tpu.memory_space<hbm>>
    %dma_wait3A_2018 = tpu.memref_slice %arg2[%add3A_1862, %mul3A_1864] : memref<100000x128xf32, #tpu.memory_space<hbm>> -> memref<250x64xf32, #tpu.memory_space<hbm>>
    tpu.wait_dma2 semaphore(%arg18 : memref<!tpu.dma_semaphore, #tpu.memory_space<semaphore_mem>>) src(%dma_wait3A_2018 : memref<250x64xf32, #tpu.memory_space<hbm>>) dst(%arg6 : memref<250x64xf32, #tpu.memory_space<vmem>>)
    %dma_start3A_2019 = arith.constant 14 : i32
    %dma_start3A_2020 = arith.constant 0 : i32
    %dma_start3A_2021 = arith.constant 0 : i32
    %dma_start3A_2022 = tpu.memref_slice %arg6[%dma_start3A_2020, %dma_start3A_2021] : memref<250x64xf32, #tpu.memory_space<vmem>> -> memref<125x64xf32, #tpu.memory_space<vmem>>
    %dma_start3A_2023 = arith.constant 0 : i32
    %dma_start3A_2024 = tpu.memref_slice %arg11[%dma_start3A_2019, %dma_start3A_2023] : memref<50x125xi32, #tpu.memory_space<vmem>> -> memref<1x125xi32, #tpu.memory_space<vmem>>
    %dma_start3A_2025 = tpu.memref_squeeze %dma_start3A_2024 : memref<1x125xi32, #tpu.memory_space<vmem>> -> memref<125xi32, #tpu.memory_space<vmem>>
    %dma_start3A_2026 = arith.constant 0 : i32
    %dma_start3A_2027 = arith.constant 0 : i32
    %dma_start3A_2028 = tpu.memref_slice %arg15[%dma_start3A_2026, %dma_start3A_2027] : memref<64x64xf32, #tpu.memory_space<vmem_shared>> -> memref<64x64xf32, #tpu.memory_space<vmem_shared>>
    tpu.enqueue_indirect_dma source(%dma_start3A_2022 : memref<125x64xf32, #tpu.memory_space<vmem>>) target(%dma_start3A_2028 : memref<64x64xf32, #tpu.memory_space<vmem_shared>>) offsets(%dma_start3A_2025 : memref<125xi32, #tpu.memory_space<vmem>>) semaphore(%arg24 : memref<!tpu.dma_semaphore, #tpu.memory_space<semaphore_mem>>) {add = true}
    %dma_start3A_2029 = arith.constant 15 : i32
    %dma_start3A_2030 = arith.constant 125 : i32
    %dma_start3A_2031 = arith.constant 0 : i32
    %dma_start3A_2032 = tpu.memref_slice %arg6[%dma_start3A_2030, %dma_start3A_2031] : memref<250x64xf32, #tpu.memory_space<vmem>> -> memref<125x64xf32, #tpu.memory_space<vmem>>
    %dma_start3A_2033 = arith.constant 0 : i32
    %dma_start3A_2034 = tpu.memref_slice %arg11[%dma_start3A_2029, %dma_start3A_2033] : memref<50x125xi32, #tpu.memory_space<vmem>> -> memref<1x125xi32, #tpu.memory_space<vmem>>
    %dma_start3A_2035 = tpu.memref_squeeze %dma_start3A_2034 : memref<1x125xi32, #tpu.memory_space<vmem>> -> memref<125xi32, #tpu.memory_space<vmem>>
    %dma_start3A_2036 = arith.constant 0 : i32
    %dma_start3A_2037 = arith.constant 0 : i32
    %dma_start3A_2038 = tpu.memref_slice %arg15[%dma_start3A_2036, %dma_start3A_2037] : memref<64x64xf32, #tpu.memory_space<vmem_shared>> -> memref<64x64xf32, #tpu.memory_space<vmem_shared>>
    tpu.enqueue_indirect_dma source(%dma_start3A_2032 : memref<125x64xf32, #tpu.memory_space<vmem>>) target(%dma_start3A_2038 : memref<64x64xf32, #tpu.memory_space<vmem_shared>>) offsets(%dma_start3A_2035 : memref<125xi32, #tpu.memory_space<vmem>>) semaphore(%arg24 : memref<!tpu.dma_semaphore, #tpu.memory_space<semaphore_mem>>) {add = true}
    %dma_wait3A_2039 = arith.constant 10 : i32
    %dma_wait3A_2040 = arith.constant 0 : i32
    %dma_wait3A_2041 = arith.constant 0 : i32
    %dma_wait3A_2042 = tpu.memref_slice %arg10[%dma_wait3A_2040, %dma_wait3A_2041] : memref<250x64xf32, #tpu.memory_space<vmem>> -> memref<125x64xf32, #tpu.memory_space<vmem>>
    %dma_wait3A_2043 = arith.constant 0 : i32
    %dma_wait3A_2044 = tpu.memref_slice %arg11[%dma_wait3A_2039, %dma_wait3A_2043] : memref<50x125xi32, #tpu.memory_space<vmem>> -> memref<1x125xi32, #tpu.memory_space<vmem>>
    %dma_wait3A_2045 = tpu.memref_squeeze %dma_wait3A_2044 : memref<1x125xi32, #tpu.memory_space<vmem>> -> memref<125xi32, #tpu.memory_space<vmem>>
    %dma_wait3A_2046 = arith.constant 0 : i32
    %dma_wait3A_2047 = arith.constant 0 : i32
    %dma_wait3A_2048 = tpu.memref_slice %arg15[%dma_wait3A_2046, %dma_wait3A_2047] : memref<64x64xf32, #tpu.memory_space<vmem_shared>> -> memref<64x64xf32, #tpu.memory_space<vmem_shared>>
    tpu.wait_indirect_dma semaphore(%arg28 : memref<!tpu.dma_semaphore, #tpu.memory_space<semaphore_mem>>) src(%dma_wait3A_2042 : memref<125x64xf32, #tpu.memory_space<vmem>>) dst(%dma_wait3A_2048 : memref<64x64xf32, #tpu.memory_space<vmem_shared>>)
    %dma_wait3A_2049 = arith.constant 11 : i32
    %dma_wait3A_2050 = arith.constant 125 : i32
    %dma_wait3A_2051 = arith.constant 0 : i32
    %dma_wait3A_2052 = tpu.memref_slice %arg10[%dma_wait3A_2050, %dma_wait3A_2051] : memref<250x64xf32, #tpu.memory_space<vmem>> -> memref<125x64xf32, #tpu.memory_space<vmem>>
    %dma_wait3A_2053 = arith.constant 0 : i32
    %dma_wait3A_2054 = tpu.memref_slice %arg11[%dma_wait3A_2049, %dma_wait3A_2053] : memref<50x125xi32, #tpu.memory_space<vmem>> -> memref<1x125xi32, #tpu.memory_space<vmem>>
    %dma_wait3A_2055 = tpu.memref_squeeze %dma_wait3A_2054 : memref<1x125xi32, #tpu.memory_space<vmem>> -> memref<125xi32, #tpu.memory_space<vmem>>
    %dma_wait3A_2056 = arith.constant 0 : i32
    %dma_wait3A_2057 = arith.constant 0 : i32
    %dma_wait3A_2058 = tpu.memref_slice %arg15[%dma_wait3A_2056, %dma_wait3A_2057] : memref<64x64xf32, #tpu.memory_space<vmem_shared>> -> memref<64x64xf32, #tpu.memory_space<vmem_shared>>
    tpu.wait_indirect_dma semaphore(%arg28 : memref<!tpu.dma_semaphore, #tpu.memory_space<semaphore_mem>>) src(%dma_wait3A_2052 : memref<125x64xf32, #tpu.memory_space<vmem>>) dst(%dma_wait3A_2058 : memref<64x64xf32, #tpu.memory_space<vmem_shared>>)
    %mul3A_2059 = arith.constant 6250 : i32
    %mul3A_2060 = arith.muli %arg1, %mul3A_2059 : i32
    %add3A_2061 = arith.constant 2750 : i32
    %add3A_2062 = arith.addi %mul3A_2060, %add3A_2061 : i32
    %mul3A_2063 = arith.constant 64 : i32
    %mul3A_2064 = arith.muli %arg0, %mul3A_2063 : i32
    %dma_start3A_2065 = tpu.memref_slice %arg2[%add3A_2062, %mul3A_2064] : memref<100000x128xf32, #tpu.memory_space<hbm>> -> memref<250x64xf32, #tpu.memory_space<hbm>>
    %dma_start3A_2066 = tpu.memref_slice %arg2[%add3A_2062, %mul3A_2064] : memref<100000x128xf32, #tpu.memory_space<hbm>> -> memref<250x64xf32, #tpu.memory_space<hbm>>
    tpu.enqueue_dma source(%dma_start3A_2066 : memref<250x64xf32, #tpu.memory_space<hbm>>) target(%arg10 : memref<250x64xf32, #tpu.memory_space<vmem>>) target_semaphore(%arg22 : memref<!tpu.dma_semaphore, #tpu.memory_space<semaphore_mem>>)
    %dma_wait3A_2067 = tpu.memref_slice %arg2[%add3A_1912, %mul3A_1914] : memref<100000x128xf32, #tpu.memory_space<hbm>> -> memref<250x64xf32, #tpu.memory_space<hbm>>
    %dma_wait3A_2068 = tpu.memref_slice %arg2[%add3A_1912, %mul3A_1914] : memref<100000x128xf32, #tpu.memory_space<hbm>> -> memref<250x64xf32, #tpu.memory_space<hbm>>
    tpu.wait_dma2 semaphore(%arg19 : memref<!tpu.dma_semaphore, #tpu.memory_space<semaphore_mem>>) src(%dma_wait3A_2068 : memref<250x64xf32, #tpu.memory_space<hbm>>) dst(%arg7 : memref<250x64xf32, #tpu.memory_space<vmem>>)
    %dma_start3A_2069 = arith.constant 16 : i32
    %dma_start3A_2070 = arith.constant 0 : i32
    %dma_start3A_2071 = arith.constant 0 : i32
    %dma_start3A_2072 = tpu.memref_slice %arg7[%dma_start3A_2070, %dma_start3A_2071] : memref<250x64xf32, #tpu.memory_space<vmem>> -> memref<125x64xf32, #tpu.memory_space<vmem>>
    %dma_start3A_2073 = arith.constant 0 : i32
    %dma_start3A_2074 = tpu.memref_slice %arg11[%dma_start3A_2069, %dma_start3A_2073] : memref<50x125xi32, #tpu.memory_space<vmem>> -> memref<1x125xi32, #tpu.memory_space<vmem>>
    %dma_start3A_2075 = tpu.memref_squeeze %dma_start3A_2074 : memref<1x125xi32, #tpu.memory_space<vmem>> -> memref<125xi32, #tpu.memory_space<vmem>>
    %dma_start3A_2076 = arith.constant 0 : i32
    %dma_start3A_2077 = arith.constant 0 : i32
    %dma_start3A_2078 = tpu.memref_slice %arg15[%dma_start3A_2076, %dma_start3A_2077] : memref<64x64xf32, #tpu.memory_space<vmem_shared>> -> memref<64x64xf32, #tpu.memory_space<vmem_shared>>
    tpu.enqueue_indirect_dma source(%dma_start3A_2072 : memref<125x64xf32, #tpu.memory_space<vmem>>) target(%dma_start3A_2078 : memref<64x64xf32, #tpu.memory_space<vmem_shared>>) offsets(%dma_start3A_2075 : memref<125xi32, #tpu.memory_space<vmem>>) semaphore(%arg25 : memref<!tpu.dma_semaphore, #tpu.memory_space<semaphore_mem>>) {add = true}
    %dma_start3A_2079 = arith.constant 17 : i32
    %dma_start3A_2080 = arith.constant 125 : i32
    %dma_start3A_2081 = arith.constant 0 : i32
    %dma_start3A_2082 = tpu.memref_slice %arg7[%dma_start3A_2080, %dma_start3A_2081] : memref<250x64xf32, #tpu.memory_space<vmem>> -> memref<125x64xf32, #tpu.memory_space<vmem>>
    %dma_start3A_2083 = arith.constant 0 : i32
    %dma_start3A_2084 = tpu.memref_slice %arg11[%dma_start3A_2079, %dma_start3A_2083] : memref<50x125xi32, #tpu.memory_space<vmem>> -> memref<1x125xi32, #tpu.memory_space<vmem>>
    %dma_start3A_2085 = tpu.memref_squeeze %dma_start3A_2084 : memref<1x125xi32, #tpu.memory_space<vmem>> -> memref<125xi32, #tpu.memory_space<vmem>>
    %dma_start3A_2086 = arith.constant 0 : i32
    %dma_start3A_2087 = arith.constant 0 : i32
    %dma_start3A_2088 = tpu.memref_slice %arg15[%dma_start3A_2086, %dma_start3A_2087] : memref<64x64xf32, #tpu.memory_space<vmem_shared>> -> memref<64x64xf32, #tpu.memory_space<vmem_shared>>
    tpu.enqueue_indirect_dma source(%dma_start3A_2082 : memref<125x64xf32, #tpu.memory_space<vmem>>) target(%dma_start3A_2088 : memref<64x64xf32, #tpu.memory_space<vmem_shared>>) offsets(%dma_start3A_2085 : memref<125xi32, #tpu.memory_space<vmem>>) semaphore(%arg25 : memref<!tpu.dma_semaphore, #tpu.memory_space<semaphore_mem>>) {add = true}
    %dma_wait3A_2089 = arith.constant 12 : i32
    %dma_wait3A_2090 = arith.constant 0 : i32
    %dma_wait3A_2091 = arith.constant 0 : i32
    %dma_wait3A_2092 = tpu.memref_slice %arg5[%dma_wait3A_2090, %dma_wait3A_2091] : memref<250x64xf32, #tpu.memory_space<vmem>> -> memref<125x64xf32, #tpu.memory_space<vmem>>
    %dma_wait3A_2093 = arith.constant 0 : i32
    %dma_wait3A_2094 = tpu.memref_slice %arg11[%dma_wait3A_2089, %dma_wait3A_2093] : memref<50x125xi32, #tpu.memory_space<vmem>> -> memref<1x125xi32, #tpu.memory_space<vmem>>
    %dma_wait3A_2095 = tpu.memref_squeeze %dma_wait3A_2094 : memref<1x125xi32, #tpu.memory_space<vmem>> -> memref<125xi32, #tpu.memory_space<vmem>>
    %dma_wait3A_2096 = arith.constant 0 : i32
    %dma_wait3A_2097 = arith.constant 0 : i32
    %dma_wait3A_2098 = tpu.memref_slice %arg15[%dma_wait3A_2096, %dma_wait3A_2097] : memref<64x64xf32, #tpu.memory_space<vmem_shared>> -> memref<64x64xf32, #tpu.memory_space<vmem_shared>>
    tpu.wait_indirect_dma semaphore(%arg23 : memref<!tpu.dma_semaphore, #tpu.memory_space<semaphore_mem>>) src(%dma_wait3A_2092 : memref<125x64xf32, #tpu.memory_space<vmem>>) dst(%dma_wait3A_2098 : memref<64x64xf32, #tpu.memory_space<vmem_shared>>)
    %dma_wait3A_2099 = arith.constant 13 : i32
    %dma_wait3A_2100 = arith.constant 125 : i32
    %dma_wait3A_2101 = arith.constant 0 : i32
    %dma_wait3A_2102 = tpu.memref_slice %arg5[%dma_wait3A_2100, %dma_wait3A_2101] : memref<250x64xf32, #tpu.memory_space<vmem>> -> memref<125x64xf32, #tpu.memory_space<vmem>>
    %dma_wait3A_2103 = arith.constant 0 : i32
    %dma_wait3A_2104 = tpu.memref_slice %arg11[%dma_wait3A_2099, %dma_wait3A_2103] : memref<50x125xi32, #tpu.memory_space<vmem>> -> memref<1x125xi32, #tpu.memory_space<vmem>>
    %dma_wait3A_2105 = tpu.memref_squeeze %dma_wait3A_2104 : memref<1x125xi32, #tpu.memory_space<vmem>> -> memref<125xi32, #tpu.memory_space<vmem>>
    %dma_wait3A_2106 = arith.constant 0 : i32
    %dma_wait3A_2107 = arith.constant 0 : i32
    %dma_wait3A_2108 = tpu.memref_slice %arg15[%dma_wait3A_2106, %dma_wait3A_2107] : memref<64x64xf32, #tpu.memory_space<vmem_shared>> -> memref<64x64xf32, #tpu.memory_space<vmem_shared>>
    tpu.wait_indirect_dma semaphore(%arg23 : memref<!tpu.dma_semaphore, #tpu.memory_space<semaphore_mem>>) src(%dma_wait3A_2102 : memref<125x64xf32, #tpu.memory_space<vmem>>) dst(%dma_wait3A_2108 : memref<64x64xf32, #tpu.memory_space<vmem_shared>>)
    %mul3A_2109 = arith.constant 6250 : i32
    %mul3A_2110 = arith.muli %arg1, %mul3A_2109 : i32
    %add3A_2111 = arith.constant 3000 : i32
    %add3A_2112 = arith.addi %mul3A_2110, %add3A_2111 : i32
    %mul3A_2113 = arith.constant 64 : i32
    %mul3A_2114 = arith.muli %arg0, %mul3A_2113 : i32
    %dma_start3A_2115 = tpu.memref_slice %arg2[%add3A_2112, %mul3A_2114] : memref<100000x128xf32, #tpu.memory_space<hbm>> -> memref<250x64xf32, #tpu.memory_space<hbm>>
    %dma_start3A_2116 = tpu.memref_slice %arg2[%add3A_2112, %mul3A_2114] : memref<100000x128xf32, #tpu.memory_space<hbm>> -> memref<250x64xf32, #tpu.memory_space<hbm>>
    tpu.enqueue_dma source(%dma_start3A_2116 : memref<250x64xf32, #tpu.memory_space<hbm>>) target(%arg5 : memref<250x64xf32, #tpu.memory_space<vmem>>) target_semaphore(%arg17 : memref<!tpu.dma_semaphore, #tpu.memory_space<semaphore_mem>>)
    %dma_wait3A_2117 = tpu.memref_slice %arg2[%add3A_1962, %mul3A_1964] : memref<100000x128xf32, #tpu.memory_space<hbm>> -> memref<250x64xf32, #tpu.memory_space<hbm>>
    %dma_wait3A_2118 = tpu.memref_slice %arg2[%add3A_1962, %mul3A_1964] : memref<100000x128xf32, #tpu.memory_space<hbm>> -> memref<250x64xf32, #tpu.memory_space<hbm>>
    tpu.wait_dma2 semaphore(%arg20 : memref<!tpu.dma_semaphore, #tpu.memory_space<semaphore_mem>>) src(%dma_wait3A_2118 : memref<250x64xf32, #tpu.memory_space<hbm>>) dst(%arg8 : memref<250x64xf32, #tpu.memory_space<vmem>>)
    %dma_start3A_2119 = arith.constant 18 : i32
    %dma_start3A_2120 = arith.constant 0 : i32
    %dma_start3A_2121 = arith.constant 0 : i32
    %dma_start3A_2122 = tpu.memref_slice %arg8[%dma_start3A_2120, %dma_start3A_2121] : memref<250x64xf32, #tpu.memory_space<vmem>> -> memref<125x64xf32, #tpu.memory_space<vmem>>
    %dma_start3A_2123 = arith.constant 0 : i32
    %dma_start3A_2124 = tpu.memref_slice %arg11[%dma_start3A_2119, %dma_start3A_2123] : memref<50x125xi32, #tpu.memory_space<vmem>> -> memref<1x125xi32, #tpu.memory_space<vmem>>
    %dma_start3A_2125 = tpu.memref_squeeze %dma_start3A_2124 : memref<1x125xi32, #tpu.memory_space<vmem>> -> memref<125xi32, #tpu.memory_space<vmem>>
    %dma_start3A_2126 = arith.constant 0 : i32
    %dma_start3A_2127 = arith.constant 0 : i32
    %dma_start3A_2128 = tpu.memref_slice %arg15[%dma_start3A_2126, %dma_start3A_2127] : memref<64x64xf32, #tpu.memory_space<vmem_shared>> -> memref<64x64xf32, #tpu.memory_space<vmem_shared>>
    tpu.enqueue_indirect_dma source(%dma_start3A_2122 : memref<125x64xf32, #tpu.memory_space<vmem>>) target(%dma_start3A_2128 : memref<64x64xf32, #tpu.memory_space<vmem_shared>>) offsets(%dma_start3A_2125 : memref<125xi32, #tpu.memory_space<vmem>>) semaphore(%arg26 : memref<!tpu.dma_semaphore, #tpu.memory_space<semaphore_mem>>) {add = true}
    %dma_start3A_2129 = arith.constant 19 : i32
    %dma_start3A_2130 = arith.constant 125 : i32
    %dma_start3A_2131 = arith.constant 0 : i32
    %dma_start3A_2132 = tpu.memref_slice %arg8[%dma_start3A_2130, %dma_start3A_2131] : memref<250x64xf32, #tpu.memory_space<vmem>> -> memref<125x64xf32, #tpu.memory_space<vmem>>
    %dma_start3A_2133 = arith.constant 0 : i32
    %dma_start3A_2134 = tpu.memref_slice %arg11[%dma_start3A_2129, %dma_start3A_2133] : memref<50x125xi32, #tpu.memory_space<vmem>> -> memref<1x125xi32, #tpu.memory_space<vmem>>
    %dma_start3A_2135 = tpu.memref_squeeze %dma_start3A_2134 : memref<1x125xi32, #tpu.memory_space<vmem>> -> memref<125xi32, #tpu.memory_space<vmem>>
    %dma_start3A_2136 = arith.constant 0 : i32
    %dma_start3A_2137 = arith.constant 0 : i32
    %dma_start3A_2138 = tpu.memref_slice %arg15[%dma_start3A_2136, %dma_start3A_2137] : memref<64x64xf32, #tpu.memory_space<vmem_shared>> -> memref<64x64xf32, #tpu.memory_space<vmem_shared>>
    tpu.enqueue_indirect_dma source(%dma_start3A_2132 : memref<125x64xf32, #tpu.memory_space<vmem>>) target(%dma_start3A_2138 : memref<64x64xf32, #tpu.memory_space<vmem_shared>>) offsets(%dma_start3A_2135 : memref<125xi32, #tpu.memory_space<vmem>>) semaphore(%arg26 : memref<!tpu.dma_semaphore, #tpu.memory_space<semaphore_mem>>) {add = true}
    %dma_wait3A_2139 = arith.constant 14 : i32
    %dma_wait3A_2140 = arith.constant 0 : i32
    %dma_wait3A_2141 = arith.constant 0 : i32
    %dma_wait3A_2142 = tpu.memref_slice %arg6[%dma_wait3A_2140, %dma_wait3A_2141] : memref<250x64xf32, #tpu.memory_space<vmem>> -> memref<125x64xf32, #tpu.memory_space<vmem>>
    %dma_wait3A_2143 = arith.constant 0 : i32
    %dma_wait3A_2144 = tpu.memref_slice %arg11[%dma_wait3A_2139, %dma_wait3A_2143] : memref<50x125xi32, #tpu.memory_space<vmem>> -> memref<1x125xi32, #tpu.memory_space<vmem>>
    %dma_wait3A_2145 = tpu.memref_squeeze %dma_wait3A_2144 : memref<1x125xi32, #tpu.memory_space<vmem>> -> memref<125xi32, #tpu.memory_space<vmem>>
    %dma_wait3A_2146 = arith.constant 0 : i32
    %dma_wait3A_2147 = arith.constant 0 : i32
    %dma_wait3A_2148 = tpu.memref_slice %arg15[%dma_wait3A_2146, %dma_wait3A_2147] : memref<64x64xf32, #tpu.memory_space<vmem_shared>> -> memref<64x64xf32, #tpu.memory_space<vmem_shared>>
    tpu.wait_indirect_dma semaphore(%arg24 : memref<!tpu.dma_semaphore, #tpu.memory_space<semaphore_mem>>) src(%dma_wait3A_2142 : memref<125x64xf32, #tpu.memory_space<vmem>>) dst(%dma_wait3A_2148 : memref<64x64xf32, #tpu.memory_space<vmem_shared>>)
    %dma_wait3A_2149 = arith.constant 15 : i32
    %dma_wait3A_2150 = arith.constant 125 : i32
    %dma_wait3A_2151 = arith.constant 0 : i32
    %dma_wait3A_2152 = tpu.memref_slice %arg6[%dma_wait3A_2150, %dma_wait3A_2151] : memref<250x64xf32, #tpu.memory_space<vmem>> -> memref<125x64xf32, #tpu.memory_space<vmem>>
    %dma_wait3A_2153 = arith.constant 0 : i32
    %dma_wait3A_2154 = tpu.memref_slice %arg11[%dma_wait3A_2149, %dma_wait3A_2153] : memref<50x125xi32, #tpu.memory_space<vmem>> -> memref<1x125xi32, #tpu.memory_space<vmem>>
    %dma_wait3A_2155 = tpu.memref_squeeze %dma_wait3A_2154 : memref<1x125xi32, #tpu.memory_space<vmem>> -> memref<125xi32, #tpu.memory_space<vmem>>
    %dma_wait3A_2156 = arith.constant 0 : i32
    %dma_wait3A_2157 = arith.constant 0 : i32
    %dma_wait3A_2158 = tpu.memref_slice %arg15[%dma_wait3A_2156, %dma_wait3A_2157] : memref<64x64xf32, #tpu.memory_space<vmem_shared>> -> memref<64x64xf32, #tpu.memory_space<vmem_shared>>
    tpu.wait_indirect_dma semaphore(%arg24 : memref<!tpu.dma_semaphore, #tpu.memory_space<semaphore_mem>>) src(%dma_wait3A_2152 : memref<125x64xf32, #tpu.memory_space<vmem>>) dst(%dma_wait3A_2158 : memref<64x64xf32, #tpu.memory_space<vmem_shared>>)
    %mul3A_2159 = arith.constant 6250 : i32
    %mul3A_2160 = arith.muli %arg1, %mul3A_2159 : i32
    %add3A_2161 = arith.constant 3250 : i32
    %add3A_2162 = arith.addi %mul3A_2160, %add3A_2161 : i32
    %mul3A_2163 = arith.constant 64 : i32
    %mul3A_2164 = arith.muli %arg0, %mul3A_2163 : i32
    %dma_start3A_2165 = tpu.memref_slice %arg2[%add3A_2162, %mul3A_2164] : memref<100000x128xf32, #tpu.memory_space<hbm>> -> memref<250x64xf32, #tpu.memory_space<hbm>>
    %dma_start3A_2166 = tpu.memref_slice %arg2[%add3A_2162, %mul3A_2164] : memref<100000x128xf32, #tpu.memory_space<hbm>> -> memref<250x64xf32, #tpu.memory_space<hbm>>
    tpu.enqueue_dma source(%dma_start3A_2166 : memref<250x64xf32, #tpu.memory_space<hbm>>) target(%arg6 : memref<250x64xf32, #tpu.memory_space<vmem>>) target_semaphore(%arg18 : memref<!tpu.dma_semaphore, #tpu.memory_space<semaphore_mem>>)
    %dma_wait3A_2167 = tpu.memref_slice %arg2[%add3A_2012, %mul3A_2014] : memref<100000x128xf32, #tpu.memory_space<hbm>> -> memref<250x64xf32, #tpu.memory_space<hbm>>
    %dma_wait3A_2168 = tpu.memref_slice %arg2[%add3A_2012, %mul3A_2014] : memref<100000x128xf32, #tpu.memory_space<hbm>> -> memref<250x64xf32, #tpu.memory_space<hbm>>
    tpu.wait_dma2 semaphore(%arg21 : memref<!tpu.dma_semaphore, #tpu.memory_space<semaphore_mem>>) src(%dma_wait3A_2168 : memref<250x64xf32, #tpu.memory_space<hbm>>) dst(%arg9 : memref<250x64xf32, #tpu.memory_space<vmem>>)
    %dma_start3A_2169 = arith.constant 20 : i32
    %dma_start3A_2170 = arith.constant 0 : i32
    %dma_start3A_2171 = arith.constant 0 : i32
    %dma_start3A_2172 = tpu.memref_slice %arg9[%dma_start3A_2170, %dma_start3A_2171] : memref<250x64xf32, #tpu.memory_space<vmem>> -> memref<125x64xf32, #tpu.memory_space<vmem>>
    %dma_start3A_2173 = arith.constant 0 : i32
    %dma_start3A_2174 = tpu.memref_slice %arg11[%dma_start3A_2169, %dma_start3A_2173] : memref<50x125xi32, #tpu.memory_space<vmem>> -> memref<1x125xi32, #tpu.memory_space<vmem>>
    %dma_start3A_2175 = tpu.memref_squeeze %dma_start3A_2174 : memref<1x125xi32, #tpu.memory_space<vmem>> -> memref<125xi32, #tpu.memory_space<vmem>>
    %dma_start3A_2176 = arith.constant 0 : i32
    %dma_start3A_2177 = arith.constant 0 : i32
    %dma_start3A_2178 = tpu.memref_slice %arg15[%dma_start3A_2176, %dma_start3A_2177] : memref<64x64xf32, #tpu.memory_space<vmem_shared>> -> memref<64x64xf32, #tpu.memory_space<vmem_shared>>
    tpu.enqueue_indirect_dma source(%dma_start3A_2172 : memref<125x64xf32, #tpu.memory_space<vmem>>) target(%dma_start3A_2178 : memref<64x64xf32, #tpu.memory_space<vmem_shared>>) offsets(%dma_start3A_2175 : memref<125xi32, #tpu.memory_space<vmem>>) semaphore(%arg27 : memref<!tpu.dma_semaphore, #tpu.memory_space<semaphore_mem>>) {add = true}
    %dma_start3A_2179 = arith.constant 21 : i32
    %dma_start3A_2180 = arith.constant 125 : i32
    %dma_start3A_2181 = arith.constant 0 : i32
    %dma_start3A_2182 = tpu.memref_slice %arg9[%dma_start3A_2180, %dma_start3A_2181] : memref<250x64xf32, #tpu.memory_space<vmem>> -> memref<125x64xf32, #tpu.memory_space<vmem>>
    %dma_start3A_2183 = arith.constant 0 : i32
    %dma_start3A_2184 = tpu.memref_slice %arg11[%dma_start3A_2179, %dma_start3A_2183] : memref<50x125xi32, #tpu.memory_space<vmem>> -> memref<1x125xi32, #tpu.memory_space<vmem>>
    %dma_start3A_2185 = tpu.memref_squeeze %dma_start3A_2184 : memref<1x125xi32, #tpu.memory_space<vmem>> -> memref<125xi32, #tpu.memory_space<vmem>>
    %dma_start3A_2186 = arith.constant 0 : i32
    %dma_start3A_2187 = arith.constant 0 : i32
    %dma_start3A_2188 = tpu.memref_slice %arg15[%dma_start3A_2186, %dma_start3A_2187] : memref<64x64xf32, #tpu.memory_space<vmem_shared>> -> memref<64x64xf32, #tpu.memory_space<vmem_shared>>
    tpu.enqueue_indirect_dma source(%dma_start3A_2182 : memref<125x64xf32, #tpu.memory_space<vmem>>) target(%dma_start3A_2188 : memref<64x64xf32, #tpu.memory_space<vmem_shared>>) offsets(%dma_start3A_2185 : memref<125xi32, #tpu.memory_space<vmem>>) semaphore(%arg27 : memref<!tpu.dma_semaphore, #tpu.memory_space<semaphore_mem>>) {add = true}
    %dma_wait3A_2189 = arith.constant 16 : i32
    %dma_wait3A_2190 = arith.constant 0 : i32
    %dma_wait3A_2191 = arith.constant 0 : i32
    %dma_wait3A_2192 = tpu.memref_slice %arg7[%dma_wait3A_2190, %dma_wait3A_2191] : memref<250x64xf32, #tpu.memory_space<vmem>> -> memref<125x64xf32, #tpu.memory_space<vmem>>
    %dma_wait3A_2193 = arith.constant 0 : i32
    %dma_wait3A_2194 = tpu.memref_slice %arg11[%dma_wait3A_2189, %dma_wait3A_2193] : memref<50x125xi32, #tpu.memory_space<vmem>> -> memref<1x125xi32, #tpu.memory_space<vmem>>
    %dma_wait3A_2195 = tpu.memref_squeeze %dma_wait3A_2194 : memref<1x125xi32, #tpu.memory_space<vmem>> -> memref<125xi32, #tpu.memory_space<vmem>>
    %dma_wait3A_2196 = arith.constant 0 : i32
    %dma_wait3A_2197 = arith.constant 0 : i32
    %dma_wait3A_2198 = tpu.memref_slice %arg15[%dma_wait3A_2196, %dma_wait3A_2197] : memref<64x64xf32, #tpu.memory_space<vmem_shared>> -> memref<64x64xf32, #tpu.memory_space<vmem_shared>>
    tpu.wait_indirect_dma semaphore(%arg25 : memref<!tpu.dma_semaphore, #tpu.memory_space<semaphore_mem>>) src(%dma_wait3A_2192 : memref<125x64xf32, #tpu.memory_space<vmem>>) dst(%dma_wait3A_2198 : memref<64x64xf32, #tpu.memory_space<vmem_shared>>)
    %dma_wait3A_2199 = arith.constant 17 : i32
    %dma_wait3A_2200 = arith.constant 125 : i32
    %dma_wait3A_2201 = arith.constant 0 : i32
    %dma_wait3A_2202 = tpu.memref_slice %arg7[%dma_wait3A_2200, %dma_wait3A_2201] : memref<250x64xf32, #tpu.memory_space<vmem>> -> memref<125x64xf32, #tpu.memory_space<vmem>>
    %dma_wait3A_2203 = arith.constant 0 : i32
    %dma_wait3A_2204 = tpu.memref_slice %arg11[%dma_wait3A_2199, %dma_wait3A_2203] : memref<50x125xi32, #tpu.memory_space<vmem>> -> memref<1x125xi32, #tpu.memory_space<vmem>>
    %dma_wait3A_2205 = tpu.memref_squeeze %dma_wait3A_2204 : memref<1x125xi32, #tpu.memory_space<vmem>> -> memref<125xi32, #tpu.memory_space<vmem>>
    %dma_wait3A_2206 = arith.constant 0 : i32
    %dma_wait3A_2207 = arith.constant 0 : i32
    %dma_wait3A_2208 = tpu.memref_slice %arg15[%dma_wait3A_2206, %dma_wait3A_2207] : memref<64x64xf32, #tpu.memory_space<vmem_shared>> -> memref<64x64xf32, #tpu.memory_space<vmem_shared>>
    tpu.wait_indirect_dma semaphore(%arg25 : memref<!tpu.dma_semaphore, #tpu.memory_space<semaphore_mem>>) src(%dma_wait3A_2202 : memref<125x64xf32, #tpu.memory_space<vmem>>) dst(%dma_wait3A_2208 : memref<64x64xf32, #tpu.memory_space<vmem_shared>>)
    %mul3A_2209 = arith.constant 6250 : i32
    %mul3A_2210 = arith.muli %arg1, %mul3A_2209 : i32
    %add3A_2211 = arith.constant 3500 : i32
    %add3A_2212 = arith.addi %mul3A_2210, %add3A_2211 : i32
    %mul3A_2213 = arith.constant 64 : i32
    %mul3A_2214 = arith.muli %arg0, %mul3A_2213 : i32
    %dma_start3A_2215 = tpu.memref_slice %arg2[%add3A_2212, %mul3A_2214] : memref<100000x128xf32, #tpu.memory_space<hbm>> -> memref<250x64xf32, #tpu.memory_space<hbm>>
    %dma_start3A_2216 = tpu.memref_slice %arg2[%add3A_2212, %mul3A_2214] : memref<100000x128xf32, #tpu.memory_space<hbm>> -> memref<250x64xf32, #tpu.memory_space<hbm>>
    tpu.enqueue_dma source(%dma_start3A_2216 : memref<250x64xf32, #tpu.memory_space<hbm>>) target(%arg7 : memref<250x64xf32, #tpu.memory_space<vmem>>) target_semaphore(%arg19 : memref<!tpu.dma_semaphore, #tpu.memory_space<semaphore_mem>>)
    %dma_wait3A_2217 = tpu.memref_slice %arg2[%add3A_2062, %mul3A_2064] : memref<100000x128xf32, #tpu.memory_space<hbm>> -> memref<250x64xf32, #tpu.memory_space<hbm>>
    %dma_wait3A_2218 = tpu.memref_slice %arg2[%add3A_2062, %mul3A_2064] : memref<100000x128xf32, #tpu.memory_space<hbm>> -> memref<250x64xf32, #tpu.memory_space<hbm>>
    tpu.wait_dma2 semaphore(%arg22 : memref<!tpu.dma_semaphore, #tpu.memory_space<semaphore_mem>>) src(%dma_wait3A_2218 : memref<250x64xf32, #tpu.memory_space<hbm>>) dst(%arg10 : memref<250x64xf32, #tpu.memory_space<vmem>>)
    %dma_start3A_2219 = arith.constant 22 : i32
    %dma_start3A_2220 = arith.constant 0 : i32
    %dma_start3A_2221 = arith.constant 0 : i32
    %dma_start3A_2222 = tpu.memref_slice %arg10[%dma_start3A_2220, %dma_start3A_2221] : memref<250x64xf32, #tpu.memory_space<vmem>> -> memref<125x64xf32, #tpu.memory_space<vmem>>
    %dma_start3A_2223 = arith.constant 0 : i32
    %dma_start3A_2224 = tpu.memref_slice %arg11[%dma_start3A_2219, %dma_start3A_2223] : memref<50x125xi32, #tpu.memory_space<vmem>> -> memref<1x125xi32, #tpu.memory_space<vmem>>
    %dma_start3A_2225 = tpu.memref_squeeze %dma_start3A_2224 : memref<1x125xi32, #tpu.memory_space<vmem>> -> memref<125xi32, #tpu.memory_space<vmem>>
    %dma_start3A_2226 = arith.constant 0 : i32
    %dma_start3A_2227 = arith.constant 0 : i32
    %dma_start3A_2228 = tpu.memref_slice %arg15[%dma_start3A_2226, %dma_start3A_2227] : memref<64x64xf32, #tpu.memory_space<vmem_shared>> -> memref<64x64xf32, #tpu.memory_space<vmem_shared>>
    tpu.enqueue_indirect_dma source(%dma_start3A_2222 : memref<125x64xf32, #tpu.memory_space<vmem>>) target(%dma_start3A_2228 : memref<64x64xf32, #tpu.memory_space<vmem_shared>>) offsets(%dma_start3A_2225 : memref<125xi32, #tpu.memory_space<vmem>>) semaphore(%arg28 : memref<!tpu.dma_semaphore, #tpu.memory_space<semaphore_mem>>) {add = true}
    %dma_start3A_2229 = arith.constant 23 : i32
    %dma_start3A_2230 = arith.constant 125 : i32
    %dma_start3A_2231 = arith.constant 0 : i32
    %dma_start3A_2232 = tpu.memref_slice %arg10[%dma_start3A_2230, %dma_start3A_2231] : memref<250x64xf32, #tpu.memory_space<vmem>> -> memref<125x64xf32, #tpu.memory_space<vmem>>
    %dma_start3A_2233 = arith.constant 0 : i32
    %dma_start3A_2234 = tpu.memref_slice %arg11[%dma_start3A_2229, %dma_start3A_2233] : memref<50x125xi32, #tpu.memory_space<vmem>> -> memref<1x125xi32, #tpu.memory_space<vmem>>
    %dma_start3A_2235 = tpu.memref_squeeze %dma_start3A_2234 : memref<1x125xi32, #tpu.memory_space<vmem>> -> memref<125xi32, #tpu.memory_space<vmem>>
    %dma_start3A_2236 = arith.constant 0 : i32
    %dma_start3A_2237 = arith.constant 0 : i32
    %dma_start3A_2238 = tpu.memref_slice %arg15[%dma_start3A_2236, %dma_start3A_2237] : memref<64x64xf32, #tpu.memory_space<vmem_shared>> -> memref<64x64xf32, #tpu.memory_space<vmem_shared>>
    tpu.enqueue_indirect_dma source(%dma_start3A_2232 : memref<125x64xf32, #tpu.memory_space<vmem>>) target(%dma_start3A_2238 : memref<64x64xf32, #tpu.memory_space<vmem_shared>>) offsets(%dma_start3A_2235 : memref<125xi32, #tpu.memory_space<vmem>>) semaphore(%arg28 : memref<!tpu.dma_semaphore, #tpu.memory_space<semaphore_mem>>) {add = true}
    %dma_wait3A_2239 = arith.constant 18 : i32
    %dma_wait3A_2240 = arith.constant 0 : i32
    %dma_wait3A_2241 = arith.constant 0 : i32
    %dma_wait3A_2242 = tpu.memref_slice %arg8[%dma_wait3A_2240, %dma_wait3A_2241] : memref<250x64xf32, #tpu.memory_space<vmem>> -> memref<125x64xf32, #tpu.memory_space<vmem>>
    %dma_wait3A_2243 = arith.constant 0 : i32
    %dma_wait3A_2244 = tpu.memref_slice %arg11[%dma_wait3A_2239, %dma_wait3A_2243] : memref<50x125xi32, #tpu.memory_space<vmem>> -> memref<1x125xi32, #tpu.memory_space<vmem>>
    %dma_wait3A_2245 = tpu.memref_squeeze %dma_wait3A_2244 : memref<1x125xi32, #tpu.memory_space<vmem>> -> memref<125xi32, #tpu.memory_space<vmem>>
    %dma_wait3A_2246 = arith.constant 0 : i32
    %dma_wait3A_2247 = arith.constant 0 : i32
    %dma_wait3A_2248 = tpu.memref_slice %arg15[%dma_wait3A_2246, %dma_wait3A_2247] : memref<64x64xf32, #tpu.memory_space<vmem_shared>> -> memref<64x64xf32, #tpu.memory_space<vmem_shared>>
    tpu.wait_indirect_dma semaphore(%arg26 : memref<!tpu.dma_semaphore, #tpu.memory_space<semaphore_mem>>) src(%dma_wait3A_2242 : memref<125x64xf32, #tpu.memory_space<vmem>>) dst(%dma_wait3A_2248 : memref<64x64xf32, #tpu.memory_space<vmem_shared>>)
    %dma_wait3A_2249 = arith.constant 19 : i32
    %dma_wait3A_2250 = arith.constant 125 : i32
    %dma_wait3A_2251 = arith.constant 0 : i32
    %dma_wait3A_2252 = tpu.memref_slice %arg8[%dma_wait3A_2250, %dma_wait3A_2251] : memref<250x64xf32, #tpu.memory_space<vmem>> -> memref<125x64xf32, #tpu.memory_space<vmem>>
    %dma_wait3A_2253 = arith.constant 0 : i32
    %dma_wait3A_2254 = tpu.memref_slice %arg11[%dma_wait3A_2249, %dma_wait3A_2253] : memref<50x125xi32, #tpu.memory_space<vmem>> -> memref<1x125xi32, #tpu.memory_space<vmem>>
    %dma_wait3A_2255 = tpu.memref_squeeze %dma_wait3A_2254 : memref<1x125xi32, #tpu.memory_space<vmem>> -> memref<125xi32, #tpu.memory_space<vmem>>
    %dma_wait3A_2256 = arith.constant 0 : i32
    %dma_wait3A_2257 = arith.constant 0 : i32
    %dma_wait3A_2258 = tpu.memref_slice %arg15[%dma_wait3A_2256, %dma_wait3A_2257] : memref<64x64xf32, #tpu.memory_space<vmem_shared>> -> memref<64x64xf32, #tpu.memory_space<vmem_shared>>
    tpu.wait_indirect_dma semaphore(%arg26 : memref<!tpu.dma_semaphore, #tpu.memory_space<semaphore_mem>>) src(%dma_wait3A_2252 : memref<125x64xf32, #tpu.memory_space<vmem>>) dst(%dma_wait3A_2258 : memref<64x64xf32, #tpu.memory_space<vmem_shared>>)
    %mul3A_2259 = arith.constant 6250 : i32
    %mul3A_2260 = arith.muli %arg1, %mul3A_2259 : i32
    %add3A_2261 = arith.constant 3750 : i32
    %add3A_2262 = arith.addi %mul3A_2260, %add3A_2261 : i32
    %mul3A_2263 = arith.constant 64 : i32
    %mul3A_2264 = arith.muli %arg0, %mul3A_2263 : i32
    %dma_start3A_2265 = tpu.memref_slice %arg2[%add3A_2262, %mul3A_2264] : memref<100000x128xf32, #tpu.memory_space<hbm>> -> memref<250x64xf32, #tpu.memory_space<hbm>>
    %dma_start3A_2266 = tpu.memref_slice %arg2[%add3A_2262, %mul3A_2264] : memref<100000x128xf32, #tpu.memory_space<hbm>> -> memref<250x64xf32, #tpu.memory_space<hbm>>
    tpu.enqueue_dma source(%dma_start3A_2266 : memref<250x64xf32, #tpu.memory_space<hbm>>) target(%arg8 : memref<250x64xf32, #tpu.memory_space<vmem>>) target_semaphore(%arg20 : memref<!tpu.dma_semaphore, #tpu.memory_space<semaphore_mem>>)
    %dma_wait3A_2267 = tpu.memref_slice %arg2[%add3A_2112, %mul3A_2114] : memref<100000x128xf32, #tpu.memory_space<hbm>> -> memref<250x64xf32, #tpu.memory_space<hbm>>
    %dma_wait3A_2268 = tpu.memref_slice %arg2[%add3A_2112, %mul3A_2114] : memref<100000x128xf32, #tpu.memory_space<hbm>> -> memref<250x64xf32, #tpu.memory_space<hbm>>
    tpu.wait_dma2 semaphore(%arg17 : memref<!tpu.dma_semaphore, #tpu.memory_space<semaphore_mem>>) src(%dma_wait3A_2268 : memref<250x64xf32, #tpu.memory_space<hbm>>) dst(%arg5 : memref<250x64xf32, #tpu.memory_space<vmem>>)
    %dma_start3A_2269 = arith.constant 24 : i32
    %dma_start3A_2270 = arith.constant 0 : i32
    %dma_start3A_2271 = arith.constant 0 : i32
    %dma_start3A_2272 = tpu.memref_slice %arg5[%dma_start3A_2270, %dma_start3A_2271] : memref<250x64xf32, #tpu.memory_space<vmem>> -> memref<125x64xf32, #tpu.memory_space<vmem>>
    %dma_start3A_2273 = arith.constant 0 : i32
    %dma_start3A_2274 = tpu.memref_slice %arg11[%dma_start3A_2269, %dma_start3A_2273] : memref<50x125xi32, #tpu.memory_space<vmem>> -> memref<1x125xi32, #tpu.memory_space<vmem>>
    %dma_start3A_2275 = tpu.memref_squeeze %dma_start3A_2274 : memref<1x125xi32, #tpu.memory_space<vmem>> -> memref<125xi32, #tpu.memory_space<vmem>>
    %dma_start3A_2276 = arith.constant 0 : i32
    %dma_start3A_2277 = arith.constant 0 : i32
    %dma_start3A_2278 = tpu.memref_slice %arg15[%dma_start3A_2276, %dma_start3A_2277] : memref<64x64xf32, #tpu.memory_space<vmem_shared>> -> memref<64x64xf32, #tpu.memory_space<vmem_shared>>
    tpu.enqueue_indirect_dma source(%dma_start3A_2272 : memref<125x64xf32, #tpu.memory_space<vmem>>) target(%dma_start3A_2278 : memref<64x64xf32, #tpu.memory_space<vmem_shared>>) offsets(%dma_start3A_2275 : memref<125xi32, #tpu.memory_space<vmem>>) semaphore(%arg23 : memref<!tpu.dma_semaphore, #tpu.memory_space<semaphore_mem>>) {add = true}
    %dma_start3A_2279 = arith.constant 25 : i32
    %dma_start3A_2280 = arith.constant 125 : i32
    %dma_start3A_2281 = arith.constant 0 : i32
    %dma_start3A_2282 = tpu.memref_slice %arg5[%dma_start3A_2280, %dma_start3A_2281] : memref<250x64xf32, #tpu.memory_space<vmem>> -> memref<125x64xf32, #tpu.memory_space<vmem>>
    %dma_start3A_2283 = arith.constant 0 : i32
    %dma_start3A_2284 = tpu.memref_slice %arg11[%dma_start3A_2279, %dma_start3A_2283] : memref<50x125xi32, #tpu.memory_space<vmem>> -> memref<1x125xi32, #tpu.memory_space<vmem>>
    %dma_start3A_2285 = tpu.memref_squeeze %dma_start3A_2284 : memref<1x125xi32, #tpu.memory_space<vmem>> -> memref<125xi32, #tpu.memory_space<vmem>>
    %dma_start3A_2286 = arith.constant 0 : i32
    %dma_start3A_2287 = arith.constant 0 : i32
    %dma_start3A_2288 = tpu.memref_slice %arg15[%dma_start3A_2286, %dma_start3A_2287] : memref<64x64xf32, #tpu.memory_space<vmem_shared>> -> memref<64x64xf32, #tpu.memory_space<vmem_shared>>
    tpu.enqueue_indirect_dma source(%dma_start3A_2282 : memref<125x64xf32, #tpu.memory_space<vmem>>) target(%dma_start3A_2288 : memref<64x64xf32, #tpu.memory_space<vmem_shared>>) offsets(%dma_start3A_2285 : memref<125xi32, #tpu.memory_space<vmem>>) semaphore(%arg23 : memref<!tpu.dma_semaphore, #tpu.memory_space<semaphore_mem>>) {add = true}
    %dma_wait3A_2289 = arith.constant 20 : i32
    %dma_wait3A_2290 = arith.constant 0 : i32
    %dma_wait3A_2291 = arith.constant 0 : i32
    %dma_wait3A_2292 = tpu.memref_slice %arg9[%dma_wait3A_2290, %dma_wait3A_2291] : memref<250x64xf32, #tpu.memory_space<vmem>> -> memref<125x64xf32, #tpu.memory_space<vmem>>
    %dma_wait3A_2293 = arith.constant 0 : i32
    %dma_wait3A_2294 = tpu.memref_slice %arg11[%dma_wait3A_2289, %dma_wait3A_2293] : memref<50x125xi32, #tpu.memory_space<vmem>> -> memref<1x125xi32, #tpu.memory_space<vmem>>
    %dma_wait3A_2295 = tpu.memref_squeeze %dma_wait3A_2294 : memref<1x125xi32, #tpu.memory_space<vmem>> -> memref<125xi32, #tpu.memory_space<vmem>>
    %dma_wait3A_2296 = arith.constant 0 : i32
    %dma_wait3A_2297 = arith.constant 0 : i32
    %dma_wait3A_2298 = tpu.memref_slice %arg15[%dma_wait3A_2296, %dma_wait3A_2297] : memref<64x64xf32, #tpu.memory_space<vmem_shared>> -> memref<64x64xf32, #tpu.memory_space<vmem_shared>>
    tpu.wait_indirect_dma semaphore(%arg27 : memref<!tpu.dma_semaphore, #tpu.memory_space<semaphore_mem>>) src(%dma_wait3A_2292 : memref<125x64xf32, #tpu.memory_space<vmem>>) dst(%dma_wait3A_2298 : memref<64x64xf32, #tpu.memory_space<vmem_shared>>)
    %dma_wait3A_2299 = arith.constant 21 : i32
    %dma_wait3A_2300 = arith.constant 125 : i32
    %dma_wait3A_2301 = arith.constant 0 : i32
    %dma_wait3A_2302 = tpu.memref_slice %arg9[%dma_wait3A_2300, %dma_wait3A_2301] : memref<250x64xf32, #tpu.memory_space<vmem>> -> memref<125x64xf32, #tpu.memory_space<vmem>>
    %dma_wait3A_2303 = arith.constant 0 : i32
    %dma_wait3A_2304 = tpu.memref_slice %arg11[%dma_wait3A_2299, %dma_wait3A_2303] : memref<50x125xi32, #tpu.memory_space<vmem>> -> memref<1x125xi32, #tpu.memory_space<vmem>>
    %dma_wait3A_2305 = tpu.memref_squeeze %dma_wait3A_2304 : memref<1x125xi32, #tpu.memory_space<vmem>> -> memref<125xi32, #tpu.memory_space<vmem>>
    %dma_wait3A_2306 = arith.constant 0 : i32
    %dma_wait3A_2307 = arith.constant 0 : i32
    %dma_wait3A_2308 = tpu.memref_slice %arg15[%dma_wait3A_2306, %dma_wait3A_2307] : memref<64x64xf32, #tpu.memory_space<vmem_shared>> -> memref<64x64xf32, #tpu.memory_space<vmem_shared>>
    tpu.wait_indirect_dma semaphore(%arg27 : memref<!tpu.dma_semaphore, #tpu.memory_space<semaphore_mem>>) src(%dma_wait3A_2302 : memref<125x64xf32, #tpu.memory_space<vmem>>) dst(%dma_wait3A_2308 : memref<64x64xf32, #tpu.memory_space<vmem_shared>>)
    %mul3A_2309 = arith.constant 6250 : i32
    %mul3A_2310 = arith.muli %arg1, %mul3A_2309 : i32
    %add3A_2311 = arith.constant 4000 : i32
    %add3A_2312 = arith.addi %mul3A_2310, %add3A_2311 : i32
    %mul3A_2313 = arith.constant 64 : i32
    %mul3A_2314 = arith.muli %arg0, %mul3A_2313 : i32
    %dma_start3A_2315 = tpu.memref_slice %arg2[%add3A_2312, %mul3A_2314] : memref<100000x128xf32, #tpu.memory_space<hbm>> -> memref<250x64xf32, #tpu.memory_space<hbm>>
    %dma_start3A_2316 = tpu.memref_slice %arg2[%add3A_2312, %mul3A_2314] : memref<100000x128xf32, #tpu.memory_space<hbm>> -> memref<250x64xf32, #tpu.memory_space<hbm>>
    tpu.enqueue_dma source(%dma_start3A_2316 : memref<250x64xf32, #tpu.memory_space<hbm>>) target(%arg9 : memref<250x64xf32, #tpu.memory_space<vmem>>) target_semaphore(%arg21 : memref<!tpu.dma_semaphore, #tpu.memory_space<semaphore_mem>>)
    %dma_wait3A_2317 = tpu.memref_slice %arg2[%add3A_2162, %mul3A_2164] : memref<100000x128xf32, #tpu.memory_space<hbm>> -> memref<250x64xf32, #tpu.memory_space<hbm>>
    %dma_wait3A_2318 = tpu.memref_slice %arg2[%add3A_2162, %mul3A_2164] : memref<100000x128xf32, #tpu.memory_space<hbm>> -> memref<250x64xf32, #tpu.memory_space<hbm>>
    tpu.wait_dma2 semaphore(%arg18 : memref<!tpu.dma_semaphore, #tpu.memory_space<semaphore_mem>>) src(%dma_wait3A_2318 : memref<250x64xf32, #tpu.memory_space<hbm>>) dst(%arg6 : memref<250x64xf32, #tpu.memory_space<vmem>>)
    %dma_start3A_2319 = arith.constant 26 : i32
    %dma_start3A_2320 = arith.constant 0 : i32
    %dma_start3A_2321 = arith.constant 0 : i32
    %dma_start3A_2322 = tpu.memref_slice %arg6[%dma_start3A_2320, %dma_start3A_2321] : memref<250x64xf32, #tpu.memory_space<vmem>> -> memref<125x64xf32, #tpu.memory_space<vmem>>
    %dma_start3A_2323 = arith.constant 0 : i32
    %dma_start3A_2324 = tpu.memref_slice %arg11[%dma_start3A_2319, %dma_start3A_2323] : memref<50x125xi32, #tpu.memory_space<vmem>> -> memref<1x125xi32, #tpu.memory_space<vmem>>
    %dma_start3A_2325 = tpu.memref_squeeze %dma_start3A_2324 : memref<1x125xi32, #tpu.memory_space<vmem>> -> memref<125xi32, #tpu.memory_space<vmem>>
    %dma_start3A_2326 = arith.constant 0 : i32
    %dma_start3A_2327 = arith.constant 0 : i32
    %dma_start3A_2328 = tpu.memref_slice %arg15[%dma_start3A_2326, %dma_start3A_2327] : memref<64x64xf32, #tpu.memory_space<vmem_shared>> -> memref<64x64xf32, #tpu.memory_space<vmem_shared>>
    tpu.enqueue_indirect_dma source(%dma_start3A_2322 : memref<125x64xf32, #tpu.memory_space<vmem>>) target(%dma_start3A_2328 : memref<64x64xf32, #tpu.memory_space<vmem_shared>>) offsets(%dma_start3A_2325 : memref<125xi32, #tpu.memory_space<vmem>>) semaphore(%arg24 : memref<!tpu.dma_semaphore, #tpu.memory_space<semaphore_mem>>) {add = true}
    %dma_start3A_2329 = arith.constant 27 : i32
    %dma_start3A_2330 = arith.constant 125 : i32
    %dma_start3A_2331 = arith.constant 0 : i32
    %dma_start3A_2332 = tpu.memref_slice %arg6[%dma_start3A_2330, %dma_start3A_2331] : memref<250x64xf32, #tpu.memory_space<vmem>> -> memref<125x64xf32, #tpu.memory_space<vmem>>
    %dma_start3A_2333 = arith.constant 0 : i32
    %dma_start3A_2334 = tpu.memref_slice %arg11[%dma_start3A_2329, %dma_start3A_2333] : memref<50x125xi32, #tpu.memory_space<vmem>> -> memref<1x125xi32, #tpu.memory_space<vmem>>
    %dma_start3A_2335 = tpu.memref_squeeze %dma_start3A_2334 : memref<1x125xi32, #tpu.memory_space<vmem>> -> memref<125xi32, #tpu.memory_space<vmem>>
    %dma_start3A_2336 = arith.constant 0 : i32
    %dma_start3A_2337 = arith.constant 0 : i32
    %dma_start3A_2338 = tpu.memref_slice %arg15[%dma_start3A_2336, %dma_start3A_2337] : memref<64x64xf32, #tpu.memory_space<vmem_shared>> -> memref<64x64xf32, #tpu.memory_space<vmem_shared>>
    tpu.enqueue_indirect_dma source(%dma_start3A_2332 : memref<125x64xf32, #tpu.memory_space<vmem>>) target(%dma_start3A_2338 : memref<64x64xf32, #tpu.memory_space<vmem_shared>>) offsets(%dma_start3A_2335 : memref<125xi32, #tpu.memory_space<vmem>>) semaphore(%arg24 : memref<!tpu.dma_semaphore, #tpu.memory_space<semaphore_mem>>) {add = true}
    %dma_wait3A_2339 = arith.constant 22 : i32
    %dma_wait3A_2340 = arith.constant 0 : i32
    %dma_wait3A_2341 = arith.constant 0 : i32
    %dma_wait3A_2342 = tpu.memref_slice %arg10[%dma_wait3A_2340, %dma_wait3A_2341] : memref<250x64xf32, #tpu.memory_space<vmem>> -> memref<125x64xf32, #tpu.memory_space<vmem>>
    %dma_wait3A_2343 = arith.constant 0 : i32
    %dma_wait3A_2344 = tpu.memref_slice %arg11[%dma_wait3A_2339, %dma_wait3A_2343] : memref<50x125xi32, #tpu.memory_space<vmem>> -> memref<1x125xi32, #tpu.memory_space<vmem>>
    %dma_wait3A_2345 = tpu.memref_squeeze %dma_wait3A_2344 : memref<1x125xi32, #tpu.memory_space<vmem>> -> memref<125xi32, #tpu.memory_space<vmem>>
    %dma_wait3A_2346 = arith.constant 0 : i32
    %dma_wait3A_2347 = arith.constant 0 : i32
    %dma_wait3A_2348 = tpu.memref_slice %arg15[%dma_wait3A_2346, %dma_wait3A_2347] : memref<64x64xf32, #tpu.memory_space<vmem_shared>> -> memref<64x64xf32, #tpu.memory_space<vmem_shared>>
    tpu.wait_indirect_dma semaphore(%arg28 : memref<!tpu.dma_semaphore, #tpu.memory_space<semaphore_mem>>) src(%dma_wait3A_2342 : memref<125x64xf32, #tpu.memory_space<vmem>>) dst(%dma_wait3A_2348 : memref<64x64xf32, #tpu.memory_space<vmem_shared>>)
    %dma_wait3A_2349 = arith.constant 23 : i32
    %dma_wait3A_2350 = arith.constant 125 : i32
    %dma_wait3A_2351 = arith.constant 0 : i32
    %dma_wait3A_2352 = tpu.memref_slice %arg10[%dma_wait3A_2350, %dma_wait3A_2351] : memref<250x64xf32, #tpu.memory_space<vmem>> -> memref<125x64xf32, #tpu.memory_space<vmem>>
    %dma_wait3A_2353 = arith.constant 0 : i32
    %dma_wait3A_2354 = tpu.memref_slice %arg11[%dma_wait3A_2349, %dma_wait3A_2353] : memref<50x125xi32, #tpu.memory_space<vmem>> -> memref<1x125xi32, #tpu.memory_space<vmem>>
    %dma_wait3A_2355 = tpu.memref_squeeze %dma_wait3A_2354 : memref<1x125xi32, #tpu.memory_space<vmem>> -> memref<125xi32, #tpu.memory_space<vmem>>
    %dma_wait3A_2356 = arith.constant 0 : i32
    %dma_wait3A_2357 = arith.constant 0 : i32
    %dma_wait3A_2358 = tpu.memref_slice %arg15[%dma_wait3A_2356, %dma_wait3A_2357] : memref<64x64xf32, #tpu.memory_space<vmem_shared>> -> memref<64x64xf32, #tpu.memory_space<vmem_shared>>
    tpu.wait_indirect_dma semaphore(%arg28 : memref<!tpu.dma_semaphore, #tpu.memory_space<semaphore_mem>>) src(%dma_wait3A_2352 : memref<125x64xf32, #tpu.memory_space<vmem>>) dst(%dma_wait3A_2358 : memref<64x64xf32, #tpu.memory_space<vmem_shared>>)
    %mul3A_2359 = arith.constant 6250 : i32
    %mul3A_2360 = arith.muli %arg1, %mul3A_2359 : i32
    %add3A_2361 = arith.constant 4250 : i32
    %add3A_2362 = arith.addi %mul3A_2360, %add3A_2361 : i32
    %mul3A_2363 = arith.constant 64 : i32
    %mul3A_2364 = arith.muli %arg0, %mul3A_2363 : i32
    %dma_start3A_2365 = tpu.memref_slice %arg2[%add3A_2362, %mul3A_2364] : memref<100000x128xf32, #tpu.memory_space<hbm>> -> memref<250x64xf32, #tpu.memory_space<hbm>>
    %dma_start3A_2366 = tpu.memref_slice %arg2[%add3A_2362, %mul3A_2364] : memref<100000x128xf32, #tpu.memory_space<hbm>> -> memref<250x64xf32, #tpu.memory_space<hbm>>
    tpu.enqueue_dma source(%dma_start3A_2366 : memref<250x64xf32, #tpu.memory_space<hbm>>) target(%arg10 : memref<250x64xf32, #tpu.memory_space<vmem>>) target_semaphore(%arg22 : memref<!tpu.dma_semaphore, #tpu.memory_space<semaphore_mem>>)
    %dma_wait3A_2367 = tpu.memref_slice %arg2[%add3A_2212, %mul3A_2214] : memref<100000x128xf32, #tpu.memory_space<hbm>> -> memref<250x64xf32, #tpu.memory_space<hbm>>
    %dma_wait3A_2368 = tpu.memref_slice %arg2[%add3A_2212, %mul3A_2214] : memref<100000x128xf32, #tpu.memory_space<hbm>> -> memref<250x64xf32, #tpu.memory_space<hbm>>
    tpu.wait_dma2 semaphore(%arg19 : memref<!tpu.dma_semaphore, #tpu.memory_space<semaphore_mem>>) src(%dma_wait3A_2368 : memref<250x64xf32, #tpu.memory_space<hbm>>) dst(%arg7 : memref<250x64xf32, #tpu.memory_space<vmem>>)
    %dma_start3A_2369 = arith.constant 28 : i32
    %dma_start3A_2370 = arith.constant 0 : i32
    %dma_start3A_2371 = arith.constant 0 : i32
    %dma_start3A_2372 = tpu.memref_slice %arg7[%dma_start3A_2370, %dma_start3A_2371] : memref<250x64xf32, #tpu.memory_space<vmem>> -> memref<125x64xf32, #tpu.memory_space<vmem>>
    %dma_start3A_2373 = arith.constant 0 : i32
    %dma_start3A_2374 = tpu.memref_slice %arg11[%dma_start3A_2369, %dma_start3A_2373] : memref<50x125xi32, #tpu.memory_space<vmem>> -> memref<1x125xi32, #tpu.memory_space<vmem>>
    %dma_start3A_2375 = tpu.memref_squeeze %dma_start3A_2374 : memref<1x125xi32, #tpu.memory_space<vmem>> -> memref<125xi32, #tpu.memory_space<vmem>>
    %dma_start3A_2376 = arith.constant 0 : i32
    %dma_start3A_2377 = arith.constant 0 : i32
    %dma_start3A_2378 = tpu.memref_slice %arg15[%dma_start3A_2376, %dma_start3A_2377] : memref<64x64xf32, #tpu.memory_space<vmem_shared>> -> memref<64x64xf32, #tpu.memory_space<vmem_shared>>
    tpu.enqueue_indirect_dma source(%dma_start3A_2372 : memref<125x64xf32, #tpu.memory_space<vmem>>) target(%dma_start3A_2378 : memref<64x64xf32, #tpu.memory_space<vmem_shared>>) offsets(%dma_start3A_2375 : memref<125xi32, #tpu.memory_space<vmem>>) semaphore(%arg25 : memref<!tpu.dma_semaphore, #tpu.memory_space<semaphore_mem>>) {add = true}
    %dma_start3A_2379 = arith.constant 29 : i32
    %dma_start3A_2380 = arith.constant 125 : i32
    %dma_start3A_2381 = arith.constant 0 : i32
    %dma_start3A_2382 = tpu.memref_slice %arg7[%dma_start3A_2380, %dma_start3A_2381] : memref<250x64xf32, #tpu.memory_space<vmem>> -> memref<125x64xf32, #tpu.memory_space<vmem>>
    %dma_start3A_2383 = arith.constant 0 : i32
    %dma_start3A_2384 = tpu.memref_slice %arg11[%dma_start3A_2379, %dma_start3A_2383] : memref<50x125xi32, #tpu.memory_space<vmem>> -> memref<1x125xi32, #tpu.memory_space<vmem>>
    %dma_start3A_2385 = tpu.memref_squeeze %dma_start3A_2384 : memref<1x125xi32, #tpu.memory_space<vmem>> -> memref<125xi32, #tpu.memory_space<vmem>>
    %dma_start3A_2386 = arith.constant 0 : i32
    %dma_start3A_2387 = arith.constant 0 : i32
    %dma_start3A_2388 = tpu.memref_slice %arg15[%dma_start3A_2386, %dma_start3A_2387] : memref<64x64xf32, #tpu.memory_space<vmem_shared>> -> memref<64x64xf32, #tpu.memory_space<vmem_shared>>
    tpu.enqueue_indirect_dma source(%dma_start3A_2382 : memref<125x64xf32, #tpu.memory_space<vmem>>) target(%dma_start3A_2388 : memref<64x64xf32, #tpu.memory_space<vmem_shared>>) offsets(%dma_start3A_2385 : memref<125xi32, #tpu.memory_space<vmem>>) semaphore(%arg25 : memref<!tpu.dma_semaphore, #tpu.memory_space<semaphore_mem>>) {add = true}
    %dma_wait3A_2389 = arith.constant 24 : i32
    %dma_wait3A_2390 = arith.constant 0 : i32
    %dma_wait3A_2391 = arith.constant 0 : i32
    %dma_wait3A_2392 = tpu.memref_slice %arg5[%dma_wait3A_2390, %dma_wait3A_2391] : memref<250x64xf32, #tpu.memory_space<vmem>> -> memref<125x64xf32, #tpu.memory_space<vmem>>
    %dma_wait3A_2393 = arith.constant 0 : i32
    %dma_wait3A_2394 = tpu.memref_slice %arg11[%dma_wait3A_2389, %dma_wait3A_2393] : memref<50x125xi32, #tpu.memory_space<vmem>> -> memref<1x125xi32, #tpu.memory_space<vmem>>
    %dma_wait3A_2395 = tpu.memref_squeeze %dma_wait3A_2394 : memref<1x125xi32, #tpu.memory_space<vmem>> -> memref<125xi32, #tpu.memory_space<vmem>>
    %dma_wait3A_2396 = arith.constant 0 : i32
    %dma_wait3A_2397 = arith.constant 0 : i32
    %dma_wait3A_2398 = tpu.memref_slice %arg15[%dma_wait3A_2396, %dma_wait3A_2397] : memref<64x64xf32, #tpu.memory_space<vmem_shared>> -> memref<64x64xf32, #tpu.memory_space<vmem_shared>>
    tpu.wait_indirect_dma semaphore(%arg23 : memref<!tpu.dma_semaphore, #tpu.memory_space<semaphore_mem>>) src(%dma_wait3A_2392 : memref<125x64xf32, #tpu.memory_space<vmem>>) dst(%dma_wait3A_2398 : memref<64x64xf32, #tpu.memory_space<vmem_shared>>)
    %dma_wait3A_2399 = arith.constant 25 : i32
    %dma_wait3A_2400 = arith.constant 125 : i32
    %dma_wait3A_2401 = arith.constant 0 : i32
    %dma_wait3A_2402 = tpu.memref_slice %arg5[%dma_wait3A_2400, %dma_wait3A_2401] : memref<250x64xf32, #tpu.memory_space<vmem>> -> memref<125x64xf32, #tpu.memory_space<vmem>>
    %dma_wait3A_2403 = arith.constant 0 : i32
    %dma_wait3A_2404 = tpu.memref_slice %arg11[%dma_wait3A_2399, %dma_wait3A_2403] : memref<50x125xi32, #tpu.memory_space<vmem>> -> memref<1x125xi32, #tpu.memory_space<vmem>>
    %dma_wait3A_2405 = tpu.memref_squeeze %dma_wait3A_2404 : memref<1x125xi32, #tpu.memory_space<vmem>> -> memref<125xi32, #tpu.memory_space<vmem>>
    %dma_wait3A_2406 = arith.constant 0 : i32
    %dma_wait3A_2407 = arith.constant 0 : i32
    %dma_wait3A_2408 = tpu.memref_slice %arg15[%dma_wait3A_2406, %dma_wait3A_2407] : memref<64x64xf32, #tpu.memory_space<vmem_shared>> -> memref<64x64xf32, #tpu.memory_space<vmem_shared>>
    tpu.wait_indirect_dma semaphore(%arg23 : memref<!tpu.dma_semaphore, #tpu.memory_space<semaphore_mem>>) src(%dma_wait3A_2402 : memref<125x64xf32, #tpu.memory_space<vmem>>) dst(%dma_wait3A_2408 : memref<64x64xf32, #tpu.memory_space<vmem_shared>>)
    %mul3A_2409 = arith.constant 6250 : i32
    %mul3A_2410 = arith.muli %arg1, %mul3A_2409 : i32
    %add3A_2411 = arith.constant 4500 : i32
    %add3A_2412 = arith.addi %mul3A_2410, %add3A_2411 : i32
    %mul3A_2413 = arith.constant 64 : i32
    %mul3A_2414 = arith.muli %arg0, %mul3A_2413 : i32
    %dma_start3A_2415 = tpu.memref_slice %arg2[%add3A_2412, %mul3A_2414] : memref<100000x128xf32, #tpu.memory_space<hbm>> -> memref<250x64xf32, #tpu.memory_space<hbm>>
    %dma_start3A_2416 = tpu.memref_slice %arg2[%add3A_2412, %mul3A_2414] : memref<100000x128xf32, #tpu.memory_space<hbm>> -> memref<250x64xf32, #tpu.memory_space<hbm>>
    tpu.enqueue_dma source(%dma_start3A_2416 : memref<250x64xf32, #tpu.memory_space<hbm>>) target(%arg5 : memref<250x64xf32, #tpu.memory_space<vmem>>) target_semaphore(%arg17 : memref<!tpu.dma_semaphore, #tpu.memory_space<semaphore_mem>>)
    %dma_wait3A_2417 = tpu.memref_slice %arg2[%add3A_2262, %mul3A_2264] : memref<100000x128xf32, #tpu.memory_space<hbm>> -> memref<250x64xf32, #tpu.memory_space<hbm>>
    %dma_wait3A_2418 = tpu.memref_slice %arg2[%add3A_2262, %mul3A_2264] : memref<100000x128xf32, #tpu.memory_space<hbm>> -> memref<250x64xf32, #tpu.memory_space<hbm>>
    tpu.wait_dma2 semaphore(%arg20 : memref<!tpu.dma_semaphore, #tpu.memory_space<semaphore_mem>>) src(%dma_wait3A_2418 : memref<250x64xf32, #tpu.memory_space<hbm>>) dst(%arg8 : memref<250x64xf32, #tpu.memory_space<vmem>>)
    %dma_start3A_2419 = arith.constant 30 : i32
    %dma_start3A_2420 = arith.constant 0 : i32
    %dma_start3A_2421 = arith.constant 0 : i32
    %dma_start3A_2422 = tpu.memref_slice %arg8[%dma_start3A_2420, %dma_start3A_2421] : memref<250x64xf32, #tpu.memory_space<vmem>> -> memref<125x64xf32, #tpu.memory_space<vmem>>
    %dma_start3A_2423 = arith.constant 0 : i32
    %dma_start3A_2424 = tpu.memref_slice %arg11[%dma_start3A_2419, %dma_start3A_2423] : memref<50x125xi32, #tpu.memory_space<vmem>> -> memref<1x125xi32, #tpu.memory_space<vmem>>
    %dma_start3A_2425 = tpu.memref_squeeze %dma_start3A_2424 : memref<1x125xi32, #tpu.memory_space<vmem>> -> memref<125xi32, #tpu.memory_space<vmem>>
    %dma_start3A_2426 = arith.constant 0 : i32
    %dma_start3A_2427 = arith.constant 0 : i32
    %dma_start3A_2428 = tpu.memref_slice %arg15[%dma_start3A_2426, %dma_start3A_2427] : memref<64x64xf32, #tpu.memory_space<vmem_shared>> -> memref<64x64xf32, #tpu.memory_space<vmem_shared>>
    tpu.enqueue_indirect_dma source(%dma_start3A_2422 : memref<125x64xf32, #tpu.memory_space<vmem>>) target(%dma_start3A_2428 : memref<64x64xf32, #tpu.memory_space<vmem_shared>>) offsets(%dma_start3A_2425 : memref<125xi32, #tpu.memory_space<vmem>>) semaphore(%arg26 : memref<!tpu.dma_semaphore, #tpu.memory_space<semaphore_mem>>) {add = true}
    %dma_start3A_2429 = arith.constant 31 : i32
    %dma_start3A_2430 = arith.constant 125 : i32
    %dma_start3A_2431 = arith.constant 0 : i32
    %dma_start3A_2432 = tpu.memref_slice %arg8[%dma_start3A_2430, %dma_start3A_2431] : memref<250x64xf32, #tpu.memory_space<vmem>> -> memref<125x64xf32, #tpu.memory_space<vmem>>
    %dma_start3A_2433 = arith.constant 0 : i32
    %dma_start3A_2434 = tpu.memref_slice %arg11[%dma_start3A_2429, %dma_start3A_2433] : memref<50x125xi32, #tpu.memory_space<vmem>> -> memref<1x125xi32, #tpu.memory_space<vmem>>
    %dma_start3A_2435 = tpu.memref_squeeze %dma_start3A_2434 : memref<1x125xi32, #tpu.memory_space<vmem>> -> memref<125xi32, #tpu.memory_space<vmem>>
    %dma_start3A_2436 = arith.constant 0 : i32
    %dma_start3A_2437 = arith.constant 0 : i32
    %dma_start3A_2438 = tpu.memref_slice %arg15[%dma_start3A_2436, %dma_start3A_2437] : memref<64x64xf32, #tpu.memory_space<vmem_shared>> -> memref<64x64xf32, #tpu.memory_space<vmem_shared>>
    tpu.enqueue_indirect_dma source(%dma_start3A_2432 : memref<125x64xf32, #tpu.memory_space<vmem>>) target(%dma_start3A_2438 : memref<64x64xf32, #tpu.memory_space<vmem_shared>>) offsets(%dma_start3A_2435 : memref<125xi32, #tpu.memory_space<vmem>>) semaphore(%arg26 : memref<!tpu.dma_semaphore, #tpu.memory_space<semaphore_mem>>) {add = true}
    %dma_wait3A_2439 = arith.constant 26 : i32
    %dma_wait3A_2440 = arith.constant 0 : i32
    %dma_wait3A_2441 = arith.constant 0 : i32
    %dma_wait3A_2442 = tpu.memref_slice %arg6[%dma_wait3A_2440, %dma_wait3A_2441] : memref<250x64xf32, #tpu.memory_space<vmem>> -> memref<125x64xf32, #tpu.memory_space<vmem>>
    %dma_wait3A_2443 = arith.constant 0 : i32
    %dma_wait3A_2444 = tpu.memref_slice %arg11[%dma_wait3A_2439, %dma_wait3A_2443] : memref<50x125xi32, #tpu.memory_space<vmem>> -> memref<1x125xi32, #tpu.memory_space<vmem>>
    %dma_wait3A_2445 = tpu.memref_squeeze %dma_wait3A_2444 : memref<1x125xi32, #tpu.memory_space<vmem>> -> memref<125xi32, #tpu.memory_space<vmem>>
    %dma_wait3A_2446 = arith.constant 0 : i32
    %dma_wait3A_2447 = arith.constant 0 : i32
    %dma_wait3A_2448 = tpu.memref_slice %arg15[%dma_wait3A_2446, %dma_wait3A_2447] : memref<64x64xf32, #tpu.memory_space<vmem_shared>> -> memref<64x64xf32, #tpu.memory_space<vmem_shared>>
    tpu.wait_indirect_dma semaphore(%arg24 : memref<!tpu.dma_semaphore, #tpu.memory_space<semaphore_mem>>) src(%dma_wait3A_2442 : memref<125x64xf32, #tpu.memory_space<vmem>>) dst(%dma_wait3A_2448 : memref<64x64xf32, #tpu.memory_space<vmem_shared>>)
    %dma_wait3A_2449 = arith.constant 27 : i32
    %dma_wait3A_2450 = arith.constant 125 : i32
    %dma_wait3A_2451 = arith.constant 0 : i32
    %dma_wait3A_2452 = tpu.memref_slice %arg6[%dma_wait3A_2450, %dma_wait3A_2451] : memref<250x64xf32, #tpu.memory_space<vmem>> -> memref<125x64xf32, #tpu.memory_space<vmem>>
    %dma_wait3A_2453 = arith.constant 0 : i32
    %dma_wait3A_2454 = tpu.memref_slice %arg11[%dma_wait3A_2449, %dma_wait3A_2453] : memref<50x125xi32, #tpu.memory_space<vmem>> -> memref<1x125xi32, #tpu.memory_space<vmem>>
    %dma_wait3A_2455 = tpu.memref_squeeze %dma_wait3A_2454 : memref<1x125xi32, #tpu.memory_space<vmem>> -> memref<125xi32, #tpu.memory_space<vmem>>
    %dma_wait3A_2456 = arith.constant 0 : i32
    %dma_wait3A_2457 = arith.constant 0 : i32
    %dma_wait3A_2458 = tpu.memref_slice %arg15[%dma_wait3A_2456, %dma_wait3A_2457] : memref<64x64xf32, #tpu.memory_space<vmem_shared>> -> memref<64x64xf32, #tpu.memory_space<vmem_shared>>
    tpu.wait_indirect_dma semaphore(%arg24 : memref<!tpu.dma_semaphore, #tpu.memory_space<semaphore_mem>>) src(%dma_wait3A_2452 : memref<125x64xf32, #tpu.memory_space<vmem>>) dst(%dma_wait3A_2458 : memref<64x64xf32, #tpu.memory_space<vmem_shared>>)
    %mul3A_2459 = arith.constant 6250 : i32
    %mul3A_2460 = arith.muli %arg1, %mul3A_2459 : i32
    %add3A_2461 = arith.constant 4750 : i32
    %add3A_2462 = arith.addi %mul3A_2460, %add3A_2461 : i32
    %mul3A_2463 = arith.constant 64 : i32
    %mul3A_2464 = arith.muli %arg0, %mul3A_2463 : i32
    %dma_start3A_2465 = tpu.memref_slice %arg2[%add3A_2462, %mul3A_2464] : memref<100000x128xf32, #tpu.memory_space<hbm>> -> memref<250x64xf32, #tpu.memory_space<hbm>>
    %dma_start3A_2466 = tpu.memref_slice %arg2[%add3A_2462, %mul3A_2464] : memref<100000x128xf32, #tpu.memory_space<hbm>> -> memref<250x64xf32, #tpu.memory_space<hbm>>
    tpu.enqueue_dma source(%dma_start3A_2466 : memref<250x64xf32, #tpu.memory_space<hbm>>) target(%arg6 : memref<250x64xf32, #tpu.memory_space<vmem>>) target_semaphore(%arg18 : memref<!tpu.dma_semaphore, #tpu.memory_space<semaphore_mem>>)
    %dma_wait3A_2467 = tpu.memref_slice %arg2[%add3A_2312, %mul3A_2314] : memref<100000x128xf32, #tpu.memory_space<hbm>> -> memref<250x64xf32, #tpu.memory_space<hbm>>
    %dma_wait3A_2468 = tpu.memref_slice %arg2[%add3A_2312, %mul3A_2314] : memref<100000x128xf32, #tpu.memory_space<hbm>> -> memref<250x64xf32, #tpu.memory_space<hbm>>
    tpu.wait_dma2 semaphore(%arg21 : memref<!tpu.dma_semaphore, #tpu.memory_space<semaphore_mem>>) src(%dma_wait3A_2468 : memref<250x64xf32, #tpu.memory_space<hbm>>) dst(%arg9 : memref<250x64xf32, #tpu.memory_space<vmem>>)
    %dma_start3A_2469 = arith.constant 32 : i32
    %dma_start3A_2470 = arith.constant 0 : i32
    %dma_start3A_2471 = arith.constant 0 : i32
    %dma_start3A_2472 = tpu.memref_slice %arg9[%dma_start3A_2470, %dma_start3A_2471] : memref<250x64xf32, #tpu.memory_space<vmem>> -> memref<125x64xf32, #tpu.memory_space<vmem>>
    %dma_start3A_2473 = arith.constant 0 : i32
    %dma_start3A_2474 = tpu.memref_slice %arg11[%dma_start3A_2469, %dma_start3A_2473] : memref<50x125xi32, #tpu.memory_space<vmem>> -> memref<1x125xi32, #tpu.memory_space<vmem>>
    %dma_start3A_2475 = tpu.memref_squeeze %dma_start3A_2474 : memref<1x125xi32, #tpu.memory_space<vmem>> -> memref<125xi32, #tpu.memory_space<vmem>>
    %dma_start3A_2476 = arith.constant 0 : i32
    %dma_start3A_2477 = arith.constant 0 : i32
    %dma_start3A_2478 = tpu.memref_slice %arg15[%dma_start3A_2476, %dma_start3A_2477] : memref<64x64xf32, #tpu.memory_space<vmem_shared>> -> memref<64x64xf32, #tpu.memory_space<vmem_shared>>
    tpu.enqueue_indirect_dma source(%dma_start3A_2472 : memref<125x64xf32, #tpu.memory_space<vmem>>) target(%dma_start3A_2478 : memref<64x64xf32, #tpu.memory_space<vmem_shared>>) offsets(%dma_start3A_2475 : memref<125xi32, #tpu.memory_space<vmem>>) semaphore(%arg27 : memref<!tpu.dma_semaphore, #tpu.memory_space<semaphore_mem>>) {add = true}
    %dma_start3A_2479 = arith.constant 33 : i32
    %dma_start3A_2480 = arith.constant 125 : i32
    %dma_start3A_2481 = arith.constant 0 : i32
    %dma_start3A_2482 = tpu.memref_slice %arg9[%dma_start3A_2480, %dma_start3A_2481] : memref<250x64xf32, #tpu.memory_space<vmem>> -> memref<125x64xf32, #tpu.memory_space<vmem>>
    %dma_start3A_2483 = arith.constant 0 : i32
    %dma_start3A_2484 = tpu.memref_slice %arg11[%dma_start3A_2479, %dma_start3A_2483] : memref<50x125xi32, #tpu.memory_space<vmem>> -> memref<1x125xi32, #tpu.memory_space<vmem>>
    %dma_start3A_2485 = tpu.memref_squeeze %dma_start3A_2484 : memref<1x125xi32, #tpu.memory_space<vmem>> -> memref<125xi32, #tpu.memory_space<vmem>>
    %dma_start3A_2486 = arith.constant 0 : i32
    %dma_start3A_2487 = arith.constant 0 : i32
    %dma_start3A_2488 = tpu.memref_slice %arg15[%dma_start3A_2486, %dma_start3A_2487] : memref<64x64xf32, #tpu.memory_space<vmem_shared>> -> memref<64x64xf32, #tpu.memory_space<vmem_shared>>
    tpu.enqueue_indirect_dma source(%dma_start3A_2482 : memref<125x64xf32, #tpu.memory_space<vmem>>) target(%dma_start3A_2488 : memref<64x64xf32, #tpu.memory_space<vmem_shared>>) offsets(%dma_start3A_2485 : memref<125xi32, #tpu.memory_space<vmem>>) semaphore(%arg27 : memref<!tpu.dma_semaphore, #tpu.memory_space<semaphore_mem>>) {add = true}
    %dma_wait3A_2489 = arith.constant 28 : i32
    %dma_wait3A_2490 = arith.constant 0 : i32
    %dma_wait3A_2491 = arith.constant 0 : i32
    %dma_wait3A_2492 = tpu.memref_slice %arg7[%dma_wait3A_2490, %dma_wait3A_2491] : memref<250x64xf32, #tpu.memory_space<vmem>> -> memref<125x64xf32, #tpu.memory_space<vmem>>
    %dma_wait3A_2493 = arith.constant 0 : i32
    %dma_wait3A_2494 = tpu.memref_slice %arg11[%dma_wait3A_2489, %dma_wait3A_2493] : memref<50x125xi32, #tpu.memory_space<vmem>> -> memref<1x125xi32, #tpu.memory_space<vmem>>
    %dma_wait3A_2495 = tpu.memref_squeeze %dma_wait3A_2494 : memref<1x125xi32, #tpu.memory_space<vmem>> -> memref<125xi32, #tpu.memory_space<vmem>>
    %dma_wait3A_2496 = arith.constant 0 : i32
    %dma_wait3A_2497 = arith.constant 0 : i32
    %dma_wait3A_2498 = tpu.memref_slice %arg15[%dma_wait3A_2496, %dma_wait3A_2497] : memref<64x64xf32, #tpu.memory_space<vmem_shared>> -> memref<64x64xf32, #tpu.memory_space<vmem_shared>>
    tpu.wait_indirect_dma semaphore(%arg25 : memref<!tpu.dma_semaphore, #tpu.memory_space<semaphore_mem>>) src(%dma_wait3A_2492 : memref<125x64xf32, #tpu.memory_space<vmem>>) dst(%dma_wait3A_2498 : memref<64x64xf32, #tpu.memory_space<vmem_shared>>)
    %dma_wait3A_2499 = arith.constant 29 : i32
    %dma_wait3A_2500 = arith.constant 125 : i32
    %dma_wait3A_2501 = arith.constant 0 : i32
    %dma_wait3A_2502 = tpu.memref_slice %arg7[%dma_wait3A_2500, %dma_wait3A_2501] : memref<250x64xf32, #tpu.memory_space<vmem>> -> memref<125x64xf32, #tpu.memory_space<vmem>>
    %dma_wait3A_2503 = arith.constant 0 : i32
    %dma_wait3A_2504 = tpu.memref_slice %arg11[%dma_wait3A_2499, %dma_wait3A_2503] : memref<50x125xi32, #tpu.memory_space<vmem>> -> memref<1x125xi32, #tpu.memory_space<vmem>>
    %dma_wait3A_2505 = tpu.memref_squeeze %dma_wait3A_2504 : memref<1x125xi32, #tpu.memory_space<vmem>> -> memref<125xi32, #tpu.memory_space<vmem>>
    %dma_wait3A_2506 = arith.constant 0 : i32
    %dma_wait3A_2507 = arith.constant 0 : i32
    %dma_wait3A_2508 = tpu.memref_slice %arg15[%dma_wait3A_2506, %dma_wait3A_2507] : memref<64x64xf32, #tpu.memory_space<vmem_shared>> -> memref<64x64xf32, #tpu.memory_space<vmem_shared>>
    tpu.wait_indirect_dma semaphore(%arg25 : memref<!tpu.dma_semaphore, #tpu.memory_space<semaphore_mem>>) src(%dma_wait3A_2502 : memref<125x64xf32, #tpu.memory_space<vmem>>) dst(%dma_wait3A_2508 : memref<64x64xf32, #tpu.memory_space<vmem_shared>>)
    %mul3A_2509 = arith.constant 6250 : i32
    %mul3A_2510 = arith.muli %arg1, %mul3A_2509 : i32
    %add3A_2511 = arith.constant 5000 : i32
    %add3A_2512 = arith.addi %mul3A_2510, %add3A_2511 : i32
    %mul3A_2513 = arith.constant 64 : i32
    %mul3A_2514 = arith.muli %arg0, %mul3A_2513 : i32
    %dma_start3A_2515 = tpu.memref_slice %arg2[%add3A_2512, %mul3A_2514] : memref<100000x128xf32, #tpu.memory_space<hbm>> -> memref<250x64xf32, #tpu.memory_space<hbm>>
    %dma_start3A_2516 = tpu.memref_slice %arg2[%add3A_2512, %mul3A_2514] : memref<100000x128xf32, #tpu.memory_space<hbm>> -> memref<250x64xf32, #tpu.memory_space<hbm>>
    tpu.enqueue_dma source(%dma_start3A_2516 : memref<250x64xf32, #tpu.memory_space<hbm>>) target(%arg7 : memref<250x64xf32, #tpu.memory_space<vmem>>) target_semaphore(%arg19 : memref<!tpu.dma_semaphore, #tpu.memory_space<semaphore_mem>>)
    %dma_wait3A_2517 = tpu.memref_slice %arg2[%add3A_2362, %mul3A_2364] : memref<100000x128xf32, #tpu.memory_space<hbm>> -> memref<250x64xf32, #tpu.memory_space<hbm>>
    %dma_wait3A_2518 = tpu.memref_slice %arg2[%add3A_2362, %mul3A_2364] : memref<100000x128xf32, #tpu.memory_space<hbm>> -> memref<250x64xf32, #tpu.memory_space<hbm>>
    tpu.wait_dma2 semaphore(%arg22 : memref<!tpu.dma_semaphore, #tpu.memory_space<semaphore_mem>>) src(%dma_wait3A_2518 : memref<250x64xf32, #tpu.memory_space<hbm>>) dst(%arg10 : memref<250x64xf32, #tpu.memory_space<vmem>>)
    %dma_start3A_2519 = arith.constant 34 : i32
    %dma_start3A_2520 = arith.constant 0 : i32
    %dma_start3A_2521 = arith.constant 0 : i32
    %dma_start3A_2522 = tpu.memref_slice %arg10[%dma_start3A_2520, %dma_start3A_2521] : memref<250x64xf32, #tpu.memory_space<vmem>> -> memref<125x64xf32, #tpu.memory_space<vmem>>
    %dma_start3A_2523 = arith.constant 0 : i32
    %dma_start3A_2524 = tpu.memref_slice %arg11[%dma_start3A_2519, %dma_start3A_2523] : memref<50x125xi32, #tpu.memory_space<vmem>> -> memref<1x125xi32, #tpu.memory_space<vmem>>
    %dma_start3A_2525 = tpu.memref_squeeze %dma_start3A_2524 : memref<1x125xi32, #tpu.memory_space<vmem>> -> memref<125xi32, #tpu.memory_space<vmem>>
    %dma_start3A_2526 = arith.constant 0 : i32
    %dma_start3A_2527 = arith.constant 0 : i32
    %dma_start3A_2528 = tpu.memref_slice %arg15[%dma_start3A_2526, %dma_start3A_2527] : memref<64x64xf32, #tpu.memory_space<vmem_shared>> -> memref<64x64xf32, #tpu.memory_space<vmem_shared>>
    tpu.enqueue_indirect_dma source(%dma_start3A_2522 : memref<125x64xf32, #tpu.memory_space<vmem>>) target(%dma_start3A_2528 : memref<64x64xf32, #tpu.memory_space<vmem_shared>>) offsets(%dma_start3A_2525 : memref<125xi32, #tpu.memory_space<vmem>>) semaphore(%arg28 : memref<!tpu.dma_semaphore, #tpu.memory_space<semaphore_mem>>) {add = true}
    %dma_start3A_2529 = arith.constant 35 : i32
    %dma_start3A_2530 = arith.constant 125 : i32
    %dma_start3A_2531 = arith.constant 0 : i32
    %dma_start3A_2532 = tpu.memref_slice %arg10[%dma_start3A_2530, %dma_start3A_2531] : memref<250x64xf32, #tpu.memory_space<vmem>> -> memref<125x64xf32, #tpu.memory_space<vmem>>
    %dma_start3A_2533 = arith.constant 0 : i32
    %dma_start3A_2534 = tpu.memref_slice %arg11[%dma_start3A_2529, %dma_start3A_2533] : memref<50x125xi32, #tpu.memory_space<vmem>> -> memref<1x125xi32, #tpu.memory_space<vmem>>
    %dma_start3A_2535 = tpu.memref_squeeze %dma_start3A_2534 : memref<1x125xi32, #tpu.memory_space<vmem>> -> memref<125xi32, #tpu.memory_space<vmem>>
    %dma_start3A_2536 = arith.constant 0 : i32
    %dma_start3A_2537 = arith.constant 0 : i32
    %dma_start3A_2538 = tpu.memref_slice %arg15[%dma_start3A_2536, %dma_start3A_2537] : memref<64x64xf32, #tpu.memory_space<vmem_shared>> -> memref<64x64xf32, #tpu.memory_space<vmem_shared>>
    tpu.enqueue_indirect_dma source(%dma_start3A_2532 : memref<125x64xf32, #tpu.memory_space<vmem>>) target(%dma_start3A_2538 : memref<64x64xf32, #tpu.memory_space<vmem_shared>>) offsets(%dma_start3A_2535 : memref<125xi32, #tpu.memory_space<vmem>>) semaphore(%arg28 : memref<!tpu.dma_semaphore, #tpu.memory_space<semaphore_mem>>) {add = true}
    %dma_wait3A_2539 = arith.constant 30 : i32
    %dma_wait3A_2540 = arith.constant 0 : i32
    %dma_wait3A_2541 = arith.constant 0 : i32
    %dma_wait3A_2542 = tpu.memref_slice %arg8[%dma_wait3A_2540, %dma_wait3A_2541] : memref<250x64xf32, #tpu.memory_space<vmem>> -> memref<125x64xf32, #tpu.memory_space<vmem>>
    %dma_wait3A_2543 = arith.constant 0 : i32
    %dma_wait3A_2544 = tpu.memref_slice %arg11[%dma_wait3A_2539, %dma_wait3A_2543] : memref<50x125xi32, #tpu.memory_space<vmem>> -> memref<1x125xi32, #tpu.memory_space<vmem>>
    %dma_wait3A_2545 = tpu.memref_squeeze %dma_wait3A_2544 : memref<1x125xi32, #tpu.memory_space<vmem>> -> memref<125xi32, #tpu.memory_space<vmem>>
    %dma_wait3A_2546 = arith.constant 0 : i32
    %dma_wait3A_2547 = arith.constant 0 : i32
    %dma_wait3A_2548 = tpu.memref_slice %arg15[%dma_wait3A_2546, %dma_wait3A_2547] : memref<64x64xf32, #tpu.memory_space<vmem_shared>> -> memref<64x64xf32, #tpu.memory_space<vmem_shared>>
    tpu.wait_indirect_dma semaphore(%arg26 : memref<!tpu.dma_semaphore, #tpu.memory_space<semaphore_mem>>) src(%dma_wait3A_2542 : memref<125x64xf32, #tpu.memory_space<vmem>>) dst(%dma_wait3A_2548 : memref<64x64xf32, #tpu.memory_space<vmem_shared>>)
    %dma_wait3A_2549 = arith.constant 31 : i32
    %dma_wait3A_2550 = arith.constant 125 : i32
    %dma_wait3A_2551 = arith.constant 0 : i32
    %dma_wait3A_2552 = tpu.memref_slice %arg8[%dma_wait3A_2550, %dma_wait3A_2551] : memref<250x64xf32, #tpu.memory_space<vmem>> -> memref<125x64xf32, #tpu.memory_space<vmem>>
    %dma_wait3A_2553 = arith.constant 0 : i32
    %dma_wait3A_2554 = tpu.memref_slice %arg11[%dma_wait3A_2549, %dma_wait3A_2553] : memref<50x125xi32, #tpu.memory_space<vmem>> -> memref<1x125xi32, #tpu.memory_space<vmem>>
    %dma_wait3A_2555 = tpu.memref_squeeze %dma_wait3A_2554 : memref<1x125xi32, #tpu.memory_space<vmem>> -> memref<125xi32, #tpu.memory_space<vmem>>
    %dma_wait3A_2556 = arith.constant 0 : i32
    %dma_wait3A_2557 = arith.constant 0 : i32
    %dma_wait3A_2558 = tpu.memref_slice %arg15[%dma_wait3A_2556, %dma_wait3A_2557] : memref<64x64xf32, #tpu.memory_space<vmem_shared>> -> memref<64x64xf32, #tpu.memory_space<vmem_shared>>
    tpu.wait_indirect_dma semaphore(%arg26 : memref<!tpu.dma_semaphore, #tpu.memory_space<semaphore_mem>>) src(%dma_wait3A_2552 : memref<125x64xf32, #tpu.memory_space<vmem>>) dst(%dma_wait3A_2558 : memref<64x64xf32, #tpu.memory_space<vmem_shared>>)
    %mul3A_2559 = arith.constant 6250 : i32
    %mul3A_2560 = arith.muli %arg1, %mul3A_2559 : i32
    %add3A_2561 = arith.constant 5250 : i32
    %add3A_2562 = arith.addi %mul3A_2560, %add3A_2561 : i32
    %mul3A_2563 = arith.constant 64 : i32
    %mul3A_2564 = arith.muli %arg0, %mul3A_2563 : i32
    %dma_start3A_2565 = tpu.memref_slice %arg2[%add3A_2562, %mul3A_2564] : memref<100000x128xf32, #tpu.memory_space<hbm>> -> memref<250x64xf32, #tpu.memory_space<hbm>>
    %dma_start3A_2566 = tpu.memref_slice %arg2[%add3A_2562, %mul3A_2564] : memref<100000x128xf32, #tpu.memory_space<hbm>> -> memref<250x64xf32, #tpu.memory_space<hbm>>
    tpu.enqueue_dma source(%dma_start3A_2566 : memref<250x64xf32, #tpu.memory_space<hbm>>) target(%arg8 : memref<250x64xf32, #tpu.memory_space<vmem>>) target_semaphore(%arg20 : memref<!tpu.dma_semaphore, #tpu.memory_space<semaphore_mem>>)
    %dma_wait3A_2567 = tpu.memref_slice %arg2[%add3A_2412, %mul3A_2414] : memref<100000x128xf32, #tpu.memory_space<hbm>> -> memref<250x64xf32, #tpu.memory_space<hbm>>
    %dma_wait3A_2568 = tpu.memref_slice %arg2[%add3A_2412, %mul3A_2414] : memref<100000x128xf32, #tpu.memory_space<hbm>> -> memref<250x64xf32, #tpu.memory_space<hbm>>
    tpu.wait_dma2 semaphore(%arg17 : memref<!tpu.dma_semaphore, #tpu.memory_space<semaphore_mem>>) src(%dma_wait3A_2568 : memref<250x64xf32, #tpu.memory_space<hbm>>) dst(%arg5 : memref<250x64xf32, #tpu.memory_space<vmem>>)
    %dma_start3A_2569 = arith.constant 36 : i32
    %dma_start3A_2570 = arith.constant 0 : i32
    %dma_start3A_2571 = arith.constant 0 : i32
    %dma_start3A_2572 = tpu.memref_slice %arg5[%dma_start3A_2570, %dma_start3A_2571] : memref<250x64xf32, #tpu.memory_space<vmem>> -> memref<125x64xf32, #tpu.memory_space<vmem>>
    %dma_start3A_2573 = arith.constant 0 : i32
    %dma_start3A_2574 = tpu.memref_slice %arg11[%dma_start3A_2569, %dma_start3A_2573] : memref<50x125xi32, #tpu.memory_space<vmem>> -> memref<1x125xi32, #tpu.memory_space<vmem>>
    %dma_start3A_2575 = tpu.memref_squeeze %dma_start3A_2574 : memref<1x125xi32, #tpu.memory_space<vmem>> -> memref<125xi32, #tpu.memory_space<vmem>>
    %dma_start3A_2576 = arith.constant 0 : i32
    %dma_start3A_2577 = arith.constant 0 : i32
    %dma_start3A_2578 = tpu.memref_slice %arg15[%dma_start3A_2576, %dma_start3A_2577] : memref<64x64xf32, #tpu.memory_space<vmem_shared>> -> memref<64x64xf32, #tpu.memory_space<vmem_shared>>
    tpu.enqueue_indirect_dma source(%dma_start3A_2572 : memref<125x64xf32, #tpu.memory_space<vmem>>) target(%dma_start3A_2578 : memref<64x64xf32, #tpu.memory_space<vmem_shared>>) offsets(%dma_start3A_2575 : memref<125xi32, #tpu.memory_space<vmem>>) semaphore(%arg23 : memref<!tpu.dma_semaphore, #tpu.memory_space<semaphore_mem>>) {add = true}
    %dma_start3A_2579 = arith.constant 37 : i32
    %dma_start3A_2580 = arith.constant 125 : i32
    %dma_start3A_2581 = arith.constant 0 : i32
    %dma_start3A_2582 = tpu.memref_slice %arg5[%dma_start3A_2580, %dma_start3A_2581] : memref<250x64xf32, #tpu.memory_space<vmem>> -> memref<125x64xf32, #tpu.memory_space<vmem>>
    %dma_start3A_2583 = arith.constant 0 : i32
    %dma_start3A_2584 = tpu.memref_slice %arg11[%dma_start3A_2579, %dma_start3A_2583] : memref<50x125xi32, #tpu.memory_space<vmem>> -> memref<1x125xi32, #tpu.memory_space<vmem>>
    %dma_start3A_2585 = tpu.memref_squeeze %dma_start3A_2584 : memref<1x125xi32, #tpu.memory_space<vmem>> -> memref<125xi32, #tpu.memory_space<vmem>>
    %dma_start3A_2586 = arith.constant 0 : i32
    %dma_start3A_2587 = arith.constant 0 : i32
    %dma_start3A_2588 = tpu.memref_slice %arg15[%dma_start3A_2586, %dma_start3A_2587] : memref<64x64xf32, #tpu.memory_space<vmem_shared>> -> memref<64x64xf32, #tpu.memory_space<vmem_shared>>
    tpu.enqueue_indirect_dma source(%dma_start3A_2582 : memref<125x64xf32, #tpu.memory_space<vmem>>) target(%dma_start3A_2588 : memref<64x64xf32, #tpu.memory_space<vmem_shared>>) offsets(%dma_start3A_2585 : memref<125xi32, #tpu.memory_space<vmem>>) semaphore(%arg23 : memref<!tpu.dma_semaphore, #tpu.memory_space<semaphore_mem>>) {add = true}
    %dma_wait3A_2589 = arith.constant 32 : i32
    %dma_wait3A_2590 = arith.constant 0 : i32
    %dma_wait3A_2591 = arith.constant 0 : i32
    %dma_wait3A_2592 = tpu.memref_slice %arg9[%dma_wait3A_2590, %dma_wait3A_2591] : memref<250x64xf32, #tpu.memory_space<vmem>> -> memref<125x64xf32, #tpu.memory_space<vmem>>
    %dma_wait3A_2593 = arith.constant 0 : i32
    %dma_wait3A_2594 = tpu.memref_slice %arg11[%dma_wait3A_2589, %dma_wait3A_2593] : memref<50x125xi32, #tpu.memory_space<vmem>> -> memref<1x125xi32, #tpu.memory_space<vmem>>
    %dma_wait3A_2595 = tpu.memref_squeeze %dma_wait3A_2594 : memref<1x125xi32, #tpu.memory_space<vmem>> -> memref<125xi32, #tpu.memory_space<vmem>>
    %dma_wait3A_2596 = arith.constant 0 : i32
    %dma_wait3A_2597 = arith.constant 0 : i32
    %dma_wait3A_2598 = tpu.memref_slice %arg15[%dma_wait3A_2596, %dma_wait3A_2597] : memref<64x64xf32, #tpu.memory_space<vmem_shared>> -> memref<64x64xf32, #tpu.memory_space<vmem_shared>>
    tpu.wait_indirect_dma semaphore(%arg27 : memref<!tpu.dma_semaphore, #tpu.memory_space<semaphore_mem>>) src(%dma_wait3A_2592 : memref<125x64xf32, #tpu.memory_space<vmem>>) dst(%dma_wait3A_2598 : memref<64x64xf32, #tpu.memory_space<vmem_shared>>)
    %dma_wait3A_2599 = arith.constant 33 : i32
    %dma_wait3A_2600 = arith.constant 125 : i32
    %dma_wait3A_2601 = arith.constant 0 : i32
    %dma_wait3A_2602 = tpu.memref_slice %arg9[%dma_wait3A_2600, %dma_wait3A_2601] : memref<250x64xf32, #tpu.memory_space<vmem>> -> memref<125x64xf32, #tpu.memory_space<vmem>>
    %dma_wait3A_2603 = arith.constant 0 : i32
    %dma_wait3A_2604 = tpu.memref_slice %arg11[%dma_wait3A_2599, %dma_wait3A_2603] : memref<50x125xi32, #tpu.memory_space<vmem>> -> memref<1x125xi32, #tpu.memory_space<vmem>>
    %dma_wait3A_2605 = tpu.memref_squeeze %dma_wait3A_2604 : memref<1x125xi32, #tpu.memory_space<vmem>> -> memref<125xi32, #tpu.memory_space<vmem>>
    %dma_wait3A_2606 = arith.constant 0 : i32
    %dma_wait3A_2607 = arith.constant 0 : i32
    %dma_wait3A_2608 = tpu.memref_slice %arg15[%dma_wait3A_2606, %dma_wait3A_2607] : memref<64x64xf32, #tpu.memory_space<vmem_shared>> -> memref<64x64xf32, #tpu.memory_space<vmem_shared>>
    tpu.wait_indirect_dma semaphore(%arg27 : memref<!tpu.dma_semaphore, #tpu.memory_space<semaphore_mem>>) src(%dma_wait3A_2602 : memref<125x64xf32, #tpu.memory_space<vmem>>) dst(%dma_wait3A_2608 : memref<64x64xf32, #tpu.memory_space<vmem_shared>>)
    %mul3A_2609 = arith.constant 6250 : i32
    %mul3A_2610 = arith.muli %arg1, %mul3A_2609 : i32
    %add3A_2611 = arith.constant 5500 : i32
    %add3A_2612 = arith.addi %mul3A_2610, %add3A_2611 : i32
    %mul3A_2613 = arith.constant 64 : i32
    %mul3A_2614 = arith.muli %arg0, %mul3A_2613 : i32
    %dma_start3A_2615 = tpu.memref_slice %arg2[%add3A_2612, %mul3A_2614] : memref<100000x128xf32, #tpu.memory_space<hbm>> -> memref<250x64xf32, #tpu.memory_space<hbm>>
    %dma_start3A_2616 = tpu.memref_slice %arg2[%add3A_2612, %mul3A_2614] : memref<100000x128xf32, #tpu.memory_space<hbm>> -> memref<250x64xf32, #tpu.memory_space<hbm>>
    tpu.enqueue_dma source(%dma_start3A_2616 : memref<250x64xf32, #tpu.memory_space<hbm>>) target(%arg9 : memref<250x64xf32, #tpu.memory_space<vmem>>) target_semaphore(%arg21 : memref<!tpu.dma_semaphore, #tpu.memory_space<semaphore_mem>>)
    %dma_wait3A_2617 = tpu.memref_slice %arg2[%add3A_2462, %mul3A_2464] : memref<100000x128xf32, #tpu.memory_space<hbm>> -> memref<250x64xf32, #tpu.memory_space<hbm>>
    %dma_wait3A_2618 = tpu.memref_slice %arg2[%add3A_2462, %mul3A_2464] : memref<100000x128xf32, #tpu.memory_space<hbm>> -> memref<250x64xf32, #tpu.memory_space<hbm>>
    tpu.wait_dma2 semaphore(%arg18 : memref<!tpu.dma_semaphore, #tpu.memory_space<semaphore_mem>>) src(%dma_wait3A_2618 : memref<250x64xf32, #tpu.memory_space<hbm>>) dst(%arg6 : memref<250x64xf32, #tpu.memory_space<vmem>>)
    %dma_start3A_2619 = arith.constant 38 : i32
    %dma_start3A_2620 = arith.constant 0 : i32
    %dma_start3A_2621 = arith.constant 0 : i32
    %dma_start3A_2622 = tpu.memref_slice %arg6[%dma_start3A_2620, %dma_start3A_2621] : memref<250x64xf32, #tpu.memory_space<vmem>> -> memref<125x64xf32, #tpu.memory_space<vmem>>
    %dma_start3A_2623 = arith.constant 0 : i32
    %dma_start3A_2624 = tpu.memref_slice %arg11[%dma_start3A_2619, %dma_start3A_2623] : memref<50x125xi32, #tpu.memory_space<vmem>> -> memref<1x125xi32, #tpu.memory_space<vmem>>
    %dma_start3A_2625 = tpu.memref_squeeze %dma_start3A_2624 : memref<1x125xi32, #tpu.memory_space<vmem>> -> memref<125xi32, #tpu.memory_space<vmem>>
    %dma_start3A_2626 = arith.constant 0 : i32
    %dma_start3A_2627 = arith.constant 0 : i32
    %dma_start3A_2628 = tpu.memref_slice %arg15[%dma_start3A_2626, %dma_start3A_2627] : memref<64x64xf32, #tpu.memory_space<vmem_shared>> -> memref<64x64xf32, #tpu.memory_space<vmem_shared>>
    tpu.enqueue_indirect_dma source(%dma_start3A_2622 : memref<125x64xf32, #tpu.memory_space<vmem>>) target(%dma_start3A_2628 : memref<64x64xf32, #tpu.memory_space<vmem_shared>>) offsets(%dma_start3A_2625 : memref<125xi32, #tpu.memory_space<vmem>>) semaphore(%arg24 : memref<!tpu.dma_semaphore, #tpu.memory_space<semaphore_mem>>) {add = true}
    %dma_start3A_2629 = arith.constant 39 : i32
    %dma_start3A_2630 = arith.constant 125 : i32
    %dma_start3A_2631 = arith.constant 0 : i32
    %dma_start3A_2632 = tpu.memref_slice %arg6[%dma_start3A_2630, %dma_start3A_2631] : memref<250x64xf32, #tpu.memory_space<vmem>> -> memref<125x64xf32, #tpu.memory_space<vmem>>
    %dma_start3A_2633 = arith.constant 0 : i32
    %dma_start3A_2634 = tpu.memref_slice %arg11[%dma_start3A_2629, %dma_start3A_2633] : memref<50x125xi32, #tpu.memory_space<vmem>> -> memref<1x125xi32, #tpu.memory_space<vmem>>
    %dma_start3A_2635 = tpu.memref_squeeze %dma_start3A_2634 : memref<1x125xi32, #tpu.memory_space<vmem>> -> memref<125xi32, #tpu.memory_space<vmem>>
    %dma_start3A_2636 = arith.constant 0 : i32
    %dma_start3A_2637 = arith.constant 0 : i32
    %dma_start3A_2638 = tpu.memref_slice %arg15[%dma_start3A_2636, %dma_start3A_2637] : memref<64x64xf32, #tpu.memory_space<vmem_shared>> -> memref<64x64xf32, #tpu.memory_space<vmem_shared>>
    tpu.enqueue_indirect_dma source(%dma_start3A_2632 : memref<125x64xf32, #tpu.memory_space<vmem>>) target(%dma_start3A_2638 : memref<64x64xf32, #tpu.memory_space<vmem_shared>>) offsets(%dma_start3A_2635 : memref<125xi32, #tpu.memory_space<vmem>>) semaphore(%arg24 : memref<!tpu.dma_semaphore, #tpu.memory_space<semaphore_mem>>) {add = true}
    %dma_wait3A_2639 = arith.constant 34 : i32
    %dma_wait3A_2640 = arith.constant 0 : i32
    %dma_wait3A_2641 = arith.constant 0 : i32
    %dma_wait3A_2642 = tpu.memref_slice %arg10[%dma_wait3A_2640, %dma_wait3A_2641] : memref<250x64xf32, #tpu.memory_space<vmem>> -> memref<125x64xf32, #tpu.memory_space<vmem>>
    %dma_wait3A_2643 = arith.constant 0 : i32
    %dma_wait3A_2644 = tpu.memref_slice %arg11[%dma_wait3A_2639, %dma_wait3A_2643] : memref<50x125xi32, #tpu.memory_space<vmem>> -> memref<1x125xi32, #tpu.memory_space<vmem>>
    %dma_wait3A_2645 = tpu.memref_squeeze %dma_wait3A_2644 : memref<1x125xi32, #tpu.memory_space<vmem>> -> memref<125xi32, #tpu.memory_space<vmem>>
    %dma_wait3A_2646 = arith.constant 0 : i32
    %dma_wait3A_2647 = arith.constant 0 : i32
    %dma_wait3A_2648 = tpu.memref_slice %arg15[%dma_wait3A_2646, %dma_wait3A_2647] : memref<64x64xf32, #tpu.memory_space<vmem_shared>> -> memref<64x64xf32, #tpu.memory_space<vmem_shared>>
    tpu.wait_indirect_dma semaphore(%arg28 : memref<!tpu.dma_semaphore, #tpu.memory_space<semaphore_mem>>) src(%dma_wait3A_2642 : memref<125x64xf32, #tpu.memory_space<vmem>>) dst(%dma_wait3A_2648 : memref<64x64xf32, #tpu.memory_space<vmem_shared>>)
    %dma_wait3A_2649 = arith.constant 35 : i32
    %dma_wait3A_2650 = arith.constant 125 : i32
    %dma_wait3A_2651 = arith.constant 0 : i32
    %dma_wait3A_2652 = tpu.memref_slice %arg10[%dma_wait3A_2650, %dma_wait3A_2651] : memref<250x64xf32, #tpu.memory_space<vmem>> -> memref<125x64xf32, #tpu.memory_space<vmem>>
    %dma_wait3A_2653 = arith.constant 0 : i32
    %dma_wait3A_2654 = tpu.memref_slice %arg11[%dma_wait3A_2649, %dma_wait3A_2653] : memref<50x125xi32, #tpu.memory_space<vmem>> -> memref<1x125xi32, #tpu.memory_space<vmem>>
    %dma_wait3A_2655 = tpu.memref_squeeze %dma_wait3A_2654 : memref<1x125xi32, #tpu.memory_space<vmem>> -> memref<125xi32, #tpu.memory_space<vmem>>
    %dma_wait3A_2656 = arith.constant 0 : i32
    %dma_wait3A_2657 = arith.constant 0 : i32
    %dma_wait3A_2658 = tpu.memref_slice %arg15[%dma_wait3A_2656, %dma_wait3A_2657] : memref<64x64xf32, #tpu.memory_space<vmem_shared>> -> memref<64x64xf32, #tpu.memory_space<vmem_shared>>
    tpu.wait_indirect_dma semaphore(%arg28 : memref<!tpu.dma_semaphore, #tpu.memory_space<semaphore_mem>>) src(%dma_wait3A_2652 : memref<125x64xf32, #tpu.memory_space<vmem>>) dst(%dma_wait3A_2658 : memref<64x64xf32, #tpu.memory_space<vmem_shared>>)
    %mul3A_2659 = arith.constant 6250 : i32
    %mul3A_2660 = arith.muli %arg1, %mul3A_2659 : i32
    %add3A_2661 = arith.constant 5750 : i32
    %add3A_2662 = arith.addi %mul3A_2660, %add3A_2661 : i32
    %mul3A_2663 = arith.constant 64 : i32
    %mul3A_2664 = arith.muli %arg0, %mul3A_2663 : i32
    %dma_start3A_2665 = tpu.memref_slice %arg2[%add3A_2662, %mul3A_2664] : memref<100000x128xf32, #tpu.memory_space<hbm>> -> memref<250x64xf32, #tpu.memory_space<hbm>>
    %dma_start3A_2666 = tpu.memref_slice %arg2[%add3A_2662, %mul3A_2664] : memref<100000x128xf32, #tpu.memory_space<hbm>> -> memref<250x64xf32, #tpu.memory_space<hbm>>
    tpu.enqueue_dma source(%dma_start3A_2666 : memref<250x64xf32, #tpu.memory_space<hbm>>) target(%arg10 : memref<250x64xf32, #tpu.memory_space<vmem>>) target_semaphore(%arg22 : memref<!tpu.dma_semaphore, #tpu.memory_space<semaphore_mem>>)
    %dma_wait3A_2667 = tpu.memref_slice %arg2[%add3A_2512, %mul3A_2514] : memref<100000x128xf32, #tpu.memory_space<hbm>> -> memref<250x64xf32, #tpu.memory_space<hbm>>
    %dma_wait3A_2668 = tpu.memref_slice %arg2[%add3A_2512, %mul3A_2514] : memref<100000x128xf32, #tpu.memory_space<hbm>> -> memref<250x64xf32, #tpu.memory_space<hbm>>
    tpu.wait_dma2 semaphore(%arg19 : memref<!tpu.dma_semaphore, #tpu.memory_space<semaphore_mem>>) src(%dma_wait3A_2668 : memref<250x64xf32, #tpu.memory_space<hbm>>) dst(%arg7 : memref<250x64xf32, #tpu.memory_space<vmem>>)
    %dma_start3A_2669 = arith.constant 40 : i32
    %dma_start3A_2670 = arith.constant 0 : i32
    %dma_start3A_2671 = arith.constant 0 : i32
    %dma_start3A_2672 = tpu.memref_slice %arg7[%dma_start3A_2670, %dma_start3A_2671] : memref<250x64xf32, #tpu.memory_space<vmem>> -> memref<125x64xf32, #tpu.memory_space<vmem>>
    %dma_start3A_2673 = arith.constant 0 : i32
    %dma_start3A_2674 = tpu.memref_slice %arg11[%dma_start3A_2669, %dma_start3A_2673] : memref<50x125xi32, #tpu.memory_space<vmem>> -> memref<1x125xi32, #tpu.memory_space<vmem>>
    %dma_start3A_2675 = tpu.memref_squeeze %dma_start3A_2674 : memref<1x125xi32, #tpu.memory_space<vmem>> -> memref<125xi32, #tpu.memory_space<vmem>>
    %dma_start3A_2676 = arith.constant 0 : i32
    %dma_start3A_2677 = arith.constant 0 : i32
    %dma_start3A_2678 = tpu.memref_slice %arg15[%dma_start3A_2676, %dma_start3A_2677] : memref<64x64xf32, #tpu.memory_space<vmem_shared>> -> memref<64x64xf32, #tpu.memory_space<vmem_shared>>
    tpu.enqueue_indirect_dma source(%dma_start3A_2672 : memref<125x64xf32, #tpu.memory_space<vmem>>) target(%dma_start3A_2678 : memref<64x64xf32, #tpu.memory_space<vmem_shared>>) offsets(%dma_start3A_2675 : memref<125xi32, #tpu.memory_space<vmem>>) semaphore(%arg25 : memref<!tpu.dma_semaphore, #tpu.memory_space<semaphore_mem>>) {add = true}
    %dma_start3A_2679 = arith.constant 41 : i32
    %dma_start3A_2680 = arith.constant 125 : i32
    %dma_start3A_2681 = arith.constant 0 : i32
    %dma_start3A_2682 = tpu.memref_slice %arg7[%dma_start3A_2680, %dma_start3A_2681] : memref<250x64xf32, #tpu.memory_space<vmem>> -> memref<125x64xf32, #tpu.memory_space<vmem>>
    %dma_start3A_2683 = arith.constant 0 : i32
    %dma_start3A_2684 = tpu.memref_slice %arg11[%dma_start3A_2679, %dma_start3A_2683] : memref<50x125xi32, #tpu.memory_space<vmem>> -> memref<1x125xi32, #tpu.memory_space<vmem>>
    %dma_start3A_2685 = tpu.memref_squeeze %dma_start3A_2684 : memref<1x125xi32, #tpu.memory_space<vmem>> -> memref<125xi32, #tpu.memory_space<vmem>>
    %dma_start3A_2686 = arith.constant 0 : i32
    %dma_start3A_2687 = arith.constant 0 : i32
    %dma_start3A_2688 = tpu.memref_slice %arg15[%dma_start3A_2686, %dma_start3A_2687] : memref<64x64xf32, #tpu.memory_space<vmem_shared>> -> memref<64x64xf32, #tpu.memory_space<vmem_shared>>
    tpu.enqueue_indirect_dma source(%dma_start3A_2682 : memref<125x64xf32, #tpu.memory_space<vmem>>) target(%dma_start3A_2688 : memref<64x64xf32, #tpu.memory_space<vmem_shared>>) offsets(%dma_start3A_2685 : memref<125xi32, #tpu.memory_space<vmem>>) semaphore(%arg25 : memref<!tpu.dma_semaphore, #tpu.memory_space<semaphore_mem>>) {add = true}
    %dma_wait3A_2689 = arith.constant 36 : i32
    %dma_wait3A_2690 = arith.constant 0 : i32
    %dma_wait3A_2691 = arith.constant 0 : i32
    %dma_wait3A_2692 = tpu.memref_slice %arg5[%dma_wait3A_2690, %dma_wait3A_2691] : memref<250x64xf32, #tpu.memory_space<vmem>> -> memref<125x64xf32, #tpu.memory_space<vmem>>
    %dma_wait3A_2693 = arith.constant 0 : i32
    %dma_wait3A_2694 = tpu.memref_slice %arg11[%dma_wait3A_2689, %dma_wait3A_2693] : memref<50x125xi32, #tpu.memory_space<vmem>> -> memref<1x125xi32, #tpu.memory_space<vmem>>
    %dma_wait3A_2695 = tpu.memref_squeeze %dma_wait3A_2694 : memref<1x125xi32, #tpu.memory_space<vmem>> -> memref<125xi32, #tpu.memory_space<vmem>>
    %dma_wait3A_2696 = arith.constant 0 : i32
    %dma_wait3A_2697 = arith.constant 0 : i32
    %dma_wait3A_2698 = tpu.memref_slice %arg15[%dma_wait3A_2696, %dma_wait3A_2697] : memref<64x64xf32, #tpu.memory_space<vmem_shared>> -> memref<64x64xf32, #tpu.memory_space<vmem_shared>>
    tpu.wait_indirect_dma semaphore(%arg23 : memref<!tpu.dma_semaphore, #tpu.memory_space<semaphore_mem>>) src(%dma_wait3A_2692 : memref<125x64xf32, #tpu.memory_space<vmem>>) dst(%dma_wait3A_2698 : memref<64x64xf32, #tpu.memory_space<vmem_shared>>)
    %dma_wait3A_2699 = arith.constant 37 : i32
    %dma_wait3A_2700 = arith.constant 125 : i32
    %dma_wait3A_2701 = arith.constant 0 : i32
    %dma_wait3A_2702 = tpu.memref_slice %arg5[%dma_wait3A_2700, %dma_wait3A_2701] : memref<250x64xf32, #tpu.memory_space<vmem>> -> memref<125x64xf32, #tpu.memory_space<vmem>>
    %dma_wait3A_2703 = arith.constant 0 : i32
    %dma_wait3A_2704 = tpu.memref_slice %arg11[%dma_wait3A_2699, %dma_wait3A_2703] : memref<50x125xi32, #tpu.memory_space<vmem>> -> memref<1x125xi32, #tpu.memory_space<vmem>>
    %dma_wait3A_2705 = tpu.memref_squeeze %dma_wait3A_2704 : memref<1x125xi32, #tpu.memory_space<vmem>> -> memref<125xi32, #tpu.memory_space<vmem>>
    %dma_wait3A_2706 = arith.constant 0 : i32
    %dma_wait3A_2707 = arith.constant 0 : i32
    %dma_wait3A_2708 = tpu.memref_slice %arg15[%dma_wait3A_2706, %dma_wait3A_2707] : memref<64x64xf32, #tpu.memory_space<vmem_shared>> -> memref<64x64xf32, #tpu.memory_space<vmem_shared>>
    tpu.wait_indirect_dma semaphore(%arg23 : memref<!tpu.dma_semaphore, #tpu.memory_space<semaphore_mem>>) src(%dma_wait3A_2702 : memref<125x64xf32, #tpu.memory_space<vmem>>) dst(%dma_wait3A_2708 : memref<64x64xf32, #tpu.memory_space<vmem_shared>>)
    %mul3A_2709 = arith.constant 6250 : i32
    %mul3A_2710 = arith.muli %arg1, %mul3A_2709 : i32
    %add3A_2711 = arith.constant 6000 : i32
    %add3A_2712 = arith.addi %mul3A_2710, %add3A_2711 : i32
    %mul3A_2713 = arith.constant 64 : i32
    %mul3A_2714 = arith.muli %arg0, %mul3A_2713 : i32
    %dma_start3A_2715 = tpu.memref_slice %arg2[%add3A_2712, %mul3A_2714] : memref<100000x128xf32, #tpu.memory_space<hbm>> -> memref<250x64xf32, #tpu.memory_space<hbm>>
    %dma_start3A_2716 = tpu.memref_slice %arg2[%add3A_2712, %mul3A_2714] : memref<100000x128xf32, #tpu.memory_space<hbm>> -> memref<250x64xf32, #tpu.memory_space<hbm>>
    tpu.enqueue_dma source(%dma_start3A_2716 : memref<250x64xf32, #tpu.memory_space<hbm>>) target(%arg5 : memref<250x64xf32, #tpu.memory_space<vmem>>) target_semaphore(%arg17 : memref<!tpu.dma_semaphore, #tpu.memory_space<semaphore_mem>>)
    %dma_wait3A_2717 = tpu.memref_slice %arg2[%add3A_2562, %mul3A_2564] : memref<100000x128xf32, #tpu.memory_space<hbm>> -> memref<250x64xf32, #tpu.memory_space<hbm>>
    %dma_wait3A_2718 = tpu.memref_slice %arg2[%add3A_2562, %mul3A_2564] : memref<100000x128xf32, #tpu.memory_space<hbm>> -> memref<250x64xf32, #tpu.memory_space<hbm>>
    tpu.wait_dma2 semaphore(%arg20 : memref<!tpu.dma_semaphore, #tpu.memory_space<semaphore_mem>>) src(%dma_wait3A_2718 : memref<250x64xf32, #tpu.memory_space<hbm>>) dst(%arg8 : memref<250x64xf32, #tpu.memory_space<vmem>>)
    %dma_start3A_2719 = arith.constant 42 : i32
    %dma_start3A_2720 = arith.constant 0 : i32
    %dma_start3A_2721 = arith.constant 0 : i32
    %dma_start3A_2722 = tpu.memref_slice %arg8[%dma_start3A_2720, %dma_start3A_2721] : memref<250x64xf32, #tpu.memory_space<vmem>> -> memref<125x64xf32, #tpu.memory_space<vmem>>
    %dma_start3A_2723 = arith.constant 0 : i32
    %dma_start3A_2724 = tpu.memref_slice %arg11[%dma_start3A_2719, %dma_start3A_2723] : memref<50x125xi32, #tpu.memory_space<vmem>> -> memref<1x125xi32, #tpu.memory_space<vmem>>
    %dma_start3A_2725 = tpu.memref_squeeze %dma_start3A_2724 : memref<1x125xi32, #tpu.memory_space<vmem>> -> memref<125xi32, #tpu.memory_space<vmem>>
    %dma_start3A_2726 = arith.constant 0 : i32
    %dma_start3A_2727 = arith.constant 0 : i32
    %dma_start3A_2728 = tpu.memref_slice %arg15[%dma_start3A_2726, %dma_start3A_2727] : memref<64x64xf32, #tpu.memory_space<vmem_shared>> -> memref<64x64xf32, #tpu.memory_space<vmem_shared>>
    tpu.enqueue_indirect_dma source(%dma_start3A_2722 : memref<125x64xf32, #tpu.memory_space<vmem>>) target(%dma_start3A_2728 : memref<64x64xf32, #tpu.memory_space<vmem_shared>>) offsets(%dma_start3A_2725 : memref<125xi32, #tpu.memory_space<vmem>>) semaphore(%arg26 : memref<!tpu.dma_semaphore, #tpu.memory_space<semaphore_mem>>) {add = true}
    %dma_start3A_2729 = arith.constant 43 : i32
    %dma_start3A_2730 = arith.constant 125 : i32
    %dma_start3A_2731 = arith.constant 0 : i32
    %dma_start3A_2732 = tpu.memref_slice %arg8[%dma_start3A_2730, %dma_start3A_2731] : memref<250x64xf32, #tpu.memory_space<vmem>> -> memref<125x64xf32, #tpu.memory_space<vmem>>
    %dma_start3A_2733 = arith.constant 0 : i32
    %dma_start3A_2734 = tpu.memref_slice %arg11[%dma_start3A_2729, %dma_start3A_2733] : memref<50x125xi32, #tpu.memory_space<vmem>> -> memref<1x125xi32, #tpu.memory_space<vmem>>
    %dma_start3A_2735 = tpu.memref_squeeze %dma_start3A_2734 : memref<1x125xi32, #tpu.memory_space<vmem>> -> memref<125xi32, #tpu.memory_space<vmem>>
    %dma_start3A_2736 = arith.constant 0 : i32
    %dma_start3A_2737 = arith.constant 0 : i32
    %dma_start3A_2738 = tpu.memref_slice %arg15[%dma_start3A_2736, %dma_start3A_2737] : memref<64x64xf32, #tpu.memory_space<vmem_shared>> -> memref<64x64xf32, #tpu.memory_space<vmem_shared>>
    tpu.enqueue_indirect_dma source(%dma_start3A_2732 : memref<125x64xf32, #tpu.memory_space<vmem>>) target(%dma_start3A_2738 : memref<64x64xf32, #tpu.memory_space<vmem_shared>>) offsets(%dma_start3A_2735 : memref<125xi32, #tpu.memory_space<vmem>>) semaphore(%arg26 : memref<!tpu.dma_semaphore, #tpu.memory_space<semaphore_mem>>) {add = true}
    %dma_wait3A_2739 = arith.constant 38 : i32
    %dma_wait3A_2740 = arith.constant 0 : i32
    %dma_wait3A_2741 = arith.constant 0 : i32
    %dma_wait3A_2742 = tpu.memref_slice %arg6[%dma_wait3A_2740, %dma_wait3A_2741] : memref<250x64xf32, #tpu.memory_space<vmem>> -> memref<125x64xf32, #tpu.memory_space<vmem>>
    %dma_wait3A_2743 = arith.constant 0 : i32
    %dma_wait3A_2744 = tpu.memref_slice %arg11[%dma_wait3A_2739, %dma_wait3A_2743] : memref<50x125xi32, #tpu.memory_space<vmem>> -> memref<1x125xi32, #tpu.memory_space<vmem>>
    %dma_wait3A_2745 = tpu.memref_squeeze %dma_wait3A_2744 : memref<1x125xi32, #tpu.memory_space<vmem>> -> memref<125xi32, #tpu.memory_space<vmem>>
    %dma_wait3A_2746 = arith.constant 0 : i32
    %dma_wait3A_2747 = arith.constant 0 : i32
    %dma_wait3A_2748 = tpu.memref_slice %arg15[%dma_wait3A_2746, %dma_wait3A_2747] : memref<64x64xf32, #tpu.memory_space<vmem_shared>> -> memref<64x64xf32, #tpu.memory_space<vmem_shared>>
    tpu.wait_indirect_dma semaphore(%arg24 : memref<!tpu.dma_semaphore, #tpu.memory_space<semaphore_mem>>) src(%dma_wait3A_2742 : memref<125x64xf32, #tpu.memory_space<vmem>>) dst(%dma_wait3A_2748 : memref<64x64xf32, #tpu.memory_space<vmem_shared>>)
    %dma_wait3A_2749 = arith.constant 39 : i32
    %dma_wait3A_2750 = arith.constant 125 : i32
    %dma_wait3A_2751 = arith.constant 0 : i32
    %dma_wait3A_2752 = tpu.memref_slice %arg6[%dma_wait3A_2750, %dma_wait3A_2751] : memref<250x64xf32, #tpu.memory_space<vmem>> -> memref<125x64xf32, #tpu.memory_space<vmem>>
    %dma_wait3A_2753 = arith.constant 0 : i32
    %dma_wait3A_2754 = tpu.memref_slice %arg11[%dma_wait3A_2749, %dma_wait3A_2753] : memref<50x125xi32, #tpu.memory_space<vmem>> -> memref<1x125xi32, #tpu.memory_space<vmem>>
    %dma_wait3A_2755 = tpu.memref_squeeze %dma_wait3A_2754 : memref<1x125xi32, #tpu.memory_space<vmem>> -> memref<125xi32, #tpu.memory_space<vmem>>
    %dma_wait3A_2756 = arith.constant 0 : i32
    %dma_wait3A_2757 = arith.constant 0 : i32
    %dma_wait3A_2758 = tpu.memref_slice %arg15[%dma_wait3A_2756, %dma_wait3A_2757] : memref<64x64xf32, #tpu.memory_space<vmem_shared>> -> memref<64x64xf32, #tpu.memory_space<vmem_shared>>
    tpu.wait_indirect_dma semaphore(%arg24 : memref<!tpu.dma_semaphore, #tpu.memory_space<semaphore_mem>>) src(%dma_wait3A_2752 : memref<125x64xf32, #tpu.memory_space<vmem>>) dst(%dma_wait3A_2758 : memref<64x64xf32, #tpu.memory_space<vmem_shared>>)
    %dma_wait3A_2759 = tpu.memref_slice %arg2[%add3A_2612, %mul3A_2614] : memref<100000x128xf32, #tpu.memory_space<hbm>> -> memref<250x64xf32, #tpu.memory_space<hbm>>
    %dma_wait3A_2760 = tpu.memref_slice %arg2[%add3A_2612, %mul3A_2614] : memref<100000x128xf32, #tpu.memory_space<hbm>> -> memref<250x64xf32, #tpu.memory_space<hbm>>
    tpu.wait_dma2 semaphore(%arg21 : memref<!tpu.dma_semaphore, #tpu.memory_space<semaphore_mem>>) src(%dma_wait3A_2760 : memref<250x64xf32, #tpu.memory_space<hbm>>) dst(%arg9 : memref<250x64xf32, #tpu.memory_space<vmem>>)
    %dma_start3A_2761 = arith.constant 44 : i32
    %dma_start3A_2762 = arith.constant 0 : i32
    %dma_start3A_2763 = arith.constant 0 : i32
    %dma_start3A_2764 = tpu.memref_slice %arg9[%dma_start3A_2762, %dma_start3A_2763] : memref<250x64xf32, #tpu.memory_space<vmem>> -> memref<125x64xf32, #tpu.memory_space<vmem>>
    %dma_start3A_2765 = arith.constant 0 : i32
    %dma_start3A_2766 = tpu.memref_slice %arg11[%dma_start3A_2761, %dma_start3A_2765] : memref<50x125xi32, #tpu.memory_space<vmem>> -> memref<1x125xi32, #tpu.memory_space<vmem>>
    %dma_start3A_2767 = tpu.memref_squeeze %dma_start3A_2766 : memref<1x125xi32, #tpu.memory_space<vmem>> -> memref<125xi32, #tpu.memory_space<vmem>>
    %dma_start3A_2768 = arith.constant 0 : i32
    %dma_start3A_2769 = arith.constant 0 : i32
    %dma_start3A_2770 = tpu.memref_slice %arg15[%dma_start3A_2768, %dma_start3A_2769] : memref<64x64xf32, #tpu.memory_space<vmem_shared>> -> memref<64x64xf32, #tpu.memory_space<vmem_shared>>
    tpu.enqueue_indirect_dma source(%dma_start3A_2764 : memref<125x64xf32, #tpu.memory_space<vmem>>) target(%dma_start3A_2770 : memref<64x64xf32, #tpu.memory_space<vmem_shared>>) offsets(%dma_start3A_2767 : memref<125xi32, #tpu.memory_space<vmem>>) semaphore(%arg27 : memref<!tpu.dma_semaphore, #tpu.memory_space<semaphore_mem>>) {add = true}
    %dma_start3A_2771 = arith.constant 45 : i32
    %dma_start3A_2772 = arith.constant 125 : i32
    %dma_start3A_2773 = arith.constant 0 : i32
    %dma_start3A_2774 = tpu.memref_slice %arg9[%dma_start3A_2772, %dma_start3A_2773] : memref<250x64xf32, #tpu.memory_space<vmem>> -> memref<125x64xf32, #tpu.memory_space<vmem>>
    %dma_start3A_2775 = arith.constant 0 : i32
    %dma_start3A_2776 = tpu.memref_slice %arg11[%dma_start3A_2771, %dma_start3A_2775] : memref<50x125xi32, #tpu.memory_space<vmem>> -> memref<1x125xi32, #tpu.memory_space<vmem>>
    %dma_start3A_2777 = tpu.memref_squeeze %dma_start3A_2776 : memref<1x125xi32, #tpu.memory_space<vmem>> -> memref<125xi32, #tpu.memory_space<vmem>>
    %dma_start3A_2778 = arith.constant 0 : i32
    %dma_start3A_2779 = arith.constant 0 : i32
    %dma_start3A_2780 = tpu.memref_slice %arg15[%dma_start3A_2778, %dma_start3A_2779] : memref<64x64xf32, #tpu.memory_space<vmem_shared>> -> memref<64x64xf32, #tpu.memory_space<vmem_shared>>
    tpu.enqueue_indirect_dma source(%dma_start3A_2774 : memref<125x64xf32, #tpu.memory_space<vmem>>) target(%dma_start3A_2780 : memref<64x64xf32, #tpu.memory_space<vmem_shared>>) offsets(%dma_start3A_2777 : memref<125xi32, #tpu.memory_space<vmem>>) semaphore(%arg27 : memref<!tpu.dma_semaphore, #tpu.memory_space<semaphore_mem>>) {add = true}
    %dma_wait3A_2781 = arith.constant 40 : i32
    %dma_wait3A_2782 = arith.constant 0 : i32
    %dma_wait3A_2783 = arith.constant 0 : i32
    %dma_wait3A_2784 = tpu.memref_slice %arg7[%dma_wait3A_2782, %dma_wait3A_2783] : memref<250x64xf32, #tpu.memory_space<vmem>> -> memref<125x64xf32, #tpu.memory_space<vmem>>
    %dma_wait3A_2785 = arith.constant 0 : i32
    %dma_wait3A_2786 = tpu.memref_slice %arg11[%dma_wait3A_2781, %dma_wait3A_2785] : memref<50x125xi32, #tpu.memory_space<vmem>> -> memref<1x125xi32, #tpu.memory_space<vmem>>
    %dma_wait3A_2787 = tpu.memref_squeeze %dma_wait3A_2786 : memref<1x125xi32, #tpu.memory_space<vmem>> -> memref<125xi32, #tpu.memory_space<vmem>>
    %dma_wait3A_2788 = arith.constant 0 : i32
    %dma_wait3A_2789 = arith.constant 0 : i32
    %dma_wait3A_2790 = tpu.memref_slice %arg15[%dma_wait3A_2788, %dma_wait3A_2789] : memref<64x64xf32, #tpu.memory_space<vmem_shared>> -> memref<64x64xf32, #tpu.memory_space<vmem_shared>>
    tpu.wait_indirect_dma semaphore(%arg25 : memref<!tpu.dma_semaphore, #tpu.memory_space<semaphore_mem>>) src(%dma_wait3A_2784 : memref<125x64xf32, #tpu.memory_space<vmem>>) dst(%dma_wait3A_2790 : memref<64x64xf32, #tpu.memory_space<vmem_shared>>)
    %dma_wait3A_2791 = arith.constant 41 : i32
    %dma_wait3A_2792 = arith.constant 125 : i32
    %dma_wait3A_2793 = arith.constant 0 : i32
    %dma_wait3A_2794 = tpu.memref_slice %arg7[%dma_wait3A_2792, %dma_wait3A_2793] : memref<250x64xf32, #tpu.memory_space<vmem>> -> memref<125x64xf32, #tpu.memory_space<vmem>>
    %dma_wait3A_2795 = arith.constant 0 : i32
    %dma_wait3A_2796 = tpu.memref_slice %arg11[%dma_wait3A_2791, %dma_wait3A_2795] : memref<50x125xi32, #tpu.memory_space<vmem>> -> memref<1x125xi32, #tpu.memory_space<vmem>>
    %dma_wait3A_2797 = tpu.memref_squeeze %dma_wait3A_2796 : memref<1x125xi32, #tpu.memory_space<vmem>> -> memref<125xi32, #tpu.memory_space<vmem>>
    %dma_wait3A_2798 = arith.constant 0 : i32
    %dma_wait3A_2799 = arith.constant 0 : i32
    %dma_wait3A_2800 = tpu.memref_slice %arg15[%dma_wait3A_2798, %dma_wait3A_2799] : memref<64x64xf32, #tpu.memory_space<vmem_shared>> -> memref<64x64xf32, #tpu.memory_space<vmem_shared>>
    tpu.wait_indirect_dma semaphore(%arg25 : memref<!tpu.dma_semaphore, #tpu.memory_space<semaphore_mem>>) src(%dma_wait3A_2794 : memref<125x64xf32, #tpu.memory_space<vmem>>) dst(%dma_wait3A_2800 : memref<64x64xf32, #tpu.memory_space<vmem_shared>>)
    %dma_wait3A_2801 = tpu.memref_slice %arg2[%add3A_2662, %mul3A_2664] : memref<100000x128xf32, #tpu.memory_space<hbm>> -> memref<250x64xf32, #tpu.memory_space<hbm>>
    %dma_wait3A_2802 = tpu.memref_slice %arg2[%add3A_2662, %mul3A_2664] : memref<100000x128xf32, #tpu.memory_space<hbm>> -> memref<250x64xf32, #tpu.memory_space<hbm>>
    tpu.wait_dma2 semaphore(%arg22 : memref<!tpu.dma_semaphore, #tpu.memory_space<semaphore_mem>>) src(%dma_wait3A_2802 : memref<250x64xf32, #tpu.memory_space<hbm>>) dst(%arg10 : memref<250x64xf32, #tpu.memory_space<vmem>>)
    %dma_start3A_2803 = arith.constant 46 : i32
    %dma_start3A_2804 = arith.constant 0 : i32
    %dma_start3A_2805 = arith.constant 0 : i32
    %dma_start3A_2806 = tpu.memref_slice %arg10[%dma_start3A_2804, %dma_start3A_2805] : memref<250x64xf32, #tpu.memory_space<vmem>> -> memref<125x64xf32, #tpu.memory_space<vmem>>
    %dma_start3A_2807 = arith.constant 0 : i32
    %dma_start3A_2808 = tpu.memref_slice %arg11[%dma_start3A_2803, %dma_start3A_2807] : memref<50x125xi32, #tpu.memory_space<vmem>> -> memref<1x125xi32, #tpu.memory_space<vmem>>
    %dma_start3A_2809 = tpu.memref_squeeze %dma_start3A_2808 : memref<1x125xi32, #tpu.memory_space<vmem>> -> memref<125xi32, #tpu.memory_space<vmem>>
    %dma_start3A_2810 = arith.constant 0 : i32
    %dma_start3A_2811 = arith.constant 0 : i32
    %dma_start3A_2812 = tpu.memref_slice %arg15[%dma_start3A_2810, %dma_start3A_2811] : memref<64x64xf32, #tpu.memory_space<vmem_shared>> -> memref<64x64xf32, #tpu.memory_space<vmem_shared>>
    tpu.enqueue_indirect_dma source(%dma_start3A_2806 : memref<125x64xf32, #tpu.memory_space<vmem>>) target(%dma_start3A_2812 : memref<64x64xf32, #tpu.memory_space<vmem_shared>>) offsets(%dma_start3A_2809 : memref<125xi32, #tpu.memory_space<vmem>>) semaphore(%arg28 : memref<!tpu.dma_semaphore, #tpu.memory_space<semaphore_mem>>) {add = true}
    %dma_start3A_2813 = arith.constant 47 : i32
    %dma_start3A_2814 = arith.constant 125 : i32
    %dma_start3A_2815 = arith.constant 0 : i32
    %dma_start3A_2816 = tpu.memref_slice %arg10[%dma_start3A_2814, %dma_start3A_2815] : memref<250x64xf32, #tpu.memory_space<vmem>> -> memref<125x64xf32, #tpu.memory_space<vmem>>
    %dma_start3A_2817 = arith.constant 0 : i32
    %dma_start3A_2818 = tpu.memref_slice %arg11[%dma_start3A_2813, %dma_start3A_2817] : memref<50x125xi32, #tpu.memory_space<vmem>> -> memref<1x125xi32, #tpu.memory_space<vmem>>
    %dma_start3A_2819 = tpu.memref_squeeze %dma_start3A_2818 : memref<1x125xi32, #tpu.memory_space<vmem>> -> memref<125xi32, #tpu.memory_space<vmem>>
    %dma_start3A_2820 = arith.constant 0 : i32
    %dma_start3A_2821 = arith.constant 0 : i32
    %dma_start3A_2822 = tpu.memref_slice %arg15[%dma_start3A_2820, %dma_start3A_2821] : memref<64x64xf32, #tpu.memory_space<vmem_shared>> -> memref<64x64xf32, #tpu.memory_space<vmem_shared>>
    tpu.enqueue_indirect_dma source(%dma_start3A_2816 : memref<125x64xf32, #tpu.memory_space<vmem>>) target(%dma_start3A_2822 : memref<64x64xf32, #tpu.memory_space<vmem_shared>>) offsets(%dma_start3A_2819 : memref<125xi32, #tpu.memory_space<vmem>>) semaphore(%arg28 : memref<!tpu.dma_semaphore, #tpu.memory_space<semaphore_mem>>) {add = true}
    %dma_wait3A_2823 = arith.constant 42 : i32
    %dma_wait3A_2824 = arith.constant 0 : i32
    %dma_wait3A_2825 = arith.constant 0 : i32
    %dma_wait3A_2826 = tpu.memref_slice %arg8[%dma_wait3A_2824, %dma_wait3A_2825] : memref<250x64xf32, #tpu.memory_space<vmem>> -> memref<125x64xf32, #tpu.memory_space<vmem>>
    %dma_wait3A_2827 = arith.constant 0 : i32
    %dma_wait3A_2828 = tpu.memref_slice %arg11[%dma_wait3A_2823, %dma_wait3A_2827] : memref<50x125xi32, #tpu.memory_space<vmem>> -> memref<1x125xi32, #tpu.memory_space<vmem>>
    %dma_wait3A_2829 = tpu.memref_squeeze %dma_wait3A_2828 : memref<1x125xi32, #tpu.memory_space<vmem>> -> memref<125xi32, #tpu.memory_space<vmem>>
    %dma_wait3A_2830 = arith.constant 0 : i32
    %dma_wait3A_2831 = arith.constant 0 : i32
    %dma_wait3A_2832 = tpu.memref_slice %arg15[%dma_wait3A_2830, %dma_wait3A_2831] : memref<64x64xf32, #tpu.memory_space<vmem_shared>> -> memref<64x64xf32, #tpu.memory_space<vmem_shared>>
    tpu.wait_indirect_dma semaphore(%arg26 : memref<!tpu.dma_semaphore, #tpu.memory_space<semaphore_mem>>) src(%dma_wait3A_2826 : memref<125x64xf32, #tpu.memory_space<vmem>>) dst(%dma_wait3A_2832 : memref<64x64xf32, #tpu.memory_space<vmem_shared>>)
    %dma_wait3A_2833 = arith.constant 43 : i32
    %dma_wait3A_2834 = arith.constant 125 : i32
    %dma_wait3A_2835 = arith.constant 0 : i32
    %dma_wait3A_2836 = tpu.memref_slice %arg8[%dma_wait3A_2834, %dma_wait3A_2835] : memref<250x64xf32, #tpu.memory_space<vmem>> -> memref<125x64xf32, #tpu.memory_space<vmem>>
    %dma_wait3A_2837 = arith.constant 0 : i32
    %dma_wait3A_2838 = tpu.memref_slice %arg11[%dma_wait3A_2833, %dma_wait3A_2837] : memref<50x125xi32, #tpu.memory_space<vmem>> -> memref<1x125xi32, #tpu.memory_space<vmem>>
    %dma_wait3A_2839 = tpu.memref_squeeze %dma_wait3A_2838 : memref<1x125xi32, #tpu.memory_space<vmem>> -> memref<125xi32, #tpu.memory_space<vmem>>
    %dma_wait3A_2840 = arith.constant 0 : i32
    %dma_wait3A_2841 = arith.constant 0 : i32
    %dma_wait3A_2842 = tpu.memref_slice %arg15[%dma_wait3A_2840, %dma_wait3A_2841] : memref<64x64xf32, #tpu.memory_space<vmem_shared>> -> memref<64x64xf32, #tpu.memory_space<vmem_shared>>
    tpu.wait_indirect_dma semaphore(%arg26 : memref<!tpu.dma_semaphore, #tpu.memory_space<semaphore_mem>>) src(%dma_wait3A_2836 : memref<125x64xf32, #tpu.memory_space<vmem>>) dst(%dma_wait3A_2842 : memref<64x64xf32, #tpu.memory_space<vmem_shared>>)
    %dma_wait3A_2843 = tpu.memref_slice %arg2[%add3A_2712, %mul3A_2714] : memref<100000x128xf32, #tpu.memory_space<hbm>> -> memref<250x64xf32, #tpu.memory_space<hbm>>
    %dma_wait3A_2844 = tpu.memref_slice %arg2[%add3A_2712, %mul3A_2714] : memref<100000x128xf32, #tpu.memory_space<hbm>> -> memref<250x64xf32, #tpu.memory_space<hbm>>
    tpu.wait_dma2 semaphore(%arg17 : memref<!tpu.dma_semaphore, #tpu.memory_space<semaphore_mem>>) src(%dma_wait3A_2844 : memref<250x64xf32, #tpu.memory_space<hbm>>) dst(%arg5 : memref<250x64xf32, #tpu.memory_space<vmem>>)
    %dma_start3A_2845 = arith.constant 48 : i32
    %dma_start3A_2846 = arith.constant 0 : i32
    %dma_start3A_2847 = arith.constant 0 : i32
    %dma_start3A_2848 = tpu.memref_slice %arg5[%dma_start3A_2846, %dma_start3A_2847] : memref<250x64xf32, #tpu.memory_space<vmem>> -> memref<125x64xf32, #tpu.memory_space<vmem>>
    %dma_start3A_2849 = arith.constant 0 : i32
    %dma_start3A_2850 = tpu.memref_slice %arg11[%dma_start3A_2845, %dma_start3A_2849] : memref<50x125xi32, #tpu.memory_space<vmem>> -> memref<1x125xi32, #tpu.memory_space<vmem>>
    %dma_start3A_2851 = tpu.memref_squeeze %dma_start3A_2850 : memref<1x125xi32, #tpu.memory_space<vmem>> -> memref<125xi32, #tpu.memory_space<vmem>>
    %dma_start3A_2852 = arith.constant 0 : i32
    %dma_start3A_2853 = arith.constant 0 : i32
    %dma_start3A_2854 = tpu.memref_slice %arg15[%dma_start3A_2852, %dma_start3A_2853] : memref<64x64xf32, #tpu.memory_space<vmem_shared>> -> memref<64x64xf32, #tpu.memory_space<vmem_shared>>
    tpu.enqueue_indirect_dma source(%dma_start3A_2848 : memref<125x64xf32, #tpu.memory_space<vmem>>) target(%dma_start3A_2854 : memref<64x64xf32, #tpu.memory_space<vmem_shared>>) offsets(%dma_start3A_2851 : memref<125xi32, #tpu.memory_space<vmem>>) semaphore(%arg23 : memref<!tpu.dma_semaphore, #tpu.memory_space<semaphore_mem>>) {add = true}
    %dma_start3A_2855 = arith.constant 49 : i32
    %dma_start3A_2856 = arith.constant 125 : i32
    %dma_start3A_2857 = arith.constant 0 : i32
    %dma_start3A_2858 = tpu.memref_slice %arg5[%dma_start3A_2856, %dma_start3A_2857] : memref<250x64xf32, #tpu.memory_space<vmem>> -> memref<125x64xf32, #tpu.memory_space<vmem>>
    %dma_start3A_2859 = arith.constant 0 : i32
    %dma_start3A_2860 = tpu.memref_slice %arg11[%dma_start3A_2855, %dma_start3A_2859] : memref<50x125xi32, #tpu.memory_space<vmem>> -> memref<1x125xi32, #tpu.memory_space<vmem>>
    %dma_start3A_2861 = tpu.memref_squeeze %dma_start3A_2860 : memref<1x125xi32, #tpu.memory_space<vmem>> -> memref<125xi32, #tpu.memory_space<vmem>>
    %dma_start3A_2862 = arith.constant 0 : i32
    %dma_start3A_2863 = arith.constant 0 : i32
    %dma_start3A_2864 = tpu.memref_slice %arg15[%dma_start3A_2862, %dma_start3A_2863] : memref<64x64xf32, #tpu.memory_space<vmem_shared>> -> memref<64x64xf32, #tpu.memory_space<vmem_shared>>
    tpu.enqueue_indirect_dma source(%dma_start3A_2858 : memref<125x64xf32, #tpu.memory_space<vmem>>) target(%dma_start3A_2864 : memref<64x64xf32, #tpu.memory_space<vmem_shared>>) offsets(%dma_start3A_2861 : memref<125xi32, #tpu.memory_space<vmem>>) semaphore(%arg23 : memref<!tpu.dma_semaphore, #tpu.memory_space<semaphore_mem>>) {add = true}
    %dma_wait3A_2865 = arith.constant 44 : i32
    %dma_wait3A_2866 = arith.constant 0 : i32
    %dma_wait3A_2867 = arith.constant 0 : i32
    %dma_wait3A_2868 = tpu.memref_slice %arg9[%dma_wait3A_2866, %dma_wait3A_2867] : memref<250x64xf32, #tpu.memory_space<vmem>> -> memref<125x64xf32, #tpu.memory_space<vmem>>
    %dma_wait3A_2869 = arith.constant 0 : i32
    %dma_wait3A_2870 = tpu.memref_slice %arg11[%dma_wait3A_2865, %dma_wait3A_2869] : memref<50x125xi32, #tpu.memory_space<vmem>> -> memref<1x125xi32, #tpu.memory_space<vmem>>
    %dma_wait3A_2871 = tpu.memref_squeeze %dma_wait3A_2870 : memref<1x125xi32, #tpu.memory_space<vmem>> -> memref<125xi32, #tpu.memory_space<vmem>>
    %dma_wait3A_2872 = arith.constant 0 : i32
    %dma_wait3A_2873 = arith.constant 0 : i32
    %dma_wait3A_2874 = tpu.memref_slice %arg15[%dma_wait3A_2872, %dma_wait3A_2873] : memref<64x64xf32, #tpu.memory_space<vmem_shared>> -> memref<64x64xf32, #tpu.memory_space<vmem_shared>>
    tpu.wait_indirect_dma semaphore(%arg27 : memref<!tpu.dma_semaphore, #tpu.memory_space<semaphore_mem>>) src(%dma_wait3A_2868 : memref<125x64xf32, #tpu.memory_space<vmem>>) dst(%dma_wait3A_2874 : memref<64x64xf32, #tpu.memory_space<vmem_shared>>)
    %dma_wait3A_2875 = arith.constant 45 : i32
    %dma_wait3A_2876 = arith.constant 125 : i32
    %dma_wait3A_2877 = arith.constant 0 : i32
    %dma_wait3A_2878 = tpu.memref_slice %arg9[%dma_wait3A_2876, %dma_wait3A_2877] : memref<250x64xf32, #tpu.memory_space<vmem>> -> memref<125x64xf32, #tpu.memory_space<vmem>>
    %dma_wait3A_2879 = arith.constant 0 : i32
    %dma_wait3A_2880 = tpu.memref_slice %arg11[%dma_wait3A_2875, %dma_wait3A_2879] : memref<50x125xi32, #tpu.memory_space<vmem>> -> memref<1x125xi32, #tpu.memory_space<vmem>>
    %dma_wait3A_2881 = tpu.memref_squeeze %dma_wait3A_2880 : memref<1x125xi32, #tpu.memory_space<vmem>> -> memref<125xi32, #tpu.memory_space<vmem>>
    %dma_wait3A_2882 = arith.constant 0 : i32
    %dma_wait3A_2883 = arith.constant 0 : i32
    %dma_wait3A_2884 = tpu.memref_slice %arg15[%dma_wait3A_2882, %dma_wait3A_2883] : memref<64x64xf32, #tpu.memory_space<vmem_shared>> -> memref<64x64xf32, #tpu.memory_space<vmem_shared>>
    tpu.wait_indirect_dma semaphore(%arg27 : memref<!tpu.dma_semaphore, #tpu.memory_space<semaphore_mem>>) src(%dma_wait3A_2878 : memref<125x64xf32, #tpu.memory_space<vmem>>) dst(%dma_wait3A_2884 : memref<64x64xf32, #tpu.memory_space<vmem_shared>>)
    %dma_wait3A_2885 = arith.constant 46 : i32
    %dma_wait3A_2886 = arith.constant 0 : i32
    %dma_wait3A_2887 = arith.constant 0 : i32
    %dma_wait3A_2888 = tpu.memref_slice %arg10[%dma_wait3A_2886, %dma_wait3A_2887] : memref<250x64xf32, #tpu.memory_space<vmem>> -> memref<125x64xf32, #tpu.memory_space<vmem>>
    %dma_wait3A_2889 = arith.constant 0 : i32
    %dma_wait3A_2890 = tpu.memref_slice %arg11[%dma_wait3A_2885, %dma_wait3A_2889] : memref<50x125xi32, #tpu.memory_space<vmem>> -> memref<1x125xi32, #tpu.memory_space<vmem>>
    %dma_wait3A_2891 = tpu.memref_squeeze %dma_wait3A_2890 : memref<1x125xi32, #tpu.memory_space<vmem>> -> memref<125xi32, #tpu.memory_space<vmem>>
    %dma_wait3A_2892 = arith.constant 0 : i32
    %dma_wait3A_2893 = arith.constant 0 : i32
    %dma_wait3A_2894 = tpu.memref_slice %arg15[%dma_wait3A_2892, %dma_wait3A_2893] : memref<64x64xf32, #tpu.memory_space<vmem_shared>> -> memref<64x64xf32, #tpu.memory_space<vmem_shared>>
    tpu.wait_indirect_dma semaphore(%arg28 : memref<!tpu.dma_semaphore, #tpu.memory_space<semaphore_mem>>) src(%dma_wait3A_2888 : memref<125x64xf32, #tpu.memory_space<vmem>>) dst(%dma_wait3A_2894 : memref<64x64xf32, #tpu.memory_space<vmem_shared>>)
    %dma_wait3A_2895 = arith.constant 47 : i32
    %dma_wait3A_2896 = arith.constant 125 : i32
    %dma_wait3A_2897 = arith.constant 0 : i32
    %dma_wait3A_2898 = tpu.memref_slice %arg10[%dma_wait3A_2896, %dma_wait3A_2897] : memref<250x64xf32, #tpu.memory_space<vmem>> -> memref<125x64xf32, #tpu.memory_space<vmem>>
    %dma_wait3A_2899 = arith.constant 0 : i32
    %dma_wait3A_2900 = tpu.memref_slice %arg11[%dma_wait3A_2895, %dma_wait3A_2899] : memref<50x125xi32, #tpu.memory_space<vmem>> -> memref<1x125xi32, #tpu.memory_space<vmem>>
    %dma_wait3A_2901 = tpu.memref_squeeze %dma_wait3A_2900 : memref<1x125xi32, #tpu.memory_space<vmem>> -> memref<125xi32, #tpu.memory_space<vmem>>
    %dma_wait3A_2902 = arith.constant 0 : i32
    %dma_wait3A_2903 = arith.constant 0 : i32
    %dma_wait3A_2904 = tpu.memref_slice %arg15[%dma_wait3A_2902, %dma_wait3A_2903] : memref<64x64xf32, #tpu.memory_space<vmem_shared>> -> memref<64x64xf32, #tpu.memory_space<vmem_shared>>
    tpu.wait_indirect_dma semaphore(%arg28 : memref<!tpu.dma_semaphore, #tpu.memory_space<semaphore_mem>>) src(%dma_wait3A_2898 : memref<125x64xf32, #tpu.memory_space<vmem>>) dst(%dma_wait3A_2904 : memref<64x64xf32, #tpu.memory_space<vmem_shared>>)
    %dma_wait3A_2905 = arith.constant 48 : i32
    %dma_wait3A_2906 = arith.constant 0 : i32
    %dma_wait3A_2907 = arith.constant 0 : i32
    %dma_wait3A_2908 = tpu.memref_slice %arg5[%dma_wait3A_2906, %dma_wait3A_2907] : memref<250x64xf32, #tpu.memory_space<vmem>> -> memref<125x64xf32, #tpu.memory_space<vmem>>
    %dma_wait3A_2909 = arith.constant 0 : i32
    %dma_wait3A_2910 = tpu.memref_slice %arg11[%dma_wait3A_2905, %dma_wait3A_2909] : memref<50x125xi32, #tpu.memory_space<vmem>> -> memref<1x125xi32, #tpu.memory_space<vmem>>
    %dma_wait3A_2911 = tpu.memref_squeeze %dma_wait3A_2910 : memref<1x125xi32, #tpu.memory_space<vmem>> -> memref<125xi32, #tpu.memory_space<vmem>>
    %dma_wait3A_2912 = arith.constant 0 : i32
    %dma_wait3A_2913 = arith.constant 0 : i32
    %dma_wait3A_2914 = tpu.memref_slice %arg15[%dma_wait3A_2912, %dma_wait3A_2913] : memref<64x64xf32, #tpu.memory_space<vmem_shared>> -> memref<64x64xf32, #tpu.memory_space<vmem_shared>>
    tpu.wait_indirect_dma semaphore(%arg23 : memref<!tpu.dma_semaphore, #tpu.memory_space<semaphore_mem>>) src(%dma_wait3A_2908 : memref<125x64xf32, #tpu.memory_space<vmem>>) dst(%dma_wait3A_2914 : memref<64x64xf32, #tpu.memory_space<vmem_shared>>)
    %dma_wait3A_2915 = arith.constant 49 : i32
    %dma_wait3A_2916 = arith.constant 125 : i32
    %dma_wait3A_2917 = arith.constant 0 : i32
    %dma_wait3A_2918 = tpu.memref_slice %arg5[%dma_wait3A_2916, %dma_wait3A_2917] : memref<250x64xf32, #tpu.memory_space<vmem>> -> memref<125x64xf32, #tpu.memory_space<vmem>>
    %dma_wait3A_2919 = arith.constant 0 : i32
    %dma_wait3A_2920 = tpu.memref_slice %arg11[%dma_wait3A_2915, %dma_wait3A_2919] : memref<50x125xi32, #tpu.memory_space<vmem>> -> memref<1x125xi32, #tpu.memory_space<vmem>>
    %dma_wait3A_2921 = tpu.memref_squeeze %dma_wait3A_2920 : memref<1x125xi32, #tpu.memory_space<vmem>> -> memref<125xi32, #tpu.memory_space<vmem>>
    %dma_wait3A_2922 = arith.constant 0 : i32
    %dma_wait3A_2923 = arith.constant 0 : i32
    %dma_wait3A_2924 = tpu.memref_slice %arg15[%dma_wait3A_2922, %dma_wait3A_2923] : memref<64x64xf32, #tpu.memory_space<vmem_shared>> -> memref<64x64xf32, #tpu.memory_space<vmem_shared>>
    tpu.wait_indirect_dma semaphore(%arg23 : memref<!tpu.dma_semaphore, #tpu.memory_space<semaphore_mem>>) src(%dma_wait3A_2918 : memref<125x64xf32, #tpu.memory_space<vmem>>) dst(%dma_wait3A_2924 : memref<64x64xf32, #tpu.memory_space<vmem_shared>>)
    "tpu.region"() ({
      %run_scoped3A = tpu.sem_alloc : memref<!tpu.dma_semaphore, #tpu.memory_space<semaphore_mem>>
      %dma_start3A_3129 = arith.constant 0 : i32
      %dma_start3A_3130 = tpu.memref_slice %arg16[%arg1, %dma_start3A_3129] : memref<16x64xf32, #tpu.memory_space<vmem_shared>> -> memref<1x64xf32, #tpu.memory_space<vmem_shared>>
      %dma_start3A_3131 = tpu.memref_squeeze %dma_start3A_3130 : memref<1x64xf32, #tpu.memory_space<vmem_shared>> -> memref<64xf32, #tpu.memory_space<vmem_shared>>
      %dma_start3A_3132 = arith.constant 0 : i32
      %dma_start3A_3133 = tpu.memref_slice %arg16[%arg1, %dma_start3A_3132] : memref<16x64xf32, #tpu.memory_space<vmem_shared>> -> memref<1x64xf32, #tpu.memory_space<vmem_shared>>
      %dma_start3A_3134 = tpu.memref_squeeze %dma_start3A_3133 : memref<1x64xf32, #tpu.memory_space<vmem_shared>> -> memref<64xf32, #tpu.memory_space<vmem_shared>>
      tpu.enqueue_dma source(%arg12 : memref<64xf32, #tpu.memory_space<vmem>>) target(%dma_start3A_3134 : memref<64xf32, #tpu.memory_space<vmem_shared>>) target_semaphore(%run_scoped3A : memref<!tpu.dma_semaphore, #tpu.memory_space<semaphore_mem>>)
      %dma_wait3A_3135 = arith.constant 0 : i32
      %dma_wait3A_3136 = tpu.memref_slice %arg16[%arg1, %dma_wait3A_3135] : memref<16x64xf32, #tpu.memory_space<vmem_shared>> -> memref<1x64xf32, #tpu.memory_space<vmem_shared>>
      %dma_wait3A_3137 = tpu.memref_squeeze %dma_wait3A_3136 : memref<1x64xf32, #tpu.memory_space<vmem_shared>> -> memref<64xf32, #tpu.memory_space<vmem_shared>>
      %dma_wait3A_3138 = arith.constant 0 : i32
      %dma_wait3A_3139 = tpu.memref_slice %arg16[%arg1, %dma_wait3A_3138] : memref<16x64xf32, #tpu.memory_space<vmem_shared>> -> memref<1x64xf32, #tpu.memory_space<vmem_shared>>
      %dma_wait3A_3140 = tpu.memref_squeeze %dma_wait3A_3139 : memref<1x64xf32, #tpu.memory_space<vmem_shared>> -> memref<64xf32, #tpu.memory_space<vmem_shared>>
      tpu.wait_dma2 semaphore(%run_scoped3A : memref<!tpu.dma_semaphore, #tpu.memory_space<semaphore_mem>>) src(%arg12 : memref<64xf32, #tpu.memory_space<vmem>>) dst(%dma_wait3A_3140 : memref<64xf32, #tpu.memory_space<vmem_shared>>)
      tpu.yield
    }) : () -> ()
    %barrier3A_2925 = arith.constant 0 : index
    tpu.barrier barrier_id(%barrier3A_2925)
    %mul3A_2926 = arith.constant 4 : i32
    %mul3A_2927 = arith.muli %arg1, %mul3A_2926 : i32
    "tpu.region"() ({
      %run_scoped3A = tpu.sem_alloc : memref<!tpu.dma_semaphore, #tpu.memory_space<semaphore_mem>>
      %dma_start3A_3129 = arith.constant 0 : i32
      %dma_start3A_3130 = tpu.memref_slice %arg15[%mul3A_2927, %dma_start3A_3129] : memref<64x64xf32, #tpu.memory_space<vmem_shared>> -> memref<4x64xf32, #tpu.memory_space<vmem_shared>>
      %dma_start3A_3131 = arith.constant 0 : i32
      %dma_start3A_3132 = tpu.memref_slice %arg15[%mul3A_2927, %dma_start3A_3131] : memref<64x64xf32, #tpu.memory_space<vmem_shared>> -> memref<4x64xf32, #tpu.memory_space<vmem_shared>>
      tpu.enqueue_dma source(%dma_start3A_3132 : memref<4x64xf32, #tpu.memory_space<vmem_shared>>) target(%arg13 : memref<4x64xf32, #tpu.memory_space<vmem>>) target_semaphore(%run_scoped3A : memref<!tpu.dma_semaphore, #tpu.memory_space<semaphore_mem>>)
      %dma_wait3A_3133 = arith.constant 0 : i32
      %dma_wait3A_3134 = tpu.memref_slice %arg15[%mul3A_2927, %dma_wait3A_3133] : memref<64x64xf32, #tpu.memory_space<vmem_shared>> -> memref<4x64xf32, #tpu.memory_space<vmem_shared>>
      %dma_wait3A_3135 = arith.constant 0 : i32
      %dma_wait3A_3136 = tpu.memref_slice %arg15[%mul3A_2927, %dma_wait3A_3135] : memref<64x64xf32, #tpu.memory_space<vmem_shared>> -> memref<4x64xf32, #tpu.memory_space<vmem_shared>>
      tpu.wait_dma2 semaphore(%run_scoped3A : memref<!tpu.dma_semaphore, #tpu.memory_space<semaphore_mem>>) src(%dma_wait3A_3136 : memref<4x64xf32, #tpu.memory_space<vmem_shared>>) dst(%arg13 : memref<4x64xf32, #tpu.memory_space<vmem>>)
      tpu.yield
    }) : () -> ()
    "tpu.region"() ({
      %run_scoped3A = tpu.sem_alloc : memref<!tpu.dma_semaphore, #tpu.memory_space<semaphore_mem>>
      tpu.enqueue_dma source(%arg16 : memref<16x64xf32, #tpu.memory_space<vmem_shared>>) target(%arg14 : memref<16x64xf32, #tpu.memory_space<vmem>>) target_semaphore(%run_scoped3A : memref<!tpu.dma_semaphore, #tpu.memory_space<semaphore_mem>>)
      tpu.wait_dma2 semaphore(%run_scoped3A : memref<!tpu.dma_semaphore, #tpu.memory_space<semaphore_mem>>) src(%arg16 : memref<16x64xf32, #tpu.memory_space<vmem_shared>>) dst(%arg14 : memref<16x64xf32, #tpu.memory_space<vmem>>)
      tpu.yield
    }) : () -> ()
    %iota3A_2928 = tpu.iota {dimensions = array<i32: 0>} : vector<16xi32>
    %mul3A_2929 = arith.constant 4 : i32
    %mul3A_2930 = arith.muli %arg1, %mul3A_2929 : i32
    %add3A_2931 = arith.constant 0 : i32
    %add3A_2932 = arith.addi %mul3A_2930, %add3A_2931 : i32
    %broadcast_in_dim3A_2933 = vector.broadcast %add3A_2932 : i32 to vector<16xi32>
    %gather3A = tpu.vector_load_idx %arg14[%iota3A_2928, %broadcast_in_dim3A_2933] : memref<16x64xf32, #tpu.memory_space<vmem>>[vector<16xi32>, vector<16xi32>], vector<16xf32>,
    %reduce_sum3A = arith.constant true
    %reduce_sum3A_2934 = vector.broadcast %reduce_sum3A : i1 to vector<16xi1>
    %reduce_sum3A_2935 = tpu.scan <sum>, %gather3A masked %reduce_sum3A_2934 : vector<16xf32>, vector<16xi1> -> vector<16xf32>
    %reduce_sum3A_2936 = vector.extract %reduce_sum3A_2935[15] : f32 from vector<16xf32>
    %broadcast_in_dim3A_2937 = vector.broadcast %reduce_sum3A_2936 : f32 to vector<16xf32>
    %max3A = arith.constant 1.000000e+00 : f32
    %max3A_2938 = vector.broadcast %max3A : f32 to vector<16xf32>
    %max3A_2939 = arith.maximumf %broadcast_in_dim3A_2937, %max3A_2938 : vector<16xf32>
    %get3A_2940 = arith.constant 0 : i32
    %get3A_2941 = arith.index_cast %get3A_2940 : i32 to index
    %get3A_2942 = arith.constant 0 : index
    %get3A_2943 = tpu.vector_load %arg13[%get3A_2941, %get3A_2942] {strides = array<i32>} : memref<4x64xf32, #tpu.memory_space<vmem>>, vector<16xf32>,
    %div3A = arith.divf %get3A_2943, %max3A_2939 : vector<16xf32>
    %swap3A_2944 = arith.constant 0 : i32
    %swap3A_2945 = arith.index_cast %swap3A_2944 : i32 to index
    %swap3A_2946 = arith.constant 0 : index
    %swap3A_2947 = tpu.vector_load %arg13[%swap3A_2945, %swap3A_2946] {strides = array<i32>} : memref<4x64xf32, #tpu.memory_space<vmem>>, vector<16xf32>,
    tpu.vector_store %arg13[%swap3A_2945, %swap3A_2946], %div3A {strides = array<i32>} : memref<4x64xf32, #tpu.memory_space<vmem>>, vector<16xf32>,
    %get3A_2948 = arith.constant 0 : i32
    %get3A_2949 = arith.index_cast %get3A_2948 : i32 to index
    %get3A_2950 = arith.constant 16 : index
    %get3A_2951 = tpu.vector_load %arg13[%get3A_2949, %get3A_2950] {strides = array<i32>} : memref<4x64xf32, #tpu.memory_space<vmem>>, vector<16xf32>,
    %div3A_2952 = arith.divf %get3A_2951, %max3A_2939 : vector<16xf32>
    %swap3A_2953 = arith.constant 0 : i32
    %swap3A_2954 = arith.index_cast %swap3A_2953 : i32 to index
    %swap3A_2955 = arith.constant 16 : index
    %swap3A_2956 = tpu.vector_load %arg13[%swap3A_2954, %swap3A_2955] {strides = array<i32>} : memref<4x64xf32, #tpu.memory_space<vmem>>, vector<16xf32>,
    tpu.vector_store %arg13[%swap3A_2954, %swap3A_2955], %div3A_2952 {strides = array<i32>} : memref<4x64xf32, #tpu.memory_space<vmem>>, vector<16xf32>,
    %get3A_2957 = arith.constant 0 : i32
    %get3A_2958 = arith.index_cast %get3A_2957 : i32 to index
    %get3A_2959 = arith.constant 32 : index
    %get3A_2960 = tpu.vector_load %arg13[%get3A_2958, %get3A_2959] {strides = array<i32>} : memref<4x64xf32, #tpu.memory_space<vmem>>, vector<16xf32>,
    %div3A_2961 = arith.divf %get3A_2960, %max3A_2939 : vector<16xf32>
    %swap3A_2962 = arith.constant 0 : i32
    %swap3A_2963 = arith.index_cast %swap3A_2962 : i32 to index
    %swap3A_2964 = arith.constant 32 : index
    %swap3A_2965 = tpu.vector_load %arg13[%swap3A_2963, %swap3A_2964] {strides = array<i32>} : memref<4x64xf32, #tpu.memory_space<vmem>>, vector<16xf32>,
    tpu.vector_store %arg13[%swap3A_2963, %swap3A_2964], %div3A_2961 {strides = array<i32>} : memref<4x64xf32, #tpu.memory_space<vmem>>, vector<16xf32>,
    %get3A_2966 = arith.constant 0 : i32
    %get3A_2967 = arith.index_cast %get3A_2966 : i32 to index
    %get3A_2968 = arith.constant 48 : index
    %get3A_2969 = tpu.vector_load %arg13[%get3A_2967, %get3A_2968] {strides = array<i32>} : memref<4x64xf32, #tpu.memory_space<vmem>>, vector<16xf32>,
    %div3A_2970 = arith.divf %get3A_2969, %max3A_2939 : vector<16xf32>
    %swap3A_2971 = arith.constant 0 : i32
    %swap3A_2972 = arith.index_cast %swap3A_2971 : i32 to index
    %swap3A_2973 = arith.constant 48 : index
    %swap3A_2974 = tpu.vector_load %arg13[%swap3A_2972, %swap3A_2973] {strides = array<i32>} : memref<4x64xf32, #tpu.memory_space<vmem>>, vector<16xf32>,
    tpu.vector_store %arg13[%swap3A_2972, %swap3A_2973], %div3A_2970 {strides = array<i32>} : memref<4x64xf32, #tpu.memory_space<vmem>>, vector<16xf32>,
    %mul3A_2975 = arith.constant 4 : i32
    %mul3A_2976 = arith.muli %arg1, %mul3A_2975 : i32
    %add3A_2977 = arith.constant 1 : i32
    %add3A_2978 = arith.addi %mul3A_2976, %add3A_2977 : i32
    %broadcast_in_dim3A_2979 = vector.broadcast %add3A_2978 : i32 to vector<16xi32>
    %gather3A_2980 = tpu.vector_load_idx %arg14[%iota3A_2928, %broadcast_in_dim3A_2979] : memref<16x64xf32, #tpu.memory_space<vmem>>[vector<16xi32>, vector<16xi32>], vector<16xf32>,
    %reduce_sum3A_2981 = arith.constant true
    %reduce_sum3A_2982 = vector.broadcast %reduce_sum3A_2981 : i1 to vector<16xi1>
    %reduce_sum3A_2983 = tpu.scan <sum>, %gather3A_2980 masked %reduce_sum3A_2982 : vector<16xf32>, vector<16xi1> -> vector<16xf32>
    %reduce_sum3A_2984 = vector.extract %reduce_sum3A_2983[15] : f32 from vector<16xf32>
    %broadcast_in_dim3A_2985 = vector.broadcast %reduce_sum3A_2984 : f32 to vector<16xf32>
    %max3A_2986 = arith.constant 1.000000e+00 : f32
    %max3A_2987 = vector.broadcast %max3A_2986 : f32 to vector<16xf32>
    %max3A_2988 = arith.maximumf %broadcast_in_dim3A_2985, %max3A_2987 : vector<16xf32>
    %get3A_2989 = arith.constant 1 : i32
    %get3A_2990 = arith.index_cast %get3A_2989 : i32 to index
    %get3A_2991 = arith.constant 0 : index
    %get3A_2992 = tpu.vector_load %arg13[%get3A_2990, %get3A_2991] {strides = array<i32>} : memref<4x64xf32, #tpu.memory_space<vmem>>, vector<16xf32>,
    %div3A_2993 = arith.divf %get3A_2992, %max3A_2988 : vector<16xf32>
    %swap3A_2994 = arith.constant 1 : i32
    %swap3A_2995 = arith.index_cast %swap3A_2994 : i32 to index
    %swap3A_2996 = arith.constant 0 : index
    %swap3A_2997 = tpu.vector_load %arg13[%swap3A_2995, %swap3A_2996] {strides = array<i32>} : memref<4x64xf32, #tpu.memory_space<vmem>>, vector<16xf32>,
    tpu.vector_store %arg13[%swap3A_2995, %swap3A_2996], %div3A_2993 {strides = array<i32>} : memref<4x64xf32, #tpu.memory_space<vmem>>, vector<16xf32>,
    %get3A_2998 = arith.constant 1 : i32
    %get3A_2999 = arith.index_cast %get3A_2998 : i32 to index
    %get3A_3000 = arith.constant 16 : index
    %get3A_3001 = tpu.vector_load %arg13[%get3A_2999, %get3A_3000] {strides = array<i32>} : memref<4x64xf32, #tpu.memory_space<vmem>>, vector<16xf32>,
    %div3A_3002 = arith.divf %get3A_3001, %max3A_2988 : vector<16xf32>
    %swap3A_3003 = arith.constant 1 : i32
    %swap3A_3004 = arith.index_cast %swap3A_3003 : i32 to index
    %swap3A_3005 = arith.constant 16 : index
    %swap3A_3006 = tpu.vector_load %arg13[%swap3A_3004, %swap3A_3005] {strides = array<i32>} : memref<4x64xf32, #tpu.memory_space<vmem>>, vector<16xf32>,
    tpu.vector_store %arg13[%swap3A_3004, %swap3A_3005], %div3A_3002 {strides = array<i32>} : memref<4x64xf32, #tpu.memory_space<vmem>>, vector<16xf32>,
    %get3A_3007 = arith.constant 1 : i32
    %get3A_3008 = arith.index_cast %get3A_3007 : i32 to index
    %get3A_3009 = arith.constant 32 : index
    %get3A_3010 = tpu.vector_load %arg13[%get3A_3008, %get3A_3009] {strides = array<i32>} : memref<4x64xf32, #tpu.memory_space<vmem>>, vector<16xf32>,
    %div3A_3011 = arith.divf %get3A_3010, %max3A_2988 : vector<16xf32>
    %swap3A_3012 = arith.constant 1 : i32
    %swap3A_3013 = arith.index_cast %swap3A_3012 : i32 to index
    %swap3A_3014 = arith.constant 32 : index
    %swap3A_3015 = tpu.vector_load %arg13[%swap3A_3013, %swap3A_3014] {strides = array<i32>} : memref<4x64xf32, #tpu.memory_space<vmem>>, vector<16xf32>,
    tpu.vector_store %arg13[%swap3A_3013, %swap3A_3014], %div3A_3011 {strides = array<i32>} : memref<4x64xf32, #tpu.memory_space<vmem>>, vector<16xf32>,
    %get3A_3016 = arith.constant 1 : i32
    %get3A_3017 = arith.index_cast %get3A_3016 : i32 to index
    %get3A_3018 = arith.constant 48 : index
    %get3A_3019 = tpu.vector_load %arg13[%get3A_3017, %get3A_3018] {strides = array<i32>} : memref<4x64xf32, #tpu.memory_space<vmem>>, vector<16xf32>,
    %div3A_3020 = arith.divf %get3A_3019, %max3A_2988 : vector<16xf32>
    %swap3A_3021 = arith.constant 1 : i32
    %swap3A_3022 = arith.index_cast %swap3A_3021 : i32 to index
    %swap3A_3023 = arith.constant 48 : index
    %swap3A_3024 = tpu.vector_load %arg13[%swap3A_3022, %swap3A_3023] {strides = array<i32>} : memref<4x64xf32, #tpu.memory_space<vmem>>, vector<16xf32>,
    tpu.vector_store %arg13[%swap3A_3022, %swap3A_3023], %div3A_3020 {strides = array<i32>} : memref<4x64xf32, #tpu.memory_space<vmem>>, vector<16xf32>,
    %mul3A_3025 = arith.constant 4 : i32
    %mul3A_3026 = arith.muli %arg1, %mul3A_3025 : i32
    %add3A_3027 = arith.constant 2 : i32
    %add3A_3028 = arith.addi %mul3A_3026, %add3A_3027 : i32
    %broadcast_in_dim3A_3029 = vector.broadcast %add3A_3028 : i32 to vector<16xi32>
    %gather3A_3030 = tpu.vector_load_idx %arg14[%iota3A_2928, %broadcast_in_dim3A_3029] : memref<16x64xf32, #tpu.memory_space<vmem>>[vector<16xi32>, vector<16xi32>], vector<16xf32>,
    %reduce_sum3A_3031 = arith.constant true
    %reduce_sum3A_3032 = vector.broadcast %reduce_sum3A_3031 : i1 to vector<16xi1>
    %reduce_sum3A_3033 = tpu.scan <sum>, %gather3A_3030 masked %reduce_sum3A_3032 : vector<16xf32>, vector<16xi1> -> vector<16xf32>
    %reduce_sum3A_3034 = vector.extract %reduce_sum3A_3033[15] : f32 from vector<16xf32>
    %broadcast_in_dim3A_3035 = vector.broadcast %reduce_sum3A_3034 : f32 to vector<16xf32>
    %max3A_3036 = arith.constant 1.000000e+00 : f32
    %max3A_3037 = vector.broadcast %max3A_3036 : f32 to vector<16xf32>
    %max3A_3038 = arith.maximumf %broadcast_in_dim3A_3035, %max3A_3037 : vector<16xf32>
    %get3A_3039 = arith.constant 2 : i32
    %get3A_3040 = arith.index_cast %get3A_3039 : i32 to index
    %get3A_3041 = arith.constant 0 : index
    %get3A_3042 = tpu.vector_load %arg13[%get3A_3040, %get3A_3041] {strides = array<i32>} : memref<4x64xf32, #tpu.memory_space<vmem>>, vector<16xf32>,
    %div3A_3043 = arith.divf %get3A_3042, %max3A_3038 : vector<16xf32>
    %swap3A_3044 = arith.constant 2 : i32
    %swap3A_3045 = arith.index_cast %swap3A_3044 : i32 to index
    %swap3A_3046 = arith.constant 0 : index
    %swap3A_3047 = tpu.vector_load %arg13[%swap3A_3045, %swap3A_3046] {strides = array<i32>} : memref<4x64xf32, #tpu.memory_space<vmem>>, vector<16xf32>,
    tpu.vector_store %arg13[%swap3A_3045, %swap3A_3046], %div3A_3043 {strides = array<i32>} : memref<4x64xf32, #tpu.memory_space<vmem>>, vector<16xf32>,
    %get3A_3048 = arith.constant 2 : i32
    %get3A_3049 = arith.index_cast %get3A_3048 : i32 to index
    %get3A_3050 = arith.constant 16 : index
    %get3A_3051 = tpu.vector_load %arg13[%get3A_3049, %get3A_3050] {strides = array<i32>} : memref<4x64xf32, #tpu.memory_space<vmem>>, vector<16xf32>,
    %div3A_3052 = arith.divf %get3A_3051, %max3A_3038 : vector<16xf32>
    %swap3A_3053 = arith.constant 2 : i32
    %swap3A_3054 = arith.index_cast %swap3A_3053 : i32 to index
    %swap3A_3055 = arith.constant 16 : index
    %swap3A_3056 = tpu.vector_load %arg13[%swap3A_3054, %swap3A_3055] {strides = array<i32>} : memref<4x64xf32, #tpu.memory_space<vmem>>, vector<16xf32>,
    tpu.vector_store %arg13[%swap3A_3054, %swap3A_3055], %div3A_3052 {strides = array<i32>} : memref<4x64xf32, #tpu.memory_space<vmem>>, vector<16xf32>,
    %get3A_3057 = arith.constant 2 : i32
    %get3A_3058 = arith.index_cast %get3A_3057 : i32 to index
    %get3A_3059 = arith.constant 32 : index
    %get3A_3060 = tpu.vector_load %arg13[%get3A_3058, %get3A_3059] {strides = array<i32>} : memref<4x64xf32, #tpu.memory_space<vmem>>, vector<16xf32>,
    %div3A_3061 = arith.divf %get3A_3060, %max3A_3038 : vector<16xf32>
    %swap3A_3062 = arith.constant 2 : i32
    %swap3A_3063 = arith.index_cast %swap3A_3062 : i32 to index
    %swap3A_3064 = arith.constant 32 : index
    %swap3A_3065 = tpu.vector_load %arg13[%swap3A_3063, %swap3A_3064] {strides = array<i32>} : memref<4x64xf32, #tpu.memory_space<vmem>>, vector<16xf32>,
    tpu.vector_store %arg13[%swap3A_3063, %swap3A_3064], %div3A_3061 {strides = array<i32>} : memref<4x64xf32, #tpu.memory_space<vmem>>, vector<16xf32>,
    %get3A_3066 = arith.constant 2 : i32
    %get3A_3067 = arith.index_cast %get3A_3066 : i32 to index
    %get3A_3068 = arith.constant 48 : index
    %get3A_3069 = tpu.vector_load %arg13[%get3A_3067, %get3A_3068] {strides = array<i32>} : memref<4x64xf32, #tpu.memory_space<vmem>>, vector<16xf32>,
    %div3A_3070 = arith.divf %get3A_3069, %max3A_3038 : vector<16xf32>
    %swap3A_3071 = arith.constant 2 : i32
    %swap3A_3072 = arith.index_cast %swap3A_3071 : i32 to index
    %swap3A_3073 = arith.constant 48 : index
    %swap3A_3074 = tpu.vector_load %arg13[%swap3A_3072, %swap3A_3073] {strides = array<i32>} : memref<4x64xf32, #tpu.memory_space<vmem>>, vector<16xf32>,
    tpu.vector_store %arg13[%swap3A_3072, %swap3A_3073], %div3A_3070 {strides = array<i32>} : memref<4x64xf32, #tpu.memory_space<vmem>>, vector<16xf32>,
    %mul3A_3075 = arith.constant 4 : i32
    %mul3A_3076 = arith.muli %arg1, %mul3A_3075 : i32
    %add3A_3077 = arith.constant 3 : i32
    %add3A_3078 = arith.addi %mul3A_3076, %add3A_3077 : i32
    %broadcast_in_dim3A_3079 = vector.broadcast %add3A_3078 : i32 to vector<16xi32>
    %gather3A_3080 = tpu.vector_load_idx %arg14[%iota3A_2928, %broadcast_in_dim3A_3079] : memref<16x64xf32, #tpu.memory_space<vmem>>[vector<16xi32>, vector<16xi32>], vector<16xf32>,
    %reduce_sum3A_3081 = arith.constant true
    %reduce_sum3A_3082 = vector.broadcast %reduce_sum3A_3081 : i1 to vector<16xi1>
    %reduce_sum3A_3083 = tpu.scan <sum>, %gather3A_3080 masked %reduce_sum3A_3082 : vector<16xf32>, vector<16xi1> -> vector<16xf32>
    %reduce_sum3A_3084 = vector.extract %reduce_sum3A_3083[15] : f32 from vector<16xf32>
    %broadcast_in_dim3A_3085 = vector.broadcast %reduce_sum3A_3084 : f32 to vector<16xf32>
    %max3A_3086 = arith.constant 1.000000e+00 : f32
    %max3A_3087 = vector.broadcast %max3A_3086 : f32 to vector<16xf32>
    %max3A_3088 = arith.maximumf %broadcast_in_dim3A_3085, %max3A_3087 : vector<16xf32>
    %get3A_3089 = arith.constant 3 : i32
    %get3A_3090 = arith.index_cast %get3A_3089 : i32 to index
    %get3A_3091 = arith.constant 0 : index
    %get3A_3092 = tpu.vector_load %arg13[%get3A_3090, %get3A_3091] {strides = array<i32>} : memref<4x64xf32, #tpu.memory_space<vmem>>, vector<16xf32>,
    %div3A_3093 = arith.divf %get3A_3092, %max3A_3088 : vector<16xf32>
    %swap3A_3094 = arith.constant 3 : i32
    %swap3A_3095 = arith.index_cast %swap3A_3094 : i32 to index
    %swap3A_3096 = arith.constant 0 : index
    %swap3A_3097 = tpu.vector_load %arg13[%swap3A_3095, %swap3A_3096] {strides = array<i32>} : memref<4x64xf32, #tpu.memory_space<vmem>>, vector<16xf32>,
    tpu.vector_store %arg13[%swap3A_3095, %swap3A_3096], %div3A_3093 {strides = array<i32>} : memref<4x64xf32, #tpu.memory_space<vmem>>, vector<16xf32>,
    %get3A_3098 = arith.constant 3 : i32
    %get3A_3099 = arith.index_cast %get3A_3098 : i32 to index
    %get3A_3100 = arith.constant 16 : index
    %get3A_3101 = tpu.vector_load %arg13[%get3A_3099, %get3A_3100] {strides = array<i32>} : memref<4x64xf32, #tpu.memory_space<vmem>>, vector<16xf32>,
    %div3A_3102 = arith.divf %get3A_3101, %max3A_3088 : vector<16xf32>
    %swap3A_3103 = arith.constant 3 : i32
    %swap3A_3104 = arith.index_cast %swap3A_3103 : i32 to index
    %swap3A_3105 = arith.constant 16 : index
    %swap3A_3106 = tpu.vector_load %arg13[%swap3A_3104, %swap3A_3105] {strides = array<i32>} : memref<4x64xf32, #tpu.memory_space<vmem>>, vector<16xf32>,
    tpu.vector_store %arg13[%swap3A_3104, %swap3A_3105], %div3A_3102 {strides = array<i32>} : memref<4x64xf32, #tpu.memory_space<vmem>>, vector<16xf32>,
    %get3A_3107 = arith.constant 3 : i32
    %get3A_3108 = arith.index_cast %get3A_3107 : i32 to index
    %get3A_3109 = arith.constant 32 : index
    %get3A_3110 = tpu.vector_load %arg13[%get3A_3108, %get3A_3109] {strides = array<i32>} : memref<4x64xf32, #tpu.memory_space<vmem>>, vector<16xf32>,
    %div3A_3111 = arith.divf %get3A_3110, %max3A_3088 : vector<16xf32>
    %swap3A_3112 = arith.constant 3 : i32
    %swap3A_3113 = arith.index_cast %swap3A_3112 : i32 to index
    %swap3A_3114 = arith.constant 32 : index
    %swap3A_3115 = tpu.vector_load %arg13[%swap3A_3113, %swap3A_3114] {strides = array<i32>} : memref<4x64xf32, #tpu.memory_space<vmem>>, vector<16xf32>,
    tpu.vector_store %arg13[%swap3A_3113, %swap3A_3114], %div3A_3111 {strides = array<i32>} : memref<4x64xf32, #tpu.memory_space<vmem>>, vector<16xf32>,
    %get3A_3116 = arith.constant 3 : i32
    %get3A_3117 = arith.index_cast %get3A_3116 : i32 to index
    %get3A_3118 = arith.constant 48 : index
    %get3A_3119 = tpu.vector_load %arg13[%get3A_3117, %get3A_3118] {strides = array<i32>} : memref<4x64xf32, #tpu.memory_space<vmem>>, vector<16xf32>,
    %div3A_3120 = arith.divf %get3A_3119, %max3A_3088 : vector<16xf32>
    %swap3A_3121 = arith.constant 3 : i32
    %swap3A_3122 = arith.index_cast %swap3A_3121 : i32 to index
    %swap3A_3123 = arith.constant 48 : index
    %swap3A_3124 = tpu.vector_load %arg13[%swap3A_3122, %swap3A_3123] {strides = array<i32>} : memref<4x64xf32, #tpu.memory_space<vmem>>, vector<16xf32>,
    tpu.vector_store %arg13[%swap3A_3122, %swap3A_3123], %div3A_3120 {strides = array<i32>} : memref<4x64xf32, #tpu.memory_space<vmem>>, vector<16xf32>,
    %mul3A_3125 = arith.constant 4 : i32
    %mul3A_3126 = arith.muli %arg1, %mul3A_3125 : i32
    %mul3A_3127 = arith.constant 64 : i32
    %mul3A_3128 = arith.muli %arg0, %mul3A_3127 : i32
    "tpu.region"() ({
      %run_scoped3A = tpu.sem_alloc : memref<!tpu.dma_semaphore, #tpu.memory_space<semaphore_mem>>
      %dma_start3A_3129 = tpu.memref_slice %arg4[%mul3A_3126, %mul3A_3128] : memref<64x128xf32, #tpu.memory_space<hbm>> -> memref<4x64xf32, #tpu.memory_space<hbm>>
      %dma_start3A_3130 = tpu.memref_slice %arg4[%mul3A_3126, %mul3A_3128] : memref<64x128xf32, #tpu.memory_space<hbm>> -> memref<4x64xf32, #tpu.memory_space<hbm>>
      tpu.enqueue_dma source(%arg13 : memref<4x64xf32, #tpu.memory_space<vmem>>) target(%dma_start3A_3130 : memref<4x64xf32, #tpu.memory_space<hbm>>) target_semaphore(%run_scoped3A : memref<!tpu.dma_semaphore, #tpu.memory_space<semaphore_mem>>)
      %dma_wait3A_3131 = tpu.memref_slice %arg4[%mul3A_3126, %mul3A_3128] : memref<64x128xf32, #tpu.memory_space<hbm>> -> memref<4x64xf32, #tpu.memory_space<hbm>>
      %dma_wait3A_3132 = tpu.memref_slice %arg4[%mul3A_3126, %mul3A_3128] : memref<64x128xf32, #tpu.memory_space<hbm>> -> memref<4x64xf32, #tpu.memory_space<hbm>>
      tpu.wait_dma2 semaphore(%run_scoped3A : memref<!tpu.dma_semaphore, #tpu.memory_space<semaphore_mem>>) src(%arg13 : memref<4x64xf32, #tpu.memory_space<vmem>>) dst(%dma_wait3A_3132 : memref<4x64xf32, #tpu.memory_space<hbm>>)
      tpu.yield
    }) : () -> ()
    return
  }
}

</mosaic_0001>

<sc_bundles>
// kernel: _seg_mean.3.cloned.1.call-start
scs
__scs_entry_jumppad:
0x0: {  	(pc) =	sbr.rel $0x88, $3  }
0x1: {  	(tag) =	ssettag $0x0;
	lr =	simm.s32 $0x1  }
0x2: {  	[smem:$0x3F9F] =	sst lr;
	_ =	strace $0xD0000000  }
0x3: {  	_ = 	snop  }
0x4: {  	_ = 	snop  }
0x5: {  	_ = 	snop  }
0x6: {  	_ = 	snop  }
0x7: {  	_ = 	snop  }
__scs_overlays_trampoline_lowered:
0x8: {  	[smem:$0x3FAE] =	sst s0  }
0x9: {  	[smem:$0x3FAF] =	sst s1  }
0xa: {  	[smem:$0x3FB0] =	sst s2  }
0xb: {  	[smem:$0x3FB1] =	sst s3  }
0xc: {  	[smem:$0x3FB2] =	sst s4  }
0xd: {  	[smem:$0x3FB3] =	sst s5  }
0xe: {  	[smem:$0x3FB4] =	sst s6  }
0xf: {  	[smem:$0x3FB5] =	sst s7  }
0x10: {  	[smem:$0x3FB6] =	sst s8  }
0x11: {  	[smem:$0x3FB7] =	sst s9;
	s0 =	simm.s32 @!p0 $0x0  }
0x12: {  	s1 =	sld [smem:$0x3F9D];
	s0 =	simm.s32 @p0 $0x1  }
0x13: {  	[smem:$0x3FB8] =	sst s0;
	s0 =	simm.s32 @!p1 $0x0  }
0x14: {  	s2 =	sld [smem:$0x3F9C];
	s0 =	simm.s32 @p1 $0x1  }
0x15: {  	[smem:$0x3FB9] =	sst s0;
	s0 =	simm.s32 @!p2 $0x0  }
0x16: {  	s3 =	sld [smem:$0x3FDB];
	s0 =	simm.s32 @p2 $0x1  }
0x17: {  	s4 =	simm.s32 $0x1BF5;
	[smem:$0x3FBB] =	sst s0  }
0x18: {  	s0 =	sld [smem:$0x3F9E];
	_ =	swait.ge [sflag:s4], $0x0  }
0x19: {  	s7 =	sld [smem:$0x3F9F]  }
0x1a: {  	s8 =	sadd.s32 $0xFFFFE003, lr  }
0x1b: {  	s9 =	sadd.s32 $0xFFFFFEF7, lr;
	s5 =	simm.s32 $0xFFFFFFFF;
	p2 =	slt.u32 s8, $0xFFFFF086  }
0x1c: {  	p1 =	slt.u32 s9, $0xF7A;
	s5 =	simm.s32 @!p2 $0x0  }
0x1d: {  	s5 =	simm.s32 @p1 $0x1;
	p0 =	seq.s32 s7, s2  }
0x1e: {  	s7 =	smul.u32 @!p0 $0xF7A, s2;
	p2 =	seq.s32 @!p0 s5, $0x0  }
0x1f: {  	s9 =	smul.u32 $0xF7A, s1;
	s8 =	simm.s32 @!p0 $0x1BF5;
	p2 =	por !p2, p0  }
0x20: {  	[sflag:s8] =	ssyncset.s32 @!p0 $0xFFFFF086;
	s6 =	sadd.s32 @!p0 s3, s7;
	s7 =	simm.s32 @!p0 $0x108  }
0x21: {  	s3 =	sadd.s32 s3, s9;
	s6 =	sadd.s32 @!p0 $0x88, s6;
	s7 =	simm.s32 @p2 $0x1082  }
0x22: {  	[simem:s7], [sflag:s8] =	dma.local @!p0 [hbm:s6], $0xF7A  }
0x23: {  	s9 =	sor.u32 $0xD0000000, s2;
	s6 =	simm.s32 $0x108;
	_ =	swait.ge @!p0 [sflag:s8], $0x0  }
0x24: {  	s3 =	sadd.s32 $0x88, s3;
	s6 =	simm.s32 @!p1 $0x1082;
	[sflag:s4] =	ssyncset.s32 $0xFFFFF086  }
0x25: {  	[simem:s6], [sflag:s4] =	dma.local [hbm:s3], $0xF7A  }
0x26: {  	[smem:$0x3F9F] =	sst s1;
	(tag) =	ssettag s2;
	_ =	strace s9  }
0x27: {  	s1 =	sld [smem:$0x3FAF]  }
0x28: {  	s2 =	sld [smem:$0x3FB0]  }
0x29: {  	s4 =	sld [smem:$0x3FB2]  }
0x2a: {  	p0 =	seq.s32 s5, $0x0;
	s5 =	sld [smem:$0x3FB3]  }
0x2b: {  	s6 =	sld [smem:$0x3FB4]  }
0x2c: {  	s7 =	sld [smem:$0x3FB5]  }
0x2d: {  	s3 =	simm.s32 $0x108;
	s8 =	sld [smem:$0x3FB6]  }
0x2e: {  	s3 =	simm.s32 @!p0 $0x1082;
	s9 =	sld [smem:$0x3FB7]  }
0x2f: {  	lr =	sadd.s32 s0, s3;
	s0 =	sld [smem:$0x3FAE]  }
0x30: {  	s3 =	sld [smem:$0x3FB1]  }
0x31: {  	[smem:$0x3FBA] =	sst s10  }
0x32: {  	s10 =	sld [smem:$0x3FB8];
	_ =	sdelay $0x3  }
0x33: {  	p0 =	seq.s32 s10, $0x1;
	s10 =	sld [smem:$0x3FBA];
	_ =	sdelay $0x3  }
0x34: {  	[smem:$0x3FBA] =	sst s10  }
0x35: {  	s10 =	sld [smem:$0x3FB9];
	_ =	sdelay $0x3  }
0x36: {  	p1 =	seq.s32 s10, $0x1;
	s10 =	sld [smem:$0x3FBA];
	_ =	sdelay $0x3  }
0x37: {  	[smem:$0x3FBA] =	sst s10  }
0x38: {  	s10 =	sld [smem:$0x3FBB]  }
0x39: {  	_ = 	snop;
	(pc) =	sbr.ind lr, $3  }
0x3a: {  	_ = 	snop  }
0x3b: {  	_ = 	snop  }
0x3c: {  	p2 =	seq.s32 s10, $0x1;
	s10 =	sld [smem:$0x3FBA]  }
0x3d: {  	_ =	shalt  }
0x3e: {  	_ =	shalt  }
0x3f: {  	_ =	shalt  }
0x40: {  	_ =	shalt  }
0x41: {  	_ =	shalt  }
0x42: {  	_ =	shalt  }
0x43: {  	_ =	shalt  }
0x44: {  	_ =	shalt  }
0x45: {  	_ =	shalt  }
0x46: {  	_ =	shalt  }
0x47: {  	_ =	shalt  }
0x48: {  	_ =	shalt  }
0x49: {  	_ =	shalt  }
0x4a: {  	_ =	shalt  }
0x4b: {  	_ =	shalt  }
0x4c: {  	_ =	shalt  }
0x4d: {  	_ =	shalt  }
0x4e: {  	_ =	shalt  }
0x4f: {  	_ =	shalt  }
0x50: {  	_ =	shalt  }
0x51: {  	_ =	shalt  }
0x52: {  	_ =	shalt  }
0x53: {  	_ =	shalt  }
0x54: {  	_ =	shalt  }
0x55: {  	_ =	shalt  }
0x56: {  	_ =	shalt  }
0x57: {  	_ =	shalt  }
0x58: {  	_ =	shalt  }
0x59: {  	_ =	shalt  }
0x5a: {  	_ =	shalt  }
0x5b: {  	_ =	shalt  }
0x5c: {  	_ =	shalt  }
0x5d: {  	_ =	shalt  }
0x5e: {  	_ =	shalt  }
0x5f: {  	_ =	shalt  }
0x60: {  	_ =	shalt  }
0x61: {  	_ =	shalt  }
0x62: {  	_ =	shalt  }
0x63: {  	_ =	shalt  }
0x64: {  	_ =	shalt  }
0x65: {  	_ =	shalt  }
0x66: {  	_ =	shalt  }
0x67: {  	_ =	shalt  }
0x68: {  	_ =	shalt  }
0x69: {  	_ =	shalt  }
0x6a: {  	_ =	shalt  }
0x6b: {  	_ =	shalt  }
0x6c: {  	_ =	shalt  }
0x6d: {  	_ =	shalt  }
0x6e: {  	_ =	shalt  }
0x6f: {  	_ =	shalt  }
0x70: {  	_ =	shalt  }
0x71: {  	_ =	shalt  }
0x72: {  	_ =	shalt  }
0x73: {  	_ =	shalt  }
0x74: {  	_ =	shalt  }
0x75: {  	_ =	shalt  }
0x76: {  	_ =	shalt  }
0x77: {  	_ =	shalt  }
0x78: {  	_ =	shalt  }
0x79: {  	_ =	shalt  }
0x7a: {  	_ =	shalt  }
0x7b: {  	_ =	shalt  }
0x7c: {  	_ =	shalt  }
0x7d: {  	_ =	shalt  }
0x7e: {  	_ =	shalt  }
0x7f: {  	_ =	shalt  }
0x80: {  	_ =	shalt  }
0x81: {  	_ =	shalt  }
0x82: {  	_ =	shalt  }
0x83: {  	_ =	shalt  }
0x84: {  	_ =	shalt  }
0x85: {  	_ =	shalt  }
0x86: {  	_ =	shalt  }
0x87: {  	_ =	shalt  }
.Lfunc_end0:
.L_simem_size_0:
called_computation_lowered:
.L_overlay_start_0:
0x88: {  	s2 =	sld [smem:$0x3FD9]  }
0x89: {  	s3 =	sld [smem:$0x3FFE];
	_ =	sdelay $0x1  }
0x8a: {  	s1 =	srdreg.scid  }
0x8b: {  	s0 =	sand.u32 $0x1, s1  }
0x8c: {  	s17 =	sshll.u32 s0, $0xA;
	s2 =	sadd.s32 s3, s2  }
0x8d: {  	s2 =	sadd.s32 s2, s17  }
0x8e: {  	[smem:$0x3FC6] =	sst s2  }
0x8f: {  	_ = 	snop  }
0x90: {  	s2 =	sld [smem:$0x3FC9]  }
0x91: {  	s18 =	sld [smem:$0x3FD0];
	(tm) =	ssettm $0x1  }
0x92: {  	s4 =	sld [smem:$0x3FFB];
	_ =	sdelay $0x3  }
0x93: {  	_ =	strace s4  }
0x94: {  	s4 =	sld [smem:$0x3FFC];
	_ =	sdelay $0x3  }
0x95: {  	_ =	strace s4  }
0x96: {  	s4 =	sld [smem:$0x3FFD];
	_ =	sdelay $0x3  }
0x97: {  	_ =	strace s4  }
0x98: {  	_ =	strace $0x8FFFFFFF  }
0x99: {  	s19 =	sld [smem:$0x3FDB];
	_ =	sdelay $0x1  }
0x9a: {  	s5 =	simm.s32 $_scs_section_size  }
0x9b: {  	s6 =	simm.s32 $_size__tile_overlayer_lowered;
	s7 =	simm.s32 $_tile_overlayer_lowered  }
0x9c: {  	s22 =	simm.s32 $0x1BFF;
	s21 =	sshll.u32 s7, $0x1;
	s4 =	sadd.s32 s5, s19  }
0x9d: {  	s8 =	simm.s32 $0x0;
	s20 =	sshll.u32 s6, $0x1;
	s6 =	sadd.s32 s21, s4  }
0x9e: {  	[timem:s8], [sflag:s22] =	dma.local [hbm:s6], s20  }
0x9f: {  	_ =	swait.ge [sflag:s22], s20  }
0xa0: {  	s5 =	ssub.s32 $0x0, s20;
	[sflag:s22] =	ssyncset.done $0x0  }
0xa1: {  	[sflag:s22] =	ssyncadd.s32 s5;
	_ =	sdelay $0x1  }
0xa2: {  	s23 =	simm.s32 $0x1B8B  }
0xa3: {  	_ =	swait.ge [sflag:s23], $0x1  }
0xa4: {  	[sflag:s23] =	ssyncset.done $0x0  }
0xa5: {  	s25 =	simm.s32 $0x1B8E;
	s24 =	sld [smem:$0x3FFE];
	[sflag:s23] =	ssyncadd.s32 $0xFFFFFFFF  }
0xa6: {  	s26 =	simm.s32 $execute0_lowered;
	[smem:$0x3FD2] =	sst s25  }
0xa7: {  	s6 =	sshll.u32 s26, $0x1;
	_ =	strace $0x80000046;
	[dreg:$0x1] =	wrdreg $0xFFFFFFFF  }
0xa8: {  	s28 =	simm.s32 $_size_execute0_lowered;
	s4 =	sadd.s32 s4, s6;
	[dreg:$0x0] =	wrdreg $0x0  }
0xa9: {  	s6 =	sshll.u32 s28, $0x1;
	[dreg:$0x2] =	wrdreg s4  }
0xaa: {  	[dreg:$0x3] =	wrdreg s6  }
0xab: {  	[dreg:$0x4] =	wrdreg $0xC0  }
0xac: {  	_ =	task [dreg:s8], $0x5FFFF  }
0xad: {  	[dreg:$0x1] =	wrdreg $0xFFFFFFFF  }
0xae: {  	[dreg:$0x0] =	wrdreg $0x60  }
0xaf: {  	[dreg:$0x2] =	wrdreg s2  }
0xb0: {  	[dreg:$0x3] =	wrdreg s24  }
0xb1: {  	[dreg:$0x4] =	wrdreg s18  }
0xb2: {  	[dreg:$0x5] =	wrdreg $0x195400  }
0xb3: {  	[dreg:$0x6] =	wrdreg $0x196400  }
0xb4: {  	[dreg:$0x7] =	wrdreg $0x9  }
0xb5: {  	_ =	task.clear_ibuf [dreg:s8], $0x8FFFF;
	_ =	strace $0x90000046  }
0xb6: {  	s29 =	simm.s32 $0x9;
	_ =	strace $0x80000048  }
0xb7: {  	_ =	swait.ge [sflag:s29], $0x1  }
0xb8: {  	[sflag:s29] =	ssyncadd.s32 $0xFFFFFFFF  }
0xb9: {  	_ =	strace $0x90000048  }
0xba: {  	_ =	sfence  }
0xbb: {  	s30 =	sld [smem:$0x0];
	_ =	sdelay $0x2  }
0xbc: {  	s31 =	sshll.u32 s1, $0xD;
	s1 =	sshrl.u32 s1, $0x2  }
0xbd: {  	s3 =	sand.u32 $0x4000, s31;
	s1 =	sadd.s32 s1, s30  }
0xbe: {  	s0 =	sor.u32 s3, s0;
	s1 =	sshll.u32 s1, $0x11  }
0xbf: {  	s0 =	sor.u32 s1, s0  }
0xc0: {  	s0 =	sadd.s32 $0x8F2B, s0  }
0xc1: {  	[sflag:s0] =	ssyncadd.remote.s32 $0x1  }
0xc2: {  	_ =	sfence.sel $0xFFFF  }
0xc3: {  	[dreg:$0x0] =	wrdreg $0xFFFFFFFF;
	(pc) =	sbr.abs _section_cstart, $3  }
0xc4: {  	[dreg:$0x1] =	wrdreg $0xFFFFFFFF  }
0xc5: {  	_ =	task.clear_ibuf [dreg:s8], $0x2FFFF;
	_ =	strace $0x9FFFFFFF  }
0xc6: {  	(tm) =	ssettm $0x7FFFFFFF  }
0xc7: {  	_ =	shalt  }
tec
execute0_lowered:
.L_overlay_start_1:
0x0: {  	(tag) =	ssettag $0x1  }
0x1: {  	s3 =	rddreg [dreg:$0x0]  }
0x2: {  	s5 =	rddreg [dreg:$0x1]  }
0x3: {  	s1 =	rddreg [dreg:$0x2]  }
0x4: {  	s2 =	rddreg [dreg:$0x3];
	s10 =	stileid.u32  }
0x5: {  	s0 =	srdreg.scid;
	s6 =	smul.u32 $0x320, s10  }
0x6: {  	s11 =	rddreg [dreg:$0x4];
	s0 =	sand.u32 $0x1, s0;
	s7 =	smul.u32 $0xC3500, s10  }
0x7: {  	s4 =	simm.s32 $0x0;
	s6 =	sadd.s32 s6, s5;
	s5 =	sshll.u32 s0, $0x6  }
0x8: {  	[smem:$0x7FF] =	sst s4;
	s8 =	sadd.s32 $0x400, s6;
	s6 =	sor.u32 s5, s7  }
0x9: {  	_ =	strace $0x80000047;
	[dreg:$0x6] =	wrdreg s8;
	s7 =	sshrl.u32 s6, $0x3  }
0xa: {  	s19 =	sadd.s32 $0x7D00, s6;
	s9 =	sadd.s32 $0xFA00, s6;
	s23 =	sadd.s32 $0x17700, s6  }
0xb: {  	s25 =	sadd.s32 $0x1F400, s6;
	s26 =	sadd.s32 $0x27100, s6;
	s13 =	sadd.s32 $0x36B00, s6  }
0xc: {  	s14 =	sadd.s32 $0x3E800, s6;
	s18 =	sadd.s32 $0x46500, s6;
	s7 =	sadd.s32 s3, s7  }
0xd: {  	s8 =	sshrl.u32 s19, $0x3;
	s21 =	sshrl.u32 s9, $0x3;
	s24 =	sshrl.u32 s23, $0x3  }
0xe: {  	s4 =	sshrl.u32 s26, $0x3;
	s9 =	sadd.s32 $0x2EE00, s6;
	s16 =	sshrl.u32 s14, $0x3  }
0xf: {  	s19 =	sshrl.u32 s18, $0x3;
	[dreg:$0x7] =	wrdreg s7;
	s20 =	sadd.s32 s3, s8  }
0x10: {  	s22 =	sadd.s32 s3, s21;
	s7 =	sadd.s32 s3, s24;
	s8 =	sshrl.u32 s25, $0x3  }
0x11: {  	s12 =	sshrl.u32 s9, $0x3;
	s17 =	sadd.s32 s3, s16;
	[dreg:$0x8] =	wrdreg s20  }
0x12: {  	s21 =	sadd.s32 $0x55F00, s6;
	s25 =	sadd.s32 $0x5DC00, s6;
	[dreg:$0x9] =	wrdreg s22  }
0x13: {  	[dreg:$0xa] =	wrdreg s7;
	s28 =	sadd.s32 s3, s8;
	s8 =	sadd.s32 s3, s4  }
0x14: {  	s7 =	sadd.s32 s3, s12;
	[dreg:$0xf] =	wrdreg s17;
	s20 =	sadd.s32 $0x4E200, s6  }
0x15: {  	s23 =	sshrl.u32 s21, $0x3;
	s26 =	sshrl.u32 s25, $0x3;
	[dreg:$0xb] =	wrdreg s28  }
0x16: {  	s4 =	sadd.s32 $0x6D600, s6;
	s17 =	sadd.s32 $0x84D00, s6;
	[dreg:$0xc] =	wrdreg s8  }
0x17: {  	s8 =	sshrl.u32 s13, $0x3;
	[dreg:$0xd] =	wrdreg s7;
	s7 =	sadd.s32 s3, s19  }
0x18: {  	s24 =	sadd.s32 s3, s23;
	s12 =	sshrl.u32 s4, $0x3;
	[dreg:$0x10] =	wrdreg s7  }
0x19: {  	s19 =	sshrl.u32 s17, $0x3;
	s15 =	sadd.s32 s3, s8;
	[dreg:$0x12] =	wrdreg s24  }
0x1a: {  	s4 =	sadd.s32 $0xA4100, s6;
	s7 =	sadd.s32 s3, s26;
	[dreg:$0xe] =	wrdreg s15  }
0x1b: {  	s17 =	sshll.u32 s10, $0x9;
	s13 =	sadd.s32 s3, s12;
	[dreg:$0x13] =	wrdreg s7  }
0x1c: {  	s8 =	sshrl.u32 s20, $0x3;
	s20 =	sadd.s32 s3, s19;
	[dreg:$0x15] =	wrdreg s13  }
0x1d: {  	s9 =	sshrl.u32 s4, $0x3;
	s4 =	simm.s32 $0x17C00;
	[dreg:$0x18] =	wrdreg s20  }
0x1e: {  	s5 =	sor.u32 s5, s17;
	s17 =	simm.s32 $0x18200;
	[smem:$0x7D5] =	sst s4  }
0x1f: {  	s14 =	sadd.s32 $0x75300, s6;
	s22 =	sadd.s32 s3, s8;
	[smem:$0x7E1] =	sst s17  }
0x20: {  	s24 =	sadd.s32 $0x9C400, s6;
	s20 =	simm.s32 $0x17780;
	[dreg:$0x11] =	wrdreg s22  }
0x21: {  	s26 =	sshrl.u32 s24, $0x3;
	s24 =	simm.s32 $0x17980;
	[smem:$0x7CC] =	sst s20  }
0x22: {  	s28 =	sadd.s32 $0x65900, s6;
	s4 =	simm.s32 $0x18600;
	[smem:$0x7D0] =	sst s24  }
0x23: {  	s8 =	sshrl.u32 s28, $0x3;
	s17 =	simm.s32 $0x18A80;
	[smem:$0x7EA] =	sst s4  }
0x24: {  	s15 =	sshrl.u32 s14, $0x3;
	s8 =	sadd.s32 s3, s8;
	[smem:$0x7F3] =	sst s17  }
0x25: {  	s7 =	sadd.s32 s3, s15;
	[dreg:$0x14] =	wrdreg s8  }
0x26: {  	s5 =	sshrl.u32 s5, $0x3;
	s28 =	sadd.s32 s3, s26;
	[dreg:$0x16] =	wrdreg s7  }
0x27: {  	s21 =	sadd.s32 $0x8CA00, s6;
	s1 =	sadd.s32 s1, s5;
	[dreg:$0x1b] =	wrdreg s28  }
0x28: {  	s22 =	sshrl.u32 s21, $0x3;
	s21 =	simm.s32 $0x17800;
	[smem:$0x7CB] =	sst s1  }
0x29: {  	s26 =	simm.s32 $0x17A80;
	[smem:$0x7CD] =	sst s21  }
0x2a: {  	s13 =	sadd.s32 $0xB3B00, s6;
	s5 =	simm.s32 $0x17C80;
	[smem:$0x7D2] =	sst s26  }
0x2b: {  	s15 =	sshrl.u32 s13, $0x3;
	s13 =	simm.s32 $0x18000;
	[smem:$0x7D6] =	sst s5  }
0x2c: {  	s20 =	simm.s32 $0x18380;
	[smem:$0x7DD] =	sst s13  }
0x2d: {  	s16 =	sadd.s32 $0x7D000, s6;
	s7 =	sadd.s32 s3, s22;
	[smem:$0x7E4] =	sst s20  }
0x2e: {  	s8 =	sshrl.u32 s16, $0x3;
	s16 =	sadd.s32 s3, s15;
	[dreg:$0x19] =	wrdreg s7  }
0x2f: {  	s22 =	simm.s32 $0x17880;
	[dreg:$0x1e] =	wrdreg s16  }
0x30: {  	s28 =	simm.s32 $0x17B00;
	[smem:$0x7CE] =	sst s22  }
0x31: {  	s15 =	simm.s32 $0x18100;
	[smem:$0x7D3] =	sst s28  }
0x32: {  	s21 =	simm.s32 $0x18400;
	[smem:$0x7DF] =	sst s15  }
0x33: {  	s26 =	simm.s32 $0x18580;
	[smem:$0x7E5] =	sst s21  }
0x34: {  	s5 =	simm.s32 $0x18680;
	[smem:$0x7E8] =	sst s26  }
0x35: {  	s13 =	simm.s32 $0x18880;
	[smem:$0x7EB] =	sst s5  }
0x36: {  	s20 =	simm.s32 $0x18C00;
	[smem:$0x7EF] =	sst s13  }
0x37: {  	s18 =	sadd.s32 s3, s8;
	[smem:$0x7F6] =	sst s20  }
0x38: {  	s23 =	sadd.s32 $0x94700, s6;
	s7 =	sadd.s32 s3, s9;
	[dreg:$0x17] =	wrdreg s18  }
0x39: {  	s8 =	sshrl.u32 s23, $0x3;
	s23 =	simm.s32 $0x17900;
	[dreg:$0x1c] =	wrdreg s7  }
0x3a: {  	s9 =	simm.s32 $0x17E80;
	[smem:$0x7CF] =	sst s23  }
0x3b: {  	s16 =	simm.s32 $0x18180;
	[smem:$0x7DA] =	sst s9  }
0x3c: {  	s15 =	simm.s32 $0x18980;
	[smem:$0x7E0] =	sst s16  }
0x3d: {  	s21 =	simm.s32 $0x18C80;
	[smem:$0x7F1] =	sst s15  }
0x3e: {  	s29 =	simm.s32 $0x8;
	s26 =	simm.s32 $0x18F00;
	[smem:$0x7F7] =	sst s21  }
0x3f: {  	s0 =	ssub.s32 $0x2, s0;
	s25 =	sadd.s32 s3, s8;
	[smem:$0x7FC] =	sst s26  }
0x40: {  	s12 =	sadd.s32 $0xABE00, s6;
	s7 =	simm.s32 $0x17D80;
	[dreg:$0x1a] =	wrdreg s25  }
0x41: {  	s8 =	sshrl.u32 s12, $0x3;
	s12 =	simm.s32 $0x17F80;
	[smem:$0x7D8] =	sst s7  }
0x42: {  	s6 =	sadd.s32 $0xBB800, s6;
	s23 =	simm.s32 $0x18480;
	[smem:$0x7DC] =	sst s12  }
0x43: {  	s22 =	sshrl.u32 s0, $0x1;
	s16 =	simm.s32 $0x18A00;
	[smem:$0x7E6] =	sst s23  }
0x44: {  	s24 =	ssub.s32 s0, s22;
	s22 =	simm.s32 $0x18D00;
	[smem:$0x7F2] =	sst s16  }
0x45: {  	s6 =	sshrl.u32 s6, $0x3;
	s14 =	sadd.s32 s3, s8;
	[smem:$0x7F8] =	sst s22  }
0x46: {  	s18 =	sshll.u32 s10, $0x6;
	s3 =	sadd.s32 s3, s6;
	[dreg:$0x1d] =	wrdreg s14  }
0x47: {  	s30 =	simm.s32 $0x4;
	s19 =	sadd.s32 s18, s11;
	[dreg:$0x1f] =	wrdreg s3  }
0x48: {  	s31 =	simm.s32 $0x11940;
	s25 =	simm.s32 $0x17A00;
	[smem:$0x7CA] =	sst s19  }
0x49: {  	s17 =	simm.s32 $0x19000;
	s6 =	simm.s32 $0x17D00;
	[smem:$0x7D1] =	sst s25  }
0x4a: {  	s28 =	sshll.u32 s10, $0x8;
	s8 =	simm.s32 $0x17E00;
	[smem:$0x7D7] =	sst s6  }
0x4b: {  	s5 =	simm.s32 $0xC;
	s11 =	simm.s32 $0x17F00;
	[smem:$0x7D9] =	sst s8  }
0x4c: {  	s20 =	simm.s32 $0x9C40;
	s18 =	simm.s32 $0x18280;
	[smem:$0x7DB] =	sst s11  }
0x4d: {  	s13 =	simm.s32 $0x7D00;
	s7 =	simm.s32 $0x18700;
	[smem:$0x7E2] =	sst s18  }
0x4e: {  	s0 =	sshll.u32 s10, $0x2;
	s12 =	simm.s32 $0x18800;
	[smem:$0x7EC] =	sst s7  }
0x4f: {  	s9 =	sshllo.u32 s10, $0x2;
	s23 =	simm.s32 $0x18D80;
	[smem:$0x7EE] =	sst s12  }
0x50: {  	s4 =	smax.u32 s24, $0x1;
	s24 =	simm.s32 $0x18E00;
	[smem:$0x7F9] =	sst s23  }
0x51: {  	s10 =	simm.s32 $0x40;
	s3 =	simm.s32 $0x17B80;
	[smem:$0x7FA] =	sst s24  }
0x52: {  	s26 =	simm.s32 $0x3;
	s14 =	simm.s32 $0x18080;
	[smem:$0x7D4] =	sst s3  }
0x53: {  	s21 =	simm.s32 $0x0;
	s19 =	simm.s32 $0x18300;
	[smem:$0x7DE] =	sst s14  }
0x54: {  	s1 =	sor.u32 $0x1, s0;
	s25 =	simm.s32 $0x18500;
	[smem:$0x7E3] =	sst s19  }
0x55: {  	s22 =	simm.s32 $0x1F40;
	s8 =	simm.s32 $0x18780;
	[smem:$0x7E7] =	sst s25  }
0x56: {  	s11 =	simm.s32 $0x80;
	s18 =	simm.s32 $0x18B00;
	[smem:$0x7ED] =	sst s8  }
0x57: {  	s7 =	simm.s32 $0xB;
	s3 =	sadd.s32 s28, s2;
	[smem:$0x7F4] =	sst s18  }
0x58: {  	s23 =	simm.s32 $0x2;
	s14 =	simm.s32 $0x18900;
	[smem:$0x7E9] =	sst s3  }
0x59: {  	v0 =	vlaneseq.u32;
	s12 =	simm.s32 $0xDAC0;
	s19 =	simm.s32 $0x18B80;
	[smem:$0x7F0] =	sst s14  }
0x5a: {  	v3 =	vmul.u32 $0x40, v0;
	s25 =	simm.s32 $0x18E80;
	s28 =	simm.s32 $0x18F80;
	[smem:$0x7F5] =	sst s19  }
0x5b: {  	v4 =	vimm.f32 $0.0e+00;
	s8 =	simm.s32 $0x1;
	s18 =	simm.s32 $0x3E80;
	[smem:$0x7FB] =	sst s25  }
0x5c: {  	v5 =	vimm.f32 $1.000000000e+00;
	vm0 =	vcmask $0x3F0C;
	v0 =	vor.u32 s0, v3;
	s3 =	sor.u32 $0x2, s0;
	s19 =	simm.s32 $0x7D;
	[smem:$0x7FD] =	sst s28  }
0x5d: {  	v1 =	vor.u32 s1, v3;
	s25 =	simm.s32 $0x7;
	s0 =	simm.s32 $0x9;
	v2 =	vor.u32 s3, v3;
	v3 =	vor.u32 s9, v3;
	s9 =	simm.s32 $0xA  }
.LBB2_1:
0x5e: {  	[tilespmem:$0x19040] =	vst v4  }
0x5f: {  	[tilespmem:$0x19050] =	vst v4  }
0x60: {  	[tilespmem:$0x19060] =	vst v4  }
0x61: {  	[tilespmem:$0x19070] =	vst v4  }
0x62: {  	[tilespmem:$0x19080] =	vst v4  }
0x63: {  	[tilespmem:$0x19090] =	vst v4  }
0x64: {  	[tilespmem:$0x190A0] =	vst v4  }
0x65: {  	[tilespmem:$0x190B0] =	vst v4  }
0x66: {  	[tilespmem:$0x190C0] =	vst v4  }
0x67: {  	[tilespmem:$0x190D0] =	vst v4  }
0x68: {  	[tilespmem:$0x190E0] =	vst v4  }
0x69: {  	[tilespmem:$0x190F0] =	vst v4  }
0x6a: {  	[tilespmem:$0x19100] =	vst v4  }
0x6b: {  	[tilespmem:$0x19110] =	vst v4  }
0x6c: {  	[tilespmem:$0x19120] =	vst v4  }
0x6d: {  	[tilespmem:$0x19130] =	vst v4  }
0x6e: {  	[tilespmem:$0x19000] =	vst v4  }
0x6f: {  	[tilespmem:$0x19010] =	vst v4;
	s24 =	sld [smem:$0x7E9]  }
0x70: {  	[tilespmem:$0x19020] =	vst v4  }
0x71: {  	[smem:$0x7C9] =	sst s4;
	[tilespmem:$0x19030] =	vst v4;
	s3 =	simm.s32 $0x19040;
	s28 =	simm.s32 $0xD  }
0x72: {  	[spmem:s24] =	stream.linear.scatter [tilespmem:s3], [sflag:$0xD], $0x100, $0x38;
	[tilespmem:$0x19680] =	vst v63  }
0x73: {  	_ =	swait.ge [sflag:s28], $0x100  }
0x74: {  	s1 =	simm.s32 $0x0;
	[sflag:s28] =	ssyncset.done $0x0  }
0x75: {  	s3 =	simm.s32 $0x17700;
	s24 =	rddreg [dreg:$0x6];
	[sflag:s28] =	ssyncadd.s32 $0xFFFFFF00  }
0x76: {  	[tilespmem:s3], [sflag:$0xD] =	stream.linear.gather [hbm4b:s24+s1], $0x1900, $0x38;
	[tilespmem:$0x19680] =	vst v63  }
0x77: {  	_ =	swait.ge [sflag:s28], $0x1900  }
0x78: {  	[sflag:s28] =	ssyncset.done $0x0  }
0x79: {  	[sflag:s28] =	ssyncadd.s32 $0xFFFFE700  }
0x7a: {  	[bflag:$0x0] =	sbarrier.arrive $0xFFFF  }
0x7b: {  	s6 =	rddreg [dreg:$0x7]  }
0x7c: {  	[tilespmem:s1], [sflag:$0x1] =	stream.strided.gather [hbm4b:s6+s10], $0x3E80, s11, s10, $0x38;
	[tilespmem:$0x19680] =	vst v63  }
0x7d: {  	s15 =	simm.s32 $0x3E80;
	s28 =	rddreg [dreg:$0x8]  }
0x7e: {  	[tilespmem:s15], [sflag:$0x2] =	stream.strided.gather [hbm4b:s28+s10], $0x3E80, s11, s10, $0x38;
	[tilespmem:$0x19680] =	vst v63  }
0x7f: {  	s14 =	rddreg [dreg:$0x9];
	s1 =	simm.s32 $0x7D00  }
0x80: {  	[tilespmem:s1], [sflag:$0x3] =	stream.strided.gather [hbm4b:s14+s10], $0x3E80, s11, s10, $0x38;
	[tilespmem:$0x19680] =	vst v63  }
0x81: {  	s16 =	rddreg [dreg:$0xa];
	s14 =	simm.s32 $0xBB80  }
0x82: {  	[tilespmem:s14], [sflag:$0x4] =	stream.strided.gather [hbm4b:s16+s10], $0x3E80, s11, s10, $0x38;
	[tilespmem:$0x19680] =	vst v63  }
0x83: {  	s6 =	rddreg [dreg:$0xb];
	s16 =	simm.s32 $0xFA00  }
0x84: {  	[tilespmem:s16], [sflag:$0x5] =	stream.strided.gather [hbm4b:s6+s10], $0x3E80, s11, s10, $0x38;
	[tilespmem:$0x19680] =	vst v63  }
0x85: {  	s24 =	simm.s32 $0x13880;
	s15 =	rddreg [dreg:$0xc]  }
0x86: {  	[tilespmem:s24], [sflag:$0x6] =	stream.strided.gather [hbm4b:s15+s10], $0x3E80, s11, s10, $0x38;
	[tilespmem:$0x19680] =	vst v63  }
0x87: {  	v6 =	vld [tilespmem:$0x17700];
	_ =	sdelay $0x7  }
0x88: {  	[tilespmem:v6+s17+$0x0] =	vst.idx.add.f32.msk $0xffff, v5  }
0x89: {  	v6 =	vld [tilespmem:$0x17710];
	_ =	sdelay $0x7  }
0x8a: {  	[tilespmem:v6+s17+$0x0] =	vst.idx.add.f32.msk $0xffff, v5  }
0x8b: {  	v6 =	vld [tilespmem:$0x17720];
	_ =	sdelay $0x7  }
0x8c: {  	[tilespmem:v6+s17+$0x0] =	vst.idx.add.f32.msk $0xffff, v5  }
0x8d: {  	v6 =	vld [tilespmem:$0x17730];
	_ =	sdelay $0x7  }
0x8e: {  	[tilespmem:v6+s17+$0x0] =	vst.idx.add.f32.msk $0xffff, v5  }
0x8f: {  	v6 =	vld [tilespmem:$0x17740];
	_ =	sdelay $0x7  }
0x90: {  	[tilespmem:v6+s17+$0x0] =	vst.idx.add.f32.msk $0xffff, v5  }
0x91: {  	v6 =	vld [tilespmem:$0x17750];
	_ =	sdelay $0x7  }
0x92: {  	[tilespmem:v6+s17+$0x0] =	vst.idx.add.f32.msk $0xffff, v5  }
0x93: {  	v6 =	vld [tilespmem:$0x17760];
	_ =	sdelay $0x7  }
0x94: {  	[tilespmem:v6+s17+$0x0] =	vst.idx.add.f32.msk $0xffff, v5  }
0x95: {  	v6 =	vld [tilespmem:$0x1776D];
	_ =	sdelay $0x7  }
0x96: {  	[tilespmem:v6+s17+$0x0] =	vst.idx.add.f32.msk vm0, v5  }
0x97: {  	v6 =	vld [tilespmem:$0x17780];
	_ =	sdelay $0x7  }
0x98: {  	[tilespmem:v6+s17+$0x0] =	vst.idx.add.f32.msk $0xffff, v5  }
0x99: {  	v6 =	vld [tilespmem:$0x17790];
	_ =	sdelay $0x7  }
0x9a: {  	[tilespmem:v6+s17+$0x0] =	vst.idx.add.f32.msk $0xffff, v5  }
0x9b: {  	v6 =	vld [tilespmem:$0x177A0];
	_ =	sdelay $0x7  }
0x9c: {  	[tilespmem:v6+s17+$0x0] =	vst.idx.add.f32.msk $0xffff, v5  }
0x9d: {  	v6 =	vld [tilespmem:$0x177B0];
	_ =	sdelay $0x7  }
0x9e: {  	[tilespmem:v6+s17+$0x0] =	vst.idx.add.f32.msk $0xffff, v5  }
0x9f: {  	v6 =	vld [tilespmem:$0x177C0];
	_ =	sdelay $0x7  }
0xa0: {  	[tilespmem:v6+s17+$0x0] =	vst.idx.add.f32.msk $0xffff, v5  }
0xa1: {  	v6 =	vld [tilespmem:$0x177D0];
	_ =	sdelay $0x7  }
0xa2: {  	[tilespmem:v6+s17+$0x0] =	vst.idx.add.f32.msk $0xffff, v5  }
0xa3: {  	v6 =	vld [tilespmem:$0x177E0];
	_ =	sdelay $0x7  }
0xa4: {  	[tilespmem:v6+s17+$0x0] =	vst.idx.add.f32.msk $0xffff, v5  }
0xa5: {  	v6 =	vld [tilespmem:$0x177ED];
	_ =	sdelay $0x7  }
0xa6: {  	[tilespmem:v6+s17+$0x0] =	vst.idx.add.f32.msk vm0, v5  }
0xa7: {  	v6 =	vld [tilespmem:$0x17800];
	_ =	sdelay $0x7  }
0xa8: {  	[tilespmem:v6+s17+$0x0] =	vst.idx.add.f32.msk $0xffff, v5  }
0xa9: {  	v6 =	vld [tilespmem:$0x17810];
	_ =	sdelay $0x7  }
0xaa: {  	[tilespmem:v6+s17+$0x0] =	vst.idx.add.f32.msk $0xffff, v5  }
0xab: {  	v6 =	vld [tilespmem:$0x17820];
	_ =	sdelay $0x7  }
0xac: {  	[tilespmem:v6+s17+$0x0] =	vst.idx.add.f32.msk $0xffff, v5  }
0xad: {  	v6 =	vld [tilespmem:$0x17830];
	_ =	sdelay $0x7  }
0xae: {  	[tilespmem:v6+s17+$0x0] =	vst.idx.add.f32.msk $0xffff, v5  }
0xaf: {  	v6 =	vld [tilespmem:$0x17840];
	_ =	sdelay $0x7  }
0xb0: {  	[tilespmem:v6+s17+$0x0] =	vst.idx.add.f32.msk $0xffff, v5  }
0xb1: {  	v6 =	vld [tilespmem:$0x17850];
	_ =	sdelay $0x7  }
0xb2: {  	[tilespmem:v6+s17+$0x0] =	vst.idx.add.f32.msk $0xffff, v5  }
0xb3: {  	v6 =	vld [tilespmem:$0x17860];
	_ =	sdelay $0x7  }
0xb4: {  	[tilespmem:v6+s17+$0x0] =	vst.idx.add.f32.msk $0xffff, v5  }
0xb5: {  	v6 =	vld [tilespmem:$0x1786D];
	_ =	sdelay $0x7  }
0xb6: {  	[tilespmem:v6+s17+$0x0] =	vst.idx.add.f32.msk vm0, v5  }
0xb7: {  	v6 =	vld [tilespmem:$0x17880];
	_ =	sdelay $0x7  }
0xb8: {  	[tilespmem:v6+s17+$0x0] =	vst.idx.add.f32.msk $0xffff, v5  }
0xb9: {  	v6 =	vld [tilespmem:$0x17890];
	_ =	sdelay $0x7  }
0xba: {  	[tilespmem:v6+s17+$0x0] =	vst.idx.add.f32.msk $0xffff, v5  }
0xbb: {  	v6 =	vld [tilespmem:$0x178A0];
	_ =	sdelay $0x7  }
0xbc: {  	[tilespmem:v6+s17+$0x0] =	vst.idx.add.f32.msk $0xffff, v5  }
0xbd: {  	v6 =	vld [tilespmem:$0x178B0];
	_ =	sdelay $0x7  }
0xbe: {  	[tilespmem:v6+s17+$0x0] =	vst.idx.add.f32.msk $0xffff, v5  }
0xbf: {  	v6 =	vld [tilespmem:$0x178C0];
	_ =	sdelay $0x7  }
0xc0: {  	[tilespmem:v6+s17+$0x0] =	vst.idx.add.f32.msk $0xffff, v5  }
0xc1: {  	v6 =	vld [tilespmem:$0x178D0];
	_ =	sdelay $0x7  }
0xc2: {  	[tilespmem:v6+s17+$0x0] =	vst.idx.add.f32.msk $0xffff, v5  }
0xc3: {  	v6 =	vld [tilespmem:$0x178E0];
	_ =	sdelay $0x7  }
0xc4: {  	[tilespmem:v6+s17+$0x0] =	vst.idx.add.f32.msk $0xffff, v5  }
0xc5: {  	v6 =	vld [tilespmem:$0x178ED];
	_ =	sdelay $0x7  }
0xc6: {  	[tilespmem:v6+s17+$0x0] =	vst.idx.add.f32.msk vm0, v5  }
0xc7: {  	v6 =	vld [tilespmem:$0x17900];
	_ =	sdelay $0x7  }
0xc8: {  	[tilespmem:v6+s17+$0x0] =	vst.idx.add.f32.msk $0xffff, v5  }
0xc9: {  	v6 =	vld [tilespmem:$0x17910];
	_ =	sdelay $0x7  }
0xca: {  	[tilespmem:v6+s17+$0x0] =	vst.idx.add.f32.msk $0xffff, v5  }
0xcb: {  	v6 =	vld [tilespmem:$0x17920];
	_ =	sdelay $0x7  }
0xcc: {  	[tilespmem:v6+s17+$0x0] =	vst.idx.add.f32.msk $0xffff, v5  }
0xcd: {  	v6 =	vld [tilespmem:$0x17930];
	_ =	sdelay $0x7  }
0xce: {  	[tilespmem:v6+s17+$0x0] =	vst.idx.add.f32.msk $0xffff, v5  }
0xcf: {  	v6 =	vld [tilespmem:$0x17940];
	_ =	sdelay $0x7  }
0xd0: {  	[tilespmem:v6+s17+$0x0] =	vst.idx.add.f32.msk $0xffff, v5  }
0xd1: {  	v6 =	vld [tilespmem:$0x17950];
	_ =	sdelay $0x7  }
0xd2: {  	[tilespmem:v6+s17+$0x0] =	vst.idx.add.f32.msk $0xffff, v5  }
0xd3: {  	v6 =	vld [tilespmem:$0x17960];
	_ =	sdelay $0x7  }
0xd4: {  	[tilespmem:v6+s17+$0x0] =	vst.idx.add.f32.msk $0xffff, v5  }
0xd5: {  	v6 =	vld [tilespmem:$0x1796D];
	_ =	sdelay $0x7  }
0xd6: {  	[tilespmem:v6+s17+$0x0] =	vst.idx.add.f32.msk vm0, v5  }
0xd7: {  	v6 =	vld [tilespmem:$0x17980];
	_ =	sdelay $0x7  }
0xd8: {  	[tilespmem:v6+s17+$0x0] =	vst.idx.add.f32.msk $0xffff, v5  }
0xd9: {  	v6 =	vld [tilespmem:$0x17990];
	_ =	sdelay $0x7  }
0xda: {  	[tilespmem:v6+s17+$0x0] =	vst.idx.add.f32.msk $0xffff, v5  }
0xdb: {  	v6 =	vld [tilespmem:$0x179A0];
	_ =	sdelay $0x7  }
0xdc: {  	[tilespmem:v6+s17+$0x0] =	vst.idx.add.f32.msk $0xffff, v5  }
0xdd: {  	v6 =	vld [tilespmem:$0x179B0];
	_ =	sdelay $0x7  }
0xde: {  	[tilespmem:v6+s17+$0x0] =	vst.idx.add.f32.msk $0xffff, v5  }
0xdf: {  	v6 =	vld [tilespmem:$0x179C0];
	_ =	sdelay $0x7  }
0xe0: {  	[tilespmem:v6+s17+$0x0] =	vst.idx.add.f32.msk $0xffff, v5  }
0xe1: {  	v6 =	vld [tilespmem:$0x179D0];
	_ =	sdelay $0x7  }
0xe2: {  	[tilespmem:v6+s17+$0x0] =	vst.idx.add.f32.msk $0xffff, v5  }
0xe3: {  	v6 =	vld [tilespmem:$0x179E0];
	_ =	sdelay $0x7  }
0xe4: {  	[tilespmem:v6+s17+$0x0] =	vst.idx.add.f32.msk $0xffff, v5  }
0xe5: {  	v6 =	vld [tilespmem:$0x179ED];
	_ =	sdelay $0x7  }
0xe6: {  	[tilespmem:v6+s17+$0x0] =	vst.idx.add.f32.msk vm0, v5  }
0xe7: {  	v6 =	vld [tilespmem:$0x17A00];
	_ =	sdelay $0x7  }
0xe8: {  	[tilespmem:v6+s17+$0x0] =	vst.idx.add.f32.msk $0xffff, v5  }
0xe9: {  	v6 =	vld [tilespmem:$0x17A10];
	_ =	sdelay $0x7  }
0xea: {  	[tilespmem:v6+s17+$0x0] =	vst.idx.add.f32.msk $0xffff, v5  }
0xeb: {  	v6 =	vld [tilespmem:$0x17A20];
	_ =	sdelay $0x7  }
0xec: {  	[tilespmem:v6+s17+$0x0] =	vst.idx.add.f32.msk $0xffff, v5  }
0xed: {  	v6 =	vld [tilespmem:$0x17A30];
	_ =	sdelay $0x7  }
0xee: {  	[tilespmem:v6+s17+$0x0] =	vst.idx.add.f32.msk $0xffff, v5  }
0xef: {  	v6 =	vld [tilespmem:$0x17A40];
	_ =	sdelay $0x7  }
0xf0: {  	[tilespmem:v6+s17+$0x0] =	vst.idx.add.f32.msk $0xffff, v5  }
0xf1: {  	v6 =	vld [tilespmem:$0x17A50];
	_ =	sdelay $0x7  }
0xf2: {  	[tilespmem:v6+s17+$0x0] =	vst.idx.add.f32.msk $0xffff, v5  }
0xf3: {  	v6 =	vld [tilespmem:$0x17A60];
	_ =	sdelay $0x7  }
0xf4: {  	[tilespmem:v6+s17+$0x0] =	vst.idx.add.f32.msk $0xffff, v5  }
0xf5: {  	v6 =	vld [tilespmem:$0x17A6D];
	_ =	sdelay $0x7  }
0xf6: {  	[tilespmem:v6+s17+$0x0] =	vst.idx.add.f32.msk vm0, v5  }
0xf7: {  	v6 =	vld [tilespmem:$0x17A80];
	_ =	sdelay $0x7  }
0xf8: {  	[tilespmem:v6+s17+$0x0] =	vst.idx.add.f32.msk $0xffff, v5  }
0xf9: {  	v6 =	vld [tilespmem:$0x17A90];
	_ =	sdelay $0x7  }
0xfa: {  	[tilespmem:v6+s17+$0x0] =	vst.idx.add.f32.msk $0xffff, v5  }
0xfb: {  	v6 =	vld [tilespmem:$0x17AA0];
	_ =	sdelay $0x7  }
0xfc: {  	[tilespmem:v6+s17+$0x0] =	vst.idx.add.f32.msk $0xffff, v5  }
0xfd: {  	v6 =	vld [tilespmem:$0x17AB0];
	_ =	sdelay $0x7  }
0xfe: {  	[tilespmem:v6+s17+$0x0] =	vst.idx.add.f32.msk $0xffff, v5  }
0xff: {  	v6 =	vld [tilespmem:$0x17AC0];
	_ =	sdelay $0x7  }
0x100: {  	[tilespmem:v6+s17+$0x0] =	vst.idx.add.f32.msk $0xffff, v5  }
0x101: {  	v6 =	vld [tilespmem:$0x17AD0];
	_ =	sdelay $0x7  }
0x102: {  	[tilespmem:v6+s17+$0x0] =	vst.idx.add.f32.msk $0xffff, v5  }
0x103: {  	v6 =	vld [tilespmem:$0x17AE0];
	_ =	sdelay $0x7  }
0x104: {  	[tilespmem:v6+s17+$0x0] =	vst.idx.add.f32.msk $0xffff, v5  }
0x105: {  	v6 =	vld [tilespmem:$0x17AED];
	_ =	sdelay $0x7  }
0x106: {  	[tilespmem:v6+s17+$0x0] =	vst.idx.add.f32.msk vm0, v5  }
0x107: {  	v6 =	vld [tilespmem:$0x17B00];
	_ =	sdelay $0x7  }
0x108: {  	[tilespmem:v6+s17+$0x0] =	vst.idx.add.f32.msk $0xffff, v5  }
0x109: {  	v6 =	vld [tilespmem:$0x17B10];
	_ =	sdelay $0x7  }
0x10a: {  	[tilespmem:v6+s17+$0x0] =	vst.idx.add.f32.msk $0xffff, v5  }
0x10b: {  	v6 =	vld [tilespmem:$0x17B20];
	_ =	sdelay $0x7  }
0x10c: {  	[tilespmem:v6+s17+$0x0] =	vst.idx.add.f32.msk $0xffff, v5  }
0x10d: {  	v6 =	vld [tilespmem:$0x17B30];
	_ =	sdelay $0x7  }
0x10e: {  	[tilespmem:v6+s17+$0x0] =	vst.idx.add.f32.msk $0xffff, v5  }
0x10f: {  	v6 =	vld [tilespmem:$0x17B40];
	_ =	sdelay $0x7  }
0x110: {  	[tilespmem:v6+s17+$0x0] =	vst.idx.add.f32.msk $0xffff, v5  }
0x111: {  	v6 =	vld [tilespmem:$0x17B50];
	_ =	sdelay $0x7  }
0x112: {  	[tilespmem:v6+s17+$0x0] =	vst.idx.add.f32.msk $0xffff, v5  }
0x113: {  	v6 =	vld [tilespmem:$0x17B60];
	_ =	sdelay $0x7  }
0x114: {  	[tilespmem:v6+s17+$0x0] =	vst.idx.add.f32.msk $0xffff, v5  }
0x115: {  	v6 =	vld [tilespmem:$0x17B6D];
	_ =	sdelay $0x7  }
0x116: {  	[tilespmem:v6+s17+$0x0] =	vst.idx.add.f32.msk vm0, v5  }
0x117: {  	v6 =	vld [tilespmem:$0x17B80];
	_ =	sdelay $0x7  }
0x118: {  	[tilespmem:v6+s17+$0x0] =	vst.idx.add.f32.msk $0xffff, v5  }
0x119: {  	v6 =	vld [tilespmem:$0x17B90];
	_ =	sdelay $0x7  }
0x11a: {  	[tilespmem:v6+s17+$0x0] =	vst.idx.add.f32.msk $0xffff, v5  }
0x11b: {  	v6 =	vld [tilespmem:$0x17BA0];
	_ =	sdelay $0x7  }
0x11c: {  	[tilespmem:v6+s17+$0x0] =	vst.idx.add.f32.msk $0xffff, v5  }
0x11d: {  	v6 =	vld [tilespmem:$0x17BB0];
	_ =	sdelay $0x7  }
0x11e: {  	[tilespmem:v6+s17+$0x0] =	vst.idx.add.f32.msk $0xffff, v5  }
0x11f: {  	v6 =	vld [tilespmem:$0x17BC0];
	_ =	sdelay $0x7  }
0x120: {  	[tilespmem:v6+s17+$0x0] =	vst.idx.add.f32.msk $0xffff, v5  }
0x121: {  	v6 =	vld [tilespmem:$0x17BD0];
	_ =	sdelay $0x7  }
0x122: {  	[tilespmem:v6+s17+$0x0] =	vst.idx.add.f32.msk $0xffff, v5  }
0x123: {  	v6 =	vld [tilespmem:$0x17BE0];
	_ =	sdelay $0x7  }
0x124: {  	[tilespmem:v6+s17+$0x0] =	vst.idx.add.f32.msk $0xffff, v5  }
0x125: {  	v6 =	vld [tilespmem:$0x17BED];
	_ =	sdelay $0x7  }
0x126: {  	[tilespmem:v6+s17+$0x0] =	vst.idx.add.f32.msk vm0, v5  }
0x127: {  	v6 =	vld [tilespmem:$0x17C00];
	_ =	sdelay $0x7  }
0x128: {  	[tilespmem:v6+s17+$0x0] =	vst.idx.add.f32.msk $0xffff, v5  }
0x129: {  	v6 =	vld [tilespmem:$0x17C10];
	_ =	sdelay $0x7  }
0x12a: {  	[tilespmem:v6+s17+$0x0] =	vst.idx.add.f32.msk $0xffff, v5  }
0x12b: {  	v6 =	vld [tilespmem:$0x17C20];
	_ =	sdelay $0x7  }
0x12c: {  	[tilespmem:v6+s17+$0x0] =	vst.idx.add.f32.msk $0xffff, v5  }
0x12d: {  	v6 =	vld [tilespmem:$0x17C30];
	_ =	sdelay $0x7  }
0x12e: {  	[tilespmem:v6+s17+$0x0] =	vst.idx.add.f32.msk $0xffff, v5  }
0x12f: {  	v6 =	vld [tilespmem:$0x17C40];
	_ =	sdelay $0x7  }
0x130: {  	[tilespmem:v6+s17+$0x0] =	vst.idx.add.f32.msk $0xffff, v5  }
0x131: {  	v6 =	vld [tilespmem:$0x17C50];
	_ =	sdelay $0x7  }
0x132: {  	[tilespmem:v6+s17+$0x0] =	vst.idx.add.f32.msk $0xffff, v5  }
0x133: {  	v6 =	vld [tilespmem:$0x17C60];
	_ =	sdelay $0x7  }
0x134: {  	[tilespmem:v6+s17+$0x0] =	vst.idx.add.f32.msk $0xffff, v5  }
0x135: {  	v6 =	vld [tilespmem:$0x17C6D];
	_ =	sdelay $0x7  }
0x136: {  	[tilespmem:v6+s17+$0x0] =	vst.idx.add.f32.msk vm0, v5  }
0x137: {  	v6 =	vld [tilespmem:$0x17C80];
	_ =	sdelay $0x7  }
0x138: {  	[tilespmem:v6+s17+$0x0] =	vst.idx.add.f32.msk $0xffff, v5  }
0x139: {  	v6 =	vld [tilespmem:$0x17C90];
	_ =	sdelay $0x7  }
0x13a: {  	[tilespmem:v6+s17+$0x0] =	vst.idx.add.f32.msk $0xffff, v5  }
0x13b: {  	v6 =	vld [tilespmem:$0x17CA0];
	_ =	sdelay $0x7  }
0x13c: {  	[tilespmem:v6+s17+$0x0] =	vst.idx.add.f32.msk $0xffff, v5  }
0x13d: {  	v6 =	vld [tilespmem:$0x17CB0];
	_ =	sdelay $0x7  }
0x13e: {  	[tilespmem:v6+s17+$0x0] =	vst.idx.add.f32.msk $0xffff, v5  }
0x13f: {  	v6 =	vld [tilespmem:$0x17CC0];
	_ =	sdelay $0x7  }
0x140: {  	[tilespmem:v6+s17+$0x0] =	vst.idx.add.f32.msk $0xffff, v5  }
0x141: {  	v6 =	vld [tilespmem:$0x17CD0];
	_ =	sdelay $0x7  }
0x142: {  	[tilespmem:v6+s17+$0x0] =	vst.idx.add.f32.msk $0xffff, v5  }
0x143: {  	v6 =	vld [tilespmem:$0x17CE0];
	_ =	sdelay $0x7  }
0x144: {  	[tilespmem:v6+s17+$0x0] =	vst.idx.add.f32.msk $0xffff, v5  }
0x145: {  	v6 =	vld [tilespmem:$0x17CED];
	_ =	sdelay $0x7  }
0x146: {  	[tilespmem:v6+s17+$0x0] =	vst.idx.add.f32.msk vm0, v5  }
0x147: {  	v6 =	vld [tilespmem:$0x17D00];
	_ =	sdelay $0x7  }
0x148: {  	[tilespmem:v6+s17+$0x0] =	vst.idx.add.f32.msk $0xffff, v5  }
0x149: {  	v6 =	vld [tilespmem:$0x17D10];
	_ =	sdelay $0x7  }
0x14a: {  	[tilespmem:v6+s17+$0x0] =	vst.idx.add.f32.msk $0xffff, v5  }
0x14b: {  	v6 =	vld [tilespmem:$0x17D20];
	_ =	sdelay $0x7  }
0x14c: {  	[tilespmem:v6+s17+$0x0] =	vst.idx.add.f32.msk $0xffff, v5  }
0x14d: {  	v6 =	vld [tilespmem:$0x17D30];
	_ =	sdelay $0x7  }
0x14e: {  	[tilespmem:v6+s17+$0x0] =	vst.idx.add.f32.msk $0xffff, v5  }
0x14f: {  	v6 =	vld [tilespmem:$0x17D40];
	_ =	sdelay $0x7  }
0x150: {  	[tilespmem:v6+s17+$0x0] =	vst.idx.add.f32.msk $0xffff, v5  }
0x151: {  	v6 =	vld [tilespmem:$0x17D50];
	_ =	sdelay $0x7  }
0x152: {  	[tilespmem:v6+s17+$0x0] =	vst.idx.add.f32.msk $0xffff, v5  }
0x153: {  	v6 =	vld [tilespmem:$0x17D60];
	_ =	sdelay $0x7  }
0x154: {  	[tilespmem:v6+s17+$0x0] =	vst.idx.add.f32.msk $0xffff, v5  }
0x155: {  	v6 =	vld [tilespmem:$0x17D6D];
	_ =	sdelay $0x7  }
0x156: {  	[tilespmem:v6+s17+$0x0] =	vst.idx.add.f32.msk vm0, v5  }
0x157: {  	v6 =	vld [tilespmem:$0x17D80];
	_ =	sdelay $0x7  }
0x158: {  	[tilespmem:v6+s17+$0x0] =	vst.idx.add.f32.msk $0xffff, v5  }
0x159: {  	v6 =	vld [tilespmem:$0x17D90];
	_ =	sdelay $0x7  }
0x15a: {  	[tilespmem:v6+s17+$0x0] =	vst.idx.add.f32.msk $0xffff, v5  }
0x15b: {  	v6 =	vld [tilespmem:$0x17DA0];
	_ =	sdelay $0x7  }
0x15c: {  	[tilespmem:v6+s17+$0x0] =	vst.idx.add.f32.msk $0xffff, v5  }
0x15d: {  	v6 =	vld [tilespmem:$0x17DB0];
	_ =	sdelay $0x7  }
0x15e: {  	[tilespmem:v6+s17+$0x0] =	vst.idx.add.f32.msk $0xffff, v5  }
0x15f: {  	v6 =	vld [tilespmem:$0x17DC0];
	_ =	sdelay $0x7  }
0x160: {  	[tilespmem:v6+s17+$0x0] =	vst.idx.add.f32.msk $0xffff, v5  }
0x161: {  	v6 =	vld [tilespmem:$0x17DD0];
	_ =	sdelay $0x7  }
0x162: {  	[tilespmem:v6+s17+$0x0] =	vst.idx.add.f32.msk $0xffff, v5  }
0x163: {  	v6 =	vld [tilespmem:$0x17DE0];
	_ =	sdelay $0x7  }
0x164: {  	[tilespmem:v6+s17+$0x0] =	vst.idx.add.f32.msk $0xffff, v5  }
0x165: {  	v6 =	vld [tilespmem:$0x17DED];
	_ =	sdelay $0x7  }
0x166: {  	[tilespmem:v6+s17+$0x0] =	vst.idx.add.f32.msk vm0, v5  }
0x167: {  	v6 =	vld [tilespmem:$0x17E00];
	_ =	sdelay $0x7  }
0x168: {  	[tilespmem:v6+s17+$0x0] =	vst.idx.add.f32.msk $0xffff, v5  }
0x169: {  	v6 =	vld [tilespmem:$0x17E10];
	_ =	sdelay $0x7  }
0x16a: {  	[tilespmem:v6+s17+$0x0] =	vst.idx.add.f32.msk $0xffff, v5  }
0x16b: {  	v6 =	vld [tilespmem:$0x17E20];
	_ =	sdelay $0x7  }
0x16c: {  	[tilespmem:v6+s17+$0x0] =	vst.idx.add.f32.msk $0xffff, v5  }
0x16d: {  	v6 =	vld [tilespmem:$0x17E30];
	_ =	sdelay $0x7  }
0x16e: {  	[tilespmem:v6+s17+$0x0] =	vst.idx.add.f32.msk $0xffff, v5  }
0x16f: {  	v6 =	vld [tilespmem:$0x17E40];
	_ =	sdelay $0x7  }
0x170: {  	[tilespmem:v6+s17+$0x0] =	vst.idx.add.f32.msk $0xffff, v5  }
0x171: {  	v6 =	vld [tilespmem:$0x17E50];
	_ =	sdelay $0x7  }
0x172: {  	[tilespmem:v6+s17+$0x0] =	vst.idx.add.f32.msk $0xffff, v5  }
0x173: {  	v6 =	vld [tilespmem:$0x17E60];
	_ =	sdelay $0x7  }
0x174: {  	[tilespmem:v6+s17+$0x0] =	vst.idx.add.f32.msk $0xffff, v5  }
0x175: {  	v6 =	vld [tilespmem:$0x17E6D];
	_ =	sdelay $0x7  }
0x176: {  	[tilespmem:v6+s17+$0x0] =	vst.idx.add.f32.msk vm0, v5  }
0x177: {  	v6 =	vld [tilespmem:$0x17E80];
	_ =	sdelay $0x7  }
0x178: {  	[tilespmem:v6+s17+$0x0] =	vst.idx.add.f32.msk $0xffff, v5  }
0x179: {  	v6 =	vld [tilespmem:$0x17E90];
	_ =	sdelay $0x7  }
0x17a: {  	[tilespmem:v6+s17+$0x0] =	vst.idx.add.f32.msk $0xffff, v5  }
0x17b: {  	v6 =	vld [tilespmem:$0x17EA0];
	_ =	sdelay $0x7  }
0x17c: {  	[tilespmem:v6+s17+$0x0] =	vst.idx.add.f32.msk $0xffff, v5  }
0x17d: {  	v6 =	vld [tilespmem:$0x17EB0];
	_ =	sdelay $0x7  }
0x17e: {  	[tilespmem:v6+s17+$0x0] =	vst.idx.add.f32.msk $0xffff, v5  }
0x17f: {  	v6 =	vld [tilespmem:$0x17EC0];
	_ =	sdelay $0x7  }
0x180: {  	[tilespmem:v6+s17+$0x0] =	vst.idx.add.f32.msk $0xffff, v5  }
0x181: {  	v6 =	vld [tilespmem:$0x17ED0];
	_ =	sdelay $0x7  }
0x182: {  	[tilespmem:v6+s17+$0x0] =	vst.idx.add.f32.msk $0xffff, v5  }
0x183: {  	v6 =	vld [tilespmem:$0x17EE0];
	_ =	sdelay $0x7  }
0x184: {  	[tilespmem:v6+s17+$0x0] =	vst.idx.add.f32.msk $0xffff, v5  }
0x185: {  	v6 =	vld [tilespmem:$0x17EED];
	_ =	sdelay $0x7  }
0x186: {  	[tilespmem:v6+s17+$0x0] =	vst.idx.add.f32.msk vm0, v5  }
0x187: {  	v6 =	vld [tilespmem:$0x17F00];
	_ =	sdelay $0x7  }
0x188: {  	[tilespmem:v6+s17+$0x0] =	vst.idx.add.f32.msk $0xffff, v5  }
0x189: {  	v6 =	vld [tilespmem:$0x17F10];
	_ =	sdelay $0x7  }
0x18a: {  	[tilespmem:v6+s17+$0x0] =	vst.idx.add.f32.msk $0xffff, v5  }
0x18b: {  	v6 =	vld [tilespmem:$0x17F20];
	_ =	sdelay $0x7  }
0x18c: {  	[tilespmem:v6+s17+$0x0] =	vst.idx.add.f32.msk $0xffff, v5  }
0x18d: {  	v6 =	vld [tilespmem:$0x17F30];
	_ =	sdelay $0x7  }
0x18e: {  	[tilespmem:v6+s17+$0x0] =	vst.idx.add.f32.msk $0xffff, v5  }
0x18f: {  	v6 =	vld [tilespmem:$0x17F40];
	_ =	sdelay $0x7  }
0x190: {  	[tilespmem:v6+s17+$0x0] =	vst.idx.add.f32.msk $0xffff, v5  }
0x191: {  	v6 =	vld [tilespmem:$0x17F50];
	_ =	sdelay $0x7  }
0x192: {  	[tilespmem:v6+s17+$0x0] =	vst.idx.add.f32.msk $0xffff, v5  }
0x193: {  	v6 =	vld [tilespmem:$0x17F60];
	_ =	sdelay $0x7  }
0x194: {  	[tilespmem:v6+s17+$0x0] =	vst.idx.add.f32.msk $0xffff, v5  }
0x195: {  	v6 =	vld [tilespmem:$0x17F6D];
	_ =	sdelay $0x7  }
0x196: {  	[tilespmem:v6+s17+$0x0] =	vst.idx.add.f32.msk vm0, v5  }
0x197: {  	v6 =	vld [tilespmem:$0x17F80];
	_ =	sdelay $0x7  }
0x198: {  	[tilespmem:v6+s17+$0x0] =	vst.idx.add.f32.msk $0xffff, v5  }
0x199: {  	v6 =	vld [tilespmem:$0x17F90];
	_ =	sdelay $0x7  }
0x19a: {  	[tilespmem:v6+s17+$0x0] =	vst.idx.add.f32.msk $0xffff, v5  }
0x19b: {  	v6 =	vld [tilespmem:$0x17FA0];
	_ =	sdelay $0x7  }
0x19c: {  	[tilespmem:v6+s17+$0x0] =	vst.idx.add.f32.msk $0xffff, v5  }
0x19d: {  	v6 =	vld [tilespmem:$0x17FB0];
	_ =	sdelay $0x7  }
0x19e: {  	[tilespmem:v6+s17+$0x0] =	vst.idx.add.f32.msk $0xffff, v5  }
0x19f: {  	v6 =	vld [tilespmem:$0x17FC0];
	_ =	sdelay $0x7  }
0x1a0: {  	[tilespmem:v6+s17+$0x0] =	vst.idx.add.f32.msk $0xffff, v5  }
0x1a1: {  	v6 =	vld [tilespmem:$0x17FD0];
	_ =	sdelay $0x7  }
0x1a2: {  	[tilespmem:v6+s17+$0x0] =	vst.idx.add.f32.msk $0xffff, v5  }
0x1a3: {  	v6 =	vld [tilespmem:$0x17FE0];
	_ =	sdelay $0x7  }
0x1a4: {  	[tilespmem:v6+s17+$0x0] =	vst.idx.add.f32.msk $0xffff, v5  }
0x1a5: {  	v6 =	vld [tilespmem:$0x17FED];
	_ =	sdelay $0x7  }
0x1a6: {  	[tilespmem:v6+s17+$0x0] =	vst.idx.add.f32.msk vm0, v5  }
0x1a7: {  	v6 =	vld [tilespmem:$0x18000];
	_ =	sdelay $0x7  }
0x1a8: {  	[tilespmem:v6+s17+$0x0] =	vst.idx.add.f32.msk $0xffff, v5  }
0x1a9: {  	v6 =	vld [tilespmem:$0x18010];
	_ =	sdelay $0x7  }
0x1aa: {  	[tilespmem:v6+s17+$0x0] =	vst.idx.add.f32.msk $0xffff, v5  }
0x1ab: {  	v6 =	vld [tilespmem:$0x18020];
	_ =	sdelay $0x7  }
0x1ac: {  	[tilespmem:v6+s17+$0x0] =	vst.idx.add.f32.msk $0xffff, v5  }
0x1ad: {  	v6 =	vld [tilespmem:$0x18030];
	_ =	sdelay $0x7  }
0x1ae: {  	[tilespmem:v6+s17+$0x0] =	vst.idx.add.f32.msk $0xffff, v5  }
0x1af: {  	v6 =	vld [tilespmem:$0x18040];
	_ =	sdelay $0x7  }
0x1b0: {  	[tilespmem:v6+s17+$0x0] =	vst.idx.add.f32.msk $0xffff, v5  }
0x1b1: {  	v6 =	vld [tilespmem:$0x18050];
	_ =	sdelay $0x7  }
0x1b2: {  	[tilespmem:v6+s17+$0x0] =	vst.idx.add.f32.msk $0xffff, v5  }
0x1b3: {  	v6 =	vld [tilespmem:$0x18060];
	_ =	sdelay $0x7  }
0x1b4: {  	[tilespmem:v6+s17+$0x0] =	vst.idx.add.f32.msk $0xffff, v5  }
0x1b5: {  	v6 =	vld [tilespmem:$0x1806D];
	_ =	sdelay $0x7  }
0x1b6: {  	[tilespmem:v6+s17+$0x0] =	vst.idx.add.f32.msk vm0, v5  }
0x1b7: {  	v6 =	vld [tilespmem:$0x18080];
	_ =	sdelay $0x7  }
0x1b8: {  	[tilespmem:v6+s17+$0x0] =	vst.idx.add.f32.msk $0xffff, v5  }
0x1b9: {  	v6 =	vld [tilespmem:$0x18090];
	_ =	sdelay $0x7  }
0x1ba: {  	[tilespmem:v6+s17+$0x0] =	vst.idx.add.f32.msk $0xffff, v5  }
0x1bb: {  	v6 =	vld [tilespmem:$0x180A0];
	_ =	sdelay $0x7  }
0x1bc: {  	[tilespmem:v6+s17+$0x0] =	vst.idx.add.f32.msk $0xffff, v5  }
0x1bd: {  	v6 =	vld [tilespmem:$0x180B0];
	_ =	sdelay $0x7  }
0x1be: {  	[tilespmem:v6+s17+$0x0] =	vst.idx.add.f32.msk $0xffff, v5  }
0x1bf: {  	v6 =	vld [tilespmem:$0x180C0];
	_ =	sdelay $0x7  }
0x1c0: {  	[tilespmem:v6+s17+$0x0] =	vst.idx.add.f32.msk $0xffff, v5  }
0x1c1: {  	v6 =	vld [tilespmem:$0x180D0];
	_ =	sdelay $0x7  }
0x1c2: {  	[tilespmem:v6+s17+$0x0] =	vst.idx.add.f32.msk $0xffff, v5  }
0x1c3: {  	v6 =	vld [tilespmem:$0x180E0];
	_ =	sdelay $0x7  }
0x1c4: {  	[tilespmem:v6+s17+$0x0] =	vst.idx.add.f32.msk $0xffff, v5  }
0x1c5: {  	v6 =	vld [tilespmem:$0x180ED];
	_ =	sdelay $0x7  }
0x1c6: {  	[tilespmem:v6+s17+$0x0] =	vst.idx.add.f32.msk vm0, v5  }
0x1c7: {  	v6 =	vld [tilespmem:$0x18100];
	_ =	sdelay $0x7  }
0x1c8: {  	[tilespmem:v6+s17+$0x0] =	vst.idx.add.f32.msk $0xffff, v5  }
0x1c9: {  	v6 =	vld [tilespmem:$0x18110];
	_ =	sdelay $0x7  }
0x1ca: {  	[tilespmem:v6+s17+$0x0] =	vst.idx.add.f32.msk $0xffff, v5  }
0x1cb: {  	v6 =	vld [tilespmem:$0x18120];
	_ =	sdelay $0x7  }
0x1cc: {  	[tilespmem:v6+s17+$0x0] =	vst.idx.add.f32.msk $0xffff, v5  }
0x1cd: {  	v6 =	vld [tilespmem:$0x18130];
	_ =	sdelay $0x7  }
0x1ce: {  	[tilespmem:v6+s17+$0x0] =	vst.idx.add.f32.msk $0xffff, v5  }
0x1cf: {  	v6 =	vld [tilespmem:$0x18140];
	_ =	sdelay $0x7  }
0x1d0: {  	[tilespmem:v6+s17+$0x0] =	vst.idx.add.f32.msk $0xffff, v5  }
0x1d1: {  	v6 =	vld [tilespmem:$0x18150];
	_ =	sdelay $0x7  }
0x1d2: {  	[tilespmem:v6+s17+$0x0] =	vst.idx.add.f32.msk $0xffff, v5  }
0x1d3: {  	v6 =	vld [tilespmem:$0x18160];
	_ =	sdelay $0x7  }
0x1d4: {  	[tilespmem:v6+s17+$0x0] =	vst.idx.add.f32.msk $0xffff, v5  }
0x1d5: {  	v6 =	vld [tilespmem:$0x1816D];
	_ =	sdelay $0x7  }
0x1d6: {  	[tilespmem:v6+s17+$0x0] =	vst.idx.add.f32.msk vm0, v5  }
0x1d7: {  	v6 =	vld [tilespmem:$0x18180];
	_ =	sdelay $0x7  }
0x1d8: {  	[tilespmem:v6+s17+$0x0] =	vst.idx.add.f32.msk $0xffff, v5  }
0x1d9: {  	v6 =	vld [tilespmem:$0x18190];
	_ =	sdelay $0x7  }
0x1da: {  	[tilespmem:v6+s17+$0x0] =	vst.idx.add.f32.msk $0xffff, v5  }
0x1db: {  	v6 =	vld [tilespmem:$0x181A0];
	_ =	sdelay $0x7  }
0x1dc: {  	[tilespmem:v6+s17+$0x0] =	vst.idx.add.f32.msk $0xffff, v5  }
0x1dd: {  	v6 =	vld [tilespmem:$0x181B0];
	_ =	sdelay $0x7  }
0x1de: {  	[tilespmem:v6+s17+$0x0] =	vst.idx.add.f32.msk $0xffff, v5  }
0x1df: {  	v6 =	vld [tilespmem:$0x181C0];
	_ =	sdelay $0x7  }
0x1e0: {  	[tilespmem:v6+s17+$0x0] =	vst.idx.add.f32.msk $0xffff, v5  }
0x1e1: {  	v6 =	vld [tilespmem:$0x181D0];
	_ =	sdelay $0x7  }
0x1e2: {  	[tilespmem:v6+s17+$0x0] =	vst.idx.add.f32.msk $0xffff, v5  }
0x1e3: {  	v6 =	vld [tilespmem:$0x181E0];
	_ =	sdelay $0x7  }
0x1e4: {  	[tilespmem:v6+s17+$0x0] =	vst.idx.add.f32.msk $0xffff, v5  }
0x1e5: {  	v6 =	vld [tilespmem:$0x181ED];
	_ =	sdelay $0x7  }
0x1e6: {  	[tilespmem:v6+s17+$0x0] =	vst.idx.add.f32.msk vm0, v5  }
0x1e7: {  	v6 =	vld [tilespmem:$0x18200];
	_ =	sdelay $0x7  }
0x1e8: {  	[tilespmem:v6+s17+$0x0] =	vst.idx.add.f32.msk $0xffff, v5  }
0x1e9: {  	v6 =	vld [tilespmem:$0x18210];
	_ =	sdelay $0x7  }
0x1ea: {  	[tilespmem:v6+s17+$0x0] =	vst.idx.add.f32.msk $0xffff, v5  }
0x1eb: {  	v6 =	vld [tilespmem:$0x18220];
	_ =	sdelay $0x7  }
0x1ec: {  	[tilespmem:v6+s17+$0x0] =	vst.idx.add.f32.msk $0xffff, v5  }
0x1ed: {  	v6 =	vld [tilespmem:$0x18230];
	_ =	sdelay $0x7  }
0x1ee: {  	[tilespmem:v6+s17+$0x0] =	vst.idx.add.f32.msk $0xffff, v5  }
0x1ef: {  	v6 =	vld [tilespmem:$0x18240];
	_ =	sdelay $0x7  }
0x1f0: {  	[tilespmem:v6+s17+$0x0] =	vst.idx.add.f32.msk $0xffff, v5  }
0x1f1: {  	v6 =	vld [tilespmem:$0x18250];
	_ =	sdelay $0x7  }
0x1f2: {  	[tilespmem:v6+s17+$0x0] =	vst.idx.add.f32.msk $0xffff, v5  }
0x1f3: {  	v6 =	vld [tilespmem:$0x18260];
	_ =	sdelay $0x7  }
0x1f4: {  	[tilespmem:v6+s17+$0x0] =	vst.idx.add.f32.msk $0xffff, v5  }
0x1f5: {  	v6 =	vld [tilespmem:$0x1826D];
	_ =	sdelay $0x7  }
0x1f6: {  	[tilespmem:v6+s17+$0x0] =	vst.idx.add.f32.msk vm0, v5  }
0x1f7: {  	v6 =	vld [tilespmem:$0x18280];
	_ =	sdelay $0x7  }
0x1f8: {  	[tilespmem:v6+s17+$0x0] =	vst.idx.add.f32.msk $0xffff, v5  }
0x1f9: {  	v6 =	vld [tilespmem:$0x18290];
	_ =	sdelay $0x7  }
0x1fa: {  	[tilespmem:v6+s17+$0x0] =	vst.idx.add.f32.msk $0xffff, v5  }
0x1fb: {  	v6 =	vld [tilespmem:$0x182A0];
	_ =	sdelay $0x7  }
0x1fc: {  	[tilespmem:v6+s17+$0x0] =	vst.idx.add.f32.msk $0xffff, v5  }
0x1fd: {  	v6 =	vld [tilespmem:$0x182B0];
	_ =	sdelay $0x7  }
0x1fe: {  	[tilespmem:v6+s17+$0x0] =	vst.idx.add.f32.msk $0xffff, v5  }
0x1ff: {  	v6 =	vld [tilespmem:$0x182C0];
	_ =	sdelay $0x7  }
0x200: {  	[tilespmem:v6+s17+$0x0] =	vst.idx.add.f32.msk $0xffff, v5  }
0x201: {  	v6 =	vld [tilespmem:$0x182D0];
	_ =	sdelay $0x7  }
0x202: {  	[tilespmem:v6+s17+$0x0] =	vst.idx.add.f32.msk $0xffff, v5  }
0x203: {  	v6 =	vld [tilespmem:$0x182E0];
	_ =	sdelay $0x7  }
0x204: {  	[tilespmem:v6+s17+$0x0] =	vst.idx.add.f32.msk $0xffff, v5  }
0x205: {  	v6 =	vld [tilespmem:$0x182ED];
	_ =	sdelay $0x7  }
0x206: {  	[tilespmem:v6+s17+$0x0] =	vst.idx.add.f32.msk vm0, v5  }
0x207: {  	v6 =	vld [tilespmem:$0x18300];
	_ =	sdelay $0x7  }
0x208: {  	[tilespmem:v6+s17+$0x0] =	vst.idx.add.f32.msk $0xffff, v5  }
0x209: {  	v6 =	vld [tilespmem:$0x18310];
	_ =	sdelay $0x7  }
0x20a: {  	[tilespmem:v6+s17+$0x0] =	vst.idx.add.f32.msk $0xffff, v5  }
0x20b: {  	v6 =	vld [tilespmem:$0x18320];
	_ =	sdelay $0x7  }
0x20c: {  	[tilespmem:v6+s17+$0x0] =	vst.idx.add.f32.msk $0xffff, v5  }
0x20d: {  	v6 =	vld [tilespmem:$0x18330];
	_ =	sdelay $0x7  }
0x20e: {  	[tilespmem:v6+s17+$0x0] =	vst.idx.add.f32.msk $0xffff, v5  }
0x20f: {  	v6 =	vld [tilespmem:$0x18340];
	_ =	sdelay $0x7  }
0x210: {  	[tilespmem:v6+s17+$0x0] =	vst.idx.add.f32.msk $0xffff, v5  }
0x211: {  	v6 =	vld [tilespmem:$0x18350];
	_ =	sdelay $0x7  }
0x212: {  	[tilespmem:v6+s17+$0x0] =	vst.idx.add.f32.msk $0xffff, v5  }
0x213: {  	v6 =	vld [tilespmem:$0x18360];
	_ =	sdelay $0x7  }
0x214: {  	[tilespmem:v6+s17+$0x0] =	vst.idx.add.f32.msk $0xffff, v5  }
0x215: {  	v6 =	vld [tilespmem:$0x1836D];
	_ =	sdelay $0x7  }
0x216: {  	[tilespmem:v6+s17+$0x0] =	vst.idx.add.f32.msk vm0, v5  }
0x217: {  	v6 =	vld [tilespmem:$0x18380];
	_ =	sdelay $0x7  }
0x218: {  	[tilespmem:v6+s17+$0x0] =	vst.idx.add.f32.msk $0xffff, v5  }
0x219: {  	v6 =	vld [tilespmem:$0x18390];
	_ =	sdelay $0x7  }
0x21a: {  	[tilespmem:v6+s17+$0x0] =	vst.idx.add.f32.msk $0xffff, v5  }
0x21b: {  	v6 =	vld [tilespmem:$0x183A0];
	_ =	sdelay $0x7  }
0x21c: {  	[tilespmem:v6+s17+$0x0] =	vst.idx.add.f32.msk $0xffff, v5  }
0x21d: {  	v6 =	vld [tilespmem:$0x183B0];
	_ =	sdelay $0x7  }
0x21e: {  	[tilespmem:v6+s17+$0x0] =	vst.idx.add.f32.msk $0xffff, v5  }
0x21f: {  	v6 =	vld [tilespmem:$0x183C0];
	_ =	sdelay $0x7  }
0x220: {  	[tilespmem:v6+s17+$0x0] =	vst.idx.add.f32.msk $0xffff, v5  }
0x221: {  	v6 =	vld [tilespmem:$0x183D0];
	_ =	sdelay $0x7  }
0x222: {  	[tilespmem:v6+s17+$0x0] =	vst.idx.add.f32.msk $0xffff, v5  }
0x223: {  	v6 =	vld [tilespmem:$0x183E0];
	_ =	sdelay $0x7  }
0x224: {  	[tilespmem:v6+s17+$0x0] =	vst.idx.add.f32.msk $0xffff, v5  }
0x225: {  	v6 =	vld [tilespmem:$0x183ED];
	_ =	sdelay $0x7  }
0x226: {  	[tilespmem:v6+s17+$0x0] =	vst.idx.add.f32.msk vm0, v5  }
0x227: {  	v6 =	vld [tilespmem:$0x18400];
	_ =	sdelay $0x7  }
0x228: {  	[tilespmem:v6+s17+$0x0] =	vst.idx.add.f32.msk $0xffff, v5  }
0x229: {  	v6 =	vld [tilespmem:$0x18410];
	_ =	sdelay $0x7  }
0x22a: {  	[tilespmem:v6+s17+$0x0] =	vst.idx.add.f32.msk $0xffff, v5  }
0x22b: {  	v6 =	vld [tilespmem:$0x18420];
	_ =	sdelay $0x7  }
0x22c: {  	[tilespmem:v6+s17+$0x0] =	vst.idx.add.f32.msk $0xffff, v5  }
0x22d: {  	v6 =	vld [tilespmem:$0x18430];
	_ =	sdelay $0x7  }
0x22e: {  	[tilespmem:v6+s17+$0x0] =	vst.idx.add.f32.msk $0xffff, v5  }
0x22f: {  	v6 =	vld [tilespmem:$0x18440];
	_ =	sdelay $0x7  }
0x230: {  	[tilespmem:v6+s17+$0x0] =	vst.idx.add.f32.msk $0xffff, v5  }
0x231: {  	v6 =	vld [tilespmem:$0x18450];
	_ =	sdelay $0x7  }
0x232: {  	[tilespmem:v6+s17+$0x0] =	vst.idx.add.f32.msk $0xffff, v5  }
0x233: {  	v6 =	vld [tilespmem:$0x18460];
	_ =	sdelay $0x7  }
0x234: {  	[tilespmem:v6+s17+$0x0] =	vst.idx.add.f32.msk $0xffff, v5  }
0x235: {  	v6 =	vld [tilespmem:$0x1846D];
	_ =	sdelay $0x7  }
0x236: {  	[tilespmem:v6+s17+$0x0] =	vst.idx.add.f32.msk vm0, v5  }
0x237: {  	v6 =	vld [tilespmem:$0x18480];
	_ =	sdelay $0x7  }
0x238: {  	[tilespmem:v6+s17+$0x0] =	vst.idx.add.f32.msk $0xffff, v5  }
0x239: {  	v6 =	vld [tilespmem:$0x18490];
	_ =	sdelay $0x7  }
0x23a: {  	[tilespmem:v6+s17+$0x0] =	vst.idx.add.f32.msk $0xffff, v5  }
0x23b: {  	v6 =	vld [tilespmem:$0x184A0];
	_ =	sdelay $0x7  }
0x23c: {  	[tilespmem:v6+s17+$0x0] =	vst.idx.add.f32.msk $0xffff, v5  }
0x23d: {  	v6 =	vld [tilespmem:$0x184B0];
	_ =	sdelay $0x7  }
0x23e: {  	[tilespmem:v6+s17+$0x0] =	vst.idx.add.f32.msk $0xffff, v5  }
0x23f: {  	v6 =	vld [tilespmem:$0x184C0];
	_ =	sdelay $0x7  }
0x240: {  	[tilespmem:v6+s17+$0x0] =	vst.idx.add.f32.msk $0xffff, v5  }
0x241: {  	v6 =	vld [tilespmem:$0x184D0];
	_ =	sdelay $0x7  }
0x242: {  	[tilespmem:v6+s17+$0x0] =	vst.idx.add.f32.msk $0xffff, v5  }
0x243: {  	v6 =	vld [tilespmem:$0x184E0];
	_ =	sdelay $0x7  }
0x244: {  	[tilespmem:v6+s17+$0x0] =	vst.idx.add.f32.msk $0xffff, v5  }
0x245: {  	v6 =	vld [tilespmem:$0x184ED];
	_ =	sdelay $0x7  }
0x246: {  	[tilespmem:v6+s17+$0x0] =	vst.idx.add.f32.msk vm0, v5  }
0x247: {  	v6 =	vld [tilespmem:$0x18500];
	_ =	sdelay $0x7  }
0x248: {  	[tilespmem:v6+s17+$0x0] =	vst.idx.add.f32.msk $0xffff, v5  }
0x249: {  	v6 =	vld [tilespmem:$0x18510];
	_ =	sdelay $0x7  }
0x24a: {  	[tilespmem:v6+s17+$0x0] =	vst.idx.add.f32.msk $0xffff, v5  }
0x24b: {  	v6 =	vld [tilespmem:$0x18520];
	_ =	sdelay $0x7  }
0x24c: {  	[tilespmem:v6+s17+$0x0] =	vst.idx.add.f32.msk $0xffff, v5  }
0x24d: {  	v6 =	vld [tilespmem:$0x18530];
	_ =	sdelay $0x7  }
0x24e: {  	[tilespmem:v6+s17+$0x0] =	vst.idx.add.f32.msk $0xffff, v5  }
0x24f: {  	v6 =	vld [tilespmem:$0x18540];
	_ =	sdelay $0x7  }
0x250: {  	[tilespmem:v6+s17+$0x0] =	vst.idx.add.f32.msk $0xffff, v5  }
0x251: {  	v6 =	vld [tilespmem:$0x18550];
	_ =	sdelay $0x7  }
0x252: {  	[tilespmem:v6+s17+$0x0] =	vst.idx.add.f32.msk $0xffff, v5  }
0x253: {  	v6 =	vld [tilespmem:$0x18560];
	_ =	sdelay $0x7  }
0x254: {  	[tilespmem:v6+s17+$0x0] =	vst.idx.add.f32.msk $0xffff, v5  }
0x255: {  	v6 =	vld [tilespmem:$0x1856D];
	_ =	sdelay $0x7  }
0x256: {  	[tilespmem:v6+s17+$0x0] =	vst.idx.add.f32.msk vm0, v5  }
0x257: {  	v6 =	vld [tilespmem:$0x18580];
	_ =	sdelay $0x7  }
0x258: {  	[tilespmem:v6+s17+$0x0] =	vst.idx.add.f32.msk $0xffff, v5  }
0x259: {  	v6 =	vld [tilespmem:$0x18590];
	_ =	sdelay $0x7  }
0x25a: {  	[tilespmem:v6+s17+$0x0] =	vst.idx.add.f32.msk $0xffff, v5  }
0x25b: {  	v6 =	vld [tilespmem:$0x185A0];
	_ =	sdelay $0x7  }
0x25c: {  	[tilespmem:v6+s17+$0x0] =	vst.idx.add.f32.msk $0xffff, v5  }
0x25d: {  	v6 =	vld [tilespmem:$0x185B0];
	_ =	sdelay $0x7  }
0x25e: {  	[tilespmem:v6+s17+$0x0] =	vst.idx.add.f32.msk $0xffff, v5  }
0x25f: {  	v6 =	vld [tilespmem:$0x185C0];
	_ =	sdelay $0x7  }
0x260: {  	[tilespmem:v6+s17+$0x0] =	vst.idx.add.f32.msk $0xffff, v5  }
0x261: {  	v6 =	vld [tilespmem:$0x185D0];
	_ =	sdelay $0x7  }
0x262: {  	[tilespmem:v6+s17+$0x0] =	vst.idx.add.f32.msk $0xffff, v5  }
0x263: {  	v6 =	vld [tilespmem:$0x185E0];
	_ =	sdelay $0x7  }
0x264: {  	[tilespmem:v6+s17+$0x0] =	vst.idx.add.f32.msk $0xffff, v5  }
0x265: {  	v6 =	vld [tilespmem:$0x185ED];
	_ =	sdelay $0x7  }
0x266: {  	[tilespmem:v6+s17+$0x0] =	vst.idx.add.f32.msk vm0, v5  }
0x267: {  	v6 =	vld [tilespmem:$0x18600];
	_ =	sdelay $0x7  }
0x268: {  	[tilespmem:v6+s17+$0x0] =	vst.idx.add.f32.msk $0xffff, v5  }
0x269: {  	v6 =	vld [tilespmem:$0x18610];
	_ =	sdelay $0x7  }
0x26a: {  	[tilespmem:v6+s17+$0x0] =	vst.idx.add.f32.msk $0xffff, v5  }
0x26b: {  	v6 =	vld [tilespmem:$0x18620];
	_ =	sdelay $0x7  }
0x26c: {  	[tilespmem:v6+s17+$0x0] =	vst.idx.add.f32.msk $0xffff, v5  }
0x26d: {  	v6 =	vld [tilespmem:$0x18630];
	_ =	sdelay $0x7  }
0x26e: {  	[tilespmem:v6+s17+$0x0] =	vst.idx.add.f32.msk $0xffff, v5  }
0x26f: {  	v6 =	vld [tilespmem:$0x18640];
	_ =	sdelay $0x7  }
0x270: {  	[tilespmem:v6+s17+$0x0] =	vst.idx.add.f32.msk $0xffff, v5  }
0x271: {  	v6 =	vld [tilespmem:$0x18650];
	_ =	sdelay $0x7  }
0x272: {  	[tilespmem:v6+s17+$0x0] =	vst.idx.add.f32.msk $0xffff, v5  }
0x273: {  	v6 =	vld [tilespmem:$0x18660];
	_ =	sdelay $0x7  }
0x274: {  	[tilespmem:v6+s17+$0x0] =	vst.idx.add.f32.msk $0xffff, v5  }
0x275: {  	v6 =	vld [tilespmem:$0x1866D];
	_ =	sdelay $0x7  }
0x276: {  	[tilespmem:v6+s17+$0x0] =	vst.idx.add.f32.msk vm0, v5  }
0x277: {  	v6 =	vld [tilespmem:$0x18680];
	_ =	sdelay $0x7  }
0x278: {  	[tilespmem:v6+s17+$0x0] =	vst.idx.add.f32.msk $0xffff, v5  }
0x279: {  	v6 =	vld [tilespmem:$0x18690];
	_ =	sdelay $0x7  }
0x27a: {  	[tilespmem:v6+s17+$0x0] =	vst.idx.add.f32.msk $0xffff, v5  }
0x27b: {  	v6 =	vld [tilespmem:$0x186A0];
	_ =	sdelay $0x7  }
0x27c: {  	[tilespmem:v6+s17+$0x0] =	vst.idx.add.f32.msk $0xffff, v5  }
0x27d: {  	v6 =	vld [tilespmem:$0x186B0];
	_ =	sdelay $0x7  }
0x27e: {  	[tilespmem:v6+s17+$0x0] =	vst.idx.add.f32.msk $0xffff, v5  }
0x27f: {  	v6 =	vld [tilespmem:$0x186C0];
	_ =	sdelay $0x7  }
0x280: {  	[tilespmem:v6+s17+$0x0] =	vst.idx.add.f32.msk $0xffff, v5  }
0x281: {  	v6 =	vld [tilespmem:$0x186D0];
	_ =	sdelay $0x7  }
0x282: {  	[tilespmem:v6+s17+$0x0] =	vst.idx.add.f32.msk $0xffff, v5  }
0x283: {  	v6 =	vld [tilespmem:$0x186E0];
	_ =	sdelay $0x7  }
0x284: {  	[tilespmem:v6+s17+$0x0] =	vst.idx.add.f32.msk $0xffff, v5  }
0x285: {  	v6 =	vld [tilespmem:$0x186ED];
	_ =	sdelay $0x7  }
0x286: {  	[tilespmem:v6+s17+$0x0] =	vst.idx.add.f32.msk vm0, v5  }
0x287: {  	v6 =	vld [tilespmem:$0x18700];
	_ =	sdelay $0x7  }
0x288: {  	[tilespmem:v6+s17+$0x0] =	vst.idx.add.f32.msk $0xffff, v5  }
0x289: {  	v6 =	vld [tilespmem:$0x18710];
	_ =	sdelay $0x7  }
0x28a: {  	[tilespmem:v6+s17+$0x0] =	vst.idx.add.f32.msk $0xffff, v5  }
0x28b: {  	v6 =	vld [tilespmem:$0x18720];
	_ =	sdelay $0x7  }
0x28c: {  	[tilespmem:v6+s17+$0x0] =	vst.idx.add.f32.msk $0xffff, v5  }
0x28d: {  	v6 =	vld [tilespmem:$0x18730];
	_ =	sdelay $0x7  }
0x28e: {  	[tilespmem:v6+s17+$0x0] =	vst.idx.add.f32.msk $0xffff, v5  }
0x28f: {  	v6 =	vld [tilespmem:$0x18740];
	_ =	sdelay $0x7  }
0x290: {  	[tilespmem:v6+s17+$0x0] =	vst.idx.add.f32.msk $0xffff, v5  }
0x291: {  	v6 =	vld [tilespmem:$0x18750];
	_ =	sdelay $0x7  }
0x292: {  	[tilespmem:v6+s17+$0x0] =	vst.idx.add.f32.msk $0xffff, v5  }
0x293: {  	v6 =	vld [tilespmem:$0x18760];
	_ =	sdelay $0x7  }
0x294: {  	[tilespmem:v6+s17+$0x0] =	vst.idx.add.f32.msk $0xffff, v5  }
0x295: {  	v6 =	vld [tilespmem:$0x1876D];
	_ =	sdelay $0x7  }
0x296: {  	[tilespmem:v6+s17+$0x0] =	vst.idx.add.f32.msk vm0, v5  }
0x297: {  	v6 =	vld [tilespmem:$0x18780];
	_ =	sdelay $0x7  }
0x298: {  	[tilespmem:v6+s17+$0x0] =	vst.idx.add.f32.msk $0xffff, v5  }
0x299: {  	v6 =	vld [tilespmem:$0x18790];
	_ =	sdelay $0x7  }
0x29a: {  	[tilespmem:v6+s17+$0x0] =	vst.idx.add.f32.msk $0xffff, v5  }
0x29b: {  	v6 =	vld [tilespmem:$0x187A0];
	_ =	sdelay $0x7  }
0x29c: {  	[tilespmem:v6+s17+$0x0] =	vst.idx.add.f32.msk $0xffff, v5  }
0x29d: {  	v6 =	vld [tilespmem:$0x187B0];
	_ =	sdelay $0x7  }
0x29e: {  	[tilespmem:v6+s17+$0x0] =	vst.idx.add.f32.msk $0xffff, v5  }
0x29f: {  	v6 =	vld [tilespmem:$0x187C0];
	_ =	sdelay $0x7  }
0x2a0: {  	[tilespmem:v6+s17+$0x0] =	vst.idx.add.f32.msk $0xffff, v5  }
0x2a1: {  	v6 =	vld [tilespmem:$0x187D0];
	_ =	sdelay $0x7  }
0x2a2: {  	[tilespmem:v6+s17+$0x0] =	vst.idx.add.f32.msk $0xffff, v5  }
0x2a3: {  	v6 =	vld [tilespmem:$0x187E0];
	_ =	sdelay $0x7  }
0x2a4: {  	[tilespmem:v6+s17+$0x0] =	vst.idx.add.f32.msk $0xffff, v5  }
0x2a5: {  	v6 =	vld [tilespmem:$0x187ED];
	_ =	sdelay $0x7  }
0x2a6: {  	[tilespmem:v6+s17+$0x0] =	vst.idx.add.f32.msk vm0, v5  }
0x2a7: {  	v6 =	vld [tilespmem:$0x18800];
	_ =	sdelay $0x7  }
0x2a8: {  	[tilespmem:v6+s17+$0x0] =	vst.idx.add.f32.msk $0xffff, v5  }
0x2a9: {  	v6 =	vld [tilespmem:$0x18810];
	_ =	sdelay $0x7  }
0x2aa: {  	[tilespmem:v6+s17+$0x0] =	vst.idx.add.f32.msk $0xffff, v5  }
0x2ab: {  	v6 =	vld [tilespmem:$0x18820];
	_ =	sdelay $0x7  }
0x2ac: {  	[tilespmem:v6+s17+$0x0] =	vst.idx.add.f32.msk $0xffff, v5  }
0x2ad: {  	v6 =	vld [tilespmem:$0x18830];
	_ =	sdelay $0x7  }
0x2ae: {  	[tilespmem:v6+s17+$0x0] =	vst.idx.add.f32.msk $0xffff, v5  }
0x2af: {  	v6 =	vld [tilespmem:$0x18840];
	_ =	sdelay $0x7  }
0x2b0: {  	[tilespmem:v6+s17+$0x0] =	vst.idx.add.f32.msk $0xffff, v5  }
0x2b1: {  	v6 =	vld [tilespmem:$0x18850];
	_ =	sdelay $0x7  }
0x2b2: {  	[tilespmem:v6+s17+$0x0] =	vst.idx.add.f32.msk $0xffff, v5  }
0x2b3: {  	v6 =	vld [tilespmem:$0x18860];
	_ =	sdelay $0x7  }
0x2b4: {  	[tilespmem:v6+s17+$0x0] =	vst.idx.add.f32.msk $0xffff, v5  }
0x2b5: {  	v6 =	vld [tilespmem:$0x1886D];
	_ =	sdelay $0x7  }
0x2b6: {  	[tilespmem:v6+s17+$0x0] =	vst.idx.add.f32.msk vm0, v5  }
0x2b7: {  	v6 =	vld [tilespmem:$0x18880];
	_ =	sdelay $0x7  }
0x2b8: {  	[tilespmem:v6+s17+$0x0] =	vst.idx.add.f32.msk $0xffff, v5  }
0x2b9: {  	v6 =	vld [tilespmem:$0x18890];
	_ =	sdelay $0x7  }
0x2ba: {  	[tilespmem:v6+s17+$0x0] =	vst.idx.add.f32.msk $0xffff, v5  }
0x2bb: {  	v6 =	vld [tilespmem:$0x188A0];
	_ =	sdelay $0x7  }
0x2bc: {  	[tilespmem:v6+s17+$0x0] =	vst.idx.add.f32.msk $0xffff, v5  }
0x2bd: {  	v6 =	vld [tilespmem:$0x188B0];
	_ =	sdelay $0x7  }
0x2be: {  	[tilespmem:v6+s17+$0x0] =	vst.idx.add.f32.msk $0xffff, v5  }
0x2bf: {  	v6 =	vld [tilespmem:$0x188C0];
	_ =	sdelay $0x7  }
0x2c0: {  	[tilespmem:v6+s17+$0x0] =	vst.idx.add.f32.msk $0xffff, v5  }
0x2c1: {  	v6 =	vld [tilespmem:$0x188D0];
	_ =	sdelay $0x7  }
0x2c2: {  	[tilespmem:v6+s17+$0x0] =	vst.idx.add.f32.msk $0xffff, v5  }
0x2c3: {  	v6 =	vld [tilespmem:$0x188E0];
	_ =	sdelay $0x7  }
0x2c4: {  	[tilespmem:v6+s17+$0x0] =	vst.idx.add.f32.msk $0xffff, v5  }
0x2c5: {  	v6 =	vld [tilespmem:$0x188ED];
	_ =	sdelay $0x7  }
0x2c6: {  	[tilespmem:v6+s17+$0x0] =	vst.idx.add.f32.msk vm0, v5  }
0x2c7: {  	v6 =	vld [tilespmem:$0x18900];
	_ =	sdelay $0x7  }
0x2c8: {  	[tilespmem:v6+s17+$0x0] =	vst.idx.add.f32.msk $0xffff, v5  }
0x2c9: {  	v6 =	vld [tilespmem:$0x18910];
	_ =	sdelay $0x7  }
0x2ca: {  	[tilespmem:v6+s17+$0x0] =	vst.idx.add.f32.msk $0xffff, v5  }
0x2cb: {  	v6 =	vld [tilespmem:$0x18920];
	_ =	sdelay $0x7  }
0x2cc: {  	[tilespmem:v6+s17+$0x0] =	vst.idx.add.f32.msk $0xffff, v5  }
0x2cd: {  	v6 =	vld [tilespmem:$0x18930];
	_ =	sdelay $0x7  }
0x2ce: {  	[tilespmem:v6+s17+$0x0] =	vst.idx.add.f32.msk $0xffff, v5  }
0x2cf: {  	v6 =	vld [tilespmem:$0x18940];
	_ =	sdelay $0x7  }
0x2d0: {  	[tilespmem:v6+s17+$0x0] =	vst.idx.add.f32.msk $0xffff, v5  }
0x2d1: {  	v6 =	vld [tilespmem:$0x18950];
	_ =	sdelay $0x7  }
0x2d2: {  	[tilespmem:v6+s17+$0x0] =	vst.idx.add.f32.msk $0xffff, v5  }
0x2d3: {  	v6 =	vld [tilespmem:$0x18960];
	_ =	sdelay $0x7  }
0x2d4: {  	[tilespmem:v6+s17+$0x0] =	vst.idx.add.f32.msk $0xffff, v5  }
0x2d5: {  	v6 =	vld [tilespmem:$0x1896D];
	_ =	sdelay $0x7  }
0x2d6: {  	[tilespmem:v6+s17+$0x0] =	vst.idx.add.f32.msk vm0, v5  }
0x2d7: {  	v6 =	vld [tilespmem:$0x18980];
	_ =	sdelay $0x7  }
0x2d8: {  	[tilespmem:v6+s17+$0x0] =	vst.idx.add.f32.msk $0xffff, v5  }
0x2d9: {  	v6 =	vld [tilespmem:$0x18990];
	_ =	sdelay $0x7  }
0x2da: {  	[tilespmem:v6+s17+$0x0] =	vst.idx.add.f32.msk $0xffff, v5  }
0x2db: {  	v6 =	vld [tilespmem:$0x189A0];
	_ =	sdelay $0x7  }
0x2dc: {  	[tilespmem:v6+s17+$0x0] =	vst.idx.add.f32.msk $0xffff, v5  }
0x2dd: {  	v6 =	vld [tilespmem:$0x189B0];
	_ =	sdelay $0x7  }
0x2de: {  	[tilespmem:v6+s17+$0x0] =	vst.idx.add.f32.msk $0xffff, v5  }
0x2df: {  	v6 =	vld [tilespmem:$0x189C0];
	_ =	sdelay $0x7  }
0x2e0: {  	[tilespmem:v6+s17+$0x0] =	vst.idx.add.f32.msk $0xffff, v5  }
0x2e1: {  	v6 =	vld [tilespmem:$0x189D0];
	_ =	sdelay $0x7  }
0x2e2: {  	[tilespmem:v6+s17+$0x0] =	vst.idx.add.f32.msk $0xffff, v5  }
0x2e3: {  	v6 =	vld [tilespmem:$0x189E0];
	_ =	sdelay $0x7  }
0x2e4: {  	[tilespmem:v6+s17+$0x0] =	vst.idx.add.f32.msk $0xffff, v5  }
0x2e5: {  	v6 =	vld [tilespmem:$0x189ED];
	_ =	sdelay $0x7  }
0x2e6: {  	[tilespmem:v6+s17+$0x0] =	vst.idx.add.f32.msk vm0, v5  }
0x2e7: {  	v6 =	vld [tilespmem:$0x18A00];
	_ =	sdelay $0x7  }
0x2e8: {  	[tilespmem:v6+s17+$0x0] =	vst.idx.add.f32.msk $0xffff, v5  }
0x2e9: {  	v6 =	vld [tilespmem:$0x18A10];
	_ =	sdelay $0x7  }
0x2ea: {  	[tilespmem:v6+s17+$0x0] =	vst.idx.add.f32.msk $0xffff, v5  }
0x2eb: {  	v6 =	vld [tilespmem:$0x18A20];
	_ =	sdelay $0x7  }
0x2ec: {  	[tilespmem:v6+s17+$0x0] =	vst.idx.add.f32.msk $0xffff, v5  }
0x2ed: {  	v6 =	vld [tilespmem:$0x18A30];
	_ =	sdelay $0x7  }
0x2ee: {  	[tilespmem:v6+s17+$0x0] =	vst.idx.add.f32.msk $0xffff, v5  }
0x2ef: {  	v6 =	vld [tilespmem:$0x18A40];
	_ =	sdelay $0x7  }
0x2f0: {  	[tilespmem:v6+s17+$0x0] =	vst.idx.add.f32.msk $0xffff, v5  }
0x2f1: {  	v6 =	vld [tilespmem:$0x18A50];
	_ =	sdelay $0x7  }
0x2f2: {  	[tilespmem:v6+s17+$0x0] =	vst.idx.add.f32.msk $0xffff, v5  }
0x2f3: {  	v6 =	vld [tilespmem:$0x18A60];
	_ =	sdelay $0x7  }
0x2f4: {  	[tilespmem:v6+s17+$0x0] =	vst.idx.add.f32.msk $0xffff, v5  }
0x2f5: {  	v6 =	vld [tilespmem:$0x18A6D];
	_ =	sdelay $0x7  }
0x2f6: {  	[tilespmem:v6+s17+$0x0] =	vst.idx.add.f32.msk vm0, v5  }
0x2f7: {  	v6 =	vld [tilespmem:$0x18A80];
	_ =	sdelay $0x7  }
0x2f8: {  	[tilespmem:v6+s17+$0x0] =	vst.idx.add.f32.msk $0xffff, v5  }
0x2f9: {  	v6 =	vld [tilespmem:$0x18A90];
	_ =	sdelay $0x7  }
0x2fa: {  	[tilespmem:v6+s17+$0x0] =	vst.idx.add.f32.msk $0xffff, v5  }
0x2fb: {  	v6 =	vld [tilespmem:$0x18AA0];
	_ =	sdelay $0x7  }
0x2fc: {  	[tilespmem:v6+s17+$0x0] =	vst.idx.add.f32.msk $0xffff, v5  }
0x2fd: {  	v6 =	vld [tilespmem:$0x18AB0];
	_ =	sdelay $0x7  }
0x2fe: {  	[tilespmem:v6+s17+$0x0] =	vst.idx.add.f32.msk $0xffff, v5  }
0x2ff: {  	v6 =	vld [tilespmem:$0x18AC0];
	_ =	sdelay $0x7  }
0x300: {  	[tilespmem:v6+s17+$0x0] =	vst.idx.add.f32.msk $0xffff, v5  }
0x301: {  	v6 =	vld [tilespmem:$0x18AD0];
	_ =	sdelay $0x7  }
0x302: {  	[tilespmem:v6+s17+$0x0] =	vst.idx.add.f32.msk $0xffff, v5  }
0x303: {  	v6 =	vld [tilespmem:$0x18AE0];
	_ =	sdelay $0x7  }
0x304: {  	[tilespmem:v6+s17+$0x0] =	vst.idx.add.f32.msk $0xffff, v5  }
0x305: {  	v6 =	vld [tilespmem:$0x18AED];
	_ =	sdelay $0x7  }
0x306: {  	[tilespmem:v6+s17+$0x0] =	vst.idx.add.f32.msk vm0, v5  }
0x307: {  	v6 =	vld [tilespmem:$0x18B00];
	_ =	sdelay $0x7  }
0x308: {  	[tilespmem:v6+s17+$0x0] =	vst.idx.add.f32.msk $0xffff, v5  }
0x309: {  	v6 =	vld [tilespmem:$0x18B10];
	_ =	sdelay $0x7  }
0x30a: {  	[tilespmem:v6+s17+$0x0] =	vst.idx.add.f32.msk $0xffff, v5  }
0x30b: {  	v6 =	vld [tilespmem:$0x18B20];
	_ =	sdelay $0x7  }
0x30c: {  	[tilespmem:v6+s17+$0x0] =	vst.idx.add.f32.msk $0xffff, v5  }
0x30d: {  	v6 =	vld [tilespmem:$0x18B30];
	_ =	sdelay $0x7  }
0x30e: {  	[tilespmem:v6+s17+$0x0] =	vst.idx.add.f32.msk $0xffff, v5  }
0x30f: {  	v6 =	vld [tilespmem:$0x18B40];
	_ =	sdelay $0x7  }
0x310: {  	[tilespmem:v6+s17+$0x0] =	vst.idx.add.f32.msk $0xffff, v5  }
0x311: {  	v6 =	vld [tilespmem:$0x18B50];
	_ =	sdelay $0x7  }
0x312: {  	[tilespmem:v6+s17+$0x0] =	vst.idx.add.f32.msk $0xffff, v5  }
0x313: {  	v6 =	vld [tilespmem:$0x18B60];
	_ =	sdelay $0x7  }
0x314: {  	[tilespmem:v6+s17+$0x0] =	vst.idx.add.f32.msk $0xffff, v5  }
0x315: {  	v6 =	vld [tilespmem:$0x18B6D];
	_ =	sdelay $0x7  }
0x316: {  	[tilespmem:v6+s17+$0x0] =	vst.idx.add.f32.msk vm0, v5  }
0x317: {  	v6 =	vld [tilespmem:$0x18B80];
	_ =	sdelay $0x7  }
0x318: {  	[tilespmem:v6+s17+$0x0] =	vst.idx.add.f32.msk $0xffff, v5  }
0x319: {  	v6 =	vld [tilespmem:$0x18B90];
	_ =	sdelay $0x7  }
0x31a: {  	[tilespmem:v6+s17+$0x0] =	vst.idx.add.f32.msk $0xffff, v5  }
0x31b: {  	v6 =	vld [tilespmem:$0x18BA0];
	_ =	sdelay $0x7  }
0x31c: {  	[tilespmem:v6+s17+$0x0] =	vst.idx.add.f32.msk $0xffff, v5  }
0x31d: {  	v6 =	vld [tilespmem:$0x18BB0];
	_ =	sdelay $0x7  }
0x31e: {  	[tilespmem:v6+s17+$0x0] =	vst.idx.add.f32.msk $0xffff, v5  }
0x31f: {  	v6 =	vld [tilespmem:$0x18BC0];
	_ =	sdelay $0x7  }
0x320: {  	[tilespmem:v6+s17+$0x0] =	vst.idx.add.f32.msk $0xffff, v5  }
0x321: {  	v6 =	vld [tilespmem:$0x18BD0];
	_ =	sdelay $0x7  }
0x322: {  	[tilespmem:v6+s17+$0x0] =	vst.idx.add.f32.msk $0xffff, v5  }
0x323: {  	v6 =	vld [tilespmem:$0x18BE0];
	_ =	sdelay $0x7  }
0x324: {  	[tilespmem:v6+s17+$0x0] =	vst.idx.add.f32.msk $0xffff, v5  }
0x325: {  	v6 =	vld [tilespmem:$0x18BED];
	_ =	sdelay $0x7  }
0x326: {  	[tilespmem:v6+s17+$0x0] =	vst.idx.add.f32.msk vm0, v5  }
0x327: {  	v6 =	vld [tilespmem:$0x18C00];
	_ =	sdelay $0x7  }
0x328: {  	[tilespmem:v6+s17+$0x0] =	vst.idx.add.f32.msk $0xffff, v5  }
0x329: {  	v6 =	vld [tilespmem:$0x18C10];
	_ =	sdelay $0x7  }
0x32a: {  	[tilespmem:v6+s17+$0x0] =	vst.idx.add.f32.msk $0xffff, v5  }
0x32b: {  	v6 =	vld [tilespmem:$0x18C20];
	_ =	sdelay $0x7  }
0x32c: {  	[tilespmem:v6+s17+$0x0] =	vst.idx.add.f32.msk $0xffff, v5  }
0x32d: {  	v6 =	vld [tilespmem:$0x18C30];
	_ =	sdelay $0x7  }
0x32e: {  	[tilespmem:v6+s17+$0x0] =	vst.idx.add.f32.msk $0xffff, v5  }
0x32f: {  	v6 =	vld [tilespmem:$0x18C40];
	_ =	sdelay $0x7  }
0x330: {  	[tilespmem:v6+s17+$0x0] =	vst.idx.add.f32.msk $0xffff, v5  }
0x331: {  	v6 =	vld [tilespmem:$0x18C50];
	_ =	sdelay $0x7  }
0x332: {  	[tilespmem:v6+s17+$0x0] =	vst.idx.add.f32.msk $0xffff, v5  }
0x333: {  	v6 =	vld [tilespmem:$0x18C60];
	_ =	sdelay $0x7  }
0x334: {  	[tilespmem:v6+s17+$0x0] =	vst.idx.add.f32.msk $0xffff, v5  }
0x335: {  	v6 =	vld [tilespmem:$0x18C6D];
	_ =	sdelay $0x7  }
0x336: {  	[tilespmem:v6+s17+$0x0] =	vst.idx.add.f32.msk vm0, v5  }
0x337: {  	v6 =	vld [tilespmem:$0x18C80];
	_ =	sdelay $0x7  }
0x338: {  	[tilespmem:v6+s17+$0x0] =	vst.idx.add.f32.msk $0xffff, v5  }
0x339: {  	v6 =	vld [tilespmem:$0x18C90];
	_ =	sdelay $0x7  }
0x33a: {  	[tilespmem:v6+s17+$0x0] =	vst.idx.add.f32.msk $0xffff, v5  }
0x33b: {  	v6 =	vld [tilespmem:$0x18CA0];
	_ =	sdelay $0x7  }
0x33c: {  	[tilespmem:v6+s17+$0x0] =	vst.idx.add.f32.msk $0xffff, v5  }
0x33d: {  	v6 =	vld [tilespmem:$0x18CB0];
	_ =	sdelay $0x7  }
0x33e: {  	[tilespmem:v6+s17+$0x0] =	vst.idx.add.f32.msk $0xffff, v5  }
0x33f: {  	v6 =	vld [tilespmem:$0x18CC0];
	_ =	sdelay $0x7  }
0x340: {  	[tilespmem:v6+s17+$0x0] =	vst.idx.add.f32.msk $0xffff, v5  }
0x341: {  	v6 =	vld [tilespmem:$0x18CD0];
	_ =	sdelay $0x7  }
0x342: {  	[tilespmem:v6+s17+$0x0] =	vst.idx.add.f32.msk $0xffff, v5  }
0x343: {  	v6 =	vld [tilespmem:$0x18CE0];
	_ =	sdelay $0x7  }
0x344: {  	[tilespmem:v6+s17+$0x0] =	vst.idx.add.f32.msk $0xffff, v5  }
0x345: {  	v6 =	vld [tilespmem:$0x18CED];
	_ =	sdelay $0x7  }
0x346: {  	[tilespmem:v6+s17+$0x0] =	vst.idx.add.f32.msk vm0, v5  }
0x347: {  	v6 =	vld [tilespmem:$0x18D00];
	_ =	sdelay $0x7  }
0x348: {  	[tilespmem:v6+s17+$0x0] =	vst.idx.add.f32.msk $0xffff, v5  }
0x349: {  	v6 =	vld [tilespmem:$0x18D10];
	_ =	sdelay $0x7  }
0x34a: {  	[tilespmem:v6+s17+$0x0] =	vst.idx.add.f32.msk $0xffff, v5  }
0x34b: {  	v6 =	vld [tilespmem:$0x18D20];
	_ =	sdelay $0x7  }
0x34c: {  	[tilespmem:v6+s17+$0x0] =	vst.idx.add.f32.msk $0xffff, v5  }
0x34d: {  	v6 =	vld [tilespmem:$0x18D30];
	_ =	sdelay $0x7  }
0x34e: {  	[tilespmem:v6+s17+$0x0] =	vst.idx.add.f32.msk $0xffff, v5  }
0x34f: {  	v6 =	vld [tilespmem:$0x18D40];
	_ =	sdelay $0x7  }
0x350: {  	[tilespmem:v6+s17+$0x0] =	vst.idx.add.f32.msk $0xffff, v5  }
0x351: {  	v6 =	vld [tilespmem:$0x18D50];
	_ =	sdelay $0x7  }
0x352: {  	[tilespmem:v6+s17+$0x0] =	vst.idx.add.f32.msk $0xffff, v5  }
0x353: {  	v6 =	vld [tilespmem:$0x18D60];
	_ =	sdelay $0x7  }
0x354: {  	[tilespmem:v6+s17+$0x0] =	vst.idx.add.f32.msk $0xffff, v5  }
0x355: {  	v6 =	vld [tilespmem:$0x18D6D];
	_ =	sdelay $0x7  }
0x356: {  	[tilespmem:v6+s17+$0x0] =	vst.idx.add.f32.msk vm0, v5  }
0x357: {  	v6 =	vld [tilespmem:$0x18D80];
	_ =	sdelay $0x7  }
0x358: {  	[tilespmem:v6+s17+$0x0] =	vst.idx.add.f32.msk $0xffff, v5  }
0x359: {  	v6 =	vld [tilespmem:$0x18D90];
	_ =	sdelay $0x7  }
0x35a: {  	[tilespmem:v6+s17+$0x0] =	vst.idx.add.f32.msk $0xffff, v5  }
0x35b: {  	v6 =	vld [tilespmem:$0x18DA0];
	_ =	sdelay $0x7  }
0x35c: {  	[tilespmem:v6+s17+$0x0] =	vst.idx.add.f32.msk $0xffff, v5  }
0x35d: {  	v6 =	vld [tilespmem:$0x18DB0];
	_ =	sdelay $0x7  }
0x35e: {  	[tilespmem:v6+s17+$0x0] =	vst.idx.add.f32.msk $0xffff, v5  }
0x35f: {  	v6 =	vld [tilespmem:$0x18DC0];
	_ =	sdelay $0x7  }
0x360: {  	[tilespmem:v6+s17+$0x0] =	vst.idx.add.f32.msk $0xffff, v5  }
0x361: {  	v6 =	vld [tilespmem:$0x18DD0];
	_ =	sdelay $0x7  }
0x362: {  	[tilespmem:v6+s17+$0x0] =	vst.idx.add.f32.msk $0xffff, v5  }
0x363: {  	v6 =	vld [tilespmem:$0x18DE0];
	_ =	sdelay $0x7  }
0x364: {  	[tilespmem:v6+s17+$0x0] =	vst.idx.add.f32.msk $0xffff, v5  }
0x365: {  	v6 =	vld [tilespmem:$0x18DED];
	_ =	sdelay $0x7  }
0x366: {  	[tilespmem:v6+s17+$0x0] =	vst.idx.add.f32.msk vm0, v5  }
0x367: {  	v6 =	vld [tilespmem:$0x18E00];
	_ =	sdelay $0x7  }
0x368: {  	[tilespmem:v6+s17+$0x0] =	vst.idx.add.f32.msk $0xffff, v5  }
0x369: {  	v6 =	vld [tilespmem:$0x18E10];
	_ =	sdelay $0x7  }
0x36a: {  	[tilespmem:v6+s17+$0x0] =	vst.idx.add.f32.msk $0xffff, v5  }
0x36b: {  	v6 =	vld [tilespmem:$0x18E20];
	_ =	sdelay $0x7  }
0x36c: {  	[tilespmem:v6+s17+$0x0] =	vst.idx.add.f32.msk $0xffff, v5  }
0x36d: {  	v6 =	vld [tilespmem:$0x18E30];
	_ =	sdelay $0x7  }
0x36e: {  	[tilespmem:v6+s17+$0x0] =	vst.idx.add.f32.msk $0xffff, v5  }
0x36f: {  	v6 =	vld [tilespmem:$0x18E40];
	_ =	sdelay $0x7  }
0x370: {  	[tilespmem:v6+s17+$0x0] =	vst.idx.add.f32.msk $0xffff, v5  }
0x371: {  	v6 =	vld [tilespmem:$0x18E50];
	_ =	sdelay $0x7  }
0x372: {  	[tilespmem:v6+s17+$0x0] =	vst.idx.add.f32.msk $0xffff, v5  }
0x373: {  	v6 =	vld [tilespmem:$0x18E60];
	_ =	sdelay $0x7  }
0x374: {  	[tilespmem:v6+s17+$0x0] =	vst.idx.add.f32.msk $0xffff, v5  }
0x375: {  	v6 =	vld [tilespmem:$0x18E6D];
	_ =	sdelay $0x7  }
0x376: {  	[tilespmem:v6+s17+$0x0] =	vst.idx.add.f32.msk vm0, v5  }
0x377: {  	v6 =	vld [tilespmem:$0x18E80];
	_ =	sdelay $0x7  }
0x378: {  	[tilespmem:v6+s17+$0x0] =	vst.idx.add.f32.msk $0xffff, v5  }
0x379: {  	v6 =	vld [tilespmem:$0x18E90];
	_ =	sdelay $0x7  }
0x37a: {  	[tilespmem:v6+s17+$0x0] =	vst.idx.add.f32.msk $0xffff, v5  }
0x37b: {  	v6 =	vld [tilespmem:$0x18EA0];
	_ =	sdelay $0x7  }
0x37c: {  	[tilespmem:v6+s17+$0x0] =	vst.idx.add.f32.msk $0xffff, v5  }
0x37d: {  	v6 =	vld [tilespmem:$0x18EB0];
	_ =	sdelay $0x7  }
0x37e: {  	[tilespmem:v6+s17+$0x0] =	vst.idx.add.f32.msk $0xffff, v5  }
0x37f: {  	v6 =	vld [tilespmem:$0x18EC0];
	_ =	sdelay $0x7  }
0x380: {  	[tilespmem:v6+s17+$0x0] =	vst.idx.add.f32.msk $0xffff, v5  }
0x381: {  	v6 =	vld [tilespmem:$0x18ED0];
	_ =	sdelay $0x7  }
0x382: {  	[tilespmem:v6+s17+$0x0] =	vst.idx.add.f32.msk $0xffff, v5  }
0x383: {  	v6 =	vld [tilespmem:$0x18EE0];
	_ =	sdelay $0x7  }
0x384: {  	[tilespmem:v6+s17+$0x0] =	vst.idx.add.f32.msk $0xffff, v5  }
0x385: {  	v6 =	vld [tilespmem:$0x18EED];
	_ =	sdelay $0x7  }
0x386: {  	[tilespmem:v6+s17+$0x0] =	vst.idx.add.f32.msk vm0, v5  }
0x387: {  	v6 =	vld [tilespmem:$0x18F00];
	_ =	sdelay $0x7  }
0x388: {  	[tilespmem:v6+s17+$0x0] =	vst.idx.add.f32.msk $0xffff, v5  }
0x389: {  	v6 =	vld [tilespmem:$0x18F10];
	_ =	sdelay $0x7  }
0x38a: {  	[tilespmem:v6+s17+$0x0] =	vst.idx.add.f32.msk $0xffff, v5  }
0x38b: {  	v6 =	vld [tilespmem:$0x18F20];
	_ =	sdelay $0x7  }
0x38c: {  	[tilespmem:v6+s17+$0x0] =	vst.idx.add.f32.msk $0xffff, v5  }
0x38d: {  	v6 =	vld [tilespmem:$0x18F30];
	_ =	sdelay $0x7  }
0x38e: {  	[tilespmem:v6+s17+$0x0] =	vst.idx.add.f32.msk $0xffff, v5  }
0x38f: {  	v6 =	vld [tilespmem:$0x18F40];
	_ =	sdelay $0x7  }
0x390: {  	[tilespmem:v6+s17+$0x0] =	vst.idx.add.f32.msk $0xffff, v5  }
0x391: {  	v6 =	vld [tilespmem:$0x18F50];
	_ =	sdelay $0x7  }
0x392: {  	[tilespmem:v6+s17+$0x0] =	vst.idx.add.f32.msk $0xffff, v5  }
0x393: {  	v6 =	vld [tilespmem:$0x18F60];
	_ =	sdelay $0x7  }
0x394: {  	[tilespmem:v6+s17+$0x0] =	vst.idx.add.f32.msk $0xffff, v5  }
0x395: {  	v6 =	vld [tilespmem:$0x18F6D];
	_ =	sdelay $0x7  }
0x396: {  	[tilespmem:v6+s17+$0x0] =	vst.idx.add.f32.msk vm0, v5  }
0x397: {  	v6 =	vld [tilespmem:$0x18F80];
	_ =	sdelay $0x7  }
0x398: {  	[tilespmem:v6+s17+$0x0] =	vst.idx.add.f32.msk $0xffff, v5  }
0x399: {  	v6 =	vld [tilespmem:$0x18F90];
	_ =	sdelay $0x7  }
0x39a: {  	[tilespmem:v6+s17+$0x0] =	vst.idx.add.f32.msk $0xffff, v5  }
0x39b: {  	v6 =	vld [tilespmem:$0x18FA0];
	_ =	sdelay $0x7  }
0x39c: {  	[tilespmem:v6+s17+$0x0] =	vst.idx.add.f32.msk $0xffff, v5  }
0x39d: {  	v6 =	vld [tilespmem:$0x18FB0];
	_ =	sdelay $0x7  }
0x39e: {  	[tilespmem:v6+s17+$0x0] =	vst.idx.add.f32.msk $0xffff, v5  }
0x39f: {  	v6 =	vld [tilespmem:$0x18FC0];
	_ =	sdelay $0x7  }
0x3a0: {  	[tilespmem:v6+s17+$0x0] =	vst.idx.add.f32.msk $0xffff, v5  }
0x3a1: {  	v6 =	vld [tilespmem:$0x18FD0];
	_ =	sdelay $0x7  }
0x3a2: {  	[tilespmem:v6+s17+$0x0] =	vst.idx.add.f32.msk $0xffff, v5  }
0x3a3: {  	v6 =	vld [tilespmem:$0x18FE0];
	_ =	sdelay $0x7  }
0x3a4: {  	[tilespmem:v6+s17+$0x0] =	vst.idx.add.f32.msk $0xffff, v5  }
0x3a5: {  	v6 =	vld [tilespmem:$0x18FED];
	_ =	sdelay $0x7  }
0x3a6: {  	[tilespmem:v6+s17+$0x0] =	vst.idx.add.f32.msk vm0, v5  }
0x3a7: {  	_ =	swait.ge [sflag:s8], $0x3E80  }
0x3a8: {  	[sflag:s8] =	ssyncset.done $0x0  }
0x3a9: {  	s6 =	simm.s32 $0x0;
	s1 =	sld [smem:$0x7CC];
	[sflag:s8] =	ssyncadd.s32 $0xFFFFC180  }
0x3aa: {  	[spmem:s2] =	stream.indirect.scatter.add.f32 [tilespmem:s6], [sflag:$0x7], $0x40, s3, s19, $0xb8;
	[tilespmem:$0x19680] =	vst v63  }
0x3ab: {  	_ = 	snop  }
0x3ac: {  	[spmem:s2] =	stream.indirect.scatter.add.f32 [tilespmem:s22], [sflag:$0x7], $0x40, s1, s19, $0xb8;
	[tilespmem:$0x19680] =	vst v63  }
0x3ad: {  	_ =	swait.ge [sflag:s23], $0x3E80  }
0x3ae: {  	s4 =	sld [smem:$0x7CD]  }
0x3af: {  	[sflag:s23] =	ssyncset.done $0x0  }
0x3b0: {  	s1 =	simm.s32 $0x3E80;
	s14 =	sld [smem:$0x7CE];
	[sflag:s23] =	ssyncadd.s32 $0xFFFFC180  }
0x3b1: {  	[spmem:s2] =	stream.indirect.scatter.add.f32 [tilespmem:s1], [sflag:$0x8], $0x40, s4, s19, $0xb8;
	[tilespmem:$0x19680] =	vst v63  }
0x3b2: {  	s3 =	simm.s32 $0x5DC0  }
0x3b3: {  	[spmem:s2] =	stream.indirect.scatter.add.f32 [tilespmem:s3], [sflag:$0x8], $0x40, s14, s19, $0xb8;
	[tilespmem:$0x19680] =	vst v63  }
0x3b4: {  	_ =	swait.ge [sflag:s26], $0x3E80  }
0x3b5: {  	s15 =	sld [smem:$0x7CF]  }
0x3b6: {  	[sflag:s26] =	ssyncset.done $0x0  }
0x3b7: {  	s4 =	simm.s32 $0x7D00;
	s16 =	sld [smem:$0x7D0];
	[sflag:s26] =	ssyncadd.s32 $0xFFFFC180  }
0x3b8: {  	[spmem:s2] =	stream.indirect.scatter.add.f32 [tilespmem:s4], [sflag:$0x9], $0x40, s15, s19, $0xb8;
	[tilespmem:$0x19680] =	vst v63  }
0x3b9: {  	_ = 	snop  }
0x3ba: {  	[spmem:s2] =	stream.indirect.scatter.add.f32 [tilespmem:s20], [sflag:$0x9], $0x40, s16, s19, $0xb8;
	[tilespmem:$0x19680] =	vst v63  }
0x3bb: {  	_ =	swait.ge [sflag:s25], $0x1F40  }
0x3bc: {  	[sflag:s25] =	ssyncset.done $0x0  }
0x3bd: {  	[sflag:s25] =	ssyncadd.s32 $0xFFFFE0C0  }
0x3be: {  	_ =	swait.ge [sflag:s25], $0x1F40  }
0x3bf: {  	[sflag:s25] =	ssyncset.done $0x0  }
0x3c0: {  	s14 =	rddreg [dreg:$0xd];
	[sflag:s25] =	ssyncadd.s32 $0xFFFFE0C0  }
0x3c1: {  	[tilespmem:s6], [sflag:$0x1] =	stream.strided.gather [hbm4b:s14+s10], $0x3E80, s11, s10, $0x38;
	[tilespmem:$0x19680] =	vst v63  }
0x3c2: {  	_ =	swait.ge [sflag:s30], $0x3E80  }
0x3c3: {  	s15 =	sld [smem:$0x7D1]  }
0x3c4: {  	[sflag:s30] =	ssyncset.done $0x0  }
0x3c5: {  	s14 =	simm.s32 $0xBB80;
	s16 =	sld [smem:$0x7D2];
	[sflag:s30] =	ssyncadd.s32 $0xFFFFC180  }
0x3c6: {  	[spmem:s2] =	stream.indirect.scatter.add.f32 [tilespmem:s14], [sflag:$0xA], $0x40, s15, s19, $0xb8;
	[tilespmem:$0x19680] =	vst v63  }
0x3c7: {  	_ = 	snop  }
0x3c8: {  	[spmem:s2] =	stream.indirect.scatter.add.f32 [tilespmem:s12], [sflag:$0xA], $0x40, s16, s19, $0xb8;
	[tilespmem:$0x19680] =	vst v63  }
0x3c9: {  	_ =	swait.ge [sflag:s29], $0x1F40  }
0x3ca: {  	[sflag:s29] =	ssyncset.done $0x0  }
0x3cb: {  	[sflag:s29] =	ssyncadd.s32 $0xFFFFE0C0  }
0x3cc: {  	_ =	swait.ge [sflag:s29], $0x1F40  }
0x3cd: {  	[sflag:s29] =	ssyncset.done $0x0  }
0x3ce: {  	s28 =	rddreg [dreg:$0xe];
	[sflag:s29] =	ssyncadd.s32 $0xFFFFE0C0  }
0x3cf: {  	[tilespmem:s1], [sflag:$0x2] =	stream.strided.gather [hbm4b:s28+s10], $0x3E80, s11, s10, $0x38;
	[tilespmem:$0x19680] =	vst v63  }
0x3d0: {  	s1 =	simm.s32 $0x5  }
0x3d1: {  	_ =	swait.ge [sflag:s1], $0x3E80  }
0x3d2: {  	s6 =	sld [smem:$0x7D3]  }
0x3d3: {  	[sflag:s1] =	ssyncset.done $0x0  }
0x3d4: {  	s15 =	simm.s32 $0xFA00;
	s16 =	sld [smem:$0x7D4];
	[sflag:s1] =	ssyncadd.s32 $0xFFFFC180  }
0x3d5: {  	[spmem:s2] =	stream.indirect.scatter.add.f32 [tilespmem:s15], [sflag:$0xB], $0x40, s6, s19, $0xb8;
	[tilespmem:$0x19680] =	vst v63  }
0x3d6: {  	_ = 	snop  }
0x3d7: {  	[spmem:s2] =	stream.indirect.scatter.add.f32 [tilespmem:s31], [sflag:$0xB], $0x40, s16, s19, $0xb8;
	[tilespmem:$0x19680] =	vst v63  }
0x3d8: {  	_ =	swait.ge [sflag:s0], $0x1F40  }
0x3d9: {  	[sflag:s0] =	ssyncset.done $0x0  }
0x3da: {  	[sflag:s0] =	ssyncadd.s32 $0xFFFFE0C0  }
0x3db: {  	_ =	swait.ge [sflag:s0], $0x1F40  }
0x3dc: {  	[sflag:s0] =	ssyncset.done $0x0  }
0x3dd: {  	s6 =	simm.s32 $0x6;
	s28 =	rddreg [dreg:$0xf];
	[sflag:s0] =	ssyncadd.s32 $0xFFFFE0C0  }
0x3de: {  	[tilespmem:s4], [sflag:$0x3] =	stream.strided.gather [hbm4b:s28+s10], $0x3E80, s11, s10, $0x38;
	[tilespmem:$0x19680] =	vst v63  }
0x3df: {  	_ =	swait.ge [sflag:s6], $0x3E80  }
0x3e0: {  	s4 =	sld [smem:$0x7D5]  }
0x3e1: {  	[sflag:s6] =	ssyncset.done $0x0  }
0x3e2: {  	s16 =	simm.s32 $0x13880;
	s28 =	sld [smem:$0x7D6];
	[sflag:s6] =	ssyncadd.s32 $0xFFFFC180  }
0x3e3: {  	[spmem:s2] =	stream.indirect.scatter.add.f32 [tilespmem:s16], [sflag:$0xC], $0x40, s4, s19, $0xb8;
	[tilespmem:$0x19680] =	vst v63  }
0x3e4: {  	s4 =	simm.s32 $0x157C0  }
0x3e5: {  	[spmem:s2] =	stream.indirect.scatter.add.f32 [tilespmem:s4], [sflag:$0xC], $0x40, s28, s19, $0xb8;
	[tilespmem:$0x19680] =	vst v63  }
0x3e6: {  	_ =	swait.ge [sflag:s9], $0x1F40  }
0x3e7: {  	[sflag:s9] =	ssyncset.done $0x0  }
0x3e8: {  	[sflag:s9] =	ssyncadd.s32 $0xFFFFE0C0  }
0x3e9: {  	_ =	swait.ge [sflag:s9], $0x1F40  }
0x3ea: {  	[sflag:s9] =	ssyncset.done $0x0  }
0x3eb: {  	s28 =	rddreg [dreg:$0x10];
	[sflag:s9] =	ssyncadd.s32 $0xFFFFE0C0  }
0x3ec: {  	[tilespmem:s14], [sflag:$0x4] =	stream.strided.gather [hbm4b:s28+s10], $0x3E80, s11, s10, $0x38;
	[tilespmem:$0x19680] =	vst v63  }
0x3ed: {  	_ =	swait.ge [sflag:s8], $0x3E80  }
0x3ee: {  	s24 =	sld [smem:$0x7D7]  }
0x3ef: {  	[sflag:s8] =	ssyncset.done $0x0  }
0x3f0: {  	s28 =	sld [smem:$0x7D8];
	[sflag:s8] =	ssyncadd.s32 $0xFFFFC180  }
0x3f1: {  	[spmem:s2] =	stream.indirect.scatter.add.f32 [tilespmem:s21], [sflag:$0x7], $0x40, s24, s19, $0xb8;
	[tilespmem:$0x19680] =	vst v63  }
0x3f2: {  	_ = 	snop  }
0x3f3: {  	[spmem:s2] =	stream.indirect.scatter.add.f32 [tilespmem:s22], [sflag:$0x7], $0x40, s28, s19, $0xb8;
	[tilespmem:$0x19680] =	vst v63  }
0x3f4: {  	_ =	swait.ge [sflag:s7], $0x1F40  }
0x3f5: {  	[sflag:s7] =	ssyncset.done $0x0  }
0x3f6: {  	[sflag:s7] =	ssyncadd.s32 $0xFFFFE0C0  }
0x3f7: {  	_ =	swait.ge [sflag:s7], $0x1F40  }
0x3f8: {  	[sflag:s7] =	ssyncset.done $0x0  }
0x3f9: {  	s28 =	rddreg [dreg:$0x11];
	[sflag:s7] =	ssyncadd.s32 $0xFFFFE0C0  }
0x3fa: {  	[tilespmem:s15], [sflag:$0x5] =	stream.strided.gather [hbm4b:s28+s10], $0x3E80, s11, s10, $0x38;
	[tilespmem:$0x19680] =	vst v63  }
0x3fb: {  	_ =	swait.ge [sflag:s23], $0x3E80  }
0x3fc: {  	s24 =	sld [smem:$0x7D9]  }
0x3fd: {  	[sflag:s23] =	ssyncset.done $0x0  }
0x3fe: {  	s28 =	sld [smem:$0x7DA];
	[sflag:s23] =	ssyncadd.s32 $0xFFFFC180  }
0x3ff: {  	[spmem:s2] =	stream.indirect.scatter.add.f32 [tilespmem:s18], [sflag:$0x8], $0x40, s24, s19, $0xb8;
	[tilespmem:$0x19680] =	vst v63  }
0x400: {  	_ = 	snop  }
0x401: {  	[spmem:s2] =	stream.indirect.scatter.add.f32 [tilespmem:s3], [sflag:$0x8], $0x40, s28, s19, $0xb8;
	[tilespmem:$0x19680] =	vst v63  }
0x402: {  	_ =	swait.ge [sflag:s5], $0x1F40  }
0x403: {  	[sflag:s5] =	ssyncset.done $0x0  }
0x404: {  	[sflag:s5] =	ssyncadd.s32 $0xFFFFE0C0  }
0x405: {  	_ =	swait.ge [sflag:s5], $0x1F40  }
0x406: {  	[sflag:s5] =	ssyncset.done $0x0  }
0x407: {  	s28 =	rddreg [dreg:$0x12];
	[sflag:s5] =	ssyncadd.s32 $0xFFFFE0C0  }
0x408: {  	[tilespmem:s16], [sflag:$0x6] =	stream.strided.gather [hbm4b:s28+s10], $0x3E80, s11, s10, $0x38;
	[tilespmem:$0x19680] =	vst v63  }
0x409: {  	_ =	swait.ge [sflag:s26], $0x3E80  }
0x40a: {  	s24 =	sld [smem:$0x7DB]  }
0x40b: {  	[sflag:s26] =	ssyncset.done $0x0  }
0x40c: {  	s28 =	sld [smem:$0x7DC];
	[sflag:s26] =	ssyncadd.s32 $0xFFFFC180  }
0x40d: {  	[spmem:s2] =	stream.indirect.scatter.add.f32 [tilespmem:s13], [sflag:$0x9], $0x40, s24, s19, $0xb8;
	[tilespmem:$0x19680] =	vst v63  }
0x40e: {  	_ = 	snop  }
0x40f: {  	[spmem:s2] =	stream.indirect.scatter.add.f32 [tilespmem:s20], [sflag:$0x9], $0x40, s28, s19, $0xb8;
	[tilespmem:$0x19680] =	vst v63  }
0x410: {  	_ =	swait.ge [sflag:s25], $0x1F40  }
0x411: {  	[sflag:s25] =	ssyncset.done $0x0  }
0x412: {  	[sflag:s25] =	ssyncadd.s32 $0xFFFFE0C0  }
0x413: {  	_ =	swait.ge [sflag:s25], $0x1F40  }
0x414: {  	[sflag:s25] =	ssyncset.done $0x0  }
0x415: {  	s28 =	rddreg [dreg:$0x13];
	[sflag:s25] =	ssyncadd.s32 $0xFFFFE0C0  }
0x416: {  	[tilespmem:s21], [sflag:$0x1] =	stream.strided.gather [hbm4b:s28+s10], $0x3E80, s11, s10, $0x38;
	[tilespmem:$0x19680] =	vst v63  }
0x417: {  	_ =	swait.ge [sflag:s30], $0x3E80  }
0x418: {  	s24 =	sld [smem:$0x7DD]  }
0x419: {  	[sflag:s30] =	ssyncset.done $0x0  }
0x41a: {  	s14 =	simm.s32 $0xBB80;
	s28 =	sld [smem:$0x7DE];
	[sflag:s30] =	ssyncadd.s32 $0xFFFFC180  }
0x41b: {  	[spmem:s2] =	stream.indirect.scatter.add.f32 [tilespmem:s14], [sflag:$0xA], $0x40, s24, s19, $0xb8;
	[tilespmem:$0x19680] =	vst v63  }
0x41c: {  	_ = 	snop  }
0x41d: {  	[spmem:s2] =	stream.indirect.scatter.add.f32 [tilespmem:s12], [sflag:$0xA], $0x40, s28, s19, $0xb8;
	[tilespmem:$0x19680] =	vst v63  }
0x41e: {  	_ =	swait.ge [sflag:s29], $0x1F40  }
0x41f: {  	[sflag:s29] =	ssyncset.done $0x0  }
0x420: {  	[sflag:s29] =	ssyncadd.s32 $0xFFFFE0C0  }
0x421: {  	_ =	swait.ge [sflag:s29], $0x1F40  }
0x422: {  	[sflag:s29] =	ssyncset.done $0x0  }
0x423: {  	s28 =	rddreg [dreg:$0x14];
	[sflag:s29] =	ssyncadd.s32 $0xFFFFE0C0  }
0x424: {  	[tilespmem:s18], [sflag:$0x2] =	stream.strided.gather [hbm4b:s28+s10], $0x3E80, s11, s10, $0x38;
	[tilespmem:$0x19680] =	vst v63  }
0x425: {  	_ =	swait.ge [sflag:s1], $0x3E80  }
0x426: {  	s24 =	sld [smem:$0x7DF]  }
0x427: {  	[sflag:s1] =	ssyncset.done $0x0  }
0x428: {  	s15 =	simm.s32 $0xFA00;
	s28 =	sld [smem:$0x7E0];
	[sflag:s1] =	ssyncadd.s32 $0xFFFFC180  }
0x429: {  	[spmem:s2] =	stream.indirect.scatter.add.f32 [tilespmem:s15], [sflag:$0xB], $0x40, s24, s19, $0xb8;
	[tilespmem:$0x19680] =	vst v63  }
0x42a: {  	_ = 	snop  }
0x42b: {  	[spmem:s2] =	stream.indirect.scatter.add.f32 [tilespmem:s31], [sflag:$0xB], $0x40, s28, s19, $0xb8;
	[tilespmem:$0x19680] =	vst v63  }
0x42c: {  	_ =	swait.ge [sflag:s0], $0x1F40  }
0x42d: {  	[sflag:s0] =	ssyncset.done $0x0  }
0x42e: {  	[sflag:s0] =	ssyncadd.s32 $0xFFFFE0C0  }
0x42f: {  	_ =	swait.ge [sflag:s0], $0x1F40  }
0x430: {  	[sflag:s0] =	ssyncset.done $0x0  }
0x431: {  	s28 =	rddreg [dreg:$0x15];
	[sflag:s0] =	ssyncadd.s32 $0xFFFFE0C0  }
0x432: {  	[tilespmem:s13], [sflag:$0x3] =	stream.strided.gather [hbm4b:s28+s10], $0x3E80, s11, s10, $0x38;
	[tilespmem:$0x19680] =	vst v63  }
0x433: {  	_ =	swait.ge [sflag:s6], $0x3E80  }
0x434: {  	s24 =	sld [smem:$0x7E1]  }
0x435: {  	[sflag:s6] =	ssyncset.done $0x0  }
0x436: {  	s16 =	simm.s32 $0x13880;
	s28 =	sld [smem:$0x7E2];
	[sflag:s6] =	ssyncadd.s32 $0xFFFFC180  }
0x437: {  	[spmem:s2] =	stream.indirect.scatter.add.f32 [tilespmem:s16], [sflag:$0xC], $0x40, s24, s19, $0xb8;
	[tilespmem:$0x19680] =	vst v63  }
0x438: {  	_ = 	snop  }
0x439: {  	[spmem:s2] =	stream.indirect.scatter.add.f32 [tilespmem:s4], [sflag:$0xC], $0x40, s28, s19, $0xb8;
	[tilespmem:$0x19680] =	vst v63  }
0x43a: {  	_ =	swait.ge [sflag:s9], $0x1F40  }
0x43b: {  	[sflag:s9] =	ssyncset.done $0x0  }
0x43c: {  	[sflag:s9] =	ssyncadd.s32 $0xFFFFE0C0  }
0x43d: {  	_ =	swait.ge [sflag:s9], $0x1F40  }
0x43e: {  	[sflag:s9] =	ssyncset.done $0x0  }
0x43f: {  	s28 =	rddreg [dreg:$0x16];
	[sflag:s9] =	ssyncadd.s32 $0xFFFFE0C0  }
0x440: {  	[tilespmem:s14], [sflag:$0x4] =	stream.strided.gather [hbm4b:s28+s10], $0x3E80, s11, s10, $0x38;
	[tilespmem:$0x19680] =	vst v63  }
0x441: {  	_ =	swait.ge [sflag:s8], $0x3E80  }
0x442: {  	s24 =	sld [smem:$0x7E3]  }
0x443: {  	[sflag:s8] =	ssyncset.done $0x0  }
0x444: {  	s28 =	sld [smem:$0x7E4];
	[sflag:s8] =	ssyncadd.s32 $0xFFFFC180  }
0x445: {  	[spmem:s2] =	stream.indirect.scatter.add.f32 [tilespmem:s21], [sflag:$0x7], $0x40, s24, s19, $0xb8;
	[tilespmem:$0x19680] =	vst v63  }
0x446: {  	_ = 	snop  }
0x447: {  	[spmem:s2] =	stream.indirect.scatter.add.f32 [tilespmem:s22], [sflag:$0x7], $0x40, s28, s19, $0xb8;
	[tilespmem:$0x19680] =	vst v63  }
0x448: {  	_ =	swait.ge [sflag:s7], $0x1F40  }
0x449: {  	[sflag:s7] =	ssyncset.done $0x0  }
0x44a: {  	[sflag:s7] =	ssyncadd.s32 $0xFFFFE0C0  }
0x44b: {  	_ =	swait.ge [sflag:s7], $0x1F40  }
0x44c: {  	[sflag:s7] =	ssyncset.done $0x0  }
0x44d: {  	s28 =	rddreg [dreg:$0x17];
	[sflag:s7] =	ssyncadd.s32 $0xFFFFE0C0  }
0x44e: {  	[tilespmem:s15], [sflag:$0x5] =	stream.strided.gather [hbm4b:s28+s10], $0x3E80, s11, s10, $0x38;
	[tilespmem:$0x19680] =	vst v63  }
0x44f: {  	_ =	swait.ge [sflag:s23], $0x3E80  }
0x450: {  	s24 =	sld [smem:$0x7E5]  }
0x451: {  	[sflag:s23] =	ssyncset.done $0x0  }
0x452: {  	s28 =	sld [smem:$0x7E6];
	[sflag:s23] =	ssyncadd.s32 $0xFFFFC180  }
0x453: {  	[spmem:s2] =	stream.indirect.scatter.add.f32 [tilespmem:s18], [sflag:$0x8], $0x40, s24, s19, $0xb8;
	[tilespmem:$0x19680] =	vst v63  }
0x454: {  	_ = 	snop  }
0x455: {  	[spmem:s2] =	stream.indirect.scatter.add.f32 [tilespmem:s3], [sflag:$0x8], $0x40, s28, s19, $0xb8;
	[tilespmem:$0x19680] =	vst v63  }
0x456: {  	_ =	swait.ge [sflag:s5], $0x1F40  }
0x457: {  	[sflag:s5] =	ssyncset.done $0x0  }
0x458: {  	[sflag:s5] =	ssyncadd.s32 $0xFFFFE0C0  }
0x459: {  	_ =	swait.ge [sflag:s5], $0x1F40  }
0x45a: {  	[sflag:s5] =	ssyncset.done $0x0  }
0x45b: {  	s28 =	rddreg [dreg:$0x18];
	[sflag:s5] =	ssyncadd.s32 $0xFFFFE0C0  }
0x45c: {  	[tilespmem:s16], [sflag:$0x6] =	stream.strided.gather [hbm4b:s28+s10], $0x3E80, s11, s10, $0x38;
	[tilespmem:$0x19680] =	vst v63  }
0x45d: {  	_ =	swait.ge [sflag:s26], $0x3E80  }
0x45e: {  	s24 =	sld [smem:$0x7E7]  }
0x45f: {  	[sflag:s26] =	ssyncset.done $0x0  }
0x460: {  	s28 =	sld [smem:$0x7E8];
	[sflag:s26] =	ssyncadd.s32 $0xFFFFC180  }
0x461: {  	[spmem:s2] =	stream.indirect.scatter.add.f32 [tilespmem:s13], [sflag:$0x9], $0x40, s24, s19, $0xb8;
	[tilespmem:$0x19680] =	vst v63  }
0x462: {  	_ = 	snop  }
0x463: {  	[spmem:s2] =	stream.indirect.scatter.add.f32 [tilespmem:s20], [sflag:$0x9], $0x40, s28, s19, $0xb8;
	[tilespmem:$0x19680] =	vst v63  }
0x464: {  	_ =	swait.ge [sflag:s25], $0x1F40  }
0x465: {  	[sflag:s25] =	ssyncset.done $0x0  }
0x466: {  	[sflag:s25] =	ssyncadd.s32 $0xFFFFE0C0  }
0x467: {  	_ =	swait.ge [sflag:s25], $0x1F40  }
0x468: {  	[sflag:s25] =	ssyncset.done $0x0  }
0x469: {  	s28 =	rddreg [dreg:$0x19];
	[sflag:s25] =	ssyncadd.s32 $0xFFFFE0C0  }
0x46a: {  	[tilespmem:s21], [sflag:$0x1] =	stream.strided.gather [hbm4b:s28+s10], $0x3E80, s11, s10, $0x38;
	[tilespmem:$0x19680] =	vst v63  }
0x46b: {  	_ =	swait.ge [sflag:s30], $0x3E80  }
0x46c: {  	s24 =	sld [smem:$0x7EA]  }
0x46d: {  	[sflag:s30] =	ssyncset.done $0x0  }
0x46e: {  	s28 =	sld [smem:$0x7EB];
	[sflag:s30] =	ssyncadd.s32 $0xFFFFC180  }
0x46f: {  	[spmem:s2] =	stream.indirect.scatter.add.f32 [tilespmem:s14], [sflag:$0xA], $0x40, s24, s19, $0xb8;
	[tilespmem:$0x19680] =	vst v63  }
0x470: {  	_ = 	snop  }
0x471: {  	[spmem:s2] =	stream.indirect.scatter.add.f32 [tilespmem:s12], [sflag:$0xA], $0x40, s28, s19, $0xb8;
	[tilespmem:$0x19680] =	vst v63  }
0x472: {  	_ =	swait.ge [sflag:s29], $0x1F40  }
0x473: {  	[sflag:s29] =	ssyncset.done $0x0  }
0x474: {  	[sflag:s29] =	ssyncadd.s32 $0xFFFFE0C0  }
0x475: {  	_ =	swait.ge [sflag:s29], $0x1F40  }
0x476: {  	[sflag:s29] =	ssyncset.done $0x0  }
0x477: {  	s28 =	rddreg [dreg:$0x1a];
	[sflag:s29] =	ssyncadd.s32 $0xFFFFE0C0  }
0x478: {  	[tilespmem:s18], [sflag:$0x2] =	stream.strided.gather [hbm4b:s28+s10], $0x3E80, s11, s10, $0x38;
	[tilespmem:$0x19680] =	vst v63  }
0x479: {  	_ =	swait.ge [sflag:s1], $0x3E80  }
0x47a: {  	s24 =	sld [smem:$0x7EC]  }
0x47b: {  	[sflag:s1] =	ssyncset.done $0x0  }
0x47c: {  	s28 =	sld [smem:$0x7ED];
	[sflag:s1] =	ssyncadd.s32 $0xFFFFC180  }
0x47d: {  	[spmem:s2] =	stream.indirect.scatter.add.f32 [tilespmem:s15], [sflag:$0xB], $0x40, s24, s19, $0xb8;
	[tilespmem:$0x19680] =	vst v63  }
0x47e: {  	_ = 	snop  }
0x47f: {  	[spmem:s2] =	stream.indirect.scatter.add.f32 [tilespmem:s31], [sflag:$0xB], $0x40, s28, s19, $0xb8;
	[tilespmem:$0x19680] =	vst v63  }
0x480: {  	_ =	swait.ge [sflag:s0], $0x1F40  }
0x481: {  	[sflag:s0] =	ssyncset.done $0x0  }
0x482: {  	[sflag:s0] =	ssyncadd.s32 $0xFFFFE0C0  }
0x483: {  	_ =	swait.ge [sflag:s0], $0x1F40  }
0x484: {  	[sflag:s0] =	ssyncset.done $0x0  }
0x485: {  	s28 =	rddreg [dreg:$0x1b];
	[sflag:s0] =	ssyncadd.s32 $0xFFFFE0C0  }
0x486: {  	[tilespmem:s13], [sflag:$0x3] =	stream.strided.gather [hbm4b:s28+s10], $0x3E80, s11, s10, $0x38;
	[tilespmem:$0x19680] =	vst v63  }
0x487: {  	_ =	swait.ge [sflag:s6], $0x3E80  }
0x488: {  	s24 =	sld [smem:$0x7EE]  }
0x489: {  	[sflag:s6] =	ssyncset.done $0x0  }
0x48a: {  	s28 =	sld [smem:$0x7EF];
	[sflag:s6] =	ssyncadd.s32 $0xFFFFC180  }
0x48b: {  	[spmem:s2] =	stream.indirect.scatter.add.f32 [tilespmem:s16], [sflag:$0xC], $0x40, s24, s19, $0xb8;
	[tilespmem:$0x19680] =	vst v63  }
0x48c: {  	_ = 	snop  }
0x48d: {  	[spmem:s2] =	stream.indirect.scatter.add.f32 [tilespmem:s4], [sflag:$0xC], $0x40, s28, s19, $0xb8;
	[tilespmem:$0x19680] =	vst v63  }
0x48e: {  	_ =	swait.ge [sflag:s9], $0x1F40  }
0x48f: {  	[sflag:s9] =	ssyncset.done $0x0  }
0x490: {  	[sflag:s9] =	ssyncadd.s32 $0xFFFFE0C0  }
0x491: {  	_ =	swait.ge [sflag:s9], $0x1F40  }
0x492: {  	[sflag:s9] =	ssyncset.done $0x0  }
0x493: {  	s28 =	rddreg [dreg:$0x1c];
	[sflag:s9] =	ssyncadd.s32 $0xFFFFE0C0  }
0x494: {  	[tilespmem:s14], [sflag:$0x4] =	stream.strided.gather [hbm4b:s28+s10], $0x3E80, s11, s10, $0x38;
	[tilespmem:$0x19680] =	vst v63  }
0x495: {  	_ =	swait.ge [sflag:s8], $0x3E80  }
0x496: {  	s24 =	sld [smem:$0x7F0]  }
0x497: {  	[sflag:s8] =	ssyncset.done $0x0  }
0x498: {  	s28 =	sld [smem:$0x7F1];
	[sflag:s8] =	ssyncadd.s32 $0xFFFFC180  }
0x499: {  	[spmem:s2] =	stream.indirect.scatter.add.f32 [tilespmem:s21], [sflag:$0x7], $0x40, s24, s19, $0xb8;
	[tilespmem:$0x19680] =	vst v63  }
0x49a: {  	_ = 	snop  }
0x49b: {  	[spmem:s2] =	stream.indirect.scatter.add.f32 [tilespmem:s22], [sflag:$0x7], $0x40, s28, s19, $0xb8;
	[tilespmem:$0x19680] =	vst v63  }
0x49c: {  	_ =	swait.ge [sflag:s7], $0x1F40  }
0x49d: {  	[sflag:s7] =	ssyncset.done $0x0  }
0x49e: {  	[sflag:s7] =	ssyncadd.s32 $0xFFFFE0C0  }
0x49f: {  	_ =	swait.ge [sflag:s7], $0x1F40  }
0x4a0: {  	[sflag:s7] =	ssyncset.done $0x0  }
0x4a1: {  	s28 =	rddreg [dreg:$0x1d];
	[sflag:s7] =	ssyncadd.s32 $0xFFFFE0C0  }
0x4a2: {  	[tilespmem:s15], [sflag:$0x5] =	stream.strided.gather [hbm4b:s28+s10], $0x3E80, s11, s10, $0x38;
	[tilespmem:$0x19680] =	vst v63  }
0x4a3: {  	_ =	swait.ge [sflag:s23], $0x3E80  }
0x4a4: {  	s24 =	sld [smem:$0x7F2]  }
0x4a5: {  	[sflag:s23] =	ssyncset.done $0x0  }
0x4a6: {  	s28 =	sld [smem:$0x7F3];
	[sflag:s23] =	ssyncadd.s32 $0xFFFFC180  }
0x4a7: {  	[spmem:s2] =	stream.indirect.scatter.add.f32 [tilespmem:s18], [sflag:$0x8], $0x40, s24, s19, $0xb8;
	[tilespmem:$0x19680] =	vst v63  }
0x4a8: {  	_ = 	snop  }
0x4a9: {  	[spmem:s2] =	stream.indirect.scatter.add.f32 [tilespmem:s3], [sflag:$0x8], $0x40, s28, s19, $0xb8;
	[tilespmem:$0x19680] =	vst v63  }
0x4aa: {  	_ =	swait.ge [sflag:s5], $0x1F40  }
0x4ab: {  	[sflag:s5] =	ssyncset.done $0x0  }
0x4ac: {  	[sflag:s5] =	ssyncadd.s32 $0xFFFFE0C0  }
0x4ad: {  	_ =	swait.ge [sflag:s5], $0x1F40  }
0x4ae: {  	[sflag:s5] =	ssyncset.done $0x0  }
0x4af: {  	s28 =	rddreg [dreg:$0x1e];
	[sflag:s5] =	ssyncadd.s32 $0xFFFFE0C0  }
0x4b0: {  	[tilespmem:s16], [sflag:$0x6] =	stream.strided.gather [hbm4b:s28+s10], $0x3E80, s11, s10, $0x38;
	[tilespmem:$0x19680] =	vst v63  }
0x4b1: {  	_ =	swait.ge [sflag:s26], $0x3E80  }
0x4b2: {  	s24 =	sld [smem:$0x7F4]  }
0x4b3: {  	[sflag:s26] =	ssyncset.done $0x0  }
0x4b4: {  	s3 =	sld [smem:$0x7F5];
	[sflag:s26] =	ssyncadd.s32 $0xFFFFC180  }
0x4b5: {  	[spmem:s2] =	stream.indirect.scatter.add.f32 [tilespmem:s13], [sflag:$0x9], $0x40, s24, s19, $0xb8;
	[tilespmem:$0x19680] =	vst v63  }
0x4b6: {  	_ = 	snop  }
0x4b7: {  	[spmem:s2] =	stream.indirect.scatter.add.f32 [tilespmem:s20], [sflag:$0x9], $0x40, s3, s19, $0xb8;
	[tilespmem:$0x19680] =	vst v63  }
0x4b8: {  	_ =	swait.ge [sflag:s25], $0x1F40  }
0x4b9: {  	[sflag:s25] =	ssyncset.done $0x0  }
0x4ba: {  	[sflag:s25] =	ssyncadd.s32 $0xFFFFE0C0  }
0x4bb: {  	_ =	swait.ge [sflag:s25], $0x1F40  }
0x4bc: {  	[sflag:s25] =	ssyncset.done $0x0  }
0x4bd: {  	s28 =	rddreg [dreg:$0x1f];
	[sflag:s25] =	ssyncadd.s32 $0xFFFFE0C0  }
0x4be: {  	[tilespmem:s21], [sflag:$0x1] =	stream.strided.gather [hbm4b:s28+s10], $0x3E80, s11, s10, $0x38;
	[tilespmem:$0x19680] =	vst v63  }
0x4bf: {  	_ =	swait.ge [sflag:s30], $0x3E80  }
0x4c0: {  	s24 =	sld [smem:$0x7F6]  }
0x4c1: {  	[sflag:s30] =	ssyncset.done $0x0  }
0x4c2: {  	s3 =	sld [smem:$0x7F7];
	[sflag:s30] =	ssyncadd.s32 $0xFFFFC180  }
0x4c3: {  	[spmem:s2] =	stream.indirect.scatter.add.f32 [tilespmem:s14], [sflag:$0xA], $0x40, s24, s19, $0xb8;
	[tilespmem:$0x19680] =	vst v63  }
0x4c4: {  	_ = 	snop  }
0x4c5: {  	[spmem:s2] =	stream.indirect.scatter.add.f32 [tilespmem:s12], [sflag:$0xA], $0x40, s3, s19, $0xb8;
	[tilespmem:$0x19680] =	vst v63  }
0x4c6: {  	_ =	swait.ge [sflag:s29], $0x1F40  }
0x4c7: {  	[sflag:s29] =	ssyncset.done $0x0  }
0x4c8: {  	[sflag:s29] =	ssyncadd.s32 $0xFFFFE0C0  }
0x4c9: {  	_ =	swait.ge [sflag:s29], $0x1F40  }
0x4ca: {  	[sflag:s29] =	ssyncset.done $0x0  }
0x4cb: {  	[sflag:s29] =	ssyncadd.s32 $0xFFFFE0C0  }
0x4cc: {  	_ =	swait.ge [sflag:s1], $0x3E80  }
0x4cd: {  	s3 =	sld [smem:$0x7F8]  }
0x4ce: {  	[sflag:s1] =	ssyncset.done $0x0  }
0x4cf: {  	s14 =	sld [smem:$0x7F9];
	[sflag:s1] =	ssyncadd.s32 $0xFFFFC180  }
0x4d0: {  	[spmem:s2] =	stream.indirect.scatter.add.f32 [tilespmem:s15], [sflag:$0xB], $0x40, s3, s19, $0xb8;
	[tilespmem:$0x19680] =	vst v63  }
0x4d1: {  	_ = 	snop  }
0x4d2: {  	[spmem:s2] =	stream.indirect.scatter.add.f32 [tilespmem:s31], [sflag:$0xB], $0x40, s14, s19, $0xb8;
	[tilespmem:$0x19680] =	vst v63  }
0x4d3: {  	_ =	swait.ge [sflag:s0], $0x1F40  }
0x4d4: {  	[sflag:s0] =	ssyncset.done $0x0  }
0x4d5: {  	[sflag:s0] =	ssyncadd.s32 $0xFFFFE0C0  }
0x4d6: {  	_ =	swait.ge [sflag:s0], $0x1F40  }
0x4d7: {  	[sflag:s0] =	ssyncset.done $0x0  }
0x4d8: {  	[sflag:s0] =	ssyncadd.s32 $0xFFFFE0C0  }
0x4d9: {  	_ =	swait.ge [sflag:s6], $0x3E80  }
0x4da: {  	s1 =	sld [smem:$0x7FA]  }
0x4db: {  	[sflag:s6] =	ssyncset.done $0x0  }
0x4dc: {  	s3 =	sld [smem:$0x7FB];
	[sflag:s6] =	ssyncadd.s32 $0xFFFFC180  }
0x4dd: {  	[spmem:s2] =	stream.indirect.scatter.add.f32 [tilespmem:s16], [sflag:$0xC], $0x40, s1, s19, $0xb8;
	[tilespmem:$0x19680] =	vst v63  }
0x4de: {  	_ = 	snop  }
0x4df: {  	[spmem:s2] =	stream.indirect.scatter.add.f32 [tilespmem:s4], [sflag:$0xC], $0x40, s3, s19, $0xb8;
	[tilespmem:$0x19680] =	vst v63  }
0x4e0: {  	_ =	swait.ge [sflag:s9], $0x1F40  }
0x4e1: {  	[sflag:s9] =	ssyncset.done $0x0  }
0x4e2: {  	[sflag:s9] =	ssyncadd.s32 $0xFFFFE0C0  }
0x4e3: {  	_ =	swait.ge [sflag:s9], $0x1F40  }
0x4e4: {  	[sflag:s9] =	ssyncset.done $0x0  }
0x4e5: {  	[sflag:s9] =	ssyncadd.s32 $0xFFFFE0C0  }
0x4e6: {  	_ =	swait.ge [sflag:s8], $0x3E80  }
0x4e7: {  	s6 =	sld [smem:$0x7FC]  }
0x4e8: {  	[sflag:s8] =	ssyncset.done $0x0  }
0x4e9: {  	s14 =	sld [smem:$0x7FD];
	[sflag:s8] =	ssyncadd.s32 $0xFFFFC180  }
0x4ea: {  	[spmem:s2] =	stream.indirect.scatter.add.f32 [tilespmem:s21], [sflag:$0x7], $0x40, s6, s19, $0xb8;
	[tilespmem:$0x19680] =	vst v63  }
0x4eb: {  	_ = 	snop  }
0x4ec: {  	[spmem:s2] =	stream.indirect.scatter.add.f32 [tilespmem:s22], [sflag:$0x7], $0x40, s14, s19, $0xb8;
	[tilespmem:$0x19680] =	vst v63  }
0x4ed: {  	_ =	swait.ge [sflag:s7], $0x1F40  }
0x4ee: {  	[sflag:s7] =	ssyncset.done $0x0  }
0x4ef: {  	[sflag:s7] =	ssyncadd.s32 $0xFFFFE0C0  }
0x4f0: {  	_ =	swait.ge [sflag:s7], $0x1F40  }
0x4f1: {  	[sflag:s7] =	ssyncset.done $0x0  }
0x4f2: {  	[sflag:s7] =	ssyncadd.s32 $0xFFFFE0C0  }
0x4f3: {  	_ =	swait.ge [sflag:s5], $0x1F40  }
0x4f4: {  	[sflag:s5] =	ssyncset.done $0x0  }
0x4f5: {  	[sflag:s5] =	ssyncadd.s32 $0xFFFFE0C0  }
0x4f6: {  	_ =	swait.ge [sflag:s5], $0x1F40  }
0x4f7: {  	[sflag:s5] =	ssyncset.done $0x0  }
0x4f8: {  	[sflag:s5] =	ssyncadd.s32 $0xFFFFE0C0  }
0x4f9: {  	_ =	swait.ge [sflag:s25], $0x1F40  }
0x4fa: {  	[sflag:s25] =	ssyncset.done $0x0  }
0x4fb: {  	[sflag:s25] =	ssyncadd.s32 $0xFFFFE0C0  }
0x4fc: {  	_ =	swait.ge [sflag:s25], $0x1F40  }
0x4fd: {  	s15 =	sld [smem:$0x7CA]  }
0x4fe: {  	[sflag:s25] =	ssyncset.done $0x0  }
0x4ff: {  	s16 =	simm.s32 $0xD;
	[sflag:s25] =	ssyncadd.s32 $0xFFFFE0C0  }
0x500: {  	[spmem:s15] =	stream.linear.scatter [tilespmem:s17], [sflag:$0xD], $0x40, $0x38;
	[tilespmem:$0x19680] =	vst v63  }
0x501: {  	_ =	swait.ge [sflag:s16], $0x40  }
0x502: {  	[sflag:s16] =	ssyncset.done $0x0  }
0x503: {  	[sflag:s16] =	ssyncadd.s32 $0xFFFFFFC0  }
0x504: {  	[bflag:$0x0] =	sbarrier.arrive $0xFFFF  }
0x505: {  	s28 =	sld [smem:$0x7E9];
	_ =	sdelay $0x1  }
0x506: {  	s4 =	simm.s32 $0x19040  }
0x507: {  	[tilespmem:s4], [sflag:$0xD] =	stream.linear.gather [spmem:s28], $0x100, $0x38;
	[tilespmem:$0x19680] =	vst v63  }
0x508: {  	_ =	swait.ge [sflag:s16], $0x100  }
0x509: {  	[sflag:s16] =	ssyncset.done $0x0  }
0x50a: {  	[sflag:s16] =	ssyncadd.s32 $0xFFFFFF00  }
0x50b: {  	s14 =	simm.s32 $0x19140;
	s6 =	rddreg [dreg:$0x4]  }
0x50c: {  	[tilespmem:s14], [sflag:$0xD] =	stream.linear.gather [spmem:s6], $0x400, $0x38;
	[tilespmem:$0x19680] =	vst v63  }
0x50d: {  	_ =	swait.ge [sflag:s16], $0x400  }
0x50e: {  	[sflag:s16] =	ssyncset.done $0x0  }
0x50f: {  	[sflag:s16] =	ssyncadd.s32 $0xFFFFFC00  }
0x510: {  	v6 =	vld.idx.msk [tilespmem:v0+s14+$0x0], $0xffff;
	_ =	sdelay $0x4  }
0x511: {  	(xrf2) =	vadd.scan.msk.f32 $0xffff, v6;
	_ =	sdelay $0x9  }
0x512: {  	v6, _, _ =	vpop (xrf2)  }
0x513: {  	v6 =	vmax.f32 v6, $1.000000000e+00  }
0x514: {  	v6 =	vbroadcast v6, $0xF;
	_ =	sdelay $0x1  }
0x515: {  	(erf) = vrcp.f32 v6;
	_ =	sdelay $0x4  }
0x516: {  	v6 =	vld [tilespmem:$0x19040]  }
0x517: {  	v7 =	vld [tilespmem:$0x19050]  }
0x518: {  	v8 =	vld [tilespmem:$0x19060]  }
0x519: {  	v9 =	vld [tilespmem:$0x19070]  }
0x51a: {  	v10 =	vpop (erf)  }
0x51b: {  	v6 =	vmul.f32 v10, v6  }
0x51c: {  	v7 =	vmul.f32 v10, v7  }
0x51d: {  	[tilespmem:$0x19040] =	vst v6;
	v6 =	vmul.f32 v10, v8  }
0x51e: {  	[tilespmem:$0x19050] =	vst v7;
	v7 =	vmul.f32 v9, v10  }
0x51f: {  	[tilespmem:$0x19060] =	vst v6  }
0x520: {  	[tilespmem:$0x19070] =	vst v7  }
0x521: {  	v6 =	vld.idx.msk [tilespmem:v1+s14+$0x0], $0xffff;
	_ =	sdelay $0x4  }
0x522: {  	(xrf2) =	vadd.scan.msk.f32 $0xffff, v6;
	_ =	sdelay $0x9  }
0x523: {  	v6, _, _ =	vpop (xrf2)  }
0x524: {  	v6 =	vmax.f32 v6, $1.000000000e+00  }
0x525: {  	v6 =	vbroadcast v6, $0xF;
	_ =	sdelay $0x1  }
0x526: {  	(erf) = vrcp.f32 v6;
	_ =	sdelay $0x4  }
0x527: {  	v6 =	vld [tilespmem:$0x19080]  }
0x528: {  	v7 =	vld [tilespmem:$0x19090]  }
0x529: {  	v55 =	vld [tilespmem:$0x190A0]  }
0x52a: {  	v56 =	vld [tilespmem:$0x190B0]  }
0x52b: {  	v57 =	vpop (erf)  }
0x52c: {  	v6 =	vmul.f32 v57, v6  }
0x52d: {  	v7 =	vmul.f32 v57, v7  }
0x52e: {  	[tilespmem:$0x19080] =	vst v6;
	v6 =	vmul.f32 v57, v55  }
0x52f: {  	[tilespmem:$0x19090] =	vst v7;
	v7 =	vmul.f32 v56, v57  }
0x530: {  	[tilespmem:$0x190A0] =	vst v6  }
0x531: {  	[tilespmem:$0x190B0] =	vst v7  }
0x532: {  	v6 =	vld.idx.msk [tilespmem:v2+s14+$0x0], $0xffff;
	_ =	sdelay $0x4  }
0x533: {  	(xrf2) =	vadd.scan.msk.f32 $0xffff, v6;
	_ =	sdelay $0x9  }
0x534: {  	v6, _, _ =	vpop (xrf2)  }
0x535: {  	v6 =	vmax.f32 v6, $1.000000000e+00  }
0x536: {  	v6 =	vbroadcast v6, $0xF;
	_ =	sdelay $0x1  }
0x537: {  	(erf) = vrcp.f32 v6;
	_ =	sdelay $0x4  }
0x538: {  	v6 =	vld [tilespmem:$0x190C0]  }
0x539: {  	v7 =	vld [tilespmem:$0x190D0]  }
0x53a: {  	v58 =	vld [tilespmem:$0x190E0]  }
0x53b: {  	v59 =	vld [tilespmem:$0x190F0]  }
0x53c: {  	v60 =	vpop (erf)  }
0x53d: {  	v6 =	vmul.f32 v60, v6  }
0x53e: {  	v7 =	vmul.f32 v60, v7  }
0x53f: {  	[tilespmem:$0x190C0] =	vst v6;
	v6 =	vmul.f32 v60, v58  }
0x540: {  	[tilespmem:$0x190D0] =	vst v7;
	v7 =	vmul.f32 v59, v60  }
0x541: {  	[tilespmem:$0x190E0] =	vst v6  }
0x542: {  	[tilespmem:$0x190F0] =	vst v7  }
0x543: {  	v6 =	vld.idx.msk [tilespmem:v3+s14+$0x0], $0xffff;
	_ =	sdelay $0x4  }
0x544: {  	(xrf2) =	vadd.scan.msk.f32 $0xffff, v6;
	_ =	sdelay $0x9  }
0x545: {  	v6, _, _ =	vpop (xrf2)  }
0x546: {  	v6 =	vmax.f32 v6, $1.000000000e+00  }
0x547: {  	v6 =	vbroadcast v6, $0xF;
	_ =	sdelay $0x1  }
0x548: {  	(erf) = vrcp.f32 v6;
	_ =	sdelay $0x4  }
0x549: {  	v6 =	vld [tilespmem:$0x19100]  }
0x54a: {  	v7 =	vld [tilespmem:$0x19110]  }
0x54b: {  	v61 =	vld [tilespmem:$0x19120]  }
0x54c: {  	v62 =	vld [tilespmem:$0x19130]  }
0x54d: {  	v63 =	vpop (erf)  }
0x54e: {  	v6 =	vmul.f32 v63, v6  }
0x54f: {  	s28 =	sld [smem:$0x7C9];
	v7 =	vmul.f32 v63, v7  }
0x550: {  	[tilespmem:$0x19100] =	vst v6;
	v6 =	vmul.f32 v63, v61  }
0x551: {  	s16 =	sld [smem:$0x7CB];
	[tilespmem:$0x19110] =	vst v7;
	v7 =	vmul.f32 v62, v63  }
0x552: {  	p0 =	sne.s32 s28, $0x1;
	[tilespmem:$0x19120] =	vst v6  }
.Ltmp0:
0x553: {  	s15 =	simm.s32 $0xD;
	[tilespmem:$0x19130] =	vst v7;
	(pc) =	sbr.rel @p0 .LBB2_1-.Ltmp0, $4  }
0x554: {  	[hbm4b:s16+s10] =	stream.strided.scatter [tilespmem:s4], [sflag:$0xD], $0x100, s11, s10, $0x38;
	[tilespmem:$0x19680] =	vst v63  }
0x555: {  	_ =	swait.ge [sflag:s15], $0x100  }
0x556: {  	[sflag:s15] =	ssyncset.done $0x0  }
0x557: {  	s4 =	sadd.s32 $0xFFFFFFFF, s28;
	[sflag:s15] =	ssyncadd.s32 $0xFFFFFF00  }
0x558: {  	_ =	sfence.sel $0x180000  }
0x559: {  	[bflag:$0x0] =	sbarrier.arrive $0xFFFF  }
0x55a: {  	_ =	strace $0x90000047  }
0x55b: {  	s0 =	stileid.u32;
	[bflag:$0x2] =	sbarrier.arrive $0xFFFF  }
0x55c: {  	p0 =	sne.s32 s0, $0x0;
	s0 =	rddreg [dreg:$0x5]  }
0x55d: {  	s0 =	sadd.s32 @!p0 $0x100000, s0  }
0x55e: {  	[sflag:s0] =	ssyncadd.tile.s32 @!p0 $0x1;
	_ =	shalt  }
.Lfunc_end2:
_tile_overlayer_lowered:
.L_overlay_start_2:
0x55f: {  	(tag) =	ssettag $0x2  }
0x560: {  	s0 =	rddreg [dreg:$0x0];
	s2 =	stileid.u32  }
0x561: {  	s1 =	rddreg [dreg:$0x1];
	p0 =	sne.s32 s2, $0x0  }
0x562: {  	s3 =	rddreg [dreg:$0x2];
	[bflag:$0x3] =	sbarrier.arrive $0xFFFF;
	s2 =	simm.s32 @!p0 $0x1C0D  }
0x563: {  	[timem:s3], [sflag:s2] =	dma.local @!p0 [hbm:s0], s1  }
0x564: {  	s0 =	simm.s32 @!p0 $0xD  }
0x565: {  	_ =	swait.ge @!p0 [sflag:s0], s1  }
0x566: {  	s1 =	ssub.s32 @!p0 $0x0, s1;
	[sflag:s0] =	ssyncset.done @!p0 $0x0  }
0x567: {  	[sflag:s0] =	ssyncadd.s32 @!p0 s1  }
0x568: {  	[bflag:$0x3] =	sbarrier.arrive $0xFFFF  }
0x569: {  	_ =	shalt  }

</sc_bundles>
